<compile_context>
chip_gen: v7x
topology: tpu7x:2x2x1
jax: 0.10.2.dev20260603
libtpu: 0.0.44.dev20260713+nightly
codegen_flags: <defaults>
</compile_context>

<pallas_src>
import functools

import jax
import jax.numpy as jnp
from jax import lax
from jax.experimental import pallas as pl
from jax.experimental.pallas import tpu as pltpu
from jax.experimental.pallas import tpu_sc as plsc

N = 100000
E = 3200000
HID = 32

NTILE = 16
NCORE = 2
NP = 102400
PTN = NP // NTILE
PTE = E // NTILE
CH = 400
NCHUNK = PTE // CH
NST = PTN // CH

BN = 2000
NBLK = N // BN
BNP = 2048
NBLKP = NP // BNP



def _dense_tail(h, Wa_ref, ba_ref, asr_ref, adr_ref, hps_ref, al_ref,
                gmax_ref):
    hp = jnp.dot(h, Wa_ref[...], preferred_element_type=jnp.float32) \
        + ba_ref[...]
    als = jnp.sum(hp * asr_ref[...], axis=1)
    ald = jnp.sum(hp * adr_ref[...], axis=1)
    hps_ref[0] = hp[:, :16]
    hps_ref[1] = hp[:, 16:]
    al_ref[...] = jnp.stack([als, ald]).reshape(2, 1, 1, BNP)
    bmax = jnp.max(als)

    @pl.when(pl.program_id(0) == 0)
    def _():
        gmax_ref[0, 0] = bmax

    @pl.when(pl.program_id(0) > 0)
    def _():
        gmax_ref[0, 0] = jnp.maximum(gmax_ref[0, 0], bmax)


def _k1_body(x_ref, W1_ref, b1_ref, W2_ref, b2_ref, Wa_ref, ba_ref,
             asr_ref, adr_ref, hps_ref, al_ref, gmax_ref):
    x = x_ref[...]
    h = jnp.maximum(x * W1_ref[...] + b1_ref[...], 0.0)
    h = jnp.maximum(
        jnp.dot(h, W2_ref[...], preferred_element_type=jnp.float32)
        + b2_ref[...], 0.0)
    _dense_tail(h, Wa_ref, ba_ref, asr_ref, adr_ref, hps_ref, al_ref,
                gmax_ref)


def _norm_elu(acc_ref, s_ref):
    o = jnp.concatenate([acc_ref[0], acc_ref[1]], axis=1)
    h = o / (s_ref[...] + 1e-16)
    return jnp.where(h > 0, h, jnp.exp(jnp.minimum(h, 0.0)) - 1.0)


def _k2_body(acc_ref, s_ref, Wa_ref, ba_ref, asr_ref, adr_ref,
             hps_ref, al_ref, gmax_ref):
    h = _norm_elu(acc_ref, s_ref)
    _dense_tail(h, Wa_ref, ba_ref, asr_ref, adr_ref, hps_ref, al_ref,
                gmax_ref)


def _k3_body(acc_ref, s_ref, W3_ref, b3_ref, W4_ref, b4_ref, out_ref):
    h = _norm_elu(acc_ref, s_ref)
    h = jnp.maximum(
        jnp.dot(h, W3_ref[...], preferred_element_type=jnp.float32)
        + b3_ref[...], 0.0)
    z = jnp.dot(h, W4_ref[...], preferred_element_type=jnp.float32) \
        + b4_ref[...]
    zm = jnp.max(z, axis=1, keepdims=True)
    p = jnp.exp(z - zm)
    out_ref[...] = p / jnp.sum(p, axis=1, keepdims=True)


def _wspec(shape):
    n = len(shape)
    return pl.BlockSpec(shape, lambda i: (0,) * n)


_TAIL_OUT_SHAPES = [
    jax.ShapeDtypeStruct((2, NP, 16), jnp.float32),
    jax.ShapeDtypeStruct((2, NBLKP, 1, BNP), jnp.float32),
    jax.ShapeDtypeStruct((1, 1), jnp.float32),
]
_TAIL_OUT_SPECS = [
    pl.BlockSpec((2, BNP, 16), lambda i: (0, i, 0)),
    pl.BlockSpec((2, 1, 1, BNP), lambda i: (0, i, 0, 0)),
    pl.BlockSpec(memory_space=pltpu.SMEM),
]
_W32 = _wspec((32, 32))
_B32 = _wspec((1, 32))


def _tc_k1(x, W1, b1, W2, b2, Wa, ba, asr, adr):
    return pl.pallas_call(
        _k1_body,
        grid=(NBLKP,),
        in_specs=[pl.BlockSpec((BNP, 1), lambda i: (i, 0)),
                  _wspec((1, 32)), _B32, _W32, _B32, _W32, _B32,
                  _B32, _B32],
        out_specs=_TAIL_OUT_SPECS,
        out_shape=_TAIL_OUT_SHAPES,
    )(x, W1, b1, W2, b2, Wa, ba, asr, adr)


def _tc_k2(acc, s2d, Wa, ba, asr, adr):
    return pl.pallas_call(
        _k2_body,
        grid=(NBLKP,),
        in_specs=[pl.BlockSpec((2, BNP, 16), lambda i: (0, i, 0)),
                  pl.BlockSpec((BNP, 1), lambda i: (i, 0)),
                  _W32, _B32, _B32, _B32],
        out_specs=_TAIL_OUT_SPECS,
        out_shape=_TAIL_OUT_SHAPES,
    )(acc, s2d, Wa, ba, asr, adr)


def _tc_k3(acc, s2d, W3, b3, W4, b4):
    return pl.pallas_call(
        _k3_body,
        grid=(NBLK,),
        in_specs=[pl.BlockSpec((2, BN, 16), lambda i: (0, i, 0)),
                  pl.BlockSpec((BN, 1), lambda i: (i, 0)),
                  _W32, _B32, _wspec((32, 2)), _wspec((1, 2))],
        out_specs=pl.BlockSpec((BN, 2), lambda i: (i, 0)),
        out_shape=jax.ShapeDtypeStruct((N, 2), jnp.float32),
    )(acc, s2d, W3, b3, W4, b4)



_SC_MESH = plsc.VectorSubcoreMesh(core_axis_name="c", subcore_axis_name="s")


@functools.partial(
    pl.kernel,
    mesh=_SC_MESH,
    compiler_params=pltpu.CompilerParams(use_tc_tiling_on_sc=False),
    out_type=[jax.ShapeDtypeStruct((2 * NP, 16), jnp.float32),
              jax.ShapeDtypeStruct((NP,), jnp.float32)],
    scratch_types=[
        pltpu.VMEM((CH,), jnp.int32),
        pltpu.VMEM((CH,), jnp.int32),
        pltpu.VMEM((CH,), jnp.int32),
        pltpu.VMEM((CH,), jnp.int32),
        pltpu.VMEM((CH,), jnp.int32),
        pltpu.VMEM((CH,), jnp.float32),
        pltpu.VMEM((CH,), jnp.float32),
        pltpu.VMEM((CH, 16), jnp.float32),
        pltpu.VMEM((16,), jnp.float32),
        pltpu.VMEM_SHARED((NP,), jnp.float32),
        pltpu.VMEM_SHARED((NP,), jnp.float32),
        pltpu.VMEM_SHARED((NP, 16), jnp.float32),
        pltpu.VMEM_SHARED((NP,), jnp.float32),
        pltpu.SemaphoreType.DMA,
        pltpu.SemaphoreType.DMA,
        pltpu.SemaphoreType.DMA,
        pltpu.SemaphoreType.DMA,
        pltpu.SemaphoreType.DMA,
        pltpu.SemaphoreType.DMA,
        pltpu.SemaphoreType.DMA,
    ],
)
def _sc_att(src_hbm, dst_hbm, as_hbm, ad_hbm, g_hbm, hp_hbm,
            acc_out, s_out,
            srcv, dstv, src2, dst2, adjv, asg, adg, rows, gv,
            as_sh, ad_sh, out_sh, s_sh,
            sem1, sem2, sem3, semA, semB, semC, semD):
    c = lax.axis_index("c")
    t = lax.axis_index("s")
    nbase = t * PTN
    z16 = jnp.zeros((16,), jnp.float32)
    stage = asg

    def stage_body(j, _):
        off = nbase + j * CH
        pltpu.sync_copy(as_hbm.at[pl.ds(off, CH)], stage)
        pltpu.sync_copy(stage, as_sh.at[pl.ds(off, CH)])
        pltpu.sync_copy(ad_hbm.at[pl.ds(off, CH)], stage)
        pltpu.sync_copy(stage, ad_sh.at[pl.ds(off, CH)])
        return 0

    lax.fori_loop(0, NST, stage_body, 0)
    pltpu.sync_copy(g_hbm, gv)

    def _fill_stage(i, _):
        stage[pl.ds(i * 16, 16)] = z16
        return 0

    lax.fori_loop(0, CH // 16, _fill_stage, 0)

    def _fill_rows(i, _):
        rows[i, :] = z16
        return 0

    lax.fori_loop(0, CH, _fill_rows, 0)

    def zero_body(j, _):
        off = nbase + j * CH
        pltpu.sync_copy(stage, s_sh.at[pl.ds(off, CH)])
        pltpu.sync_copy(rows, out_sh.at[pl.ds(off, CH)])
        return 0

    lax.fori_loop(0, NST, zero_body, 0)

    plsc.subcore_barrier()

    gvec = gv[...]
    coff = c * NP
    ebase0 = pl.multiple_of(t * PTE, 8)

    def _eb(k):
        return pl.multiple_of(t * PTE + k * CH, 8)

    def process(sv, dv):
        cp1 = pltpu.async_copy(as_sh.at[sv], asg, sem1)
        cp2 = pltpu.async_copy(ad_sh.at[dv], adg, sem2)

        def adj_body(i, _):
            off = pl.multiple_of(i * 16, 16)
            adjv[pl.ds(off, 16)] = sv[pl.ds(off, 16)] + coff
            return 0

        lax.fori_loop(0, CH // 16, adj_body, 0)
        cp3 = pltpu.async_copy(hp_hbm.at[adjv], rows, sem3)
        cp1.wait()
        cp2.wait()

        def vec_body(i, _):
            off = pl.multiple_of(i * 16, 16)
            a = asg[pl.ds(off, 16)]
            d = adg[pl.ds(off, 16)]
            z = a + d
            e = jnp.maximum(z, 0.2 * z)
            mh = gvec + d
            mh = jnp.maximum(mh, 0.2 * mh)
            asg[pl.ds(off, 16)] = jnp.exp(e - mh)
            return 0

        lax.fori_loop(0, CH // 16, vec_body, 0)

        @pl.when(c == 0)
        def _():
            pltpu.sync_copy(asg, s_sh.at[dv], add=True)

        cp3.wait()

        def scale_body(i, _):
            b0 = i * 16
            exv = asg[pl.ds(pl.multiple_of(b0, 16), 16)]
            for j in range(16):
                b = b0 + j
                rows[b, :] = rows[b, :] * exv[j]
            return 0

        lax.fori_loop(0, CH // 16, scale_body, 0)

        pltpu.sync_copy(rows, out_sh.at[dv], add=True)

    pltpu.async_copy(src_hbm.at[pl.ds(ebase0, CH)], srcv, semA)
    pltpu.async_copy(dst_hbm.at[pl.ds(ebase0, CH)], dstv, semB)

    def pair_body(p, _):
        ebA = _eb(2 * p)
        ebB = _eb(2 * p + 1)
        pltpu.make_async_copy(src_hbm.at[pl.ds(ebA, CH)], srcv, semA).wait()
        pltpu.make_async_copy(dst_hbm.at[pl.ds(ebA, CH)], dstv, semB).wait()
        pltpu.async_copy(src_hbm.at[pl.ds(ebB, CH)], src2, semC)
        pltpu.async_copy(dst_hbm.at[pl.ds(ebB, CH)], dst2, semD)
        process(srcv, dstv)
        pltpu.make_async_copy(src_hbm.at[pl.ds(ebB, CH)], src2, semC).wait()
        pltpu.make_async_copy(dst_hbm.at[pl.ds(ebB, CH)], dst2, semD).wait()

        @pl.when(p < NCHUNK // 2 - 1)
        def _():
            ebN = _eb(2 * p + 2)
            pltpu.async_copy(src_hbm.at[pl.ds(ebN, CH)], srcv, semA)
            pltpu.async_copy(dst_hbm.at[pl.ds(ebN, CH)], dstv, semB)

        process(src2, dst2)
        return 0

    lax.fori_loop(0, NCHUNK // 2, pair_body, 0)

    plsc.subcore_barrier()

    def flush_body(q, _):
        off = nbase + q * CH
        pltpu.sync_copy(out_sh.at[pl.ds(off, CH)], rows)
        pltpu.sync_copy(rows, acc_out.at[pl.ds(coff + off, CH)])
        return 0

    lax.fori_loop(0, NST, flush_body, 0)

    @pl.when(c == 0)
    def _():
        def sflush_body(q, _):
            off = nbase + q * CH
            pltpu.sync_copy(s_sh.at[pl.ds(off, CH)], stage)
            pltpu.sync_copy(stage, s_out.at[pl.ds(off, CH)])
            return 0

        lax.fori_loop(0, NST, sflush_body, 0)



def _att_layer_sc(src, dst, al, gmax, hps):
    g16 = jnp.broadcast_to(gmax.reshape(1), (16,))
    hp2 = hps.reshape(2 * NP, 16)
    acc, s = _sc_att(src, dst, al[0], al[1], g16, hp2)
    return acc.reshape(2, NP, 16), s.reshape(NP, 1)


def kernel(x, edge_index, W1, b1, W2, b2, Wa, ba, a_src, a_dst,
           W3, b3, W4, b4):
    src = edge_index[0].astype(jnp.int32)
    dst = edge_index[1].astype(jnp.int32)
    xp = jnp.pad(x, ((0, NP - N), (0, 0)))
    b1r = b1.reshape(1, 32)
    b2r = b2.reshape(1, 32)
    bar = ba.reshape(1, 32)
    b3r = b3.reshape(1, 32)
    b4r = b4.reshape(1, 2)
    asr = a_src.reshape(1, 32)
    adr = a_dst.reshape(1, 32)

    hps, al4, gmax = _tc_k1(xp, W1, b1r, W2, b2r, Wa, bar, asr, adr)
    al = al4.reshape(2, NP)
    acc, s2d = _att_layer_sc(src, dst, al, gmax, hps)

    hps2, al4_2, gmax2 = _tc_k2(acc, s2d, Wa, bar, asr, adr)
    al2 = al4_2.reshape(2, NP)
    acc2, s2d2 = _att_layer_sc(src, dst, al2, gmax2, hps2)

    return _tc_k3(acc2, s2d2, W3, b3r, W4, b4r)

# --- scband reference (transcript-rebuilt; emitter-appended) ---
"""Pipeline reference for scband-att-gnn-7980049236599 (READ-ONLY COPY).

The authoritative reference and input builder live on the scoring server;
editing this copy changes nothing except your own understanding.
"""

import jax, jax.numpy as jnp
import numpy as np

N_NODES = 100000
N_EDGES = 3200000
HID = 32


def att_layer(x, src, dst, Wa, ba, a_src, a_dst, n_nodes):
    # GAT-style single-head attention layer (Att_layer(32))
    h = x @ Wa + ba                      # [N, 32]
    alpha_s = h @ a_src                  # [N]
    alpha_d = h @ a_dst                  # [N]
    e = jax.nn.leaky_relu(alpha_s[src] + alpha_d[dst], negative_slope=0.2)  # [E]
    m = jax.ops.segment_max(e, dst, num_segments=n_nodes)                   # [N]
    ex = jnp.exp(e - m[dst])                                                # [E]
    s = jax.ops.segment_sum(ex, dst, num_segments=n_nodes)                  # [N]
    attn = ex / (s[dst] + 1e-16)                                            # [E]
    msg = h[src] * attn[:, None]                                            # [E, 32]
    out = jax.ops.segment_sum(msg, dst, num_segments=n_nodes)               # [N, 32]
    return jax.nn.elu(out)


def setup_inputs(seed: int = 0) -> dict:
    key = jax.random.key(seed)
    ks = jax.random.split(key, 16)
    x = jax.random.normal(ks[0], (N_NODES, 1), dtype=jnp.float32)
    edge_index = jax.random.randint(ks[1], (2, N_EDGES), 0, N_NODES, dtype=jnp.int64)
    def lin(k, fan_in, fan_out):
        bound = 1.0 / np.sqrt(fan_in)
        kw, kb = jax.random.split(k)
        W = jax.random.uniform(kw, (fan_in, fan_out), minval=-bound, maxval=bound, dtype=jnp.float32)
        b = jax.random.uniform(kb, (fan_out,), minval=-bound, maxval=bound, dtype=jnp.float32)
        return W, b
    W1, b1 = lin(ks[2], 1, HID)
    W2, b2 = lin(ks[3], HID, HID)
    Wa, ba = lin(ks[4], HID, HID)
    a_src = jax.random.normal(ks[5], (HID,), dtype=jnp.float32) * 0.1
    a_dst = jax.random.normal(ks[6], (HID,), dtype=jnp.float32) * 0.1
    W3, b3 = lin(ks[7], HID, HID)
    W4, b4 = lin(ks[8], HID, 2)
    return {"x": x, "edge_index": edge_index,
            "W1": W1, "b1": b1, "W2": W2, "b2": b2,
            "Wa": Wa, "ba": ba, "a_src": a_src, "a_dst": a_dst,
            "W3": W3, "b3": b3, "W4": W4, "b4": b4}


def reference(x, edge_index, W1, b1, W2, b2, Wa, ba, a_src, a_dst, W3, b3, W4, b4):
    n_nodes = x.shape[0]
    src = edge_index[0]
    dst = edge_index[1]
    # mlp_in: Linear(1,32)+ReLU, Linear(32,32)+ReLU
    h = jax.nn.relu(x @ W1 + b1)
    h = jax.nn.relu(h @ W2 + b2)
    # att_layer applied twice (shared weights, same nn.Module instance)
    h = att_layer(h, src, dst, Wa, ba, a_src, a_dst, n_nodes)
    h = att_layer(h, src, dst, Wa, ba, a_src, a_dst, n_nodes)
    # mlp_out: Linear(32,32)+ReLU, Linear(32,2)
    h = jax.nn.relu(h @ W3 + b3)
    h = h @ W4 + b4
    return jax.nn.softmax(h, axis=1)

if __name__ == "__main__":
    import jax
    _d = setup_inputs()
    print(jax.jit(kernel)(*tuple(_d.values())))

</pallas_src>

<mosaic_0001>
#map = affine_map<(d0, d1) -> (0)>
#map1 = affine_map<(d0, d1) -> (0, 0)>
module attributes {stable_mosaic.version = 14 : i64} {
  func.func @_sc_att(%arg0: i32, %arg1: i32, %arg2: memref<3200000xi32, #tpu.memory_space<hbm>>, %arg3: memref<3200000xi32, #tpu.memory_space<hbm>>, %arg4: memref<102400xf32, #tpu.memory_space<hbm>>, %arg5: memref<102400xf32, #tpu.memory_space<hbm>>, %arg6: memref<16xf32, #tpu.memory_space<hbm>>, %arg7: memref<204800x16xf32, #tpu.memory_space<hbm>>, %arg8: memref<204800x16xf32, #tpu.memory_space<hbm>>, %arg9: memref<102400xf32, #tpu.memory_space<hbm>>, %arg10: memref<400xi32, #tpu.memory_space<vmem>>, %arg11: memref<400xi32, #tpu.memory_space<vmem>>, %arg12: memref<400xi32, #tpu.memory_space<vmem>>, %arg13: memref<400xi32, #tpu.memory_space<vmem>>, %arg14: memref<400xi32, #tpu.memory_space<vmem>>, %arg15: memref<400xf32, #tpu.memory_space<vmem>>, %arg16: memref<400xf32, #tpu.memory_space<vmem>>, %arg17: memref<400x16xf32, #tpu.memory_space<vmem>>, %arg18: memref<16xf32, #tpu.memory_space<vmem>>, %arg19: memref<102400xf32, #tpu.memory_space<vmem_shared>>, %arg20: memref<102400xf32, #tpu.memory_space<vmem_shared>>, %arg21: memref<102400x16xf32, #tpu.memory_space<vmem_shared>>, %arg22: memref<102400xf32, #tpu.memory_space<vmem_shared>>, %arg23: memref<!tpu.dma_semaphore, #tpu.memory_space<semaphore_mem>>, %arg24: memref<!tpu.dma_semaphore, #tpu.memory_space<semaphore_mem>>, %arg25: memref<!tpu.dma_semaphore, #tpu.memory_space<semaphore_mem>>, %arg26: memref<!tpu.dma_semaphore, #tpu.memory_space<semaphore_mem>>, %arg27: memref<!tpu.dma_semaphore, #tpu.memory_space<semaphore_mem>>, %arg28: memref<!tpu.dma_semaphore, #tpu.memory_space<semaphore_mem>>, %arg29: memref<!tpu.dma_semaphore, #tpu.memory_space<semaphore_mem>>) attributes {dimension_semantics = [#tpu.dimension_semantics<core_parallel>, #tpu.dimension_semantics<subcore_parallel>], iteration_bounds = array<i64: 2, 16>, scalar_prefetch = 0 : i64, scratch_operands = 20 : i64, tpu.core_type = #tpu.core_type<sc_vector_subcore>, window_params = [{transform_indices = #map}, {transform_indices = #map}, {transform_indices = #map}, {transform_indices = #map}, {transform_indices = #map}, {transform_indices = #map1}, {transform_indices = #map1}, {transform_indices = #map}]} {
    %mul3A = arith.constant 6400 : i32
    %mul3A_0 = arith.muli %arg1, %mul3A : i32
    %broadcast_in_dim3A = arith.constant 0.000000e+00 : f32
    %broadcast_in_dim3A_1 = vector.broadcast %broadcast_in_dim3A : f32 to vector<16xf32>
    %scan3A = arith.constant 0 : i32
    %scan3A_2 = arith.constant 0 : i32
    %scan3A_3 = arith.constant 16 : i32
    %scan3A_4 = arith.addi %scan3A_2, %scan3A_3 : i32
    %scan3A_5 = arith.constant 1 : i32
    %scan3A_6 = scf.for %scan3A_55 = %scan3A_2 to %scan3A_4 step %scan3A_5 iter_args(%scan3A_56 = %scan3A) -> (i32)  : i32 {
      %mul3A_57 = arith.constant 400 : i32
      %mul3A_58 = arith.muli %scan3A_55, %mul3A_57 : i32
      %add3A = arith.addi %mul3A_0, %mul3A_58 : i32
      "tpu.region"() ({
        %run_scoped3A = tpu.sem_alloc : memref<!tpu.dma_semaphore, #tpu.memory_space<semaphore_mem>>
        %dma_start3A_60 = tpu.memref_slice %arg4[%add3A] : memref<102400xf32, #tpu.memory_space<hbm>> -> memref<400xf32, #tpu.memory_space<hbm>>
        %dma_start3A_61 = tpu.memref_slice %arg4[%add3A] : memref<102400xf32, #tpu.memory_space<hbm>> -> memref<400xf32, #tpu.memory_space<hbm>>
        tpu.enqueue_dma source(%dma_start3A_61 : memref<400xf32, #tpu.memory_space<hbm>>) target(%arg15 : memref<400xf32, #tpu.memory_space<vmem>>) target_semaphore(%run_scoped3A : memref<!tpu.dma_semaphore, #tpu.memory_space<semaphore_mem>>)
        %dma_wait3A = tpu.memref_slice %arg4[%add3A] : memref<102400xf32, #tpu.memory_space<hbm>> -> memref<400xf32, #tpu.memory_space<hbm>>
        %dma_wait3A_62 = tpu.memref_slice %arg4[%add3A] : memref<102400xf32, #tpu.memory_space<hbm>> -> memref<400xf32, #tpu.memory_space<hbm>>
        tpu.wait_dma2 semaphore(%run_scoped3A : memref<!tpu.dma_semaphore, #tpu.memory_space<semaphore_mem>>) src(%dma_wait3A_62 : memref<400xf32, #tpu.memory_space<hbm>>) dst(%arg15 : memref<400xf32, #tpu.memory_space<vmem>>)
        tpu.yield
      }) : () -> ()
      "tpu.region"() ({
        %run_scoped3A = tpu.sem_alloc : memref<!tpu.dma_semaphore, #tpu.memory_space<semaphore_mem>>
        %dma_start3A_60 = tpu.memref_slice %arg19[%add3A] : memref<102400xf32, #tpu.memory_space<vmem_shared>> -> memref<400xf32, #tpu.memory_space<vmem_shared>>
        %dma_start3A_61 = tpu.memref_slice %arg19[%add3A] : memref<102400xf32, #tpu.memory_space<vmem_shared>> -> memref<400xf32, #tpu.memory_space<vmem_shared>>
        tpu.enqueue_dma source(%arg15 : memref<400xf32, #tpu.memory_space<vmem>>) target(%dma_start3A_61 : memref<400xf32, #tpu.memory_space<vmem_shared>>) target_semaphore(%run_scoped3A : memref<!tpu.dma_semaphore, #tpu.memory_space<semaphore_mem>>)
        %dma_wait3A = tpu.memref_slice %arg19[%add3A] : memref<102400xf32, #tpu.memory_space<vmem_shared>> -> memref<400xf32, #tpu.memory_space<vmem_shared>>
        %dma_wait3A_62 = tpu.memref_slice %arg19[%add3A] : memref<102400xf32, #tpu.memory_space<vmem_shared>> -> memref<400xf32, #tpu.memory_space<vmem_shared>>
        tpu.wait_dma2 semaphore(%run_scoped3A : memref<!tpu.dma_semaphore, #tpu.memory_space<semaphore_mem>>) src(%arg15 : memref<400xf32, #tpu.memory_space<vmem>>) dst(%dma_wait3A_62 : memref<400xf32, #tpu.memory_space<vmem_shared>>)
        tpu.yield
      }) : () -> ()
      "tpu.region"() ({
        %run_scoped3A = tpu.sem_alloc : memref<!tpu.dma_semaphore, #tpu.memory_space<semaphore_mem>>
        %dma_start3A_60 = tpu.memref_slice %arg5[%add3A] : memref<102400xf32, #tpu.memory_space<hbm>> -> memref<400xf32, #tpu.memory_space<hbm>>
        %dma_start3A_61 = tpu.memref_slice %arg5[%add3A] : memref<102400xf32, #tpu.memory_space<hbm>> -> memref<400xf32, #tpu.memory_space<hbm>>
        tpu.enqueue_dma source(%dma_start3A_61 : memref<400xf32, #tpu.memory_space<hbm>>) target(%arg15 : memref<400xf32, #tpu.memory_space<vmem>>) target_semaphore(%run_scoped3A : memref<!tpu.dma_semaphore, #tpu.memory_space<semaphore_mem>>)
        %dma_wait3A = tpu.memref_slice %arg5[%add3A] : memref<102400xf32, #tpu.memory_space<hbm>> -> memref<400xf32, #tpu.memory_space<hbm>>
        %dma_wait3A_62 = tpu.memref_slice %arg5[%add3A] : memref<102400xf32, #tpu.memory_space<hbm>> -> memref<400xf32, #tpu.memory_space<hbm>>
        tpu.wait_dma2 semaphore(%run_scoped3A : memref<!tpu.dma_semaphore, #tpu.memory_space<semaphore_mem>>) src(%dma_wait3A_62 : memref<400xf32, #tpu.memory_space<hbm>>) dst(%arg15 : memref<400xf32, #tpu.memory_space<vmem>>)
        tpu.yield
      }) : () -> ()
      "tpu.region"() ({
        %run_scoped3A = tpu.sem_alloc : memref<!tpu.dma_semaphore, #tpu.memory_space<semaphore_mem>>
        %dma_start3A_60 = tpu.memref_slice %arg20[%add3A] : memref<102400xf32, #tpu.memory_space<vmem_shared>> -> memref<400xf32, #tpu.memory_space<vmem_shared>>
        %dma_start3A_61 = tpu.memref_slice %arg20[%add3A] : memref<102400xf32, #tpu.memory_space<vmem_shared>> -> memref<400xf32, #tpu.memory_space<vmem_shared>>
        tpu.enqueue_dma source(%arg15 : memref<400xf32, #tpu.memory_space<vmem>>) target(%dma_start3A_61 : memref<400xf32, #tpu.memory_space<vmem_shared>>) target_semaphore(%run_scoped3A : memref<!tpu.dma_semaphore, #tpu.memory_space<semaphore_mem>>)
        %dma_wait3A = tpu.memref_slice %arg20[%add3A] : memref<102400xf32, #tpu.memory_space<vmem_shared>> -> memref<400xf32, #tpu.memory_space<vmem_shared>>
        %dma_wait3A_62 = tpu.memref_slice %arg20[%add3A] : memref<102400xf32, #tpu.memory_space<vmem_shared>> -> memref<400xf32, #tpu.memory_space<vmem_shared>>
        tpu.wait_dma2 semaphore(%run_scoped3A : memref<!tpu.dma_semaphore, #tpu.memory_space<semaphore_mem>>) src(%arg15 : memref<400xf32, #tpu.memory_space<vmem>>) dst(%dma_wait3A_62 : memref<400xf32, #tpu.memory_space<vmem_shared>>)
        tpu.yield
      }) : () -> ()
      %scan3A_59 = arith.constant 0 : i32
      scf.yield %scan3A_59 : i32
    }
    %scan3A_7 = arith.constant 16 : i32
    "tpu.region"() ({
      %run_scoped3A = tpu.sem_alloc : memref<!tpu.dma_semaphore, #tpu.memory_space<semaphore_mem>>
      tpu.enqueue_dma source(%arg6 : memref<16xf32, #tpu.memory_space<hbm>>) target(%arg18 : memref<16xf32, #tpu.memory_space<vmem>>) target_semaphore(%run_scoped3A : memref<!tpu.dma_semaphore, #tpu.memory_space<semaphore_mem>>)
      tpu.wait_dma2 semaphore(%run_scoped3A : memref<!tpu.dma_semaphore, #tpu.memory_space<semaphore_mem>>) src(%arg6 : memref<16xf32, #tpu.memory_space<hbm>>) dst(%arg18 : memref<16xf32, #tpu.memory_space<vmem>>)
      tpu.yield
    }) : () -> ()
    %scan3A_8 = arith.constant 0 : i32
    %scan3A_9 = arith.constant 0 : i32
    %scan3A_10 = arith.constant 25 : i32
    %scan3A_11 = arith.addi %scan3A_9, %scan3A_10 : i32
    %scan3A_12 = arith.constant 1 : i32
    %scan3A_13 = scf.for %scan3A_55 = %scan3A_9 to %scan3A_11 step %scan3A_12 iter_args(%scan3A_56 = %scan3A_8) -> (i32)  : i32 {
      %mul3A_57 = arith.constant 16 : i32
      %mul3A_58 = arith.muli %scan3A_55, %mul3A_57 : i32
      %swap3A = arith.index_cast %mul3A_58 : i32 to index
      %swap3A_59 = tpu.vector_load %arg15[%swap3A] {strides = array<i32>} : memref<400xf32, #tpu.memory_space<vmem>>, vector<16xf32>,
      %swap3A_60 = vector.shape_cast %swap3A_59 : vector<16xf32> to vector<16xf32>
      %swap3A_61 = vector.shape_cast %broadcast_in_dim3A_1 : vector<16xf32> to vector<16xf32>
      tpu.vector_store %arg15[%swap3A], %swap3A_61 {strides = array<i32>} : memref<400xf32, #tpu.memory_space<vmem>>, vector<16xf32>,
      %scan3A_62 = arith.constant 0 : i32
      scf.yield %scan3A_62 : i32
    }
    %scan3A_14 = arith.constant 25 : i32
    %scan3A_15 = arith.constant 0 : i32
    %scan3A_16 = arith.constant 0 : i32
    %scan3A_17 = arith.constant 400 : i32
    %scan3A_18 = arith.addi %scan3A_16, %scan3A_17 : i32
    %scan3A_19 = arith.constant 1 : i32
    %scan3A_20 = scf.for %scan3A_55 = %scan3A_16 to %scan3A_18 step %scan3A_19 iter_args(%scan3A_56 = %scan3A_15) -> (i32)  : i32 {
      %swap3A = arith.index_cast %scan3A_55 : i32 to index
      %swap3A_57 = arith.constant 0 : index
      %swap3A_58 = tpu.vector_load %arg17[%swap3A, %swap3A_57] {strides = array<i32>} : memref<400x16xf32, #tpu.memory_space<vmem>>, vector<1x16xf32>,
      %swap3A_59 = vector.shape_cast %swap3A_58 : vector<1x16xf32> to vector<16xf32>
      %swap3A_60 = vector.shape_cast %broadcast_in_dim3A_1 : vector<16xf32> to vector<1x16xf32>
      tpu.vector_store %arg17[%swap3A, %swap3A_57], %swap3A_60 {strides = array<i32>} : memref<400x16xf32, #tpu.memory_space<vmem>>, vector<1x16xf32>,
      %scan3A_61 = arith.constant 0 : i32
      scf.yield %scan3A_61 : i32
    }
    %scan3A_21 = arith.constant 400 : i32
    %scan3A_22 = arith.constant 0 : i32
    %scan3A_23 = arith.constant 0 : i32
    %scan3A_24 = arith.constant 16 : i32
    %scan3A_25 = arith.addi %scan3A_23, %scan3A_24 : i32
    %scan3A_26 = arith.constant 1 : i32
    %scan3A_27 = scf.for %scan3A_55 = %scan3A_23 to %scan3A_25 step %scan3A_26 iter_args(%scan3A_56 = %scan3A_22) -> (i32)  : i32 {
      %mul3A_57 = arith.constant 400 : i32
      %mul3A_58 = arith.muli %scan3A_55, %mul3A_57 : i32
      %add3A = arith.addi %mul3A_0, %mul3A_58 : i32
      "tpu.region"() ({
        %run_scoped3A = tpu.sem_alloc : memref<!tpu.dma_semaphore, #tpu.memory_space<semaphore_mem>>
        %dma_start3A_60 = tpu.memref_slice %arg22[%add3A] : memref<102400xf32, #tpu.memory_space<vmem_shared>> -> memref<400xf32, #tpu.memory_space<vmem_shared>>
        %dma_start3A_61 = tpu.memref_slice %arg22[%add3A] : memref<102400xf32, #tpu.memory_space<vmem_shared>> -> memref<400xf32, #tpu.memory_space<vmem_shared>>
        tpu.enqueue_dma source(%arg15 : memref<400xf32, #tpu.memory_space<vmem>>) target(%dma_start3A_61 : memref<400xf32, #tpu.memory_space<vmem_shared>>) target_semaphore(%run_scoped3A : memref<!tpu.dma_semaphore, #tpu.memory_space<semaphore_mem>>)
        %dma_wait3A = tpu.memref_slice %arg22[%add3A] : memref<102400xf32, #tpu.memory_space<vmem_shared>> -> memref<400xf32, #tpu.memory_space<vmem_shared>>
        %dma_wait3A_62 = tpu.memref_slice %arg22[%add3A] : memref<102400xf32, #tpu.memory_space<vmem_shared>> -> memref<400xf32, #tpu.memory_space<vmem_shared>>
        tpu.wait_dma2 semaphore(%run_scoped3A : memref<!tpu.dma_semaphore, #tpu.memory_space<semaphore_mem>>) src(%arg15 : memref<400xf32, #tpu.memory_space<vmem>>) dst(%dma_wait3A_62 : memref<400xf32, #tpu.memory_space<vmem_shared>>)
        tpu.yield
      }) : () -> ()
      "tpu.region"() ({
        %run_scoped3A = tpu.sem_alloc : memref<!tpu.dma_semaphore, #tpu.memory_space<semaphore_mem>>
        %dma_start3A_60 = arith.constant 0 : i32
        %dma_start3A_61 = tpu.memref_slice %arg21[%add3A, %dma_start3A_60] : memref<102400x16xf32, #tpu.memory_space<vmem_shared>> -> memref<400x16xf32, #tpu.memory_space<vmem_shared>>
        %dma_start3A_62 = arith.constant 0 : i32
        %dma_start3A_63 = tpu.memref_slice %arg21[%add3A, %dma_start3A_62] : memref<102400x16xf32, #tpu.memory_space<vmem_shared>> -> memref<400x16xf32, #tpu.memory_space<vmem_shared>>
        tpu.enqueue_dma source(%arg17 : memref<400x16xf32, #tpu.memory_space<vmem>>) target(%dma_start3A_63 : memref<400x16xf32, #tpu.memory_space<vmem_shared>>) target_semaphore(%run_scoped3A : memref<!tpu.dma_semaphore, #tpu.memory_space<semaphore_mem>>)
        %dma_wait3A = arith.constant 0 : i32
        %dma_wait3A_64 = tpu.memref_slice %arg21[%add3A, %dma_wait3A] : memref<102400x16xf32, #tpu.memory_space<vmem_shared>> -> memref<400x16xf32, #tpu.memory_space<vmem_shared>>
        %dma_wait3A_65 = arith.constant 0 : i32
        %dma_wait3A_66 = tpu.memref_slice %arg21[%add3A, %dma_wait3A_65] : memref<102400x16xf32, #tpu.memory_space<vmem_shared>> -> memref<400x16xf32, #tpu.memory_space<vmem_shared>>
        tpu.wait_dma2 semaphore(%run_scoped3A : memref<!tpu.dma_semaphore, #tpu.memory_space<semaphore_mem>>) src(%arg17 : memref<400x16xf32, #tpu.memory_space<vmem>>) dst(%dma_wait3A_66 : memref<400x16xf32, #tpu.memory_space<vmem_shared>>)
        tpu.yield
      }) : () -> ()
      %scan3A_59 = arith.constant 0 : i32
      scf.yield %scan3A_59 : i32
    }
    %scan3A_28 = arith.constant 16 : i32
    %barrier3A = arith.constant 0 : index
    tpu.barrier barrier_id(%barrier3A)
    %get3A = arith.constant 0 : index
    %get3A_29 = tpu.vector_load %arg18[%get3A] {strides = array<i32>} : memref<16xf32, #tpu.memory_space<vmem>>, vector<16xf32>,
    %get3A_30 = vector.shape_cast %get3A_29 : vector<16xf32> to vector<16xf32>
    %mul3A_31 = arith.constant 102400 : i32
    %mul3A_32 = arith.muli %arg0, %mul3A_31 : i32
    %mul3A_33 = arith.constant 200000 : i32
    %mul3A_34 = arith.muli %arg1, %mul3A_33 : i32
    %multiple_of3A = tpu.assume_multiple %mul3A_34, 8 : i32
    %dma_start3A = tpu.memref_slice %arg2[%multiple_of3A] : memref<3200000xi32, #tpu.memory_space<hbm>> -> memref<400xi32, #tpu.memory_space<hbm>>
    %dma_start3A_35 = tpu.memref_slice %arg2[%multiple_of3A] : memref<3200000xi32, #tpu.memory_space<hbm>> -> memref<400xi32, #tpu.memory_space<hbm>>
    tpu.enqueue_dma source(%dma_start3A_35 : memref<400xi32, #tpu.memory_space<hbm>>) target(%arg10 : memref<400xi32, #tpu.memory_space<vmem>>) target_semaphore(%arg26 : memref<!tpu.dma_semaphore, #tpu.memory_space<semaphore_mem>>)
    %dma_start3A_36 = tpu.memref_slice %arg3[%multiple_of3A] : memref<3200000xi32, #tpu.memory_space<hbm>> -> memref<400xi32, #tpu.memory_space<hbm>>
    %dma_start3A_37 = tpu.memref_slice %arg3[%multiple_of3A] : memref<3200000xi32, #tpu.memory_space<hbm>> -> memref<400xi32, #tpu.memory_space<hbm>>
    tpu.enqueue_dma source(%dma_start3A_37 : memref<400xi32, #tpu.memory_space<hbm>>) target(%arg11 : memref<400xi32, #tpu.memory_space<vmem>>) target_semaphore(%arg27 : memref<!tpu.dma_semaphore, #tpu.memory_space<semaphore_mem>>)
    %scan3A_38 = arith.constant 0 : i32
    %scan3A_39 = arith.constant 0 : i32
    %scan3A_40 = arith.constant 250 : i32
    %scan3A_41 = arith.addi %scan3A_39, %scan3A_40 : i32
    %scan3A_42 = arith.constant 1 : i32
    %scan3A_43 = scf.for %scan3A_55 = %scan3A_39 to %scan3A_41 step %scan3A_42 iter_args(%scan3A_56 = %scan3A_38) -> (i32)  : i32 {
      %mul3A_57 = arith.constant 2 : i32
      %mul3A_58 = arith.muli %mul3A_57, %scan3A_55 : i32
      %mul3A_59 = arith.constant 200000 : i32
      %mul3A_60 = arith.muli %arg1, %mul3A_59 : i32
      %mul3A_61 = arith.constant 400 : i32
      %mul3A_62 = arith.muli %mul3A_58, %mul3A_61 : i32
      %add3A = arith.addi %mul3A_60, %mul3A_62 : i32
      %multiple_of3A_63 = tpu.assume_multiple %add3A, 8 : i32
      %mul3A_64 = arith.constant 2 : i32
      %mul3A_65 = arith.muli %mul3A_64, %scan3A_55 : i32
      %add3A_66 = arith.constant 1 : i32
      %add3A_67 = arith.addi %mul3A_65, %add3A_66 : i32
      %mul3A_68 = arith.constant 200000 : i32
      %mul3A_69 = arith.muli %arg1, %mul3A_68 : i32
      %mul3A_70 = arith.constant 400 : i32
      %mul3A_71 = arith.muli %add3A_67, %mul3A_70 : i32
      %add3A_72 = arith.addi %mul3A_69, %mul3A_71 : i32
      %multiple_of3A_73 = tpu.assume_multiple %add3A_72, 8 : i32
      %dma_wait3A = tpu.memref_slice %arg2[%multiple_of3A_63] : memref<3200000xi32, #tpu.memory_space<hbm>> -> memref<400xi32, #tpu.memory_space<hbm>>
      %dma_wait3A_74 = tpu.memref_slice %arg2[%multiple_of3A_63] : memref<3200000xi32, #tpu.memory_space<hbm>> -> memref<400xi32, #tpu.memory_space<hbm>>
      tpu.wait_dma2 semaphore(%arg26 : memref<!tpu.dma_semaphore, #tpu.memory_space<semaphore_mem>>) src(%dma_wait3A_74 : memref<400xi32, #tpu.memory_space<hbm>>) dst(%arg10 : memref<400xi32, #tpu.memory_space<vmem>>)
      %dma_wait3A_75 = tpu.memref_slice %arg3[%multiple_of3A_63] : memref<3200000xi32, #tpu.memory_space<hbm>> -> memref<400xi32, #tpu.memory_space<hbm>>
      %dma_wait3A_76 = tpu.memref_slice %arg3[%multiple_of3A_63] : memref<3200000xi32, #tpu.memory_space<hbm>> -> memref<400xi32, #tpu.memory_space<hbm>>
      tpu.wait_dma2 semaphore(%arg27 : memref<!tpu.dma_semaphore, #tpu.memory_space<semaphore_mem>>) src(%dma_wait3A_76 : memref<400xi32, #tpu.memory_space<hbm>>) dst(%arg11 : memref<400xi32, #tpu.memory_space<vmem>>)
      %dma_start3A_77 = tpu.memref_slice %arg2[%multiple_of3A_73] : memref<3200000xi32, #tpu.memory_space<hbm>> -> memref<400xi32, #tpu.memory_space<hbm>>
      %dma_start3A_78 = tpu.memref_slice %arg2[%multiple_of3A_73] : memref<3200000xi32, #tpu.memory_space<hbm>> -> memref<400xi32, #tpu.memory_space<hbm>>
      tpu.enqueue_dma source(%dma_start3A_78 : memref<400xi32, #tpu.memory_space<hbm>>) target(%arg12 : memref<400xi32, #tpu.memory_space<vmem>>) target_semaphore(%arg28 : memref<!tpu.dma_semaphore, #tpu.memory_space<semaphore_mem>>)
      %dma_start3A_79 = tpu.memref_slice %arg3[%multiple_of3A_73] : memref<3200000xi32, #tpu.memory_space<hbm>> -> memref<400xi32, #tpu.memory_space<hbm>>
      %dma_start3A_80 = tpu.memref_slice %arg3[%multiple_of3A_73] : memref<3200000xi32, #tpu.memory_space<hbm>> -> memref<400xi32, #tpu.memory_space<hbm>>
      tpu.enqueue_dma source(%dma_start3A_80 : memref<400xi32, #tpu.memory_space<hbm>>) target(%arg13 : memref<400xi32, #tpu.memory_space<vmem>>) target_semaphore(%arg29 : memref<!tpu.dma_semaphore, #tpu.memory_space<semaphore_mem>>)
      %dma_start3A_81 = arith.constant 0 : i32
      %dma_start3A_82 = tpu.memref_slice %arg19[%dma_start3A_81] : memref<102400xf32, #tpu.memory_space<vmem_shared>> -> memref<102400xf32, #tpu.memory_space<vmem_shared>>
      tpu.enqueue_indirect_dma source(%dma_start3A_82 : memref<102400xf32, #tpu.memory_space<vmem_shared>>) target(%arg15 : memref<400xf32, #tpu.memory_space<vmem>>) offsets(%arg10 : memref<400xi32, #tpu.memory_space<vmem>>) semaphore(%arg23 : memref<!tpu.dma_semaphore, #tpu.memory_space<semaphore_mem>>)
      %dma_start3A_83 = arith.constant 0 : i32
      %dma_start3A_84 = tpu.memref_slice %arg20[%dma_start3A_83] : memref<102400xf32, #tpu.memory_space<vmem_shared>> -> memref<102400xf32, #tpu.memory_space<vmem_shared>>
      tpu.enqueue_indirect_dma source(%dma_start3A_84 : memref<102400xf32, #tpu.memory_space<vmem_shared>>) target(%arg16 : memref<400xf32, #tpu.memory_space<vmem>>) offsets(%arg11 : memref<400xi32, #tpu.memory_space<vmem>>) semaphore(%arg24 : memref<!tpu.dma_semaphore, #tpu.memory_space<semaphore_mem>>)
      %scan3A_85 = arith.constant 0 : i32
      %scan3A_86 = arith.constant 0 : i32
      %scan3A_87 = arith.constant 25 : i32
      %scan3A_88 = arith.addi %scan3A_86, %scan3A_87 : i32
      %scan3A_89 = arith.constant 1 : i32
      %scan3A_90 = scf.for %scan3A_170 = %scan3A_86 to %scan3A_88 step %scan3A_89 iter_args(%scan3A_171 = %scan3A_85) -> (i32)  : i32 {
        %mul3A_172 = arith.constant 16 : i32
        %mul3A_173 = arith.muli %scan3A_170, %mul3A_172 : i32
        %multiple_of3A_174 = tpu.assume_multiple %mul3A_173, 16 : i32
        %get3A_175 = arith.index_cast %multiple_of3A_174 : i32 to index
        %get3A_176 = tpu.vector_load %arg10[%get3A_175] {strides = array<i32>} : memref<400xi32, #tpu.memory_space<vmem>>, vector<16xi32>,
        %get3A_177 = vector.shape_cast %get3A_176 : vector<16xi32> to vector<16xi32>
        %add3A_178 = vector.broadcast %mul3A_32 : i32 to vector<16xi32>
        %add3A_179 = arith.addi %get3A_177, %add3A_178 : vector<16xi32>
        %swap3A = arith.index_cast %multiple_of3A_174 : i32 to index
        %swap3A_180 = tpu.vector_load %arg14[%swap3A] {strides = array<i32>} : memref<400xi32, #tpu.memory_space<vmem>>, vector<16xi32>,
        %swap3A_181 = vector.shape_cast %swap3A_180 : vector<16xi32> to vector<16xi32>
        %swap3A_182 = vector.shape_cast %add3A_179 : vector<16xi32> to vector<16xi32>
        tpu.vector_store %arg14[%swap3A], %swap3A_182 {strides = array<i32>} : memref<400xi32, #tpu.memory_space<vmem>>, vector<16xi32>,
        %scan3A_183 = arith.constant 0 : i32
        scf.yield %scan3A_183 : i32
      }
      %scan3A_91 = arith.constant 25 : i32
      %dma_start3A_92 = arith.constant 0 : i32
      %dma_start3A_93 = arith.constant 0 : i32
      %dma_start3A_94 = tpu.memref_slice %arg7[%dma_start3A_92, %dma_start3A_93] : memref<204800x16xf32, #tpu.memory_space<hbm>> -> memref<204800x16xf32, #tpu.memory_space<hbm>>
      tpu.enqueue_indirect_dma source(%dma_start3A_94 : memref<204800x16xf32, #tpu.memory_space<hbm>>) target(%arg17 : memref<400x16xf32, #tpu.memory_space<vmem>>) offsets(%arg14 : memref<400xi32, #tpu.memory_space<vmem>>) semaphore(%arg25 : memref<!tpu.dma_semaphore, #tpu.memory_space<semaphore_mem>>)
      %dma_wait3A_95 = arith.constant 0 : i32
      %dma_wait3A_96 = tpu.memref_slice %arg19[%dma_wait3A_95] : memref<102400xf32, #tpu.memory_space<vmem_shared>> -> memref<102400xf32, #tpu.memory_space<vmem_shared>>
      tpu.wait_indirect_dma semaphore(%arg23 : memref<!tpu.dma_semaphore, #tpu.memory_space<semaphore_mem>>) src(%dma_wait3A_96 : memref<102400xf32, #tpu.memory_space<vmem_shared>>) dst(%arg15 : memref<400xf32, #tpu.memory_space<vmem>>)
      %dma_wait3A_97 = arith.constant 0 : i32
      %dma_wait3A_98 = tpu.memref_slice %arg20[%dma_wait3A_97] : memref<102400xf32, #tpu.memory_space<vmem_shared>> -> memref<102400xf32, #tpu.memory_space<vmem_shared>>
      tpu.wait_indirect_dma semaphore(%arg24 : memref<!tpu.dma_semaphore, #tpu.memory_space<semaphore_mem>>) src(%dma_wait3A_98 : memref<102400xf32, #tpu.memory_space<vmem_shared>>) dst(%arg16 : memref<400xf32, #tpu.memory_space<vmem>>)
      %scan3A_99 = arith.constant 0 : i32
      %scan3A_100 = arith.constant 0 : i32
      %scan3A_101 = arith.constant 25 : i32
      %scan3A_102 = arith.addi %scan3A_100, %scan3A_101 : i32
      %scan3A_103 = arith.constant 1 : i32
      %scan3A_104 = scf.for %scan3A_170 = %scan3A_100 to %scan3A_102 step %scan3A_103 iter_args(%scan3A_171 = %scan3A_99) -> (i32)  : i32 {
        %mul3A_172 = arith.constant 16 : i32
        %mul3A_173 = arith.muli %scan3A_170, %mul3A_172 : i32
        %multiple_of3A_174 = tpu.assume_multiple %mul3A_173, 16 : i32
        %get3A_175 = arith.index_cast %multiple_of3A_174 : i32 to index
        %get3A_176 = tpu.vector_load %arg15[%get3A_175] {strides = array<i32>} : memref<400xf32, #tpu.memory_space<vmem>>, vector<16xf32>,
        %get3A_177 = vector.shape_cast %get3A_176 : vector<16xf32> to vector<16xf32>
        %get3A_178 = arith.index_cast %multiple_of3A_174 : i32 to index
        %get3A_179 = tpu.vector_load %arg16[%get3A_178] {strides = array<i32>} : memref<400xf32, #tpu.memory_space<vmem>>, vector<16xf32>,
        %get3A_180 = vector.shape_cast %get3A_179 : vector<16xf32> to vector<16xf32>
        %add3A_181 = arith.addf %get3A_177, %get3A_180 : vector<16xf32>
        %mul3A_182 = arith.constant 2.000000e-01 : f32
        %mul3A_183 = vector.broadcast %mul3A_182 : f32 to vector<16xf32>
        %mul3A_184 = arith.mulf %mul3A_183, %add3A_181 : vector<16xf32>
        %max3A = arith.maximumf %add3A_181, %mul3A_184 : vector<16xf32>
        %add3A_185 = arith.addf %get3A_30, %get3A_180 : vector<16xf32>
        %mul3A_186 = arith.constant 2.000000e-01 : f32
        %mul3A_187 = vector.broadcast %mul3A_186 : f32 to vector<16xf32>
        %mul3A_188 = arith.mulf %mul3A_187, %add3A_185 : vector<16xf32>
        %max3A_189 = arith.maximumf %add3A_185, %mul3A_188 : vector<16xf32>
        %sub3A = arith.subf %max3A, %max3A_189 : vector<16xf32>
        %exp3A = math.exp %sub3A : vector<16xf32>
        %swap3A = arith.index_cast %multiple_of3A_174 : i32 to index
        %swap3A_190 = tpu.vector_load %arg15[%swap3A] {strides = array<i32>} : memref<400xf32, #tpu.memory_space<vmem>>, vector<16xf32>,
        %swap3A_191 = vector.shape_cast %swap3A_190 : vector<16xf32> to vector<16xf32>
        %swap3A_192 = vector.shape_cast %exp3A : vector<16xf32> to vector<16xf32>
        tpu.vector_store %arg15[%swap3A], %swap3A_192 {strides = array<i32>} : memref<400xf32, #tpu.memory_space<vmem>>, vector<16xf32>,
        %scan3A_193 = arith.constant 0 : i32
        scf.yield %scan3A_193 : i32
      }
      %scan3A_105 = arith.constant 25 : i32
      %eq3A_106 = arith.constant 0 : i32
      %eq3A_107 = arith.cmpi eq, %arg0, %eq3A_106 : i32
      %convert_element_type3A_108 = arith.extui %eq3A_107 : i1 to i32
      %cond3A_109 = arith.constant 0 : i32
      %cond3A_110 = arith.cmpi ne, %convert_element_type3A_108, %cond3A_109 : i32
      scf.if %cond3A_110 {
        "tpu.region"() ({
          %run_scoped3A = tpu.sem_alloc : memref<!tpu.dma_semaphore, #tpu.memory_space<semaphore_mem>>
          %dma_start3A_170 = arith.constant 0 : i32
          %dma_start3A_171 = tpu.memref_slice %arg22[%dma_start3A_170] : memref<102400xf32, #tpu.memory_space<vmem_shared>> -> memref<102400xf32, #tpu.memory_space<vmem_shared>>
          tpu.enqueue_indirect_dma source(%arg15 : memref<400xf32, #tpu.memory_space<vmem>>) target(%dma_start3A_171 : memref<102400xf32, #tpu.memory_space<vmem_shared>>) offsets(%arg11 : memref<400xi32, #tpu.memory_space<vmem>>) semaphore(%run_scoped3A : memref<!tpu.dma_semaphore, #tpu.memory_space<semaphore_mem>>) {add = true}
          %dma_wait3A_172 = arith.constant 0 : i32
          %dma_wait3A_173 = tpu.memref_slice %arg22[%dma_wait3A_172] : memref<102400xf32, #tpu.memory_space<vmem_shared>> -> memref<102400xf32, #tpu.memory_space<vmem_shared>>
          tpu.wait_indirect_dma semaphore(%run_scoped3A : memref<!tpu.dma_semaphore, #tpu.memory_space<semaphore_mem>>) src(%arg15 : memref<400xf32, #tpu.memory_space<vmem>>) dst(%dma_wait3A_173 : memref<102400xf32, #tpu.memory_space<vmem_shared>>)
          tpu.yield
        }) : () -> ()
      } else {
      }
      %dma_wait3A_111 = arith.constant 0 : i32
      %dma_wait3A_112 = arith.constant 0 : i32
      %dma_wait3A_113 = tpu.memref_slice %arg7[%dma_wait3A_111, %dma_wait3A_112] : memref<204800x16xf32, #tpu.memory_space<hbm>> -> memref<204800x16xf32, #tpu.memory_space<hbm>>
      tpu.wait_indirect_dma semaphore(%arg25 : memref<!tpu.dma_semaphore, #tpu.memory_space<semaphore_mem>>) src(%dma_wait3A_113 : memref<204800x16xf32, #tpu.memory_space<hbm>>) dst(%arg17 : memref<400x16xf32, #tpu.memory_space<vmem>>)
      %scan3A_114 = arith.constant 0 : i32
      %scan3A_115 = arith.constant 0 : i32
      %scan3A_116 = arith.constant 25 : i32
      %scan3A_117 = arith.addi %scan3A_115, %scan3A_116 : i32
      %scan3A_118 = arith.constant 1 : i32
      %scan3A_119 = scf.for %scan3A_170 = %scan3A_115 to %scan3A_117 step %scan3A_118 iter_args(%scan3A_171 = %scan3A_114) -> (i32)  : i32 {
        %mul3A_172 = arith.constant 16 : i32
        %mul3A_173 = arith.muli %scan3A_170, %mul3A_172 : i32
        %multiple_of3A_174 = tpu.assume_multiple %mul3A_173, 16 : i32
        %get3A_175 = arith.index_cast %multiple_of3A_174 : i32 to index
        %get3A_176 = tpu.vector_load %arg15[%get3A_175] {strides = array<i32>} : memref<400xf32, #tpu.memory_space<vmem>>, vector<16xf32>,
        %get3A_177 = vector.shape_cast %get3A_176 : vector<16xf32> to vector<16xf32>
        %add3A_178 = arith.constant 0 : i32
        %add3A_179 = arith.addi %mul3A_173, %add3A_178 : i32
        %get3A_180 = arith.index_cast %add3A_179 : i32 to index
        %get3A_181 = arith.constant 0 : index
        %get3A_182 = tpu.vector_load %arg17[%get3A_180, %get3A_181] {strides = array<i32>} : memref<400x16xf32, #tpu.memory_space<vmem>>, vector<1x16xf32>,
        %get3A_183 = vector.shape_cast %get3A_182 : vector<1x16xf32> to vector<16xf32>
        %slice3A = vector.extract_strided_slice %get3A_177 {offsets = [0], sizes = [1], strides = [1]} : vector<16xf32> to vector<1xf32>
        %squeeze3A = vector.extract %slice3A[0] : f32 from vector<1xf32>
        %mul3A_184 = vector.broadcast %squeeze3A : f32 to vector<16xf32>
        %mul3A_185 = arith.mulf %get3A_183, %mul3A_184 : vector<16xf32>
        %swap3A = arith.index_cast %add3A_179 : i32 to index
        %swap3A_186 = arith.constant 0 : index
        %swap3A_187 = tpu.vector_load %arg17[%swap3A, %swap3A_186] {strides = array<i32>} : memref<400x16xf32, #tpu.memory_space<vmem>>, vector<1x16xf32>,
        %swap3A_188 = vector.shape_cast %swap3A_187 : vector<1x16xf32> to vector<16xf32>
        %swap3A_189 = vector.shape_cast %mul3A_185 : vector<16xf32> to vector<1x16xf32>
        tpu.vector_store %arg17[%swap3A, %swap3A_186], %swap3A_189 {strides = array<i32>} : memref<400x16xf32, #tpu.memory_space<vmem>>, vector<1x16xf32>,
        %add3A_190 = arith.constant 1 : i32
        %add3A_191 = arith.addi %mul3A_173, %add3A_190 : i32
        %get3A_192 = arith.index_cast %add3A_191 : i32 to index
        %get3A_193 = arith.constant 0 : index
        %get3A_194 = tpu.vector_load %arg17[%get3A_192, %get3A_193] {strides = array<i32>} : memref<400x16xf32, #tpu.memory_space<vmem>>, vector<1x16xf32>,
        %get3A_195 = vector.shape_cast %get3A_194 : vector<1x16xf32> to vector<16xf32>
        %slice3A_196 = vector.extract_strided_slice %get3A_177 {offsets = [1], sizes = [1], strides = [1]} : vector<16xf32> to vector<1xf32>
        %squeeze3A_197 = vector.extract %slice3A_196[0] : f32 from vector<1xf32>
        %mul3A_198 = vector.broadcast %squeeze3A_197 : f32 to vector<16xf32>
        %mul3A_199 = arith.mulf %get3A_195, %mul3A_198 : vector<16xf32>
        %swap3A_200 = arith.index_cast %add3A_191 : i32 to index
        %swap3A_201 = arith.constant 0 : index
        %swap3A_202 = tpu.vector_load %arg17[%swap3A_200, %swap3A_201] {strides = array<i32>} : memref<400x16xf32, #tpu.memory_space<vmem>>, vector<1x16xf32>,
        %swap3A_203 = vector.shape_cast %swap3A_202 : vector<1x16xf32> to vector<16xf32>
        %swap3A_204 = vector.shape_cast %mul3A_199 : vector<16xf32> to vector<1x16xf32>
        tpu.vector_store %arg17[%swap3A_200, %swap3A_201], %swap3A_204 {strides = array<i32>} : memref<400x16xf32, #tpu.memory_space<vmem>>, vector<1x16xf32>,
        %add3A_205 = arith.constant 2 : i32
        %add3A_206 = arith.addi %mul3A_173, %add3A_205 : i32
        %get3A_207 = arith.index_cast %add3A_206 : i32 to index
        %get3A_208 = arith.constant 0 : index
        %get3A_209 = tpu.vector_load %arg17[%get3A_207, %get3A_208] {strides = array<i32>} : memref<400x16xf32, #tpu.memory_space<vmem>>, vector<1x16xf32>,
        %get3A_210 = vector.shape_cast %get3A_209 : vector<1x16xf32> to vector<16xf32>
        %slice3A_211 = vector.extract_strided_slice %get3A_177 {offsets = [2], sizes = [1], strides = [1]} : vector<16xf32> to vector<1xf32>
        %squeeze3A_212 = vector.extract %slice3A_211[0] : f32 from vector<1xf32>
        %mul3A_213 = vector.broadcast %squeeze3A_212 : f32 to vector<16xf32>
        %mul3A_214 = arith.mulf %get3A_210, %mul3A_213 : vector<16xf32>
        %swap3A_215 = arith.index_cast %add3A_206 : i32 to index
        %swap3A_216 = arith.constant 0 : index
        %swap3A_217 = tpu.vector_load %arg17[%swap3A_215, %swap3A_216] {strides = array<i32>} : memref<400x16xf32, #tpu.memory_space<vmem>>, vector<1x16xf32>,
        %swap3A_218 = vector.shape_cast %swap3A_217 : vector<1x16xf32> to vector<16xf32>
        %swap3A_219 = vector.shape_cast %mul3A_214 : vector<16xf32> to vector<1x16xf32>
        tpu.vector_store %arg17[%swap3A_215, %swap3A_216], %swap3A_219 {strides = array<i32>} : memref<400x16xf32, #tpu.memory_space<vmem>>, vector<1x16xf32>,
        %add3A_220 = arith.constant 3 : i32
        %add3A_221 = arith.addi %mul3A_173, %add3A_220 : i32
        %get3A_222 = arith.index_cast %add3A_221 : i32 to index
        %get3A_223 = arith.constant 0 : index
        %get3A_224 = tpu.vector_load %arg17[%get3A_222, %get3A_223] {strides = array<i32>} : memref<400x16xf32, #tpu.memory_space<vmem>>, vector<1x16xf32>,
        %get3A_225 = vector.shape_cast %get3A_224 : vector<1x16xf32> to vector<16xf32>
        %slice3A_226 = vector.extract_strided_slice %get3A_177 {offsets = [3], sizes = [1], strides = [1]} : vector<16xf32> to vector<1xf32>
        %squeeze3A_227 = vector.extract %slice3A_226[0] : f32 from vector<1xf32>
        %mul3A_228 = vector.broadcast %squeeze3A_227 : f32 to vector<16xf32>
        %mul3A_229 = arith.mulf %get3A_225, %mul3A_228 : vector<16xf32>
        %swap3A_230 = arith.index_cast %add3A_221 : i32 to index
        %swap3A_231 = arith.constant 0 : index
        %swap3A_232 = tpu.vector_load %arg17[%swap3A_230, %swap3A_231] {strides = array<i32>} : memref<400x16xf32, #tpu.memory_space<vmem>>, vector<1x16xf32>,
        %swap3A_233 = vector.shape_cast %swap3A_232 : vector<1x16xf32> to vector<16xf32>
        %swap3A_234 = vector.shape_cast %mul3A_229 : vector<16xf32> to vector<1x16xf32>
        tpu.vector_store %arg17[%swap3A_230, %swap3A_231], %swap3A_234 {strides = array<i32>} : memref<400x16xf32, #tpu.memory_space<vmem>>, vector<1x16xf32>,
        %add3A_235 = arith.constant 4 : i32
        %add3A_236 = arith.addi %mul3A_173, %add3A_235 : i32
        %get3A_237 = arith.index_cast %add3A_236 : i32 to index
        %get3A_238 = arith.constant 0 : index
        %get3A_239 = tpu.vector_load %arg17[%get3A_237, %get3A_238] {strides = array<i32>} : memref<400x16xf32, #tpu.memory_space<vmem>>, vector<1x16xf32>,
        %get3A_240 = vector.shape_cast %get3A_239 : vector<1x16xf32> to vector<16xf32>
        %slice3A_241 = vector.extract_strided_slice %get3A_177 {offsets = [4], sizes = [1], strides = [1]} : vector<16xf32> to vector<1xf32>
        %squeeze3A_242 = vector.extract %slice3A_241[0] : f32 from vector<1xf32>
        %mul3A_243 = vector.broadcast %squeeze3A_242 : f32 to vector<16xf32>
        %mul3A_244 = arith.mulf %get3A_240, %mul3A_243 : vector<16xf32>
        %swap3A_245 = arith.index_cast %add3A_236 : i32 to index
        %swap3A_246 = arith.constant 0 : index
        %swap3A_247 = tpu.vector_load %arg17[%swap3A_245, %swap3A_246] {strides = array<i32>} : memref<400x16xf32, #tpu.memory_space<vmem>>, vector<1x16xf32>,
        %swap3A_248 = vector.shape_cast %swap3A_247 : vector<1x16xf32> to vector<16xf32>
        %swap3A_249 = vector.shape_cast %mul3A_244 : vector<16xf32> to vector<1x16xf32>
        tpu.vector_store %arg17[%swap3A_245, %swap3A_246], %swap3A_249 {strides = array<i32>} : memref<400x16xf32, #tpu.memory_space<vmem>>, vector<1x16xf32>,
        %add3A_250 = arith.constant 5 : i32
        %add3A_251 = arith.addi %mul3A_173, %add3A_250 : i32
        %get3A_252 = arith.index_cast %add3A_251 : i32 to index
        %get3A_253 = arith.constant 0 : index
        %get3A_254 = tpu.vector_load %arg17[%get3A_252, %get3A_253] {strides = array<i32>} : memref<400x16xf32, #tpu.memory_space<vmem>>, vector<1x16xf32>,
        %get3A_255 = vector.shape_cast %get3A_254 : vector<1x16xf32> to vector<16xf32>
        %slice3A_256 = vector.extract_strided_slice %get3A_177 {offsets = [5], sizes = [1], strides = [1]} : vector<16xf32> to vector<1xf32>
        %squeeze3A_257 = vector.extract %slice3A_256[0] : f32 from vector<1xf32>
        %mul3A_258 = vector.broadcast %squeeze3A_257 : f32 to vector<16xf32>
        %mul3A_259 = arith.mulf %get3A_255, %mul3A_258 : vector<16xf32>
        %swap3A_260 = arith.index_cast %add3A_251 : i32 to index
        %swap3A_261 = arith.constant 0 : index
        %swap3A_262 = tpu.vector_load %arg17[%swap3A_260, %swap3A_261] {strides = array<i32>} : memref<400x16xf32, #tpu.memory_space<vmem>>, vector<1x16xf32>,
        %swap3A_263 = vector.shape_cast %swap3A_262 : vector<1x16xf32> to vector<16xf32>
        %swap3A_264 = vector.shape_cast %mul3A_259 : vector<16xf32> to vector<1x16xf32>
        tpu.vector_store %arg17[%swap3A_260, %swap3A_261], %swap3A_264 {strides = array<i32>} : memref<400x16xf32, #tpu.memory_space<vmem>>, vector<1x16xf32>,
        %add3A_265 = arith.constant 6 : i32
        %add3A_266 = arith.addi %mul3A_173, %add3A_265 : i32
        %get3A_267 = arith.index_cast %add3A_266 : i32 to index
        %get3A_268 = arith.constant 0 : index
        %get3A_269 = tpu.vector_load %arg17[%get3A_267, %get3A_268] {strides = array<i32>} : memref<400x16xf32, #tpu.memory_space<vmem>>, vector<1x16xf32>,
        %get3A_270 = vector.shape_cast %get3A_269 : vector<1x16xf32> to vector<16xf32>
        %slice3A_271 = vector.extract_strided_slice %get3A_177 {offsets = [6], sizes = [1], strides = [1]} : vector<16xf32> to vector<1xf32>
        %squeeze3A_272 = vector.extract %slice3A_271[0] : f32 from vector<1xf32>
        %mul3A_273 = vector.broadcast %squeeze3A_272 : f32 to vector<16xf32>
        %mul3A_274 = arith.mulf %get3A_270, %mul3A_273 : vector<16xf32>
        %swap3A_275 = arith.index_cast %add3A_266 : i32 to index
        %swap3A_276 = arith.constant 0 : index
        %swap3A_277 = tpu.vector_load %arg17[%swap3A_275, %swap3A_276] {strides = array<i32>} : memref<400x16xf32, #tpu.memory_space<vmem>>, vector<1x16xf32>,
        %swap3A_278 = vector.shape_cast %swap3A_277 : vector<1x16xf32> to vector<16xf32>
        %swap3A_279 = vector.shape_cast %mul3A_274 : vector<16xf32> to vector<1x16xf32>
        tpu.vector_store %arg17[%swap3A_275, %swap3A_276], %swap3A_279 {strides = array<i32>} : memref<400x16xf32, #tpu.memory_space<vmem>>, vector<1x16xf32>,
        %add3A_280 = arith.constant 7 : i32
        %add3A_281 = arith.addi %mul3A_173, %add3A_280 : i32
        %get3A_282 = arith.index_cast %add3A_281 : i32 to index
        %get3A_283 = arith.constant 0 : index
        %get3A_284 = tpu.vector_load %arg17[%get3A_282, %get3A_283] {strides = array<i32>} : memref<400x16xf32, #tpu.memory_space<vmem>>, vector<1x16xf32>,
        %get3A_285 = vector.shape_cast %get3A_284 : vector<1x16xf32> to vector<16xf32>
        %slice3A_286 = vector.extract_strided_slice %get3A_177 {offsets = [7], sizes = [1], strides = [1]} : vector<16xf32> to vector<1xf32>
        %squeeze3A_287 = vector.extract %slice3A_286[0] : f32 from vector<1xf32>
        %mul3A_288 = vector.broadcast %squeeze3A_287 : f32 to vector<16xf32>
        %mul3A_289 = arith.mulf %get3A_285, %mul3A_288 : vector<16xf32>
        %swap3A_290 = arith.index_cast %add3A_281 : i32 to index
        %swap3A_291 = arith.constant 0 : index
        %swap3A_292 = tpu.vector_load %arg17[%swap3A_290, %swap3A_291] {strides = array<i32>} : memref<400x16xf32, #tpu.memory_space<vmem>>, vector<1x16xf32>,
        %swap3A_293 = vector.shape_cast %swap3A_292 : vector<1x16xf32> to vector<16xf32>
        %swap3A_294 = vector.shape_cast %mul3A_289 : vector<16xf32> to vector<1x16xf32>
        tpu.vector_store %arg17[%swap3A_290, %swap3A_291], %swap3A_294 {strides = array<i32>} : memref<400x16xf32, #tpu.memory_space<vmem>>, vector<1x16xf32>,
        %add3A_295 = arith.constant 8 : i32
        %add3A_296 = arith.addi %mul3A_173, %add3A_295 : i32
        %get3A_297 = arith.index_cast %add3A_296 : i32 to index
        %get3A_298 = arith.constant 0 : index
        %get3A_299 = tpu.vector_load %arg17[%get3A_297, %get3A_298] {strides = array<i32>} : memref<400x16xf32, #tpu.memory_space<vmem>>, vector<1x16xf32>,
        %get3A_300 = vector.shape_cast %get3A_299 : vector<1x16xf32> to vector<16xf32>
        %slice3A_301 = vector.extract_strided_slice %get3A_177 {offsets = [8], sizes = [1], strides = [1]} : vector<16xf32> to vector<1xf32>
        %squeeze3A_302 = vector.extract %slice3A_301[0] : f32 from vector<1xf32>
        %mul3A_303 = vector.broadcast %squeeze3A_302 : f32 to vector<16xf32>
        %mul3A_304 = arith.mulf %get3A_300, %mul3A_303 : vector<16xf32>
        %swap3A_305 = arith.index_cast %add3A_296 : i32 to index
        %swap3A_306 = arith.constant 0 : index
        %swap3A_307 = tpu.vector_load %arg17[%swap3A_305, %swap3A_306] {strides = array<i32>} : memref<400x16xf32, #tpu.memory_space<vmem>>, vector<1x16xf32>,
        %swap3A_308 = vector.shape_cast %swap3A_307 : vector<1x16xf32> to vector<16xf32>
        %swap3A_309 = vector.shape_cast %mul3A_304 : vector<16xf32> to vector<1x16xf32>
        tpu.vector_store %arg17[%swap3A_305, %swap3A_306], %swap3A_309 {strides = array<i32>} : memref<400x16xf32, #tpu.memory_space<vmem>>, vector<1x16xf32>,
        %add3A_310 = arith.constant 9 : i32
        %add3A_311 = arith.addi %mul3A_173, %add3A_310 : i32
        %get3A_312 = arith.index_cast %add3A_311 : i32 to index
        %get3A_313 = arith.constant 0 : index
        %get3A_314 = tpu.vector_load %arg17[%get3A_312, %get3A_313] {strides = array<i32>} : memref<400x16xf32, #tpu.memory_space<vmem>>, vector<1x16xf32>,
        %get3A_315 = vector.shape_cast %get3A_314 : vector<1x16xf32> to vector<16xf32>
        %slice3A_316 = vector.extract_strided_slice %get3A_177 {offsets = [9], sizes = [1], strides = [1]} : vector<16xf32> to vector<1xf32>
        %squeeze3A_317 = vector.extract %slice3A_316[0] : f32 from vector<1xf32>
        %mul3A_318 = vector.broadcast %squeeze3A_317 : f32 to vector<16xf32>
        %mul3A_319 = arith.mulf %get3A_315, %mul3A_318 : vector<16xf32>
        %swap3A_320 = arith.index_cast %add3A_311 : i32 to index
        %swap3A_321 = arith.constant 0 : index
        %swap3A_322 = tpu.vector_load %arg17[%swap3A_320, %swap3A_321] {strides = array<i32>} : memref<400x16xf32, #tpu.memory_space<vmem>>, vector<1x16xf32>,
        %swap3A_323 = vector.shape_cast %swap3A_322 : vector<1x16xf32> to vector<16xf32>
        %swap3A_324 = vector.shape_cast %mul3A_319 : vector<16xf32> to vector<1x16xf32>
        tpu.vector_store %arg17[%swap3A_320, %swap3A_321], %swap3A_324 {strides = array<i32>} : memref<400x16xf32, #tpu.memory_space<vmem>>, vector<1x16xf32>,
        %add3A_325 = arith.constant 10 : i32
        %add3A_326 = arith.addi %mul3A_173, %add3A_325 : i32
        %get3A_327 = arith.index_cast %add3A_326 : i32 to index
        %get3A_328 = arith.constant 0 : index
        %get3A_329 = tpu.vector_load %arg17[%get3A_327, %get3A_328] {strides = array<i32>} : memref<400x16xf32, #tpu.memory_space<vmem>>, vector<1x16xf32>,
        %get3A_330 = vector.shape_cast %get3A_329 : vector<1x16xf32> to vector<16xf32>
        %slice3A_331 = vector.extract_strided_slice %get3A_177 {offsets = [10], sizes = [1], strides = [1]} : vector<16xf32> to vector<1xf32>
        %squeeze3A_332 = vector.extract %slice3A_331[0] : f32 from vector<1xf32>
        %mul3A_333 = vector.broadcast %squeeze3A_332 : f32 to vector<16xf32>
        %mul3A_334 = arith.mulf %get3A_330, %mul3A_333 : vector<16xf32>
        %swap3A_335 = arith.index_cast %add3A_326 : i32 to index
        %swap3A_336 = arith.constant 0 : index
        %swap3A_337 = tpu.vector_load %arg17[%swap3A_335, %swap3A_336] {strides = array<i32>} : memref<400x16xf32, #tpu.memory_space<vmem>>, vector<1x16xf32>,
        %swap3A_338 = vector.shape_cast %swap3A_337 : vector<1x16xf32> to vector<16xf32>
        %swap3A_339 = vector.shape_cast %mul3A_334 : vector<16xf32> to vector<1x16xf32>
        tpu.vector_store %arg17[%swap3A_335, %swap3A_336], %swap3A_339 {strides = array<i32>} : memref<400x16xf32, #tpu.memory_space<vmem>>, vector<1x16xf32>,
        %add3A_340 = arith.constant 11 : i32
        %add3A_341 = arith.addi %mul3A_173, %add3A_340 : i32
        %get3A_342 = arith.index_cast %add3A_341 : i32 to index
        %get3A_343 = arith.constant 0 : index
        %get3A_344 = tpu.vector_load %arg17[%get3A_342, %get3A_343] {strides = array<i32>} : memref<400x16xf32, #tpu.memory_space<vmem>>, vector<1x16xf32>,
        %get3A_345 = vector.shape_cast %get3A_344 : vector<1x16xf32> to vector<16xf32>
        %slice3A_346 = vector.extract_strided_slice %get3A_177 {offsets = [11], sizes = [1], strides = [1]} : vector<16xf32> to vector<1xf32>
        %squeeze3A_347 = vector.extract %slice3A_346[0] : f32 from vector<1xf32>
        %mul3A_348 = vector.broadcast %squeeze3A_347 : f32 to vector<16xf32>
        %mul3A_349 = arith.mulf %get3A_345, %mul3A_348 : vector<16xf32>
        %swap3A_350 = arith.index_cast %add3A_341 : i32 to index
        %swap3A_351 = arith.constant 0 : index
        %swap3A_352 = tpu.vector_load %arg17[%swap3A_350, %swap3A_351] {strides = array<i32>} : memref<400x16xf32, #tpu.memory_space<vmem>>, vector<1x16xf32>,
        %swap3A_353 = vector.shape_cast %swap3A_352 : vector<1x16xf32> to vector<16xf32>
        %swap3A_354 = vector.shape_cast %mul3A_349 : vector<16xf32> to vector<1x16xf32>
        tpu.vector_store %arg17[%swap3A_350, %swap3A_351], %swap3A_354 {strides = array<i32>} : memref<400x16xf32, #tpu.memory_space<vmem>>, vector<1x16xf32>,
        %add3A_355 = arith.constant 12 : i32
        %add3A_356 = arith.addi %mul3A_173, %add3A_355 : i32
        %get3A_357 = arith.index_cast %add3A_356 : i32 to index
        %get3A_358 = arith.constant 0 : index
        %get3A_359 = tpu.vector_load %arg17[%get3A_357, %get3A_358] {strides = array<i32>} : memref<400x16xf32, #tpu.memory_space<vmem>>, vector<1x16xf32>,
        %get3A_360 = vector.shape_cast %get3A_359 : vector<1x16xf32> to vector<16xf32>
        %slice3A_361 = vector.extract_strided_slice %get3A_177 {offsets = [12], sizes = [1], strides = [1]} : vector<16xf32> to vector<1xf32>
        %squeeze3A_362 = vector.extract %slice3A_361[0] : f32 from vector<1xf32>
        %mul3A_363 = vector.broadcast %squeeze3A_362 : f32 to vector<16xf32>
        %mul3A_364 = arith.mulf %get3A_360, %mul3A_363 : vector<16xf32>
        %swap3A_365 = arith.index_cast %add3A_356 : i32 to index
        %swap3A_366 = arith.constant 0 : index
        %swap3A_367 = tpu.vector_load %arg17[%swap3A_365, %swap3A_366] {strides = array<i32>} : memref<400x16xf32, #tpu.memory_space<vmem>>, vector<1x16xf32>,
        %swap3A_368 = vector.shape_cast %swap3A_367 : vector<1x16xf32> to vector<16xf32>
        %swap3A_369 = vector.shape_cast %mul3A_364 : vector<16xf32> to vector<1x16xf32>
        tpu.vector_store %arg17[%swap3A_365, %swap3A_366], %swap3A_369 {strides = array<i32>} : memref<400x16xf32, #tpu.memory_space<vmem>>, vector<1x16xf32>,
        %add3A_370 = arith.constant 13 : i32
        %add3A_371 = arith.addi %mul3A_173, %add3A_370 : i32
        %get3A_372 = arith.index_cast %add3A_371 : i32 to index
        %get3A_373 = arith.constant 0 : index
        %get3A_374 = tpu.vector_load %arg17[%get3A_372, %get3A_373] {strides = array<i32>} : memref<400x16xf32, #tpu.memory_space<vmem>>, vector<1x16xf32>,
        %get3A_375 = vector.shape_cast %get3A_374 : vector<1x16xf32> to vector<16xf32>
        %slice3A_376 = vector.extract_strided_slice %get3A_177 {offsets = [13], sizes = [1], strides = [1]} : vector<16xf32> to vector<1xf32>
        %squeeze3A_377 = vector.extract %slice3A_376[0] : f32 from vector<1xf32>
        %mul3A_378 = vector.broadcast %squeeze3A_377 : f32 to vector<16xf32>
        %mul3A_379 = arith.mulf %get3A_375, %mul3A_378 : vector<16xf32>
        %swap3A_380 = arith.index_cast %add3A_371 : i32 to index
        %swap3A_381 = arith.constant 0 : index
        %swap3A_382 = tpu.vector_load %arg17[%swap3A_380, %swap3A_381] {strides = array<i32>} : memref<400x16xf32, #tpu.memory_space<vmem>>, vector<1x16xf32>,
        %swap3A_383 = vector.shape_cast %swap3A_382 : vector<1x16xf32> to vector<16xf32>
        %swap3A_384 = vector.shape_cast %mul3A_379 : vector<16xf32> to vector<1x16xf32>
        tpu.vector_store %arg17[%swap3A_380, %swap3A_381], %swap3A_384 {strides = array<i32>} : memref<400x16xf32, #tpu.memory_space<vmem>>, vector<1x16xf32>,
        %add3A_385 = arith.constant 14 : i32
        %add3A_386 = arith.addi %mul3A_173, %add3A_385 : i32
        %get3A_387 = arith.index_cast %add3A_386 : i32 to index
        %get3A_388 = arith.constant 0 : index
        %get3A_389 = tpu.vector_load %arg17[%get3A_387, %get3A_388] {strides = array<i32>} : memref<400x16xf32, #tpu.memory_space<vmem>>, vector<1x16xf32>,
        %get3A_390 = vector.shape_cast %get3A_389 : vector<1x16xf32> to vector<16xf32>
        %slice3A_391 = vector.extract_strided_slice %get3A_177 {offsets = [14], sizes = [1], strides = [1]} : vector<16xf32> to vector<1xf32>
        %squeeze3A_392 = vector.extract %slice3A_391[0] : f32 from vector<1xf32>
        %mul3A_393 = vector.broadcast %squeeze3A_392 : f32 to vector<16xf32>
        %mul3A_394 = arith.mulf %get3A_390, %mul3A_393 : vector<16xf32>
        %swap3A_395 = arith.index_cast %add3A_386 : i32 to index
        %swap3A_396 = arith.constant 0 : index
        %swap3A_397 = tpu.vector_load %arg17[%swap3A_395, %swap3A_396] {strides = array<i32>} : memref<400x16xf32, #tpu.memory_space<vmem>>, vector<1x16xf32>,
        %swap3A_398 = vector.shape_cast %swap3A_397 : vector<1x16xf32> to vector<16xf32>
        %swap3A_399 = vector.shape_cast %mul3A_394 : vector<16xf32> to vector<1x16xf32>
        tpu.vector_store %arg17[%swap3A_395, %swap3A_396], %swap3A_399 {strides = array<i32>} : memref<400x16xf32, #tpu.memory_space<vmem>>, vector<1x16xf32>,
        %add3A_400 = arith.constant 15 : i32
        %add3A_401 = arith.addi %mul3A_173, %add3A_400 : i32
        %get3A_402 = arith.index_cast %add3A_401 : i32 to index
        %get3A_403 = arith.constant 0 : index
        %get3A_404 = tpu.vector_load %arg17[%get3A_402, %get3A_403] {strides = array<i32>} : memref<400x16xf32, #tpu.memory_space<vmem>>, vector<1x16xf32>,
        %get3A_405 = vector.shape_cast %get3A_404 : vector<1x16xf32> to vector<16xf32>
        %slice3A_406 = vector.extract_strided_slice %get3A_177 {offsets = [15], sizes = [1], strides = [1]} : vector<16xf32> to vector<1xf32>
        %squeeze3A_407 = vector.extract %slice3A_406[0] : f32 from vector<1xf32>
        %mul3A_408 = vector.broadcast %squeeze3A_407 : f32 to vector<16xf32>
        %mul3A_409 = arith.mulf %get3A_405, %mul3A_408 : vector<16xf32>
        %swap3A_410 = arith.index_cast %add3A_401 : i32 to index
        %swap3A_411 = arith.constant 0 : index
        %swap3A_412 = tpu.vector_load %arg17[%swap3A_410, %swap3A_411] {strides = array<i32>} : memref<400x16xf32, #tpu.memory_space<vmem>>, vector<1x16xf32>,
        %swap3A_413 = vector.shape_cast %swap3A_412 : vector<1x16xf32> to vector<16xf32>
        %swap3A_414 = vector.shape_cast %mul3A_409 : vector<16xf32> to vector<1x16xf32>
        tpu.vector_store %arg17[%swap3A_410, %swap3A_411], %swap3A_414 {strides = array<i32>} : memref<400x16xf32, #tpu.memory_space<vmem>>, vector<1x16xf32>,
        %scan3A_415 = arith.constant 0 : i32
        scf.yield %scan3A_415 : i32
      }
      %scan3A_120 = arith.constant 25 : i32
      "tpu.region"() ({
        %run_scoped3A = tpu.sem_alloc : memref<!tpu.dma_semaphore, #tpu.memory_space<semaphore_mem>>
        %dma_start3A_170 = arith.constant 0 : i32
        %dma_start3A_171 = arith.constant 0 : i32
        %dma_start3A_172 = tpu.memref_slice %arg21[%dma_start3A_170, %dma_start3A_171] : memref<102400x16xf32, #tpu.memory_space<vmem_shared>> -> memref<102400x16xf32, #tpu.memory_space<vmem_shared>>
        tpu.enqueue_indirect_dma source(%arg17 : memref<400x16xf32, #tpu.memory_space<vmem>>) target(%dma_start3A_172 : memref<102400x16xf32, #tpu.memory_space<vmem_shared>>) offsets(%arg11 : memref<400xi32, #tpu.memory_space<vmem>>) semaphore(%run_scoped3A : memref<!tpu.dma_semaphore, #tpu.memory_space<semaphore_mem>>) {add = true}
        %dma_wait3A_173 = arith.constant 0 : i32
        %dma_wait3A_174 = arith.constant 0 : i32
        %dma_wait3A_175 = tpu.memref_slice %arg21[%dma_wait3A_173, %dma_wait3A_174] : memref<102400x16xf32, #tpu.memory_space<vmem_shared>> -> memref<102400x16xf32, #tpu.memory_space<vmem_shared>>
        tpu.wait_indirect_dma semaphore(%run_scoped3A : memref<!tpu.dma_semaphore, #tpu.memory_space<semaphore_mem>>) src(%arg17 : memref<400x16xf32, #tpu.memory_space<vmem>>) dst(%dma_wait3A_175 : memref<102400x16xf32, #tpu.memory_space<vmem_shared>>)
        tpu.yield
      }) : () -> ()
      %dma_wait3A_121 = tpu.memref_slice %arg2[%multiple_of3A_73] : memref<3200000xi32, #tpu.memory_space<hbm>> -> memref<400xi32, #tpu.memory_space<hbm>>
      %dma_wait3A_122 = tpu.memref_slice %arg2[%multiple_of3A_73] : memref<3200000xi32, #tpu.memory_space<hbm>> -> memref<400xi32, #tpu.memory_space<hbm>>
      tpu.wait_dma2 semaphore(%arg28 : memref<!tpu.dma_semaphore, #tpu.memory_space<semaphore_mem>>) src(%dma_wait3A_122 : memref<400xi32, #tpu.memory_space<hbm>>) dst(%arg12 : memref<400xi32, #tpu.memory_space<vmem>>)
      %dma_wait3A_123 = tpu.memref_slice %arg3[%multiple_of3A_73] : memref<3200000xi32, #tpu.memory_space<hbm>> -> memref<400xi32, #tpu.memory_space<hbm>>
      %dma_wait3A_124 = tpu.memref_slice %arg3[%multiple_of3A_73] : memref<3200000xi32, #tpu.memory_space<hbm>> -> memref<400xi32, #tpu.memory_space<hbm>>
      tpu.wait_dma2 semaphore(%arg29 : memref<!tpu.dma_semaphore, #tpu.memory_space<semaphore_mem>>) src(%dma_wait3A_124 : memref<400xi32, #tpu.memory_space<hbm>>) dst(%arg13 : memref<400xi32, #tpu.memory_space<vmem>>)
      %lt3A = arith.constant 249 : i32
      %lt3A_125 = arith.cmpi slt, %scan3A_55, %lt3A : i32
      %convert_element_type3A_126 = arith.extui %lt3A_125 : i1 to i32
      %cond3A_127 = arith.constant 0 : i32
      %cond3A_128 = arith.cmpi ne, %convert_element_type3A_126, %cond3A_127 : i32
      scf.if %cond3A_128 {
        %mul3A_170 = arith.constant 2 : i32
        %mul3A_171 = arith.muli %mul3A_170, %scan3A_55 : i32
        %add3A_172 = arith.constant 2 : i32
        %add3A_173 = arith.addi %mul3A_171, %add3A_172 : i32
        %mul3A_174 = arith.constant 200000 : i32
        %mul3A_175 = arith.muli %arg1, %mul3A_174 : i32
        %mul3A_176 = arith.constant 400 : i32
        %mul3A_177 = arith.muli %add3A_173, %mul3A_176 : i32
        %add3A_178 = arith.addi %mul3A_175, %mul3A_177 : i32
        %multiple_of3A_179 = tpu.assume_multiple %add3A_178, 8 : i32
        %dma_start3A_180 = tpu.memref_slice %arg2[%multiple_of3A_179] : memref<3200000xi32, #tpu.memory_space<hbm>> -> memref<400xi32, #tpu.memory_space<hbm>>
        %dma_start3A_181 = tpu.memref_slice %arg2[%multiple_of3A_179] : memref<3200000xi32, #tpu.memory_space<hbm>> -> memref<400xi32, #tpu.memory_space<hbm>>
        tpu.enqueue_dma source(%dma_start3A_181 : memref<400xi32, #tpu.memory_space<hbm>>) target(%arg10 : memref<400xi32, #tpu.memory_space<vmem>>) target_semaphore(%arg26 : memref<!tpu.dma_semaphore, #tpu.memory_space<semaphore_mem>>)
        %dma_start3A_182 = tpu.memref_slice %arg3[%multiple_of3A_179] : memref<3200000xi32, #tpu.memory_space<hbm>> -> memref<400xi32, #tpu.memory_space<hbm>>
        %dma_start3A_183 = tpu.memref_slice %arg3[%multiple_of3A_179] : memref<3200000xi32, #tpu.memory_space<hbm>> -> memref<400xi32, #tpu.memory_space<hbm>>
        tpu.enqueue_dma source(%dma_start3A_183 : memref<400xi32, #tpu.memory_space<hbm>>) target(%arg11 : memref<400xi32, #tpu.memory_space<vmem>>) target_semaphore(%arg27 : memref<!tpu.dma_semaphore, #tpu.memory_space<semaphore_mem>>)
      } else {
      }
      %dma_start3A_129 = arith.constant 0 : i32
      %dma_start3A_130 = tpu.memref_slice %arg19[%dma_start3A_129] : memref<102400xf32, #tpu.memory_space<vmem_shared>> -> memref<102400xf32, #tpu.memory_space<vmem_shared>>
      tpu.enqueue_indirect_dma source(%dma_start3A_130 : memref<102400xf32, #tpu.memory_space<vmem_shared>>) target(%arg15 : memref<400xf32, #tpu.memory_space<vmem>>) offsets(%arg12 : memref<400xi32, #tpu.memory_space<vmem>>) semaphore(%arg23 : memref<!tpu.dma_semaphore, #tpu.memory_space<semaphore_mem>>)
      %dma_start3A_131 = arith.constant 0 : i32
      %dma_start3A_132 = tpu.memref_slice %arg20[%dma_start3A_131] : memref<102400xf32, #tpu.memory_space<vmem_shared>> -> memref<102400xf32, #tpu.memory_space<vmem_shared>>
      tpu.enqueue_indirect_dma source(%dma_start3A_132 : memref<102400xf32, #tpu.memory_space<vmem_shared>>) target(%arg16 : memref<400xf32, #tpu.memory_space<vmem>>) offsets(%arg13 : memref<400xi32, #tpu.memory_space<vmem>>) semaphore(%arg24 : memref<!tpu.dma_semaphore, #tpu.memory_space<semaphore_mem>>)
      %scan3A_133 = arith.constant 0 : i32
      %scan3A_134 = arith.constant 0 : i32
      %scan3A_135 = arith.constant 25 : i32
      %scan3A_136 = arith.addi %scan3A_134, %scan3A_135 : i32
      %scan3A_137 = arith.constant 1 : i32
      %scan3A_138 = scf.for %scan3A_170 = %scan3A_134 to %scan3A_136 step %scan3A_137 iter_args(%scan3A_171 = %scan3A_133) -> (i32)  : i32 {
        %mul3A_172 = arith.constant 16 : i32
        %mul3A_173 = arith.muli %scan3A_170, %mul3A_172 : i32
        %multiple_of3A_174 = tpu.assume_multiple %mul3A_173, 16 : i32
        %get3A_175 = arith.index_cast %multiple_of3A_174 : i32 to index
        %get3A_176 = tpu.vector_load %arg12[%get3A_175] {strides = array<i32>} : memref<400xi32, #tpu.memory_space<vmem>>, vector<16xi32>,
        %get3A_177 = vector.shape_cast %get3A_176 : vector<16xi32> to vector<16xi32>
        %add3A_178 = vector.broadcast %mul3A_32 : i32 to vector<16xi32>
        %add3A_179 = arith.addi %get3A_177, %add3A_178 : vector<16xi32>
        %swap3A = arith.index_cast %multiple_of3A_174 : i32 to index
        %swap3A_180 = tpu.vector_load %arg14[%swap3A] {strides = array<i32>} : memref<400xi32, #tpu.memory_space<vmem>>, vector<16xi32>,
        %swap3A_181 = vector.shape_cast %swap3A_180 : vector<16xi32> to vector<16xi32>
        %swap3A_182 = vector.shape_cast %add3A_179 : vector<16xi32> to vector<16xi32>
        tpu.vector_store %arg14[%swap3A], %swap3A_182 {strides = array<i32>} : memref<400xi32, #tpu.memory_space<vmem>>, vector<16xi32>,
        %scan3A_183 = arith.constant 0 : i32
        scf.yield %scan3A_183 : i32
      }
      %scan3A_139 = arith.constant 25 : i32
      %dma_start3A_140 = arith.constant 0 : i32
      %dma_start3A_141 = arith.constant 0 : i32
      %dma_start3A_142 = tpu.memref_slice %arg7[%dma_start3A_140, %dma_start3A_141] : memref<204800x16xf32, #tpu.memory_space<hbm>> -> memref<204800x16xf32, #tpu.memory_space<hbm>>
      tpu.enqueue_indirect_dma source(%dma_start3A_142 : memref<204800x16xf32, #tpu.memory_space<hbm>>) target(%arg17 : memref<400x16xf32, #tpu.memory_space<vmem>>) offsets(%arg14 : memref<400xi32, #tpu.memory_space<vmem>>) semaphore(%arg25 : memref<!tpu.dma_semaphore, #tpu.memory_space<semaphore_mem>>)
      %dma_wait3A_143 = arith.constant 0 : i32
      %dma_wait3A_144 = tpu.memref_slice %arg19[%dma_wait3A_143] : memref<102400xf32, #tpu.memory_space<vmem_shared>> -> memref<102400xf32, #tpu.memory_space<vmem_shared>>
      tpu.wait_indirect_dma semaphore(%arg23 : memref<!tpu.dma_semaphore, #tpu.memory_space<semaphore_mem>>) src(%dma_wait3A_144 : memref<102400xf32, #tpu.memory_space<vmem_shared>>) dst(%arg15 : memref<400xf32, #tpu.memory_space<vmem>>)
      %dma_wait3A_145 = arith.constant 0 : i32
      %dma_wait3A_146 = tpu.memref_slice %arg20[%dma_wait3A_145] : memref<102400xf32, #tpu.memory_space<vmem_shared>> -> memref<102400xf32, #tpu.memory_space<vmem_shared>>
      tpu.wait_indirect_dma semaphore(%arg24 : memref<!tpu.dma_semaphore, #tpu.memory_space<semaphore_mem>>) src(%dma_wait3A_146 : memref<102400xf32, #tpu.memory_space<vmem_shared>>) dst(%arg16 : memref<400xf32, #tpu.memory_space<vmem>>)
      %scan3A_147 = arith.constant 0 : i32
      %scan3A_148 = arith.constant 0 : i32
      %scan3A_149 = arith.constant 25 : i32
      %scan3A_150 = arith.addi %scan3A_148, %scan3A_149 : i32
      %scan3A_151 = arith.constant 1 : i32
      %scan3A_152 = scf.for %scan3A_170 = %scan3A_148 to %scan3A_150 step %scan3A_151 iter_args(%scan3A_171 = %scan3A_147) -> (i32)  : i32 {
        %mul3A_172 = arith.constant 16 : i32
        %mul3A_173 = arith.muli %scan3A_170, %mul3A_172 : i32
        %multiple_of3A_174 = tpu.assume_multiple %mul3A_173, 16 : i32
        %get3A_175 = arith.index_cast %multiple_of3A_174 : i32 to index
        %get3A_176 = tpu.vector_load %arg15[%get3A_175] {strides = array<i32>} : memref<400xf32, #tpu.memory_space<vmem>>, vector<16xf32>,
        %get3A_177 = vector.shape_cast %get3A_176 : vector<16xf32> to vector<16xf32>
        %get3A_178 = arith.index_cast %multiple_of3A_174 : i32 to index
        %get3A_179 = tpu.vector_load %arg16[%get3A_178] {strides = array<i32>} : memref<400xf32, #tpu.memory_space<vmem>>, vector<16xf32>,
        %get3A_180 = vector.shape_cast %get3A_179 : vector<16xf32> to vector<16xf32>
        %add3A_181 = arith.addf %get3A_177, %get3A_180 : vector<16xf32>
        %mul3A_182 = arith.constant 2.000000e-01 : f32
        %mul3A_183 = vector.broadcast %mul3A_182 : f32 to vector<16xf32>
        %mul3A_184 = arith.mulf %mul3A_183, %add3A_181 : vector<16xf32>
        %max3A = arith.maximumf %add3A_181, %mul3A_184 : vector<16xf32>
        %add3A_185 = arith.addf %get3A_30, %get3A_180 : vector<16xf32>
        %mul3A_186 = arith.constant 2.000000e-01 : f32
        %mul3A_187 = vector.broadcast %mul3A_186 : f32 to vector<16xf32>
        %mul3A_188 = arith.mulf %mul3A_187, %add3A_185 : vector<16xf32>
        %max3A_189 = arith.maximumf %add3A_185, %mul3A_188 : vector<16xf32>
        %sub3A = arith.subf %max3A, %max3A_189 : vector<16xf32>
        %exp3A = math.exp %sub3A : vector<16xf32>
        %swap3A = arith.index_cast %multiple_of3A_174 : i32 to index
        %swap3A_190 = tpu.vector_load %arg15[%swap3A] {strides = array<i32>} : memref<400xf32, #tpu.memory_space<vmem>>, vector<16xf32>,
        %swap3A_191 = vector.shape_cast %swap3A_190 : vector<16xf32> to vector<16xf32>
        %swap3A_192 = vector.shape_cast %exp3A : vector<16xf32> to vector<16xf32>
        tpu.vector_store %arg15[%swap3A], %swap3A_192 {strides = array<i32>} : memref<400xf32, #tpu.memory_space<vmem>>, vector<16xf32>,
        %scan3A_193 = arith.constant 0 : i32
        scf.yield %scan3A_193 : i32
      }
      %scan3A_153 = arith.constant 25 : i32
      %eq3A_154 = arith.constant 0 : i32
      %eq3A_155 = arith.cmpi eq, %arg0, %eq3A_154 : i32
      %convert_element_type3A_156 = arith.extui %eq3A_155 : i1 to i32
      %cond3A_157 = arith.constant 0 : i32
      %cond3A_158 = arith.cmpi ne, %convert_element_type3A_156, %cond3A_157 : i32
      scf.if %cond3A_158 {
        "tpu.region"() ({
          %run_scoped3A = tpu.sem_alloc : memref<!tpu.dma_semaphore, #tpu.memory_space<semaphore_mem>>
          %dma_start3A_170 = arith.constant 0 : i32
          %dma_start3A_171 = tpu.memref_slice %arg22[%dma_start3A_170] : memref<102400xf32, #tpu.memory_space<vmem_shared>> -> memref<102400xf32, #tpu.memory_space<vmem_shared>>
          tpu.enqueue_indirect_dma source(%arg15 : memref<400xf32, #tpu.memory_space<vmem>>) target(%dma_start3A_171 : memref<102400xf32, #tpu.memory_space<vmem_shared>>) offsets(%arg13 : memref<400xi32, #tpu.memory_space<vmem>>) semaphore(%run_scoped3A : memref<!tpu.dma_semaphore, #tpu.memory_space<semaphore_mem>>) {add = true}
          %dma_wait3A_172 = arith.constant 0 : i32
          %dma_wait3A_173 = tpu.memref_slice %arg22[%dma_wait3A_172] : memref<102400xf32, #tpu.memory_space<vmem_shared>> -> memref<102400xf32, #tpu.memory_space<vmem_shared>>
          tpu.wait_indirect_dma semaphore(%run_scoped3A : memref<!tpu.dma_semaphore, #tpu.memory_space<semaphore_mem>>) src(%arg15 : memref<400xf32, #tpu.memory_space<vmem>>) dst(%dma_wait3A_173 : memref<102400xf32, #tpu.memory_space<vmem_shared>>)
          tpu.yield
        }) : () -> ()
      } else {
      }
      %dma_wait3A_159 = arith.constant 0 : i32
      %dma_wait3A_160 = arith.constant 0 : i32
      %dma_wait3A_161 = tpu.memref_slice %arg7[%dma_wait3A_159, %dma_wait3A_160] : memref<204800x16xf32, #tpu.memory_space<hbm>> -> memref<204800x16xf32, #tpu.memory_space<hbm>>
      tpu.wait_indirect_dma semaphore(%arg25 : memref<!tpu.dma_semaphore, #tpu.memory_space<semaphore_mem>>) src(%dma_wait3A_161 : memref<204800x16xf32, #tpu.memory_space<hbm>>) dst(%arg17 : memref<400x16xf32, #tpu.memory_space<vmem>>)
      %scan3A_162 = arith.constant 0 : i32
      %scan3A_163 = arith.constant 0 : i32
      %scan3A_164 = arith.constant 25 : i32
      %scan3A_165 = arith.addi %scan3A_163, %scan3A_164 : i32
      %scan3A_166 = arith.constant 1 : i32
      %scan3A_167 = scf.for %scan3A_170 = %scan3A_163 to %scan3A_165 step %scan3A_166 iter_args(%scan3A_171 = %scan3A_162) -> (i32)  : i32 {
        %mul3A_172 = arith.constant 16 : i32
        %mul3A_173 = arith.muli %scan3A_170, %mul3A_172 : i32
        %multiple_of3A_174 = tpu.assume_multiple %mul3A_173, 16 : i32
        %get3A_175 = arith.index_cast %multiple_of3A_174 : i32 to index
        %get3A_176 = tpu.vector_load %arg15[%get3A_175] {strides = array<i32>} : memref<400xf32, #tpu.memory_space<vmem>>, vector<16xf32>,
        %get3A_177 = vector.shape_cast %get3A_176 : vector<16xf32> to vector<16xf32>
        %add3A_178 = arith.constant 0 : i32
        %add3A_179 = arith.addi %mul3A_173, %add3A_178 : i32
        %get3A_180 = arith.index_cast %add3A_179 : i32 to index
        %get3A_181 = arith.constant 0 : index
        %get3A_182 = tpu.vector_load %arg17[%get3A_180, %get3A_181] {strides = array<i32>} : memref<400x16xf32, #tpu.memory_space<vmem>>, vector<1x16xf32>,
        %get3A_183 = vector.shape_cast %get3A_182 : vector<1x16xf32> to vector<16xf32>
        %slice3A = vector.extract_strided_slice %get3A_177 {offsets = [0], sizes = [1], strides = [1]} : vector<16xf32> to vector<1xf32>
        %squeeze3A = vector.extract %slice3A[0] : f32 from vector<1xf32>
        %mul3A_184 = vector.broadcast %squeeze3A : f32 to vector<16xf32>
        %mul3A_185 = arith.mulf %get3A_183, %mul3A_184 : vector<16xf32>
        %swap3A = arith.index_cast %add3A_179 : i32 to index
        %swap3A_186 = arith.constant 0 : index
        %swap3A_187 = tpu.vector_load %arg17[%swap3A, %swap3A_186] {strides = array<i32>} : memref<400x16xf32, #tpu.memory_space<vmem>>, vector<1x16xf32>,
        %swap3A_188 = vector.shape_cast %swap3A_187 : vector<1x16xf32> to vector<16xf32>
        %swap3A_189 = vector.shape_cast %mul3A_185 : vector<16xf32> to vector<1x16xf32>
        tpu.vector_store %arg17[%swap3A, %swap3A_186], %swap3A_189 {strides = array<i32>} : memref<400x16xf32, #tpu.memory_space<vmem>>, vector<1x16xf32>,
        %add3A_190 = arith.constant 1 : i32
        %add3A_191 = arith.addi %mul3A_173, %add3A_190 : i32
        %get3A_192 = arith.index_cast %add3A_191 : i32 to index
        %get3A_193 = arith.constant 0 : index
        %get3A_194 = tpu.vector_load %arg17[%get3A_192, %get3A_193] {strides = array<i32>} : memref<400x16xf32, #tpu.memory_space<vmem>>, vector<1x16xf32>,
        %get3A_195 = vector.shape_cast %get3A_194 : vector<1x16xf32> to vector<16xf32>
        %slice3A_196 = vector.extract_strided_slice %get3A_177 {offsets = [1], sizes = [1], strides = [1]} : vector<16xf32> to vector<1xf32>
        %squeeze3A_197 = vector.extract %slice3A_196[0] : f32 from vector<1xf32>
        %mul3A_198 = vector.broadcast %squeeze3A_197 : f32 to vector<16xf32>
        %mul3A_199 = arith.mulf %get3A_195, %mul3A_198 : vector<16xf32>
        %swap3A_200 = arith.index_cast %add3A_191 : i32 to index
        %swap3A_201 = arith.constant 0 : index
        %swap3A_202 = tpu.vector_load %arg17[%swap3A_200, %swap3A_201] {strides = array<i32>} : memref<400x16xf32, #tpu.memory_space<vmem>>, vector<1x16xf32>,
        %swap3A_203 = vector.shape_cast %swap3A_202 : vector<1x16xf32> to vector<16xf32>
        %swap3A_204 = vector.shape_cast %mul3A_199 : vector<16xf32> to vector<1x16xf32>
        tpu.vector_store %arg17[%swap3A_200, %swap3A_201], %swap3A_204 {strides = array<i32>} : memref<400x16xf32, #tpu.memory_space<vmem>>, vector<1x16xf32>,
        %add3A_205 = arith.constant 2 : i32
        %add3A_206 = arith.addi %mul3A_173, %add3A_205 : i32
        %get3A_207 = arith.index_cast %add3A_206 : i32 to index
        %get3A_208 = arith.constant 0 : index
        %get3A_209 = tpu.vector_load %arg17[%get3A_207, %get3A_208] {strides = array<i32>} : memref<400x16xf32, #tpu.memory_space<vmem>>, vector<1x16xf32>,
        %get3A_210 = vector.shape_cast %get3A_209 : vector<1x16xf32> to vector<16xf32>
        %slice3A_211 = vector.extract_strided_slice %get3A_177 {offsets = [2], sizes = [1], strides = [1]} : vector<16xf32> to vector<1xf32>
        %squeeze3A_212 = vector.extract %slice3A_211[0] : f32 from vector<1xf32>
        %mul3A_213 = vector.broadcast %squeeze3A_212 : f32 to vector<16xf32>
        %mul3A_214 = arith.mulf %get3A_210, %mul3A_213 : vector<16xf32>
        %swap3A_215 = arith.index_cast %add3A_206 : i32 to index
        %swap3A_216 = arith.constant 0 : index
        %swap3A_217 = tpu.vector_load %arg17[%swap3A_215, %swap3A_216] {strides = array<i32>} : memref<400x16xf32, #tpu.memory_space<vmem>>, vector<1x16xf32>,
        %swap3A_218 = vector.shape_cast %swap3A_217 : vector<1x16xf32> to vector<16xf32>
        %swap3A_219 = vector.shape_cast %mul3A_214 : vector<16xf32> to vector<1x16xf32>
        tpu.vector_store %arg17[%swap3A_215, %swap3A_216], %swap3A_219 {strides = array<i32>} : memref<400x16xf32, #tpu.memory_space<vmem>>, vector<1x16xf32>,
        %add3A_220 = arith.constant 3 : i32
        %add3A_221 = arith.addi %mul3A_173, %add3A_220 : i32
        %get3A_222 = arith.index_cast %add3A_221 : i32 to index
        %get3A_223 = arith.constant 0 : index
        %get3A_224 = tpu.vector_load %arg17[%get3A_222, %get3A_223] {strides = array<i32>} : memref<400x16xf32, #tpu.memory_space<vmem>>, vector<1x16xf32>,
        %get3A_225 = vector.shape_cast %get3A_224 : vector<1x16xf32> to vector<16xf32>
        %slice3A_226 = vector.extract_strided_slice %get3A_177 {offsets = [3], sizes = [1], strides = [1]} : vector<16xf32> to vector<1xf32>
        %squeeze3A_227 = vector.extract %slice3A_226[0] : f32 from vector<1xf32>
        %mul3A_228 = vector.broadcast %squeeze3A_227 : f32 to vector<16xf32>
        %mul3A_229 = arith.mulf %get3A_225, %mul3A_228 : vector<16xf32>
        %swap3A_230 = arith.index_cast %add3A_221 : i32 to index
        %swap3A_231 = arith.constant 0 : index
        %swap3A_232 = tpu.vector_load %arg17[%swap3A_230, %swap3A_231] {strides = array<i32>} : memref<400x16xf32, #tpu.memory_space<vmem>>, vector<1x16xf32>,
        %swap3A_233 = vector.shape_cast %swap3A_232 : vector<1x16xf32> to vector<16xf32>
        %swap3A_234 = vector.shape_cast %mul3A_229 : vector<16xf32> to vector<1x16xf32>
        tpu.vector_store %arg17[%swap3A_230, %swap3A_231], %swap3A_234 {strides = array<i32>} : memref<400x16xf32, #tpu.memory_space<vmem>>, vector<1x16xf32>,
        %add3A_235 = arith.constant 4 : i32
        %add3A_236 = arith.addi %mul3A_173, %add3A_235 : i32
        %get3A_237 = arith.index_cast %add3A_236 : i32 to index
        %get3A_238 = arith.constant 0 : index
        %get3A_239 = tpu.vector_load %arg17[%get3A_237, %get3A_238] {strides = array<i32>} : memref<400x16xf32, #tpu.memory_space<vmem>>, vector<1x16xf32>,
        %get3A_240 = vector.shape_cast %get3A_239 : vector<1x16xf32> to vector<16xf32>
        %slice3A_241 = vector.extract_strided_slice %get3A_177 {offsets = [4], sizes = [1], strides = [1]} : vector<16xf32> to vector<1xf32>
        %squeeze3A_242 = vector.extract %slice3A_241[0] : f32 from vector<1xf32>
        %mul3A_243 = vector.broadcast %squeeze3A_242 : f32 to vector<16xf32>
        %mul3A_244 = arith.mulf %get3A_240, %mul3A_243 : vector<16xf32>
        %swap3A_245 = arith.index_cast %add3A_236 : i32 to index
        %swap3A_246 = arith.constant 0 : index
        %swap3A_247 = tpu.vector_load %arg17[%swap3A_245, %swap3A_246] {strides = array<i32>} : memref<400x16xf32, #tpu.memory_space<vmem>>, vector<1x16xf32>,
        %swap3A_248 = vector.shape_cast %swap3A_247 : vector<1x16xf32> to vector<16xf32>
        %swap3A_249 = vector.shape_cast %mul3A_244 : vector<16xf32> to vector<1x16xf32>
        tpu.vector_store %arg17[%swap3A_245, %swap3A_246], %swap3A_249 {strides = array<i32>} : memref<400x16xf32, #tpu.memory_space<vmem>>, vector<1x16xf32>,
        %add3A_250 = arith.constant 5 : i32
        %add3A_251 = arith.addi %mul3A_173, %add3A_250 : i32
        %get3A_252 = arith.index_cast %add3A_251 : i32 to index
        %get3A_253 = arith.constant 0 : index
        %get3A_254 = tpu.vector_load %arg17[%get3A_252, %get3A_253] {strides = array<i32>} : memref<400x16xf32, #tpu.memory_space<vmem>>, vector<1x16xf32>,
        %get3A_255 = vector.shape_cast %get3A_254 : vector<1x16xf32> to vector<16xf32>
        %slice3A_256 = vector.extract_strided_slice %get3A_177 {offsets = [5], sizes = [1], strides = [1]} : vector<16xf32> to vector<1xf32>
        %squeeze3A_257 = vector.extract %slice3A_256[0] : f32 from vector<1xf32>
        %mul3A_258 = vector.broadcast %squeeze3A_257 : f32 to vector<16xf32>
        %mul3A_259 = arith.mulf %get3A_255, %mul3A_258 : vector<16xf32>
        %swap3A_260 = arith.index_cast %add3A_251 : i32 to index
        %swap3A_261 = arith.constant 0 : index
        %swap3A_262 = tpu.vector_load %arg17[%swap3A_260, %swap3A_261] {strides = array<i32>} : memref<400x16xf32, #tpu.memory_space<vmem>>, vector<1x16xf32>,
        %swap3A_263 = vector.shape_cast %swap3A_262 : vector<1x16xf32> to vector<16xf32>
        %swap3A_264 = vector.shape_cast %mul3A_259 : vector<16xf32> to vector<1x16xf32>
        tpu.vector_store %arg17[%swap3A_260, %swap3A_261], %swap3A_264 {strides = array<i32>} : memref<400x16xf32, #tpu.memory_space<vmem>>, vector<1x16xf32>,
        %add3A_265 = arith.constant 6 : i32
        %add3A_266 = arith.addi %mul3A_173, %add3A_265 : i32
        %get3A_267 = arith.index_cast %add3A_266 : i32 to index
        %get3A_268 = arith.constant 0 : index
        %get3A_269 = tpu.vector_load %arg17[%get3A_267, %get3A_268] {strides = array<i32>} : memref<400x16xf32, #tpu.memory_space<vmem>>, vector<1x16xf32>,
        %get3A_270 = vector.shape_cast %get3A_269 : vector<1x16xf32> to vector<16xf32>
        %slice3A_271 = vector.extract_strided_slice %get3A_177 {offsets = [6], sizes = [1], strides = [1]} : vector<16xf32> to vector<1xf32>
        %squeeze3A_272 = vector.extract %slice3A_271[0] : f32 from vector<1xf32>
        %mul3A_273 = vector.broadcast %squeeze3A_272 : f32 to vector<16xf32>
        %mul3A_274 = arith.mulf %get3A_270, %mul3A_273 : vector<16xf32>
        %swap3A_275 = arith.index_cast %add3A_266 : i32 to index
        %swap3A_276 = arith.constant 0 : index
        %swap3A_277 = tpu.vector_load %arg17[%swap3A_275, %swap3A_276] {strides = array<i32>} : memref<400x16xf32, #tpu.memory_space<vmem>>, vector<1x16xf32>,
        %swap3A_278 = vector.shape_cast %swap3A_277 : vector<1x16xf32> to vector<16xf32>
        %swap3A_279 = vector.shape_cast %mul3A_274 : vector<16xf32> to vector<1x16xf32>
        tpu.vector_store %arg17[%swap3A_275, %swap3A_276], %swap3A_279 {strides = array<i32>} : memref<400x16xf32, #tpu.memory_space<vmem>>, vector<1x16xf32>,
        %add3A_280 = arith.constant 7 : i32
        %add3A_281 = arith.addi %mul3A_173, %add3A_280 : i32
        %get3A_282 = arith.index_cast %add3A_281 : i32 to index
        %get3A_283 = arith.constant 0 : index
        %get3A_284 = tpu.vector_load %arg17[%get3A_282, %get3A_283] {strides = array<i32>} : memref<400x16xf32, #tpu.memory_space<vmem>>, vector<1x16xf32>,
        %get3A_285 = vector.shape_cast %get3A_284 : vector<1x16xf32> to vector<16xf32>
        %slice3A_286 = vector.extract_strided_slice %get3A_177 {offsets = [7], sizes = [1], strides = [1]} : vector<16xf32> to vector<1xf32>
        %squeeze3A_287 = vector.extract %slice3A_286[0] : f32 from vector<1xf32>
        %mul3A_288 = vector.broadcast %squeeze3A_287 : f32 to vector<16xf32>
        %mul3A_289 = arith.mulf %get3A_285, %mul3A_288 : vector<16xf32>
        %swap3A_290 = arith.index_cast %add3A_281 : i32 to index
        %swap3A_291 = arith.constant 0 : index
        %swap3A_292 = tpu.vector_load %arg17[%swap3A_290, %swap3A_291] {strides = array<i32>} : memref<400x16xf32, #tpu.memory_space<vmem>>, vector<1x16xf32>,
        %swap3A_293 = vector.shape_cast %swap3A_292 : vector<1x16xf32> to vector<16xf32>
        %swap3A_294 = vector.shape_cast %mul3A_289 : vector<16xf32> to vector<1x16xf32>
        tpu.vector_store %arg17[%swap3A_290, %swap3A_291], %swap3A_294 {strides = array<i32>} : memref<400x16xf32, #tpu.memory_space<vmem>>, vector<1x16xf32>,
        %add3A_295 = arith.constant 8 : i32
        %add3A_296 = arith.addi %mul3A_173, %add3A_295 : i32
        %get3A_297 = arith.index_cast %add3A_296 : i32 to index
        %get3A_298 = arith.constant 0 : index
        %get3A_299 = tpu.vector_load %arg17[%get3A_297, %get3A_298] {strides = array<i32>} : memref<400x16xf32, #tpu.memory_space<vmem>>, vector<1x16xf32>,
        %get3A_300 = vector.shape_cast %get3A_299 : vector<1x16xf32> to vector<16xf32>
        %slice3A_301 = vector.extract_strided_slice %get3A_177 {offsets = [8], sizes = [1], strides = [1]} : vector<16xf32> to vector<1xf32>
        %squeeze3A_302 = vector.extract %slice3A_301[0] : f32 from vector<1xf32>
        %mul3A_303 = vector.broadcast %squeeze3A_302 : f32 to vector<16xf32>
        %mul3A_304 = arith.mulf %get3A_300, %mul3A_303 : vector<16xf32>
        %swap3A_305 = arith.index_cast %add3A_296 : i32 to index
        %swap3A_306 = arith.constant 0 : index
        %swap3A_307 = tpu.vector_load %arg17[%swap3A_305, %swap3A_306] {strides = array<i32>} : memref<400x16xf32, #tpu.memory_space<vmem>>, vector<1x16xf32>,
        %swap3A_308 = vector.shape_cast %swap3A_307 : vector<1x16xf32> to vector<16xf32>
        %swap3A_309 = vector.shape_cast %mul3A_304 : vector<16xf32> to vector<1x16xf32>
        tpu.vector_store %arg17[%swap3A_305, %swap3A_306], %swap3A_309 {strides = array<i32>} : memref<400x16xf32, #tpu.memory_space<vmem>>, vector<1x16xf32>,
        %add3A_310 = arith.constant 9 : i32
        %add3A_311 = arith.addi %mul3A_173, %add3A_310 : i32
        %get3A_312 = arith.index_cast %add3A_311 : i32 to index
        %get3A_313 = arith.constant 0 : index
        %get3A_314 = tpu.vector_load %arg17[%get3A_312, %get3A_313] {strides = array<i32>} : memref<400x16xf32, #tpu.memory_space<vmem>>, vector<1x16xf32>,
        %get3A_315 = vector.shape_cast %get3A_314 : vector<1x16xf32> to vector<16xf32>
        %slice3A_316 = vector.extract_strided_slice %get3A_177 {offsets = [9], sizes = [1], strides = [1]} : vector<16xf32> to vector<1xf32>
        %squeeze3A_317 = vector.extract %slice3A_316[0] : f32 from vector<1xf32>
        %mul3A_318 = vector.broadcast %squeeze3A_317 : f32 to vector<16xf32>
        %mul3A_319 = arith.mulf %get3A_315, %mul3A_318 : vector<16xf32>
        %swap3A_320 = arith.index_cast %add3A_311 : i32 to index
        %swap3A_321 = arith.constant 0 : index
        %swap3A_322 = tpu.vector_load %arg17[%swap3A_320, %swap3A_321] {strides = array<i32>} : memref<400x16xf32, #tpu.memory_space<vmem>>, vector<1x16xf32>,
        %swap3A_323 = vector.shape_cast %swap3A_322 : vector<1x16xf32> to vector<16xf32>
        %swap3A_324 = vector.shape_cast %mul3A_319 : vector<16xf32> to vector<1x16xf32>
        tpu.vector_store %arg17[%swap3A_320, %swap3A_321], %swap3A_324 {strides = array<i32>} : memref<400x16xf32, #tpu.memory_space<vmem>>, vector<1x16xf32>,
        %add3A_325 = arith.constant 10 : i32
        %add3A_326 = arith.addi %mul3A_173, %add3A_325 : i32
        %get3A_327 = arith.index_cast %add3A_326 : i32 to index
        %get3A_328 = arith.constant 0 : index
        %get3A_329 = tpu.vector_load %arg17[%get3A_327, %get3A_328] {strides = array<i32>} : memref<400x16xf32, #tpu.memory_space<vmem>>, vector<1x16xf32>,
        %get3A_330 = vector.shape_cast %get3A_329 : vector<1x16xf32> to vector<16xf32>
        %slice3A_331 = vector.extract_strided_slice %get3A_177 {offsets = [10], sizes = [1], strides = [1]} : vector<16xf32> to vector<1xf32>
        %squeeze3A_332 = vector.extract %slice3A_331[0] : f32 from vector<1xf32>
        %mul3A_333 = vector.broadcast %squeeze3A_332 : f32 to vector<16xf32>
        %mul3A_334 = arith.mulf %get3A_330, %mul3A_333 : vector<16xf32>
        %swap3A_335 = arith.index_cast %add3A_326 : i32 to index
        %swap3A_336 = arith.constant 0 : index
        %swap3A_337 = tpu.vector_load %arg17[%swap3A_335, %swap3A_336] {strides = array<i32>} : memref<400x16xf32, #tpu.memory_space<vmem>>, vector<1x16xf32>,
        %swap3A_338 = vector.shape_cast %swap3A_337 : vector<1x16xf32> to vector<16xf32>
        %swap3A_339 = vector.shape_cast %mul3A_334 : vector<16xf32> to vector<1x16xf32>
        tpu.vector_store %arg17[%swap3A_335, %swap3A_336], %swap3A_339 {strides = array<i32>} : memref<400x16xf32, #tpu.memory_space<vmem>>, vector<1x16xf32>,
        %add3A_340 = arith.constant 11 : i32
        %add3A_341 = arith.addi %mul3A_173, %add3A_340 : i32
        %get3A_342 = arith.index_cast %add3A_341 : i32 to index
        %get3A_343 = arith.constant 0 : index
        %get3A_344 = tpu.vector_load %arg17[%get3A_342, %get3A_343] {strides = array<i32>} : memref<400x16xf32, #tpu.memory_space<vmem>>, vector<1x16xf32>,
        %get3A_345 = vector.shape_cast %get3A_344 : vector<1x16xf32> to vector<16xf32>
        %slice3A_346 = vector.extract_strided_slice %get3A_177 {offsets = [11], sizes = [1], strides = [1]} : vector<16xf32> to vector<1xf32>
        %squeeze3A_347 = vector.extract %slice3A_346[0] : f32 from vector<1xf32>
        %mul3A_348 = vector.broadcast %squeeze3A_347 : f32 to vector<16xf32>
        %mul3A_349 = arith.mulf %get3A_345, %mul3A_348 : vector<16xf32>
        %swap3A_350 = arith.index_cast %add3A_341 : i32 to index
        %swap3A_351 = arith.constant 0 : index
        %swap3A_352 = tpu.vector_load %arg17[%swap3A_350, %swap3A_351] {strides = array<i32>} : memref<400x16xf32, #tpu.memory_space<vmem>>, vector<1x16xf32>,
        %swap3A_353 = vector.shape_cast %swap3A_352 : vector<1x16xf32> to vector<16xf32>
        %swap3A_354 = vector.shape_cast %mul3A_349 : vector<16xf32> to vector<1x16xf32>
        tpu.vector_store %arg17[%swap3A_350, %swap3A_351], %swap3A_354 {strides = array<i32>} : memref<400x16xf32, #tpu.memory_space<vmem>>, vector<1x16xf32>,
        %add3A_355 = arith.constant 12 : i32
        %add3A_356 = arith.addi %mul3A_173, %add3A_355 : i32
        %get3A_357 = arith.index_cast %add3A_356 : i32 to index
        %get3A_358 = arith.constant 0 : index
        %get3A_359 = tpu.vector_load %arg17[%get3A_357, %get3A_358] {strides = array<i32>} : memref<400x16xf32, #tpu.memory_space<vmem>>, vector<1x16xf32>,
        %get3A_360 = vector.shape_cast %get3A_359 : vector<1x16xf32> to vector<16xf32>
        %slice3A_361 = vector.extract_strided_slice %get3A_177 {offsets = [12], sizes = [1], strides = [1]} : vector<16xf32> to vector<1xf32>
        %squeeze3A_362 = vector.extract %slice3A_361[0] : f32 from vector<1xf32>
        %mul3A_363 = vector.broadcast %squeeze3A_362 : f32 to vector<16xf32>
        %mul3A_364 = arith.mulf %get3A_360, %mul3A_363 : vector<16xf32>
        %swap3A_365 = arith.index_cast %add3A_356 : i32 to index
        %swap3A_366 = arith.constant 0 : index
        %swap3A_367 = tpu.vector_load %arg17[%swap3A_365, %swap3A_366] {strides = array<i32>} : memref<400x16xf32, #tpu.memory_space<vmem>>, vector<1x16xf32>,
        %swap3A_368 = vector.shape_cast %swap3A_367 : vector<1x16xf32> to vector<16xf32>
        %swap3A_369 = vector.shape_cast %mul3A_364 : vector<16xf32> to vector<1x16xf32>
        tpu.vector_store %arg17[%swap3A_365, %swap3A_366], %swap3A_369 {strides = array<i32>} : memref<400x16xf32, #tpu.memory_space<vmem>>, vector<1x16xf32>,
        %add3A_370 = arith.constant 13 : i32
        %add3A_371 = arith.addi %mul3A_173, %add3A_370 : i32
        %get3A_372 = arith.index_cast %add3A_371 : i32 to index
        %get3A_373 = arith.constant 0 : index
        %get3A_374 = tpu.vector_load %arg17[%get3A_372, %get3A_373] {strides = array<i32>} : memref<400x16xf32, #tpu.memory_space<vmem>>, vector<1x16xf32>,
        %get3A_375 = vector.shape_cast %get3A_374 : vector<1x16xf32> to vector<16xf32>
        %slice3A_376 = vector.extract_strided_slice %get3A_177 {offsets = [13], sizes = [1], strides = [1]} : vector<16xf32> to vector<1xf32>
        %squeeze3A_377 = vector.extract %slice3A_376[0] : f32 from vector<1xf32>
        %mul3A_378 = vector.broadcast %squeeze3A_377 : f32 to vector<16xf32>
        %mul3A_379 = arith.mulf %get3A_375, %mul3A_378 : vector<16xf32>
        %swap3A_380 = arith.index_cast %add3A_371 : i32 to index
        %swap3A_381 = arith.constant 0 : index
        %swap3A_382 = tpu.vector_load %arg17[%swap3A_380, %swap3A_381] {strides = array<i32>} : memref<400x16xf32, #tpu.memory_space<vmem>>, vector<1x16xf32>,
        %swap3A_383 = vector.shape_cast %swap3A_382 : vector<1x16xf32> to vector<16xf32>
        %swap3A_384 = vector.shape_cast %mul3A_379 : vector<16xf32> to vector<1x16xf32>
        tpu.vector_store %arg17[%swap3A_380, %swap3A_381], %swap3A_384 {strides = array<i32>} : memref<400x16xf32, #tpu.memory_space<vmem>>, vector<1x16xf32>,
        %add3A_385 = arith.constant 14 : i32
        %add3A_386 = arith.addi %mul3A_173, %add3A_385 : i32
        %get3A_387 = arith.index_cast %add3A_386 : i32 to index
        %get3A_388 = arith.constant 0 : index
        %get3A_389 = tpu.vector_load %arg17[%get3A_387, %get3A_388] {strides = array<i32>} : memref<400x16xf32, #tpu.memory_space<vmem>>, vector<1x16xf32>,
        %get3A_390 = vector.shape_cast %get3A_389 : vector<1x16xf32> to vector<16xf32>
        %slice3A_391 = vector.extract_strided_slice %get3A_177 {offsets = [14], sizes = [1], strides = [1]} : vector<16xf32> to vector<1xf32>
        %squeeze3A_392 = vector.extract %slice3A_391[0] : f32 from vector<1xf32>
        %mul3A_393 = vector.broadcast %squeeze3A_392 : f32 to vector<16xf32>
        %mul3A_394 = arith.mulf %get3A_390, %mul3A_393 : vector<16xf32>
        %swap3A_395 = arith.index_cast %add3A_386 : i32 to index
        %swap3A_396 = arith.constant 0 : index
        %swap3A_397 = tpu.vector_load %arg17[%swap3A_395, %swap3A_396] {strides = array<i32>} : memref<400x16xf32, #tpu.memory_space<vmem>>, vector<1x16xf32>,
        %swap3A_398 = vector.shape_cast %swap3A_397 : vector<1x16xf32> to vector<16xf32>
        %swap3A_399 = vector.shape_cast %mul3A_394 : vector<16xf32> to vector<1x16xf32>
        tpu.vector_store %arg17[%swap3A_395, %swap3A_396], %swap3A_399 {strides = array<i32>} : memref<400x16xf32, #tpu.memory_space<vmem>>, vector<1x16xf32>,
        %add3A_400 = arith.constant 15 : i32
        %add3A_401 = arith.addi %mul3A_173, %add3A_400 : i32
        %get3A_402 = arith.index_cast %add3A_401 : i32 to index
        %get3A_403 = arith.constant 0 : index
        %get3A_404 = tpu.vector_load %arg17[%get3A_402, %get3A_403] {strides = array<i32>} : memref<400x16xf32, #tpu.memory_space<vmem>>, vector<1x16xf32>,
        %get3A_405 = vector.shape_cast %get3A_404 : vector<1x16xf32> to vector<16xf32>
        %slice3A_406 = vector.extract_strided_slice %get3A_177 {offsets = [15], sizes = [1], strides = [1]} : vector<16xf32> to vector<1xf32>
        %squeeze3A_407 = vector.extract %slice3A_406[0] : f32 from vector<1xf32>
        %mul3A_408 = vector.broadcast %squeeze3A_407 : f32 to vector<16xf32>
        %mul3A_409 = arith.mulf %get3A_405, %mul3A_408 : vector<16xf32>
        %swap3A_410 = arith.index_cast %add3A_401 : i32 to index
        %swap3A_411 = arith.constant 0 : index
        %swap3A_412 = tpu.vector_load %arg17[%swap3A_410, %swap3A_411] {strides = array<i32>} : memref<400x16xf32, #tpu.memory_space<vmem>>, vector<1x16xf32>,
        %swap3A_413 = vector.shape_cast %swap3A_412 : vector<1x16xf32> to vector<16xf32>
        %swap3A_414 = vector.shape_cast %mul3A_409 : vector<16xf32> to vector<1x16xf32>
        tpu.vector_store %arg17[%swap3A_410, %swap3A_411], %swap3A_414 {strides = array<i32>} : memref<400x16xf32, #tpu.memory_space<vmem>>, vector<1x16xf32>,
        %scan3A_415 = arith.constant 0 : i32
        scf.yield %scan3A_415 : i32
      }
      %scan3A_168 = arith.constant 25 : i32
      "tpu.region"() ({
        %run_scoped3A = tpu.sem_alloc : memref<!tpu.dma_semaphore, #tpu.memory_space<semaphore_mem>>
        %dma_start3A_170 = arith.constant 0 : i32
        %dma_start3A_171 = arith.constant 0 : i32
        %dma_start3A_172 = tpu.memref_slice %arg21[%dma_start3A_170, %dma_start3A_171] : memref<102400x16xf32, #tpu.memory_space<vmem_shared>> -> memref<102400x16xf32, #tpu.memory_space<vmem_shared>>
        tpu.enqueue_indirect_dma source(%arg17 : memref<400x16xf32, #tpu.memory_space<vmem>>) target(%dma_start3A_172 : memref<102400x16xf32, #tpu.memory_space<vmem_shared>>) offsets(%arg13 : memref<400xi32, #tpu.memory_space<vmem>>) semaphore(%run_scoped3A : memref<!tpu.dma_semaphore, #tpu.memory_space<semaphore_mem>>) {add = true}
        %dma_wait3A_173 = arith.constant 0 : i32
        %dma_wait3A_174 = arith.constant 0 : i32
        %dma_wait3A_175 = tpu.memref_slice %arg21[%dma_wait3A_173, %dma_wait3A_174] : memref<102400x16xf32, #tpu.memory_space<vmem_shared>> -> memref<102400x16xf32, #tpu.memory_space<vmem_shared>>
        tpu.wait_indirect_dma semaphore(%run_scoped3A : memref<!tpu.dma_semaphore, #tpu.memory_space<semaphore_mem>>) src(%arg17 : memref<400x16xf32, #tpu.memory_space<vmem>>) dst(%dma_wait3A_175 : memref<102400x16xf32, #tpu.memory_space<vmem_shared>>)
        tpu.yield
      }) : () -> ()
      %scan3A_169 = arith.constant 0 : i32
      scf.yield %scan3A_169 : i32
    }
    %scan3A_44 = arith.constant 250 : i32
    %barrier3A_45 = arith.constant 0 : index
    tpu.barrier barrier_id(%barrier3A_45)
    %scan3A_46 = arith.constant 0 : i32
    %scan3A_47 = arith.constant 0 : i32
    %scan3A_48 = arith.constant 16 : i32
    %scan3A_49 = arith.addi %scan3A_47, %scan3A_48 : i32
    %scan3A_50 = arith.constant 1 : i32
    %scan3A_51 = scf.for %scan3A_55 = %scan3A_47 to %scan3A_49 step %scan3A_50 iter_args(%scan3A_56 = %scan3A_46) -> (i32)  : i32 {
      %mul3A_57 = arith.constant 400 : i32
      %mul3A_58 = arith.muli %scan3A_55, %mul3A_57 : i32
      %add3A = arith.addi %mul3A_0, %mul3A_58 : i32
      "tpu.region"() ({
        %run_scoped3A = tpu.sem_alloc : memref<!tpu.dma_semaphore, #tpu.memory_space<semaphore_mem>>
        %dma_start3A_61 = arith.constant 0 : i32
        %dma_start3A_62 = tpu.memref_slice %arg21[%add3A, %dma_start3A_61] : memref<102400x16xf32, #tpu.memory_space<vmem_shared>> -> memref<400x16xf32, #tpu.memory_space<vmem_shared>>
        %dma_start3A_63 = arith.constant 0 : i32
        %dma_start3A_64 = tpu.memref_slice %arg21[%add3A, %dma_start3A_63] : memref<102400x16xf32, #tpu.memory_space<vmem_shared>> -> memref<400x16xf32, #tpu.memory_space<vmem_shared>>
        tpu.enqueue_dma source(%dma_start3A_64 : memref<400x16xf32, #tpu.memory_space<vmem_shared>>) target(%arg17 : memref<400x16xf32, #tpu.memory_space<vmem>>) target_semaphore(%run_scoped3A : memref<!tpu.dma_semaphore, #tpu.memory_space<semaphore_mem>>)
        %dma_wait3A = arith.constant 0 : i32
        %dma_wait3A_65 = tpu.memref_slice %arg21[%add3A, %dma_wait3A] : memref<102400x16xf32, #tpu.memory_space<vmem_shared>> -> memref<400x16xf32, #tpu.memory_space<vmem_shared>>
        %dma_wait3A_66 = arith.constant 0 : i32
        %dma_wait3A_67 = tpu.memref_slice %arg21[%add3A, %dma_wait3A_66] : memref<102400x16xf32, #tpu.memory_space<vmem_shared>> -> memref<400x16xf32, #tpu.memory_space<vmem_shared>>
        tpu.wait_dma2 semaphore(%run_scoped3A : memref<!tpu.dma_semaphore, #tpu.memory_space<semaphore_mem>>) src(%dma_wait3A_67 : memref<400x16xf32, #tpu.memory_space<vmem_shared>>) dst(%arg17 : memref<400x16xf32, #tpu.memory_space<vmem>>)
        tpu.yield
      }) : () -> ()
      %add3A_59 = arith.addi %mul3A_32, %add3A : i32
      "tpu.region"() ({
        %run_scoped3A = tpu.sem_alloc : memref<!tpu.dma_semaphore, #tpu.memory_space<semaphore_mem>>
        %dma_start3A_61 = arith.constant 0 : i32
        %dma_start3A_62 = tpu.memref_slice %arg8[%add3A_59, %dma_start3A_61] : memref<204800x16xf32, #tpu.memory_space<hbm>> -> memref<400x16xf32, #tpu.memory_space<hbm>>
        %dma_start3A_63 = arith.constant 0 : i32
        %dma_start3A_64 = tpu.memref_slice %arg8[%add3A_59, %dma_start3A_63] : memref<204800x16xf32, #tpu.memory_space<hbm>> -> memref<400x16xf32, #tpu.memory_space<hbm>>
        tpu.enqueue_dma source(%arg17 : memref<400x16xf32, #tpu.memory_space<vmem>>) target(%dma_start3A_64 : memref<400x16xf32, #tpu.memory_space<hbm>>) target_semaphore(%run_scoped3A : memref<!tpu.dma_semaphore, #tpu.memory_space<semaphore_mem>>)
        %dma_wait3A = arith.constant 0 : i32
        %dma_wait3A_65 = tpu.memref_slice %arg8[%add3A_59, %dma_wait3A] : memref<204800x16xf32, #tpu.memory_space<hbm>> -> memref<400x16xf32, #tpu.memory_space<hbm>>
        %dma_wait3A_66 = arith.constant 0 : i32
        %dma_wait3A_67 = tpu.memref_slice %arg8[%add3A_59, %dma_wait3A_66] : memref<204800x16xf32, #tpu.memory_space<hbm>> -> memref<400x16xf32, #tpu.memory_space<hbm>>
        tpu.wait_dma2 semaphore(%run_scoped3A : memref<!tpu.dma_semaphore, #tpu.memory_space<semaphore_mem>>) src(%arg17 : memref<400x16xf32, #tpu.memory_space<vmem>>) dst(%dma_wait3A_67 : memref<400x16xf32, #tpu.memory_space<hbm>>)
        tpu.yield
      }) : () -> ()
      %scan3A_60 = arith.constant 0 : i32
      scf.yield %scan3A_60 : i32
    }
    %scan3A_52 = arith.constant 16 : i32
    %eq3A = arith.constant 0 : i32
    %eq3A_53 = arith.cmpi eq, %arg0, %eq3A : i32
    %convert_element_type3A = arith.extui %eq3A_53 : i1 to i32
    %cond3A = arith.constant 0 : i32
    %cond3A_54 = arith.cmpi ne, %convert_element_type3A, %cond3A : i32
    scf.if %cond3A_54 {
      %scan3A_55 = arith.constant 0 : i32
      %scan3A_56 = arith.constant 0 : i32
      %scan3A_57 = arith.constant 16 : i32
      %scan3A_58 = arith.addi %scan3A_56, %scan3A_57 : i32
      %scan3A_59 = arith.constant 1 : i32
      %scan3A_60 = scf.for %scan3A_62 = %scan3A_56 to %scan3A_58 step %scan3A_59 iter_args(%scan3A_63 = %scan3A_55) -> (i32)  : i32 {
        %mul3A_64 = arith.constant 400 : i32
        %mul3A_65 = arith.muli %scan3A_62, %mul3A_64 : i32
        %add3A = arith.addi %mul3A_0, %mul3A_65 : i32
        "tpu.region"() ({
          %run_scoped3A = tpu.sem_alloc : memref<!tpu.dma_semaphore, #tpu.memory_space<semaphore_mem>>
          %dma_start3A_67 = tpu.memref_slice %arg22[%add3A] : memref<102400xf32, #tpu.memory_space<vmem_shared>> -> memref<400xf32, #tpu.memory_space<vmem_shared>>
          %dma_start3A_68 = tpu.memref_slice %arg22[%add3A] : memref<102400xf32, #tpu.memory_space<vmem_shared>> -> memref<400xf32, #tpu.memory_space<vmem_shared>>
          tpu.enqueue_dma source(%dma_start3A_68 : memref<400xf32, #tpu.memory_space<vmem_shared>>) target(%arg15 : memref<400xf32, #tpu.memory_space<vmem>>) target_semaphore(%run_scoped3A : memref<!tpu.dma_semaphore, #tpu.memory_space<semaphore_mem>>)
          %dma_wait3A = tpu.memref_slice %arg22[%add3A] : memref<102400xf32, #tpu.memory_space<vmem_shared>> -> memref<400xf32, #tpu.memory_space<vmem_shared>>
          %dma_wait3A_69 = tpu.memref_slice %arg22[%add3A] : memref<102400xf32, #tpu.memory_space<vmem_shared>> -> memref<400xf32, #tpu.memory_space<vmem_shared>>
          tpu.wait_dma2 semaphore(%run_scoped3A : memref<!tpu.dma_semaphore, #tpu.memory_space<semaphore_mem>>) src(%dma_wait3A_69 : memref<400xf32, #tpu.memory_space<vmem_shared>>) dst(%arg15 : memref<400xf32, #tpu.memory_space<vmem>>)
          tpu.yield
        }) : () -> ()
        "tpu.region"() ({
          %run_scoped3A = tpu.sem_alloc : memref<!tpu.dma_semaphore, #tpu.memory_space<semaphore_mem>>
          %dma_start3A_67 = tpu.memref_slice %arg9[%add3A] : memref<102400xf32, #tpu.memory_space<hbm>> -> memref<400xf32, #tpu.memory_space<hbm>>
          %dma_start3A_68 = tpu.memref_slice %arg9[%add3A] : memref<102400xf32, #tpu.memory_space<hbm>> -> memref<400xf32, #tpu.memory_space<hbm>>
          tpu.enqueue_dma source(%arg15 : memref<400xf32, #tpu.memory_space<vmem>>) target(%dma_start3A_68 : memref<400xf32, #tpu.memory_space<hbm>>) target_semaphore(%run_scoped3A : memref<!tpu.dma_semaphore, #tpu.memory_space<semaphore_mem>>)
          %dma_wait3A = tpu.memref_slice %arg9[%add3A] : memref<102400xf32, #tpu.memory_space<hbm>> -> memref<400xf32, #tpu.memory_space<hbm>>
          %dma_wait3A_69 = tpu.memref_slice %arg9[%add3A] : memref<102400xf32, #tpu.memory_space<hbm>> -> memref<400xf32, #tpu.memory_space<hbm>>
          tpu.wait_dma2 semaphore(%run_scoped3A : memref<!tpu.dma_semaphore, #tpu.memory_space<semaphore_mem>>) src(%arg15 : memref<400xf32, #tpu.memory_space<vmem>>) dst(%dma_wait3A_69 : memref<400xf32, #tpu.memory_space<hbm>>)
          tpu.yield
        }) : () -> ()
        %scan3A_66 = arith.constant 0 : i32
        scf.yield %scan3A_66 : i32
      }
      %scan3A_61 = arith.constant 16 : i32
    } else {
    }
    return
  }
}

#map = affine_map<(d0, d1) -> (0)>
#map1 = affine_map<(d0, d1) -> (0, 0)>
module attributes {stable_mosaic.version = 14 : i64} {
  func.func @_sc_att(%arg0: i32, %arg1: i32, %arg2: memref<3200000xi32, #tpu.memory_space<hbm>>, %arg3: memref<3200000xi32, #tpu.memory_space<hbm>>, %arg4: memref<102400xf32, #tpu.memory_space<hbm>>, %arg5: memref<102400xf32, #tpu.memory_space<hbm>>, %arg6: memref<16xf32, #tpu.memory_space<hbm>>, %arg7: memref<204800x16xf32, #tpu.memory_space<hbm>>, %arg8: memref<204800x16xf32, #tpu.memory_space<hbm>>, %arg9: memref<102400xf32, #tpu.memory_space<hbm>>, %arg10: memref<400xi32, #tpu.memory_space<vmem>>, %arg11: memref<400xi32, #tpu.memory_space<vmem>>, %arg12: memref<400xi32, #tpu.memory_space<vmem>>, %arg13: memref<400xi32, #tpu.memory_space<vmem>>, %arg14: memref<400xi32, #tpu.memory_space<vmem>>, %arg15: memref<400xf32, #tpu.memory_space<vmem>>, %arg16: memref<400xf32, #tpu.memory_space<vmem>>, %arg17: memref<400x16xf32, #tpu.memory_space<vmem>>, %arg18: memref<16xf32, #tpu.memory_space<vmem>>, %arg19: memref<102400xf32, #tpu.memory_space<vmem_shared>>, %arg20: memref<102400xf32, #tpu.memory_space<vmem_shared>>, %arg21: memref<102400x16xf32, #tpu.memory_space<vmem_shared>>, %arg22: memref<102400xf32, #tpu.memory_space<vmem_shared>>, %arg23: memref<!tpu.dma_semaphore, #tpu.memory_space<semaphore_mem>>, %arg24: memref<!tpu.dma_semaphore, #tpu.memory_space<semaphore_mem>>, %arg25: memref<!tpu.dma_semaphore, #tpu.memory_space<semaphore_mem>>, %arg26: memref<!tpu.dma_semaphore, #tpu.memory_space<semaphore_mem>>, %arg27: memref<!tpu.dma_semaphore, #tpu.memory_space<semaphore_mem>>, %arg28: memref<!tpu.dma_semaphore, #tpu.memory_space<semaphore_mem>>, %arg29: memref<!tpu.dma_semaphore, #tpu.memory_space<semaphore_mem>>) attributes {dimension_semantics = [#tpu.dimension_semantics<core_parallel>, #tpu.dimension_semantics<subcore_parallel>], iteration_bounds = array<i64: 2, 16>, scalar_prefetch = 0 : i64, scratch_operands = 20 : i64, tpu.core_type = #tpu.core_type<sc_vector_subcore>, window_params = [{transform_indices = #map}, {transform_indices = #map}, {transform_indices = #map}, {transform_indices = #map}, {transform_indices = #map}, {transform_indices = #map1}, {transform_indices = #map1}, {transform_indices = #map}]} {
    %mul3A = arith.constant 6400 : i32
    %mul3A_0 = arith.muli %arg1, %mul3A : i32
    %broadcast_in_dim3A = arith.constant 0.000000e+00 : f32
    %broadcast_in_dim3A_1 = vector.broadcast %broadcast_in_dim3A : f32 to vector<16xf32>
    %scan3A = arith.constant 0 : i32
    %scan3A_2 = arith.constant 0 : i32
    %scan3A_3 = arith.constant 16 : i32
    %scan3A_4 = arith.addi %scan3A_2, %scan3A_3 : i32
    %scan3A_5 = arith.constant 1 : i32
    %scan3A_6 = scf.for %scan3A_55 = %scan3A_2 to %scan3A_4 step %scan3A_5 iter_args(%scan3A_56 = %scan3A) -> (i32)  : i32 {
      %mul3A_57 = arith.constant 400 : i32
      %mul3A_58 = arith.muli %scan3A_55, %mul3A_57 : i32
      %add3A = arith.addi %mul3A_0, %mul3A_58 : i32
      "tpu.region"() ({
        %run_scoped3A = tpu.sem_alloc : memref<!tpu.dma_semaphore, #tpu.memory_space<semaphore_mem>>
        %dma_start3A_60 = tpu.memref_slice %arg4[%add3A] : memref<102400xf32, #tpu.memory_space<hbm>> -> memref<400xf32, #tpu.memory_space<hbm>>
        %dma_start3A_61 = tpu.memref_slice %arg4[%add3A] : memref<102400xf32, #tpu.memory_space<hbm>> -> memref<400xf32, #tpu.memory_space<hbm>>
        tpu.enqueue_dma source(%dma_start3A_61 : memref<400xf32, #tpu.memory_space<hbm>>) target(%arg15 : memref<400xf32, #tpu.memory_space<vmem>>) target_semaphore(%run_scoped3A : memref<!tpu.dma_semaphore, #tpu.memory_space<semaphore_mem>>)
        %dma_wait3A = tpu.memref_slice %arg4[%add3A] : memref<102400xf32, #tpu.memory_space<hbm>> -> memref<400xf32, #tpu.memory_space<hbm>>
        %dma_wait3A_62 = tpu.memref_slice %arg4[%add3A] : memref<102400xf32, #tpu.memory_space<hbm>> -> memref<400xf32, #tpu.memory_space<hbm>>
        tpu.wait_dma2 semaphore(%run_scoped3A : memref<!tpu.dma_semaphore, #tpu.memory_space<semaphore_mem>>) src(%dma_wait3A_62 : memref<400xf32, #tpu.memory_space<hbm>>) dst(%arg15 : memref<400xf32, #tpu.memory_space<vmem>>)
        tpu.yield
      }) : () -> ()
      "tpu.region"() ({
        %run_scoped3A = tpu.sem_alloc : memref<!tpu.dma_semaphore, #tpu.memory_space<semaphore_mem>>
        %dma_start3A_60 = tpu.memref_slice %arg19[%add3A] : memref<102400xf32, #tpu.memory_space<vmem_shared>> -> memref<400xf32, #tpu.memory_space<vmem_shared>>
        %dma_start3A_61 = tpu.memref_slice %arg19[%add3A] : memref<102400xf32, #tpu.memory_space<vmem_shared>> -> memref<400xf32, #tpu.memory_space<vmem_shared>>
        tpu.enqueue_dma source(%arg15 : memref<400xf32, #tpu.memory_space<vmem>>) target(%dma_start3A_61 : memref<400xf32, #tpu.memory_space<vmem_shared>>) target_semaphore(%run_scoped3A : memref<!tpu.dma_semaphore, #tpu.memory_space<semaphore_mem>>)
        %dma_wait3A = tpu.memref_slice %arg19[%add3A] : memref<102400xf32, #tpu.memory_space<vmem_shared>> -> memref<400xf32, #tpu.memory_space<vmem_shared>>
        %dma_wait3A_62 = tpu.memref_slice %arg19[%add3A] : memref<102400xf32, #tpu.memory_space<vmem_shared>> -> memref<400xf32, #tpu.memory_space<vmem_shared>>
        tpu.wait_dma2 semaphore(%run_scoped3A : memref<!tpu.dma_semaphore, #tpu.memory_space<semaphore_mem>>) src(%arg15 : memref<400xf32, #tpu.memory_space<vmem>>) dst(%dma_wait3A_62 : memref<400xf32, #tpu.memory_space<vmem_shared>>)
        tpu.yield
      }) : () -> ()
      "tpu.region"() ({
        %run_scoped3A = tpu.sem_alloc : memref<!tpu.dma_semaphore, #tpu.memory_space<semaphore_mem>>
        %dma_start3A_60 = tpu.memref_slice %arg5[%add3A] : memref<102400xf32, #tpu.memory_space<hbm>> -> memref<400xf32, #tpu.memory_space<hbm>>
        %dma_start3A_61 = tpu.memref_slice %arg5[%add3A] : memref<102400xf32, #tpu.memory_space<hbm>> -> memref<400xf32, #tpu.memory_space<hbm>>
        tpu.enqueue_dma source(%dma_start3A_61 : memref<400xf32, #tpu.memory_space<hbm>>) target(%arg15 : memref<400xf32, #tpu.memory_space<vmem>>) target_semaphore(%run_scoped3A : memref<!tpu.dma_semaphore, #tpu.memory_space<semaphore_mem>>)
        %dma_wait3A = tpu.memref_slice %arg5[%add3A] : memref<102400xf32, #tpu.memory_space<hbm>> -> memref<400xf32, #tpu.memory_space<hbm>>
        %dma_wait3A_62 = tpu.memref_slice %arg5[%add3A] : memref<102400xf32, #tpu.memory_space<hbm>> -> memref<400xf32, #tpu.memory_space<hbm>>
        tpu.wait_dma2 semaphore(%run_scoped3A : memref<!tpu.dma_semaphore, #tpu.memory_space<semaphore_mem>>) src(%dma_wait3A_62 : memref<400xf32, #tpu.memory_space<hbm>>) dst(%arg15 : memref<400xf32, #tpu.memory_space<vmem>>)
        tpu.yield
      }) : () -> ()
      "tpu.region"() ({
        %run_scoped3A = tpu.sem_alloc : memref<!tpu.dma_semaphore, #tpu.memory_space<semaphore_mem>>
        %dma_start3A_60 = tpu.memref_slice %arg20[%add3A] : memref<102400xf32, #tpu.memory_space<vmem_shared>> -> memref<400xf32, #tpu.memory_space<vmem_shared>>
        %dma_start3A_61 = tpu.memref_slice %arg20[%add3A] : memref<102400xf32, #tpu.memory_space<vmem_shared>> -> memref<400xf32, #tpu.memory_space<vmem_shared>>
        tpu.enqueue_dma source(%arg15 : memref<400xf32, #tpu.memory_space<vmem>>) target(%dma_start3A_61 : memref<400xf32, #tpu.memory_space<vmem_shared>>) target_semaphore(%run_scoped3A : memref<!tpu.dma_semaphore, #tpu.memory_space<semaphore_mem>>)
        %dma_wait3A = tpu.memref_slice %arg20[%add3A] : memref<102400xf32, #tpu.memory_space<vmem_shared>> -> memref<400xf32, #tpu.memory_space<vmem_shared>>
        %dma_wait3A_62 = tpu.memref_slice %arg20[%add3A] : memref<102400xf32, #tpu.memory_space<vmem_shared>> -> memref<400xf32, #tpu.memory_space<vmem_shared>>
        tpu.wait_dma2 semaphore(%run_scoped3A : memref<!tpu.dma_semaphore, #tpu.memory_space<semaphore_mem>>) src(%arg15 : memref<400xf32, #tpu.memory_space<vmem>>) dst(%dma_wait3A_62 : memref<400xf32, #tpu.memory_space<vmem_shared>>)
        tpu.yield
      }) : () -> ()
      %scan3A_59 = arith.constant 0 : i32
      scf.yield %scan3A_59 : i32
    }
    %scan3A_7 = arith.constant 16 : i32
    "tpu.region"() ({
      %run_scoped3A = tpu.sem_alloc : memref<!tpu.dma_semaphore, #tpu.memory_space<semaphore_mem>>
      tpu.enqueue_dma source(%arg6 : memref<16xf32, #tpu.memory_space<hbm>>) target(%arg18 : memref<16xf32, #tpu.memory_space<vmem>>) target_semaphore(%run_scoped3A : memref<!tpu.dma_semaphore, #tpu.memory_space<semaphore_mem>>)
      tpu.wait_dma2 semaphore(%run_scoped3A : memref<!tpu.dma_semaphore, #tpu.memory_space<semaphore_mem>>) src(%arg6 : memref<16xf32, #tpu.memory_space<hbm>>) dst(%arg18 : memref<16xf32, #tpu.memory_space<vmem>>)
      tpu.yield
    }) : () -> ()
    %scan3A_8 = arith.constant 0 : i32
    %scan3A_9 = arith.constant 0 : i32
    %scan3A_10 = arith.constant 25 : i32
    %scan3A_11 = arith.addi %scan3A_9, %scan3A_10 : i32
    %scan3A_12 = arith.constant 1 : i32
    %scan3A_13 = scf.for %scan3A_55 = %scan3A_9 to %scan3A_11 step %scan3A_12 iter_args(%scan3A_56 = %scan3A_8) -> (i32)  : i32 {
      %mul3A_57 = arith.constant 16 : i32
      %mul3A_58 = arith.muli %scan3A_55, %mul3A_57 : i32
      %swap3A = arith.index_cast %mul3A_58 : i32 to index
      %swap3A_59 = tpu.vector_load %arg15[%swap3A] {strides = array<i32>} : memref<400xf32, #tpu.memory_space<vmem>>, vector<16xf32>,
      %swap3A_60 = vector.shape_cast %swap3A_59 : vector<16xf32> to vector<16xf32>
      %swap3A_61 = vector.shape_cast %broadcast_in_dim3A_1 : vector<16xf32> to vector<16xf32>
      tpu.vector_store %arg15[%swap3A], %swap3A_61 {strides = array<i32>} : memref<400xf32, #tpu.memory_space<vmem>>, vector<16xf32>,
      %scan3A_62 = arith.constant 0 : i32
      scf.yield %scan3A_62 : i32
    }
    %scan3A_14 = arith.constant 25 : i32
    %scan3A_15 = arith.constant 0 : i32
    %scan3A_16 = arith.constant 0 : i32
    %scan3A_17 = arith.constant 400 : i32
    %scan3A_18 = arith.addi %scan3A_16, %scan3A_17 : i32
    %scan3A_19 = arith.constant 1 : i32
    %scan3A_20 = scf.for %scan3A_55 = %scan3A_16 to %scan3A_18 step %scan3A_19 iter_args(%scan3A_56 = %scan3A_15) -> (i32)  : i32 {
      %swap3A = arith.index_cast %scan3A_55 : i32 to index
      %swap3A_57 = arith.constant 0 : index
      %swap3A_58 = tpu.vector_load %arg17[%swap3A, %swap3A_57] {strides = array<i32>} : memref<400x16xf32, #tpu.memory_space<vmem>>, vector<1x16xf32>,
      %swap3A_59 = vector.shape_cast %swap3A_58 : vector<1x16xf32> to vector<16xf32>
      %swap3A_60 = vector.shape_cast %broadcast_in_dim3A_1 : vector<16xf32> to vector<1x16xf32>
      tpu.vector_store %arg17[%swap3A, %swap3A_57], %swap3A_60 {strides = array<i32>} : memref<400x16xf32, #tpu.memory_space<vmem>>, vector<1x16xf32>,
      %scan3A_61 = arith.constant 0 : i32
      scf.yield %scan3A_61 : i32
    }
    %scan3A_21 = arith.constant 400 : i32
    %scan3A_22 = arith.constant 0 : i32
    %scan3A_23 = arith.constant 0 : i32
    %scan3A_24 = arith.constant 16 : i32
    %scan3A_25 = arith.addi %scan3A_23, %scan3A_24 : i32
    %scan3A_26 = arith.constant 1 : i32
    %scan3A_27 = scf.for %scan3A_55 = %scan3A_23 to %scan3A_25 step %scan3A_26 iter_args(%scan3A_56 = %scan3A_22) -> (i32)  : i32 {
      %mul3A_57 = arith.constant 400 : i32
      %mul3A_58 = arith.muli %scan3A_55, %mul3A_57 : i32
      %add3A = arith.addi %mul3A_0, %mul3A_58 : i32
      "tpu.region"() ({
        %run_scoped3A = tpu.sem_alloc : memref<!tpu.dma_semaphore, #tpu.memory_space<semaphore_mem>>
        %dma_start3A_60 = tpu.memref_slice %arg22[%add3A] : memref<102400xf32, #tpu.memory_space<vmem_shared>> -> memref<400xf32, #tpu.memory_space<vmem_shared>>
        %dma_start3A_61 = tpu.memref_slice %arg22[%add3A] : memref<102400xf32, #tpu.memory_space<vmem_shared>> -> memref<400xf32, #tpu.memory_space<vmem_shared>>
        tpu.enqueue_dma source(%arg15 : memref<400xf32, #tpu.memory_space<vmem>>) target(%dma_start3A_61 : memref<400xf32, #tpu.memory_space<vmem_shared>>) target_semaphore(%run_scoped3A : memref<!tpu.dma_semaphore, #tpu.memory_space<semaphore_mem>>)
        %dma_wait3A = tpu.memref_slice %arg22[%add3A] : memref<102400xf32, #tpu.memory_space<vmem_shared>> -> memref<400xf32, #tpu.memory_space<vmem_shared>>
        %dma_wait3A_62 = tpu.memref_slice %arg22[%add3A] : memref<102400xf32, #tpu.memory_space<vmem_shared>> -> memref<400xf32, #tpu.memory_space<vmem_shared>>
        tpu.wait_dma2 semaphore(%run_scoped3A : memref<!tpu.dma_semaphore, #tpu.memory_space<semaphore_mem>>) src(%arg15 : memref<400xf32, #tpu.memory_space<vmem>>) dst(%dma_wait3A_62 : memref<400xf32, #tpu.memory_space<vmem_shared>>)
        tpu.yield
      }) : () -> ()
      "tpu.region"() ({
        %run_scoped3A = tpu.sem_alloc : memref<!tpu.dma_semaphore, #tpu.memory_space<semaphore_mem>>
        %dma_start3A_60 = arith.constant 0 : i32
        %dma_start3A_61 = tpu.memref_slice %arg21[%add3A, %dma_start3A_60] : memref<102400x16xf32, #tpu.memory_space<vmem_shared>> -> memref<400x16xf32, #tpu.memory_space<vmem_shared>>
        %dma_start3A_62 = arith.constant 0 : i32
        %dma_start3A_63 = tpu.memref_slice %arg21[%add3A, %dma_start3A_62] : memref<102400x16xf32, #tpu.memory_space<vmem_shared>> -> memref<400x16xf32, #tpu.memory_space<vmem_shared>>
        tpu.enqueue_dma source(%arg17 : memref<400x16xf32, #tpu.memory_space<vmem>>) target(%dma_start3A_63 : memref<400x16xf32, #tpu.memory_space<vmem_shared>>) target_semaphore(%run_scoped3A : memref<!tpu.dma_semaphore, #tpu.memory_space<semaphore_mem>>)
        %dma_wait3A = arith.constant 0 : i32
        %dma_wait3A_64 = tpu.memref_slice %arg21[%add3A, %dma_wait3A] : memref<102400x16xf32, #tpu.memory_space<vmem_shared>> -> memref<400x16xf32, #tpu.memory_space<vmem_shared>>
        %dma_wait3A_65 = arith.constant 0 : i32
        %dma_wait3A_66 = tpu.memref_slice %arg21[%add3A, %dma_wait3A_65] : memref<102400x16xf32, #tpu.memory_space<vmem_shared>> -> memref<400x16xf32, #tpu.memory_space<vmem_shared>>
        tpu.wait_dma2 semaphore(%run_scoped3A : memref<!tpu.dma_semaphore, #tpu.memory_space<semaphore_mem>>) src(%arg17 : memref<400x16xf32, #tpu.memory_space<vmem>>) dst(%dma_wait3A_66 : memref<400x16xf32, #tpu.memory_space<vmem_shared>>)
        tpu.yield
      }) : () -> ()
      %scan3A_59 = arith.constant 0 : i32
      scf.yield %scan3A_59 : i32
    }
    %scan3A_28 = arith.constant 16 : i32
    %barrier3A = arith.constant 0 : index
    tpu.barrier barrier_id(%barrier3A)
    %get3A = arith.constant 0 : index
    %get3A_29 = tpu.vector_load %arg18[%get3A] {strides = array<i32>} : memref<16xf32, #tpu.memory_space<vmem>>, vector<16xf32>,
    %get3A_30 = vector.shape_cast %get3A_29 : vector<16xf32> to vector<16xf32>
    %mul3A_31 = arith.constant 102400 : i32
    %mul3A_32 = arith.muli %arg0, %mul3A_31 : i32
    %mul3A_33 = arith.constant 200000 : i32
    %mul3A_34 = arith.muli %arg1, %mul3A_33 : i32
    %multiple_of3A = tpu.assume_multiple %mul3A_34, 8 : i32
    %dma_start3A = tpu.memref_slice %arg2[%multiple_of3A] : memref<3200000xi32, #tpu.memory_space<hbm>> -> memref<400xi32, #tpu.memory_space<hbm>>
    %dma_start3A_35 = tpu.memref_slice %arg2[%multiple_of3A] : memref<3200000xi32, #tpu.memory_space<hbm>> -> memref<400xi32, #tpu.memory_space<hbm>>
    tpu.enqueue_dma source(%dma_start3A_35 : memref<400xi32, #tpu.memory_space<hbm>>) target(%arg10 : memref<400xi32, #tpu.memory_space<vmem>>) target_semaphore(%arg26 : memref<!tpu.dma_semaphore, #tpu.memory_space<semaphore_mem>>)
    %dma_start3A_36 = tpu.memref_slice %arg3[%multiple_of3A] : memref<3200000xi32, #tpu.memory_space<hbm>> -> memref<400xi32, #tpu.memory_space<hbm>>
    %dma_start3A_37 = tpu.memref_slice %arg3[%multiple_of3A] : memref<3200000xi32, #tpu.memory_space<hbm>> -> memref<400xi32, #tpu.memory_space<hbm>>
    tpu.enqueue_dma source(%dma_start3A_37 : memref<400xi32, #tpu.memory_space<hbm>>) target(%arg11 : memref<400xi32, #tpu.memory_space<vmem>>) target_semaphore(%arg27 : memref<!tpu.dma_semaphore, #tpu.memory_space<semaphore_mem>>)
    %scan3A_38 = arith.constant 0 : i32
    %scan3A_39 = arith.constant 0 : i32
    %scan3A_40 = arith.constant 250 : i32
    %scan3A_41 = arith.addi %scan3A_39, %scan3A_40 : i32
    %scan3A_42 = arith.constant 1 : i32
    %scan3A_43 = scf.for %scan3A_55 = %scan3A_39 to %scan3A_41 step %scan3A_42 iter_args(%scan3A_56 = %scan3A_38) -> (i32)  : i32 {
      %mul3A_57 = arith.constant 2 : i32
      %mul3A_58 = arith.muli %mul3A_57, %scan3A_55 : i32
      %mul3A_59 = arith.constant 200000 : i32
      %mul3A_60 = arith.muli %arg1, %mul3A_59 : i32
      %mul3A_61 = arith.constant 400 : i32
      %mul3A_62 = arith.muli %mul3A_58, %mul3A_61 : i32
      %add3A = arith.addi %mul3A_60, %mul3A_62 : i32
      %multiple_of3A_63 = tpu.assume_multiple %add3A, 8 : i32
      %mul3A_64 = arith.constant 2 : i32
      %mul3A_65 = arith.muli %mul3A_64, %scan3A_55 : i32
      %add3A_66 = arith.constant 1 : i32
      %add3A_67 = arith.addi %mul3A_65, %add3A_66 : i32
      %mul3A_68 = arith.constant 200000 : i32
      %mul3A_69 = arith.muli %arg1, %mul3A_68 : i32
      %mul3A_70 = arith.constant 400 : i32
      %mul3A_71 = arith.muli %add3A_67, %mul3A_70 : i32
      %add3A_72 = arith.addi %mul3A_69, %mul3A_71 : i32
      %multiple_of3A_73 = tpu.assume_multiple %add3A_72, 8 : i32
      %dma_wait3A = tpu.memref_slice %arg2[%multiple_of3A_63] : memref<3200000xi32, #tpu.memory_space<hbm>> -> memref<400xi32, #tpu.memory_space<hbm>>
      %dma_wait3A_74 = tpu.memref_slice %arg2[%multiple_of3A_63] : memref<3200000xi32, #tpu.memory_space<hbm>> -> memref<400xi32, #tpu.memory_space<hbm>>
      tpu.wait_dma2 semaphore(%arg26 : memref<!tpu.dma_semaphore, #tpu.memory_space<semaphore_mem>>) src(%dma_wait3A_74 : memref<400xi32, #tpu.memory_space<hbm>>) dst(%arg10 : memref<400xi32, #tpu.memory_space<vmem>>)
      %dma_wait3A_75 = tpu.memref_slice %arg3[%multiple_of3A_63] : memref<3200000xi32, #tpu.memory_space<hbm>> -> memref<400xi32, #tpu.memory_space<hbm>>
      %dma_wait3A_76 = tpu.memref_slice %arg3[%multiple_of3A_63] : memref<3200000xi32, #tpu.memory_space<hbm>> -> memref<400xi32, #tpu.memory_space<hbm>>
      tpu.wait_dma2 semaphore(%arg27 : memref<!tpu.dma_semaphore, #tpu.memory_space<semaphore_mem>>) src(%dma_wait3A_76 : memref<400xi32, #tpu.memory_space<hbm>>) dst(%arg11 : memref<400xi32, #tpu.memory_space<vmem>>)
      %dma_start3A_77 = tpu.memref_slice %arg2[%multiple_of3A_73] : memref<3200000xi32, #tpu.memory_space<hbm>> -> memref<400xi32, #tpu.memory_space<hbm>>
      %dma_start3A_78 = tpu.memref_slice %arg2[%multiple_of3A_73] : memref<3200000xi32, #tpu.memory_space<hbm>> -> memref<400xi32, #tpu.memory_space<hbm>>
      tpu.enqueue_dma source(%dma_start3A_78 : memref<400xi32, #tpu.memory_space<hbm>>) target(%arg12 : memref<400xi32, #tpu.memory_space<vmem>>) target_semaphore(%arg28 : memref<!tpu.dma_semaphore, #tpu.memory_space<semaphore_mem>>)
      %dma_start3A_79 = tpu.memref_slice %arg3[%multiple_of3A_73] : memref<3200000xi32, #tpu.memory_space<hbm>> -> memref<400xi32, #tpu.memory_space<hbm>>
      %dma_start3A_80 = tpu.memref_slice %arg3[%multiple_of3A_73] : memref<3200000xi32, #tpu.memory_space<hbm>> -> memref<400xi32, #tpu.memory_space<hbm>>
      tpu.enqueue_dma source(%dma_start3A_80 : memref<400xi32, #tpu.memory_space<hbm>>) target(%arg13 : memref<400xi32, #tpu.memory_space<vmem>>) target_semaphore(%arg29 : memref<!tpu.dma_semaphore, #tpu.memory_space<semaphore_mem>>)
      %dma_start3A_81 = arith.constant 0 : i32
      %dma_start3A_82 = tpu.memref_slice %arg19[%dma_start3A_81] : memref<102400xf32, #tpu.memory_space<vmem_shared>> -> memref<102400xf32, #tpu.memory_space<vmem_shared>>
      tpu.enqueue_indirect_dma source(%dma_start3A_82 : memref<102400xf32, #tpu.memory_space<vmem_shared>>) target(%arg15 : memref<400xf32, #tpu.memory_space<vmem>>) offsets(%arg10 : memref<400xi32, #tpu.memory_space<vmem>>) semaphore(%arg23 : memref<!tpu.dma_semaphore, #tpu.memory_space<semaphore_mem>>)
      %dma_start3A_83 = arith.constant 0 : i32
      %dma_start3A_84 = tpu.memref_slice %arg20[%dma_start3A_83] : memref<102400xf32, #tpu.memory_space<vmem_shared>> -> memref<102400xf32, #tpu.memory_space<vmem_shared>>
      tpu.enqueue_indirect_dma source(%dma_start3A_84 : memref<102400xf32, #tpu.memory_space<vmem_shared>>) target(%arg16 : memref<400xf32, #tpu.memory_space<vmem>>) offsets(%arg11 : memref<400xi32, #tpu.memory_space<vmem>>) semaphore(%arg24 : memref<!tpu.dma_semaphore, #tpu.memory_space<semaphore_mem>>)
      %scan3A_85 = arith.constant 0 : i32
      %scan3A_86 = arith.constant 0 : i32
      %scan3A_87 = arith.constant 25 : i32
      %scan3A_88 = arith.addi %scan3A_86, %scan3A_87 : i32
      %scan3A_89 = arith.constant 1 : i32
      %scan3A_90 = scf.for %scan3A_170 = %scan3A_86 to %scan3A_88 step %scan3A_89 iter_args(%scan3A_171 = %scan3A_85) -> (i32)  : i32 {
        %mul3A_172 = arith.constant 16 : i32
        %mul3A_173 = arith.muli %scan3A_170, %mul3A_172 : i32
        %multiple_of3A_174 = tpu.assume_multiple %mul3A_173, 16 : i32
        %get3A_175 = arith.index_cast %multiple_of3A_174 : i32 to index
        %get3A_176 = tpu.vector_load %arg10[%get3A_175] {strides = array<i32>} : memref<400xi32, #tpu.memory_space<vmem>>, vector<16xi32>,
        %get3A_177 = vector.shape_cast %get3A_176 : vector<16xi32> to vector<16xi32>
        %add3A_178 = vector.broadcast %mul3A_32 : i32 to vector<16xi32>
        %add3A_179 = arith.addi %get3A_177, %add3A_178 : vector<16xi32>
        %swap3A = arith.index_cast %multiple_of3A_174 : i32 to index
        %swap3A_180 = tpu.vector_load %arg14[%swap3A] {strides = array<i32>} : memref<400xi32, #tpu.memory_space<vmem>>, vector<16xi32>,
        %swap3A_181 = vector.shape_cast %swap3A_180 : vector<16xi32> to vector<16xi32>
        %swap3A_182 = vector.shape_cast %add3A_179 : vector<16xi32> to vector<16xi32>
        tpu.vector_store %arg14[%swap3A], %swap3A_182 {strides = array<i32>} : memref<400xi32, #tpu.memory_space<vmem>>, vector<16xi32>,
        %scan3A_183 = arith.constant 0 : i32
        scf.yield %scan3A_183 : i32
      }
      %scan3A_91 = arith.constant 25 : i32
      %dma_start3A_92 = arith.constant 0 : i32
      %dma_start3A_93 = arith.constant 0 : i32
      %dma_start3A_94 = tpu.memref_slice %arg7[%dma_start3A_92, %dma_start3A_93] : memref<204800x16xf32, #tpu.memory_space<hbm>> -> memref<204800x16xf32, #tpu.memory_space<hbm>>
      tpu.enqueue_indirect_dma source(%dma_start3A_94 : memref<204800x16xf32, #tpu.memory_space<hbm>>) target(%arg17 : memref<400x16xf32, #tpu.memory_space<vmem>>) offsets(%arg14 : memref<400xi32, #tpu.memory_space<vmem>>) semaphore(%arg25 : memref<!tpu.dma_semaphore, #tpu.memory_space<semaphore_mem>>)
      %dma_wait3A_95 = arith.constant 0 : i32
      %dma_wait3A_96 = tpu.memref_slice %arg19[%dma_wait3A_95] : memref<102400xf32, #tpu.memory_space<vmem_shared>> -> memref<102400xf32, #tpu.memory_space<vmem_shared>>
      tpu.wait_indirect_dma semaphore(%arg23 : memref<!tpu.dma_semaphore, #tpu.memory_space<semaphore_mem>>) src(%dma_wait3A_96 : memref<102400xf32, #tpu.memory_space<vmem_shared>>) dst(%arg15 : memref<400xf32, #tpu.memory_space<vmem>>)
      %dma_wait3A_97 = arith.constant 0 : i32
      %dma_wait3A_98 = tpu.memref_slice %arg20[%dma_wait3A_97] : memref<102400xf32, #tpu.memory_space<vmem_shared>> -> memref<102400xf32, #tpu.memory_space<vmem_shared>>
      tpu.wait_indirect_dma semaphore(%arg24 : memref<!tpu.dma_semaphore, #tpu.memory_space<semaphore_mem>>) src(%dma_wait3A_98 : memref<102400xf32, #tpu.memory_space<vmem_shared>>) dst(%arg16 : memref<400xf32, #tpu.memory_space<vmem>>)
      %scan3A_99 = arith.constant 0 : i32
      %scan3A_100 = arith.constant 0 : i32
      %scan3A_101 = arith.constant 25 : i32
      %scan3A_102 = arith.addi %scan3A_100, %scan3A_101 : i32
      %scan3A_103 = arith.constant 1 : i32
      %scan3A_104 = scf.for %scan3A_170 = %scan3A_100 to %scan3A_102 step %scan3A_103 iter_args(%scan3A_171 = %scan3A_99) -> (i32)  : i32 {
        %mul3A_172 = arith.constant 16 : i32
        %mul3A_173 = arith.muli %scan3A_170, %mul3A_172 : i32
        %multiple_of3A_174 = tpu.assume_multiple %mul3A_173, 16 : i32
        %get3A_175 = arith.index_cast %multiple_of3A_174 : i32 to index
        %get3A_176 = tpu.vector_load %arg15[%get3A_175] {strides = array<i32>} : memref<400xf32, #tpu.memory_space<vmem>>, vector<16xf32>,
        %get3A_177 = vector.shape_cast %get3A_176 : vector<16xf32> to vector<16xf32>
        %get3A_178 = arith.index_cast %multiple_of3A_174 : i32 to index
        %get3A_179 = tpu.vector_load %arg16[%get3A_178] {strides = array<i32>} : memref<400xf32, #tpu.memory_space<vmem>>, vector<16xf32>,
        %get3A_180 = vector.shape_cast %get3A_179 : vector<16xf32> to vector<16xf32>
        %add3A_181 = arith.addf %get3A_177, %get3A_180 : vector<16xf32>
        %mul3A_182 = arith.constant 2.000000e-01 : f32
        %mul3A_183 = vector.broadcast %mul3A_182 : f32 to vector<16xf32>
        %mul3A_184 = arith.mulf %mul3A_183, %add3A_181 : vector<16xf32>
        %max3A = arith.maximumf %add3A_181, %mul3A_184 : vector<16xf32>
        %add3A_185 = arith.addf %get3A_30, %get3A_180 : vector<16xf32>
        %mul3A_186 = arith.constant 2.000000e-01 : f32
        %mul3A_187 = vector.broadcast %mul3A_186 : f32 to vector<16xf32>
        %mul3A_188 = arith.mulf %mul3A_187, %add3A_185 : vector<16xf32>
        %max3A_189 = arith.maximumf %add3A_185, %mul3A_188 : vector<16xf32>
        %sub3A = arith.subf %max3A, %max3A_189 : vector<16xf32>
        %exp3A = math.exp %sub3A : vector<16xf32>
        %swap3A = arith.index_cast %multiple_of3A_174 : i32 to index
        %swap3A_190 = tpu.vector_load %arg15[%swap3A] {strides = array<i32>} : memref<400xf32, #tpu.memory_space<vmem>>, vector<16xf32>,
        %swap3A_191 = vector.shape_cast %swap3A_190 : vector<16xf32> to vector<16xf32>
        %swap3A_192 = vector.shape_cast %exp3A : vector<16xf32> to vector<16xf32>
        tpu.vector_store %arg15[%swap3A], %swap3A_192 {strides = array<i32>} : memref<400xf32, #tpu.memory_space<vmem>>, vector<16xf32>,
        %scan3A_193 = arith.constant 0 : i32
        scf.yield %scan3A_193 : i32
      }
      %scan3A_105 = arith.constant 25 : i32
      %eq3A_106 = arith.constant 0 : i32
      %eq3A_107 = arith.cmpi eq, %arg0, %eq3A_106 : i32
      %convert_element_type3A_108 = arith.extui %eq3A_107 : i1 to i32
      %cond3A_109 = arith.constant 0 : i32
      %cond3A_110 = arith.cmpi ne, %convert_element_type3A_108, %cond3A_109 : i32
      scf.if %cond3A_110 {
        "tpu.region"() ({
          %run_scoped3A = tpu.sem_alloc : memref<!tpu.dma_semaphore, #tpu.memory_space<semaphore_mem>>
          %dma_start3A_170 = arith.constant 0 : i32
          %dma_start3A_171 = tpu.memref_slice %arg22[%dma_start3A_170] : memref<102400xf32, #tpu.memory_space<vmem_shared>> -> memref<102400xf32, #tpu.memory_space<vmem_shared>>
          tpu.enqueue_indirect_dma source(%arg15 : memref<400xf32, #tpu.memory_space<vmem>>) target(%dma_start3A_171 : memref<102400xf32, #tpu.memory_space<vmem_shared>>) offsets(%arg11 : memref<400xi32, #tpu.memory_space<vmem>>) semaphore(%run_scoped3A : memref<!tpu.dma_semaphore, #tpu.memory_space<semaphore_mem>>) {add = true}
          %dma_wait3A_172 = arith.constant 0 : i32
          %dma_wait3A_173 = tpu.memref_slice %arg22[%dma_wait3A_172] : memref<102400xf32, #tpu.memory_space<vmem_shared>> -> memref<102400xf32, #tpu.memory_space<vmem_shared>>
          tpu.wait_indirect_dma semaphore(%run_scoped3A : memref<!tpu.dma_semaphore, #tpu.memory_space<semaphore_mem>>) src(%arg15 : memref<400xf32, #tpu.memory_space<vmem>>) dst(%dma_wait3A_173 : memref<102400xf32, #tpu.memory_space<vmem_shared>>)
          tpu.yield
        }) : () -> ()
      } else {
      }
      %dma_wait3A_111 = arith.constant 0 : i32
      %dma_wait3A_112 = arith.constant 0 : i32
      %dma_wait3A_113 = tpu.memref_slice %arg7[%dma_wait3A_111, %dma_wait3A_112] : memref<204800x16xf32, #tpu.memory_space<hbm>> -> memref<204800x16xf32, #tpu.memory_space<hbm>>
      tpu.wait_indirect_dma semaphore(%arg25 : memref<!tpu.dma_semaphore, #tpu.memory_space<semaphore_mem>>) src(%dma_wait3A_113 : memref<204800x16xf32, #tpu.memory_space<hbm>>) dst(%arg17 : memref<400x16xf32, #tpu.memory_space<vmem>>)
      %scan3A_114 = arith.constant 0 : i32
      %scan3A_115 = arith.constant 0 : i32
      %scan3A_116 = arith.constant 25 : i32
      %scan3A_117 = arith.addi %scan3A_115, %scan3A_116 : i32
      %scan3A_118 = arith.constant 1 : i32
      %scan3A_119 = scf.for %scan3A_170 = %scan3A_115 to %scan3A_117 step %scan3A_118 iter_args(%scan3A_171 = %scan3A_114) -> (i32)  : i32 {
        %mul3A_172 = arith.constant 16 : i32
        %mul3A_173 = arith.muli %scan3A_170, %mul3A_172 : i32
        %multiple_of3A_174 = tpu.assume_multiple %mul3A_173, 16 : i32
        %get3A_175 = arith.index_cast %multiple_of3A_174 : i32 to index
        %get3A_176 = tpu.vector_load %arg15[%get3A_175] {strides = array<i32>} : memref<400xf32, #tpu.memory_space<vmem>>, vector<16xf32>,
        %get3A_177 = vector.shape_cast %get3A_176 : vector<16xf32> to vector<16xf32>
        %add3A_178 = arith.constant 0 : i32
        %add3A_179 = arith.addi %mul3A_173, %add3A_178 : i32
        %get3A_180 = arith.index_cast %add3A_179 : i32 to index
        %get3A_181 = arith.constant 0 : index
        %get3A_182 = tpu.vector_load %arg17[%get3A_180, %get3A_181] {strides = array<i32>} : memref<400x16xf32, #tpu.memory_space<vmem>>, vector<1x16xf32>,
        %get3A_183 = vector.shape_cast %get3A_182 : vector<1x16xf32> to vector<16xf32>
        %slice3A = vector.extract_strided_slice %get3A_177 {offsets = [0], sizes = [1], strides = [1]} : vector<16xf32> to vector<1xf32>
        %squeeze3A = vector.extract %slice3A[0] : f32 from vector<1xf32>
        %mul3A_184 = vector.broadcast %squeeze3A : f32 to vector<16xf32>
        %mul3A_185 = arith.mulf %get3A_183, %mul3A_184 : vector<16xf32>
        %swap3A = arith.index_cast %add3A_179 : i32 to index
        %swap3A_186 = arith.constant 0 : index
        %swap3A_187 = tpu.vector_load %arg17[%swap3A, %swap3A_186] {strides = array<i32>} : memref<400x16xf32, #tpu.memory_space<vmem>>, vector<1x16xf32>,
        %swap3A_188 = vector.shape_cast %swap3A_187 : vector<1x16xf32> to vector<16xf32>
        %swap3A_189 = vector.shape_cast %mul3A_185 : vector<16xf32> to vector<1x16xf32>
        tpu.vector_store %arg17[%swap3A, %swap3A_186], %swap3A_189 {strides = array<i32>} : memref<400x16xf32, #tpu.memory_space<vmem>>, vector<1x16xf32>,
        %add3A_190 = arith.constant 1 : i32
        %add3A_191 = arith.addi %mul3A_173, %add3A_190 : i32
        %get3A_192 = arith.index_cast %add3A_191 : i32 to index
        %get3A_193 = arith.constant 0 : index
        %get3A_194 = tpu.vector_load %arg17[%get3A_192, %get3A_193] {strides = array<i32>} : memref<400x16xf32, #tpu.memory_space<vmem>>, vector<1x16xf32>,
        %get3A_195 = vector.shape_cast %get3A_194 : vector<1x16xf32> to vector<16xf32>
        %slice3A_196 = vector.extract_strided_slice %get3A_177 {offsets = [1], sizes = [1], strides = [1]} : vector<16xf32> to vector<1xf32>
        %squeeze3A_197 = vector.extract %slice3A_196[0] : f32 from vector<1xf32>
        %mul3A_198 = vector.broadcast %squeeze3A_197 : f32 to vector<16xf32>
        %mul3A_199 = arith.mulf %get3A_195, %mul3A_198 : vector<16xf32>
        %swap3A_200 = arith.index_cast %add3A_191 : i32 to index
        %swap3A_201 = arith.constant 0 : index
        %swap3A_202 = tpu.vector_load %arg17[%swap3A_200, %swap3A_201] {strides = array<i32>} : memref<400x16xf32, #tpu.memory_space<vmem>>, vector<1x16xf32>,
        %swap3A_203 = vector.shape_cast %swap3A_202 : vector<1x16xf32> to vector<16xf32>
        %swap3A_204 = vector.shape_cast %mul3A_199 : vector<16xf32> to vector<1x16xf32>
        tpu.vector_store %arg17[%swap3A_200, %swap3A_201], %swap3A_204 {strides = array<i32>} : memref<400x16xf32, #tpu.memory_space<vmem>>, vector<1x16xf32>,
        %add3A_205 = arith.constant 2 : i32
        %add3A_206 = arith.addi %mul3A_173, %add3A_205 : i32
        %get3A_207 = arith.index_cast %add3A_206 : i32 to index
        %get3A_208 = arith.constant 0 : index
        %get3A_209 = tpu.vector_load %arg17[%get3A_207, %get3A_208] {strides = array<i32>} : memref<400x16xf32, #tpu.memory_space<vmem>>, vector<1x16xf32>,
        %get3A_210 = vector.shape_cast %get3A_209 : vector<1x16xf32> to vector<16xf32>
        %slice3A_211 = vector.extract_strided_slice %get3A_177 {offsets = [2], sizes = [1], strides = [1]} : vector<16xf32> to vector<1xf32>
        %squeeze3A_212 = vector.extract %slice3A_211[0] : f32 from vector<1xf32>
        %mul3A_213 = vector.broadcast %squeeze3A_212 : f32 to vector<16xf32>
        %mul3A_214 = arith.mulf %get3A_210, %mul3A_213 : vector<16xf32>
        %swap3A_215 = arith.index_cast %add3A_206 : i32 to index
        %swap3A_216 = arith.constant 0 : index
        %swap3A_217 = tpu.vector_load %arg17[%swap3A_215, %swap3A_216] {strides = array<i32>} : memref<400x16xf32, #tpu.memory_space<vmem>>, vector<1x16xf32>,
        %swap3A_218 = vector.shape_cast %swap3A_217 : vector<1x16xf32> to vector<16xf32>
        %swap3A_219 = vector.shape_cast %mul3A_214 : vector<16xf32> to vector<1x16xf32>
        tpu.vector_store %arg17[%swap3A_215, %swap3A_216], %swap3A_219 {strides = array<i32>} : memref<400x16xf32, #tpu.memory_space<vmem>>, vector<1x16xf32>,
        %add3A_220 = arith.constant 3 : i32
        %add3A_221 = arith.addi %mul3A_173, %add3A_220 : i32
        %get3A_222 = arith.index_cast %add3A_221 : i32 to index
        %get3A_223 = arith.constant 0 : index
        %get3A_224 = tpu.vector_load %arg17[%get3A_222, %get3A_223] {strides = array<i32>} : memref<400x16xf32, #tpu.memory_space<vmem>>, vector<1x16xf32>,
        %get3A_225 = vector.shape_cast %get3A_224 : vector<1x16xf32> to vector<16xf32>
        %slice3A_226 = vector.extract_strided_slice %get3A_177 {offsets = [3], sizes = [1], strides = [1]} : vector<16xf32> to vector<1xf32>
        %squeeze3A_227 = vector.extract %slice3A_226[0] : f32 from vector<1xf32>
        %mul3A_228 = vector.broadcast %squeeze3A_227 : f32 to vector<16xf32>
        %mul3A_229 = arith.mulf %get3A_225, %mul3A_228 : vector<16xf32>
        %swap3A_230 = arith.index_cast %add3A_221 : i32 to index
        %swap3A_231 = arith.constant 0 : index
        %swap3A_232 = tpu.vector_load %arg17[%swap3A_230, %swap3A_231] {strides = array<i32>} : memref<400x16xf32, #tpu.memory_space<vmem>>, vector<1x16xf32>,
        %swap3A_233 = vector.shape_cast %swap3A_232 : vector<1x16xf32> to vector<16xf32>
        %swap3A_234 = vector.shape_cast %mul3A_229 : vector<16xf32> to vector<1x16xf32>
        tpu.vector_store %arg17[%swap3A_230, %swap3A_231], %swap3A_234 {strides = array<i32>} : memref<400x16xf32, #tpu.memory_space<vmem>>, vector<1x16xf32>,
        %add3A_235 = arith.constant 4 : i32
        %add3A_236 = arith.addi %mul3A_173, %add3A_235 : i32
        %get3A_237 = arith.index_cast %add3A_236 : i32 to index
        %get3A_238 = arith.constant 0 : index
        %get3A_239 = tpu.vector_load %arg17[%get3A_237, %get3A_238] {strides = array<i32>} : memref<400x16xf32, #tpu.memory_space<vmem>>, vector<1x16xf32>,
        %get3A_240 = vector.shape_cast %get3A_239 : vector<1x16xf32> to vector<16xf32>
        %slice3A_241 = vector.extract_strided_slice %get3A_177 {offsets = [4], sizes = [1], strides = [1]} : vector<16xf32> to vector<1xf32>
        %squeeze3A_242 = vector.extract %slice3A_241[0] : f32 from vector<1xf32>
        %mul3A_243 = vector.broadcast %squeeze3A_242 : f32 to vector<16xf32>
        %mul3A_244 = arith.mulf %get3A_240, %mul3A_243 : vector<16xf32>
        %swap3A_245 = arith.index_cast %add3A_236 : i32 to index
        %swap3A_246 = arith.constant 0 : index
        %swap3A_247 = tpu.vector_load %arg17[%swap3A_245, %swap3A_246] {strides = array<i32>} : memref<400x16xf32, #tpu.memory_space<vmem>>, vector<1x16xf32>,
        %swap3A_248 = vector.shape_cast %swap3A_247 : vector<1x16xf32> to vector<16xf32>
        %swap3A_249 = vector.shape_cast %mul3A_244 : vector<16xf32> to vector<1x16xf32>
        tpu.vector_store %arg17[%swap3A_245, %swap3A_246], %swap3A_249 {strides = array<i32>} : memref<400x16xf32, #tpu.memory_space<vmem>>, vector<1x16xf32>,
        %add3A_250 = arith.constant 5 : i32
        %add3A_251 = arith.addi %mul3A_173, %add3A_250 : i32
        %get3A_252 = arith.index_cast %add3A_251 : i32 to index
        %get3A_253 = arith.constant 0 : index
        %get3A_254 = tpu.vector_load %arg17[%get3A_252, %get3A_253] {strides = array<i32>} : memref<400x16xf32, #tpu.memory_space<vmem>>, vector<1x16xf32>,
        %get3A_255 = vector.shape_cast %get3A_254 : vector<1x16xf32> to vector<16xf32>
        %slice3A_256 = vector.extract_strided_slice %get3A_177 {offsets = [5], sizes = [1], strides = [1]} : vector<16xf32> to vector<1xf32>
        %squeeze3A_257 = vector.extract %slice3A_256[0] : f32 from vector<1xf32>
        %mul3A_258 = vector.broadcast %squeeze3A_257 : f32 to vector<16xf32>
        %mul3A_259 = arith.mulf %get3A_255, %mul3A_258 : vector<16xf32>
        %swap3A_260 = arith.index_cast %add3A_251 : i32 to index
        %swap3A_261 = arith.constant 0 : index
        %swap3A_262 = tpu.vector_load %arg17[%swap3A_260, %swap3A_261] {strides = array<i32>} : memref<400x16xf32, #tpu.memory_space<vmem>>, vector<1x16xf32>,
        %swap3A_263 = vector.shape_cast %swap3A_262 : vector<1x16xf32> to vector<16xf32>
        %swap3A_264 = vector.shape_cast %mul3A_259 : vector<16xf32> to vector<1x16xf32>
        tpu.vector_store %arg17[%swap3A_260, %swap3A_261], %swap3A_264 {strides = array<i32>} : memref<400x16xf32, #tpu.memory_space<vmem>>, vector<1x16xf32>,
        %add3A_265 = arith.constant 6 : i32
        %add3A_266 = arith.addi %mul3A_173, %add3A_265 : i32
        %get3A_267 = arith.index_cast %add3A_266 : i32 to index
        %get3A_268 = arith.constant 0 : index
        %get3A_269 = tpu.vector_load %arg17[%get3A_267, %get3A_268] {strides = array<i32>} : memref<400x16xf32, #tpu.memory_space<vmem>>, vector<1x16xf32>,
        %get3A_270 = vector.shape_cast %get3A_269 : vector<1x16xf32> to vector<16xf32>
        %slice3A_271 = vector.extract_strided_slice %get3A_177 {offsets = [6], sizes = [1], strides = [1]} : vector<16xf32> to vector<1xf32>
        %squeeze3A_272 = vector.extract %slice3A_271[0] : f32 from vector<1xf32>
        %mul3A_273 = vector.broadcast %squeeze3A_272 : f32 to vector<16xf32>
        %mul3A_274 = arith.mulf %get3A_270, %mul3A_273 : vector<16xf32>
        %swap3A_275 = arith.index_cast %add3A_266 : i32 to index
        %swap3A_276 = arith.constant 0 : index
        %swap3A_277 = tpu.vector_load %arg17[%swap3A_275, %swap3A_276] {strides = array<i32>} : memref<400x16xf32, #tpu.memory_space<vmem>>, vector<1x16xf32>,
        %swap3A_278 = vector.shape_cast %swap3A_277 : vector<1x16xf32> to vector<16xf32>
        %swap3A_279 = vector.shape_cast %mul3A_274 : vector<16xf32> to vector<1x16xf32>
        tpu.vector_store %arg17[%swap3A_275, %swap3A_276], %swap3A_279 {strides = array<i32>} : memref<400x16xf32, #tpu.memory_space<vmem>>, vector<1x16xf32>,
        %add3A_280 = arith.constant 7 : i32
        %add3A_281 = arith.addi %mul3A_173, %add3A_280 : i32
        %get3A_282 = arith.index_cast %add3A_281 : i32 to index
        %get3A_283 = arith.constant 0 : index
        %get3A_284 = tpu.vector_load %arg17[%get3A_282, %get3A_283] {strides = array<i32>} : memref<400x16xf32, #tpu.memory_space<vmem>>, vector<1x16xf32>,
        %get3A_285 = vector.shape_cast %get3A_284 : vector<1x16xf32> to vector<16xf32>
        %slice3A_286 = vector.extract_strided_slice %get3A_177 {offsets = [7], sizes = [1], strides = [1]} : vector<16xf32> to vector<1xf32>
        %squeeze3A_287 = vector.extract %slice3A_286[0] : f32 from vector<1xf32>
        %mul3A_288 = vector.broadcast %squeeze3A_287 : f32 to vector<16xf32>
        %mul3A_289 = arith.mulf %get3A_285, %mul3A_288 : vector<16xf32>
        %swap3A_290 = arith.index_cast %add3A_281 : i32 to index
        %swap3A_291 = arith.constant 0 : index
        %swap3A_292 = tpu.vector_load %arg17[%swap3A_290, %swap3A_291] {strides = array<i32>} : memref<400x16xf32, #tpu.memory_space<vmem>>, vector<1x16xf32>,
        %swap3A_293 = vector.shape_cast %swap3A_292 : vector<1x16xf32> to vector<16xf32>
        %swap3A_294 = vector.shape_cast %mul3A_289 : vector<16xf32> to vector<1x16xf32>
        tpu.vector_store %arg17[%swap3A_290, %swap3A_291], %swap3A_294 {strides = array<i32>} : memref<400x16xf32, #tpu.memory_space<vmem>>, vector<1x16xf32>,
        %add3A_295 = arith.constant 8 : i32
        %add3A_296 = arith.addi %mul3A_173, %add3A_295 : i32
        %get3A_297 = arith.index_cast %add3A_296 : i32 to index
        %get3A_298 = arith.constant 0 : index
        %get3A_299 = tpu.vector_load %arg17[%get3A_297, %get3A_298] {strides = array<i32>} : memref<400x16xf32, #tpu.memory_space<vmem>>, vector<1x16xf32>,
        %get3A_300 = vector.shape_cast %get3A_299 : vector<1x16xf32> to vector<16xf32>
        %slice3A_301 = vector.extract_strided_slice %get3A_177 {offsets = [8], sizes = [1], strides = [1]} : vector<16xf32> to vector<1xf32>
        %squeeze3A_302 = vector.extract %slice3A_301[0] : f32 from vector<1xf32>
        %mul3A_303 = vector.broadcast %squeeze3A_302 : f32 to vector<16xf32>
        %mul3A_304 = arith.mulf %get3A_300, %mul3A_303 : vector<16xf32>
        %swap3A_305 = arith.index_cast %add3A_296 : i32 to index
        %swap3A_306 = arith.constant 0 : index
        %swap3A_307 = tpu.vector_load %arg17[%swap3A_305, %swap3A_306] {strides = array<i32>} : memref<400x16xf32, #tpu.memory_space<vmem>>, vector<1x16xf32>,
        %swap3A_308 = vector.shape_cast %swap3A_307 : vector<1x16xf32> to vector<16xf32>
        %swap3A_309 = vector.shape_cast %mul3A_304 : vector<16xf32> to vector<1x16xf32>
        tpu.vector_store %arg17[%swap3A_305, %swap3A_306], %swap3A_309 {strides = array<i32>} : memref<400x16xf32, #tpu.memory_space<vmem>>, vector<1x16xf32>,
        %add3A_310 = arith.constant 9 : i32
        %add3A_311 = arith.addi %mul3A_173, %add3A_310 : i32
        %get3A_312 = arith.index_cast %add3A_311 : i32 to index
        %get3A_313 = arith.constant 0 : index
        %get3A_314 = tpu.vector_load %arg17[%get3A_312, %get3A_313] {strides = array<i32>} : memref<400x16xf32, #tpu.memory_space<vmem>>, vector<1x16xf32>,
        %get3A_315 = vector.shape_cast %get3A_314 : vector<1x16xf32> to vector<16xf32>
        %slice3A_316 = vector.extract_strided_slice %get3A_177 {offsets = [9], sizes = [1], strides = [1]} : vector<16xf32> to vector<1xf32>
        %squeeze3A_317 = vector.extract %slice3A_316[0] : f32 from vector<1xf32>
        %mul3A_318 = vector.broadcast %squeeze3A_317 : f32 to vector<16xf32>
        %mul3A_319 = arith.mulf %get3A_315, %mul3A_318 : vector<16xf32>
        %swap3A_320 = arith.index_cast %add3A_311 : i32 to index
        %swap3A_321 = arith.constant 0 : index
        %swap3A_322 = tpu.vector_load %arg17[%swap3A_320, %swap3A_321] {strides = array<i32>} : memref<400x16xf32, #tpu.memory_space<vmem>>, vector<1x16xf32>,
        %swap3A_323 = vector.shape_cast %swap3A_322 : vector<1x16xf32> to vector<16xf32>
        %swap3A_324 = vector.shape_cast %mul3A_319 : vector<16xf32> to vector<1x16xf32>
        tpu.vector_store %arg17[%swap3A_320, %swap3A_321], %swap3A_324 {strides = array<i32>} : memref<400x16xf32, #tpu.memory_space<vmem>>, vector<1x16xf32>,
        %add3A_325 = arith.constant 10 : i32
        %add3A_326 = arith.addi %mul3A_173, %add3A_325 : i32
        %get3A_327 = arith.index_cast %add3A_326 : i32 to index
        %get3A_328 = arith.constant 0 : index
        %get3A_329 = tpu.vector_load %arg17[%get3A_327, %get3A_328] {strides = array<i32>} : memref<400x16xf32, #tpu.memory_space<vmem>>, vector<1x16xf32>,
        %get3A_330 = vector.shape_cast %get3A_329 : vector<1x16xf32> to vector<16xf32>
        %slice3A_331 = vector.extract_strided_slice %get3A_177 {offsets = [10], sizes = [1], strides = [1]} : vector<16xf32> to vector<1xf32>
        %squeeze3A_332 = vector.extract %slice3A_331[0] : f32 from vector<1xf32>
        %mul3A_333 = vector.broadcast %squeeze3A_332 : f32 to vector<16xf32>
        %mul3A_334 = arith.mulf %get3A_330, %mul3A_333 : vector<16xf32>
        %swap3A_335 = arith.index_cast %add3A_326 : i32 to index
        %swap3A_336 = arith.constant 0 : index
        %swap3A_337 = tpu.vector_load %arg17[%swap3A_335, %swap3A_336] {strides = array<i32>} : memref<400x16xf32, #tpu.memory_space<vmem>>, vector<1x16xf32>,
        %swap3A_338 = vector.shape_cast %swap3A_337 : vector<1x16xf32> to vector<16xf32>
        %swap3A_339 = vector.shape_cast %mul3A_334 : vector<16xf32> to vector<1x16xf32>
        tpu.vector_store %arg17[%swap3A_335, %swap3A_336], %swap3A_339 {strides = array<i32>} : memref<400x16xf32, #tpu.memory_space<vmem>>, vector<1x16xf32>,
        %add3A_340 = arith.constant 11 : i32
        %add3A_341 = arith.addi %mul3A_173, %add3A_340 : i32
        %get3A_342 = arith.index_cast %add3A_341 : i32 to index
        %get3A_343 = arith.constant 0 : index
        %get3A_344 = tpu.vector_load %arg17[%get3A_342, %get3A_343] {strides = array<i32>} : memref<400x16xf32, #tpu.memory_space<vmem>>, vector<1x16xf32>,
        %get3A_345 = vector.shape_cast %get3A_344 : vector<1x16xf32> to vector<16xf32>
        %slice3A_346 = vector.extract_strided_slice %get3A_177 {offsets = [11], sizes = [1], strides = [1]} : vector<16xf32> to vector<1xf32>
        %squeeze3A_347 = vector.extract %slice3A_346[0] : f32 from vector<1xf32>
        %mul3A_348 = vector.broadcast %squeeze3A_347 : f32 to vector<16xf32>
        %mul3A_349 = arith.mulf %get3A_345, %mul3A_348 : vector<16xf32>
        %swap3A_350 = arith.index_cast %add3A_341 : i32 to index
        %swap3A_351 = arith.constant 0 : index
        %swap3A_352 = tpu.vector_load %arg17[%swap3A_350, %swap3A_351] {strides = array<i32>} : memref<400x16xf32, #tpu.memory_space<vmem>>, vector<1x16xf32>,
        %swap3A_353 = vector.shape_cast %swap3A_352 : vector<1x16xf32> to vector<16xf32>
        %swap3A_354 = vector.shape_cast %mul3A_349 : vector<16xf32> to vector<1x16xf32>
        tpu.vector_store %arg17[%swap3A_350, %swap3A_351], %swap3A_354 {strides = array<i32>} : memref<400x16xf32, #tpu.memory_space<vmem>>, vector<1x16xf32>,
        %add3A_355 = arith.constant 12 : i32
        %add3A_356 = arith.addi %mul3A_173, %add3A_355 : i32
        %get3A_357 = arith.index_cast %add3A_356 : i32 to index
        %get3A_358 = arith.constant 0 : index
        %get3A_359 = tpu.vector_load %arg17[%get3A_357, %get3A_358] {strides = array<i32>} : memref<400x16xf32, #tpu.memory_space<vmem>>, vector<1x16xf32>,
        %get3A_360 = vector.shape_cast %get3A_359 : vector<1x16xf32> to vector<16xf32>
        %slice3A_361 = vector.extract_strided_slice %get3A_177 {offsets = [12], sizes = [1], strides = [1]} : vector<16xf32> to vector<1xf32>
        %squeeze3A_362 = vector.extract %slice3A_361[0] : f32 from vector<1xf32>
        %mul3A_363 = vector.broadcast %squeeze3A_362 : f32 to vector<16xf32>
        %mul3A_364 = arith.mulf %get3A_360, %mul3A_363 : vector<16xf32>
        %swap3A_365 = arith.index_cast %add3A_356 : i32 to index
        %swap3A_366 = arith.constant 0 : index
        %swap3A_367 = tpu.vector_load %arg17[%swap3A_365, %swap3A_366] {strides = array<i32>} : memref<400x16xf32, #tpu.memory_space<vmem>>, vector<1x16xf32>,
        %swap3A_368 = vector.shape_cast %swap3A_367 : vector<1x16xf32> to vector<16xf32>
        %swap3A_369 = vector.shape_cast %mul3A_364 : vector<16xf32> to vector<1x16xf32>
        tpu.vector_store %arg17[%swap3A_365, %swap3A_366], %swap3A_369 {strides = array<i32>} : memref<400x16xf32, #tpu.memory_space<vmem>>, vector<1x16xf32>,
        %add3A_370 = arith.constant 13 : i32
        %add3A_371 = arith.addi %mul3A_173, %add3A_370 : i32
        %get3A_372 = arith.index_cast %add3A_371 : i32 to index
        %get3A_373 = arith.constant 0 : index
        %get3A_374 = tpu.vector_load %arg17[%get3A_372, %get3A_373] {strides = array<i32>} : memref<400x16xf32, #tpu.memory_space<vmem>>, vector<1x16xf32>,
        %get3A_375 = vector.shape_cast %get3A_374 : vector<1x16xf32> to vector<16xf32>
        %slice3A_376 = vector.extract_strided_slice %get3A_177 {offsets = [13], sizes = [1], strides = [1]} : vector<16xf32> to vector<1xf32>
        %squeeze3A_377 = vector.extract %slice3A_376[0] : f32 from vector<1xf32>
        %mul3A_378 = vector.broadcast %squeeze3A_377 : f32 to vector<16xf32>
        %mul3A_379 = arith.mulf %get3A_375, %mul3A_378 : vector<16xf32>
        %swap3A_380 = arith.index_cast %add3A_371 : i32 to index
        %swap3A_381 = arith.constant 0 : index
        %swap3A_382 = tpu.vector_load %arg17[%swap3A_380, %swap3A_381] {strides = array<i32>} : memref<400x16xf32, #tpu.memory_space<vmem>>, vector<1x16xf32>,
        %swap3A_383 = vector.shape_cast %swap3A_382 : vector<1x16xf32> to vector<16xf32>
        %swap3A_384 = vector.shape_cast %mul3A_379 : vector<16xf32> to vector<1x16xf32>
        tpu.vector_store %arg17[%swap3A_380, %swap3A_381], %swap3A_384 {strides = array<i32>} : memref<400x16xf32, #tpu.memory_space<vmem>>, vector<1x16xf32>,
        %add3A_385 = arith.constant 14 : i32
        %add3A_386 = arith.addi %mul3A_173, %add3A_385 : i32
        %get3A_387 = arith.index_cast %add3A_386 : i32 to index
        %get3A_388 = arith.constant 0 : index
        %get3A_389 = tpu.vector_load %arg17[%get3A_387, %get3A_388] {strides = array<i32>} : memref<400x16xf32, #tpu.memory_space<vmem>>, vector<1x16xf32>,
        %get3A_390 = vector.shape_cast %get3A_389 : vector<1x16xf32> to vector<16xf32>
        %slice3A_391 = vector.extract_strided_slice %get3A_177 {offsets = [14], sizes = [1], strides = [1]} : vector<16xf32> to vector<1xf32>
        %squeeze3A_392 = vector.extract %slice3A_391[0] : f32 from vector<1xf32>
        %mul3A_393 = vector.broadcast %squeeze3A_392 : f32 to vector<16xf32>
        %mul3A_394 = arith.mulf %get3A_390, %mul3A_393 : vector<16xf32>
        %swap3A_395 = arith.index_cast %add3A_386 : i32 to index
        %swap3A_396 = arith.constant 0 : index
        %swap3A_397 = tpu.vector_load %arg17[%swap3A_395, %swap3A_396] {strides = array<i32>} : memref<400x16xf32, #tpu.memory_space<vmem>>, vector<1x16xf32>,
        %swap3A_398 = vector.shape_cast %swap3A_397 : vector<1x16xf32> to vector<16xf32>
        %swap3A_399 = vector.shape_cast %mul3A_394 : vector<16xf32> to vector<1x16xf32>
        tpu.vector_store %arg17[%swap3A_395, %swap3A_396], %swap3A_399 {strides = array<i32>} : memref<400x16xf32, #tpu.memory_space<vmem>>, vector<1x16xf32>,
        %add3A_400 = arith.constant 15 : i32
        %add3A_401 = arith.addi %mul3A_173, %add3A_400 : i32
        %get3A_402 = arith.index_cast %add3A_401 : i32 to index
        %get3A_403 = arith.constant 0 : index
        %get3A_404 = tpu.vector_load %arg17[%get3A_402, %get3A_403] {strides = array<i32>} : memref<400x16xf32, #tpu.memory_space<vmem>>, vector<1x16xf32>,
        %get3A_405 = vector.shape_cast %get3A_404 : vector<1x16xf32> to vector<16xf32>
        %slice3A_406 = vector.extract_strided_slice %get3A_177 {offsets = [15], sizes = [1], strides = [1]} : vector<16xf32> to vector<1xf32>
        %squeeze3A_407 = vector.extract %slice3A_406[0] : f32 from vector<1xf32>
        %mul3A_408 = vector.broadcast %squeeze3A_407 : f32 to vector<16xf32>
        %mul3A_409 = arith.mulf %get3A_405, %mul3A_408 : vector<16xf32>
        %swap3A_410 = arith.index_cast %add3A_401 : i32 to index
        %swap3A_411 = arith.constant 0 : index
        %swap3A_412 = tpu.vector_load %arg17[%swap3A_410, %swap3A_411] {strides = array<i32>} : memref<400x16xf32, #tpu.memory_space<vmem>>, vector<1x16xf32>,
        %swap3A_413 = vector.shape_cast %swap3A_412 : vector<1x16xf32> to vector<16xf32>
        %swap3A_414 = vector.shape_cast %mul3A_409 : vector<16xf32> to vector<1x16xf32>
        tpu.vector_store %arg17[%swap3A_410, %swap3A_411], %swap3A_414 {strides = array<i32>} : memref<400x16xf32, #tpu.memory_space<vmem>>, vector<1x16xf32>,
        %scan3A_415 = arith.constant 0 : i32
        scf.yield %scan3A_415 : i32
      }
      %scan3A_120 = arith.constant 25 : i32
      "tpu.region"() ({
        %run_scoped3A = tpu.sem_alloc : memref<!tpu.dma_semaphore, #tpu.memory_space<semaphore_mem>>
        %dma_start3A_170 = arith.constant 0 : i32
        %dma_start3A_171 = arith.constant 0 : i32
        %dma_start3A_172 = tpu.memref_slice %arg21[%dma_start3A_170, %dma_start3A_171] : memref<102400x16xf32, #tpu.memory_space<vmem_shared>> -> memref<102400x16xf32, #tpu.memory_space<vmem_shared>>
        tpu.enqueue_indirect_dma source(%arg17 : memref<400x16xf32, #tpu.memory_space<vmem>>) target(%dma_start3A_172 : memref<102400x16xf32, #tpu.memory_space<vmem_shared>>) offsets(%arg11 : memref<400xi32, #tpu.memory_space<vmem>>) semaphore(%run_scoped3A : memref<!tpu.dma_semaphore, #tpu.memory_space<semaphore_mem>>) {add = true}
        %dma_wait3A_173 = arith.constant 0 : i32
        %dma_wait3A_174 = arith.constant 0 : i32
        %dma_wait3A_175 = tpu.memref_slice %arg21[%dma_wait3A_173, %dma_wait3A_174] : memref<102400x16xf32, #tpu.memory_space<vmem_shared>> -> memref<102400x16xf32, #tpu.memory_space<vmem_shared>>
        tpu.wait_indirect_dma semaphore(%run_scoped3A : memref<!tpu.dma_semaphore, #tpu.memory_space<semaphore_mem>>) src(%arg17 : memref<400x16xf32, #tpu.memory_space<vmem>>) dst(%dma_wait3A_175 : memref<102400x16xf32, #tpu.memory_space<vmem_shared>>)
        tpu.yield
      }) : () -> ()
      %dma_wait3A_121 = tpu.memref_slice %arg2[%multiple_of3A_73] : memref<3200000xi32, #tpu.memory_space<hbm>> -> memref<400xi32, #tpu.memory_space<hbm>>
      %dma_wait3A_122 = tpu.memref_slice %arg2[%multiple_of3A_73] : memref<3200000xi32, #tpu.memory_space<hbm>> -> memref<400xi32, #tpu.memory_space<hbm>>
      tpu.wait_dma2 semaphore(%arg28 : memref<!tpu.dma_semaphore, #tpu.memory_space<semaphore_mem>>) src(%dma_wait3A_122 : memref<400xi32, #tpu.memory_space<hbm>>) dst(%arg12 : memref<400xi32, #tpu.memory_space<vmem>>)
      %dma_wait3A_123 = tpu.memref_slice %arg3[%multiple_of3A_73] : memref<3200000xi32, #tpu.memory_space<hbm>> -> memref<400xi32, #tpu.memory_space<hbm>>
      %dma_wait3A_124 = tpu.memref_slice %arg3[%multiple_of3A_73] : memref<3200000xi32, #tpu.memory_space<hbm>> -> memref<400xi32, #tpu.memory_space<hbm>>
      tpu.wait_dma2 semaphore(%arg29 : memref<!tpu.dma_semaphore, #tpu.memory_space<semaphore_mem>>) src(%dma_wait3A_124 : memref<400xi32, #tpu.memory_space<hbm>>) dst(%arg13 : memref<400xi32, #tpu.memory_space<vmem>>)
      %lt3A = arith.constant 249 : i32
      %lt3A_125 = arith.cmpi slt, %scan3A_55, %lt3A : i32
      %convert_element_type3A_126 = arith.extui %lt3A_125 : i1 to i32
      %cond3A_127 = arith.constant 0 : i32
      %cond3A_128 = arith.cmpi ne, %convert_element_type3A_126, %cond3A_127 : i32
      scf.if %cond3A_128 {
        %mul3A_170 = arith.constant 2 : i32
        %mul3A_171 = arith.muli %mul3A_170, %scan3A_55 : i32
        %add3A_172 = arith.constant 2 : i32
        %add3A_173 = arith.addi %mul3A_171, %add3A_172 : i32
        %mul3A_174 = arith.constant 200000 : i32
        %mul3A_175 = arith.muli %arg1, %mul3A_174 : i32
        %mul3A_176 = arith.constant 400 : i32
        %mul3A_177 = arith.muli %add3A_173, %mul3A_176 : i32
        %add3A_178 = arith.addi %mul3A_175, %mul3A_177 : i32
        %multiple_of3A_179 = tpu.assume_multiple %add3A_178, 8 : i32
        %dma_start3A_180 = tpu.memref_slice %arg2[%multiple_of3A_179] : memref<3200000xi32, #tpu.memory_space<hbm>> -> memref<400xi32, #tpu.memory_space<hbm>>
        %dma_start3A_181 = tpu.memref_slice %arg2[%multiple_of3A_179] : memref<3200000xi32, #tpu.memory_space<hbm>> -> memref<400xi32, #tpu.memory_space<hbm>>
        tpu.enqueue_dma source(%dma_start3A_181 : memref<400xi32, #tpu.memory_space<hbm>>) target(%arg10 : memref<400xi32, #tpu.memory_space<vmem>>) target_semaphore(%arg26 : memref<!tpu.dma_semaphore, #tpu.memory_space<semaphore_mem>>)
        %dma_start3A_182 = tpu.memref_slice %arg3[%multiple_of3A_179] : memref<3200000xi32, #tpu.memory_space<hbm>> -> memref<400xi32, #tpu.memory_space<hbm>>
        %dma_start3A_183 = tpu.memref_slice %arg3[%multiple_of3A_179] : memref<3200000xi32, #tpu.memory_space<hbm>> -> memref<400xi32, #tpu.memory_space<hbm>>
        tpu.enqueue_dma source(%dma_start3A_183 : memref<400xi32, #tpu.memory_space<hbm>>) target(%arg11 : memref<400xi32, #tpu.memory_space<vmem>>) target_semaphore(%arg27 : memref<!tpu.dma_semaphore, #tpu.memory_space<semaphore_mem>>)
      } else {
      }
      %dma_start3A_129 = arith.constant 0 : i32
      %dma_start3A_130 = tpu.memref_slice %arg19[%dma_start3A_129] : memref<102400xf32, #tpu.memory_space<vmem_shared>> -> memref<102400xf32, #tpu.memory_space<vmem_shared>>
      tpu.enqueue_indirect_dma source(%dma_start3A_130 : memref<102400xf32, #tpu.memory_space<vmem_shared>>) target(%arg15 : memref<400xf32, #tpu.memory_space<vmem>>) offsets(%arg12 : memref<400xi32, #tpu.memory_space<vmem>>) semaphore(%arg23 : memref<!tpu.dma_semaphore, #tpu.memory_space<semaphore_mem>>)
      %dma_start3A_131 = arith.constant 0 : i32
      %dma_start3A_132 = tpu.memref_slice %arg20[%dma_start3A_131] : memref<102400xf32, #tpu.memory_space<vmem_shared>> -> memref<102400xf32, #tpu.memory_space<vmem_shared>>
      tpu.enqueue_indirect_dma source(%dma_start3A_132 : memref<102400xf32, #tpu.memory_space<vmem_shared>>) target(%arg16 : memref<400xf32, #tpu.memory_space<vmem>>) offsets(%arg13 : memref<400xi32, #tpu.memory_space<vmem>>) semaphore(%arg24 : memref<!tpu.dma_semaphore, #tpu.memory_space<semaphore_mem>>)
      %scan3A_133 = arith.constant 0 : i32
      %scan3A_134 = arith.constant 0 : i32
      %scan3A_135 = arith.constant 25 : i32
      %scan3A_136 = arith.addi %scan3A_134, %scan3A_135 : i32
      %scan3A_137 = arith.constant 1 : i32
      %scan3A_138 = scf.for %scan3A_170 = %scan3A_134 to %scan3A_136 step %scan3A_137 iter_args(%scan3A_171 = %scan3A_133) -> (i32)  : i32 {
        %mul3A_172 = arith.constant 16 : i32
        %mul3A_173 = arith.muli %scan3A_170, %mul3A_172 : i32
        %multiple_of3A_174 = tpu.assume_multiple %mul3A_173, 16 : i32
        %get3A_175 = arith.index_cast %multiple_of3A_174 : i32 to index
        %get3A_176 = tpu.vector_load %arg12[%get3A_175] {strides = array<i32>} : memref<400xi32, #tpu.memory_space<vmem>>, vector<16xi32>,
        %get3A_177 = vector.shape_cast %get3A_176 : vector<16xi32> to vector<16xi32>
        %add3A_178 = vector.broadcast %mul3A_32 : i32 to vector<16xi32>
        %add3A_179 = arith.addi %get3A_177, %add3A_178 : vector<16xi32>
        %swap3A = arith.index_cast %multiple_of3A_174 : i32 to index
        %swap3A_180 = tpu.vector_load %arg14[%swap3A] {strides = array<i32>} : memref<400xi32, #tpu.memory_space<vmem>>, vector<16xi32>,
        %swap3A_181 = vector.shape_cast %swap3A_180 : vector<16xi32> to vector<16xi32>
        %swap3A_182 = vector.shape_cast %add3A_179 : vector<16xi32> to vector<16xi32>
        tpu.vector_store %arg14[%swap3A], %swap3A_182 {strides = array<i32>} : memref<400xi32, #tpu.memory_space<vmem>>, vector<16xi32>,
        %scan3A_183 = arith.constant 0 : i32
        scf.yield %scan3A_183 : i32
      }
      %scan3A_139 = arith.constant 25 : i32
      %dma_start3A_140 = arith.constant 0 : i32
      %dma_start3A_141 = arith.constant 0 : i32
      %dma_start3A_142 = tpu.memref_slice %arg7[%dma_start3A_140, %dma_start3A_141] : memref<204800x16xf32, #tpu.memory_space<hbm>> -> memref<204800x16xf32, #tpu.memory_space<hbm>>
      tpu.enqueue_indirect_dma source(%dma_start3A_142 : memref<204800x16xf32, #tpu.memory_space<hbm>>) target(%arg17 : memref<400x16xf32, #tpu.memory_space<vmem>>) offsets(%arg14 : memref<400xi32, #tpu.memory_space<vmem>>) semaphore(%arg25 : memref<!tpu.dma_semaphore, #tpu.memory_space<semaphore_mem>>)
      %dma_wait3A_143 = arith.constant 0 : i32
      %dma_wait3A_144 = tpu.memref_slice %arg19[%dma_wait3A_143] : memref<102400xf32, #tpu.memory_space<vmem_shared>> -> memref<102400xf32, #tpu.memory_space<vmem_shared>>
      tpu.wait_indirect_dma semaphore(%arg23 : memref<!tpu.dma_semaphore, #tpu.memory_space<semaphore_mem>>) src(%dma_wait3A_144 : memref<102400xf32, #tpu.memory_space<vmem_shared>>) dst(%arg15 : memref<400xf32, #tpu.memory_space<vmem>>)
      %dma_wait3A_145 = arith.constant 0 : i32
      %dma_wait3A_146 = tpu.memref_slice %arg20[%dma_wait3A_145] : memref<102400xf32, #tpu.memory_space<vmem_shared>> -> memref<102400xf32, #tpu.memory_space<vmem_shared>>
      tpu.wait_indirect_dma semaphore(%arg24 : memref<!tpu.dma_semaphore, #tpu.memory_space<semaphore_mem>>) src(%dma_wait3A_146 : memref<102400xf32, #tpu.memory_space<vmem_shared>>) dst(%arg16 : memref<400xf32, #tpu.memory_space<vmem>>)
      %scan3A_147 = arith.constant 0 : i32
      %scan3A_148 = arith.constant 0 : i32
      %scan3A_149 = arith.constant 25 : i32
      %scan3A_150 = arith.addi %scan3A_148, %scan3A_149 : i32
      %scan3A_151 = arith.constant 1 : i32
      %scan3A_152 = scf.for %scan3A_170 = %scan3A_148 to %scan3A_150 step %scan3A_151 iter_args(%scan3A_171 = %scan3A_147) -> (i32)  : i32 {
        %mul3A_172 = arith.constant 16 : i32
        %mul3A_173 = arith.muli %scan3A_170, %mul3A_172 : i32
        %multiple_of3A_174 = tpu.assume_multiple %mul3A_173, 16 : i32
        %get3A_175 = arith.index_cast %multiple_of3A_174 : i32 to index
        %get3A_176 = tpu.vector_load %arg15[%get3A_175] {strides = array<i32>} : memref<400xf32, #tpu.memory_space<vmem>>, vector<16xf32>,
        %get3A_177 = vector.shape_cast %get3A_176 : vector<16xf32> to vector<16xf32>
        %get3A_178 = arith.index_cast %multiple_of3A_174 : i32 to index
        %get3A_179 = tpu.vector_load %arg16[%get3A_178] {strides = array<i32>} : memref<400xf32, #tpu.memory_space<vmem>>, vector<16xf32>,
        %get3A_180 = vector.shape_cast %get3A_179 : vector<16xf32> to vector<16xf32>
        %add3A_181 = arith.addf %get3A_177, %get3A_180 : vector<16xf32>
        %mul3A_182 = arith.constant 2.000000e-01 : f32
        %mul3A_183 = vector.broadcast %mul3A_182 : f32 to vector<16xf32>
        %mul3A_184 = arith.mulf %mul3A_183, %add3A_181 : vector<16xf32>
        %max3A = arith.maximumf %add3A_181, %mul3A_184 : vector<16xf32>
        %add3A_185 = arith.addf %get3A_30, %get3A_180 : vector<16xf32>
        %mul3A_186 = arith.constant 2.000000e-01 : f32
        %mul3A_187 = vector.broadcast %mul3A_186 : f32 to vector<16xf32>
        %mul3A_188 = arith.mulf %mul3A_187, %add3A_185 : vector<16xf32>
        %max3A_189 = arith.maximumf %add3A_185, %mul3A_188 : vector<16xf32>
        %sub3A = arith.subf %max3A, %max3A_189 : vector<16xf32>
        %exp3A = math.exp %sub3A : vector<16xf32>
        %swap3A = arith.index_cast %multiple_of3A_174 : i32 to index
        %swap3A_190 = tpu.vector_load %arg15[%swap3A] {strides = array<i32>} : memref<400xf32, #tpu.memory_space<vmem>>, vector<16xf32>,
        %swap3A_191 = vector.shape_cast %swap3A_190 : vector<16xf32> to vector<16xf32>
        %swap3A_192 = vector.shape_cast %exp3A : vector<16xf32> to vector<16xf32>
        tpu.vector_store %arg15[%swap3A], %swap3A_192 {strides = array<i32>} : memref<400xf32, #tpu.memory_space<vmem>>, vector<16xf32>,
        %scan3A_193 = arith.constant 0 : i32
        scf.yield %scan3A_193 : i32
      }
      %scan3A_153 = arith.constant 25 : i32
      %eq3A_154 = arith.constant 0 : i32
      %eq3A_155 = arith.cmpi eq, %arg0, %eq3A_154 : i32
      %convert_element_type3A_156 = arith.extui %eq3A_155 : i1 to i32
      %cond3A_157 = arith.constant 0 : i32
      %cond3A_158 = arith.cmpi ne, %convert_element_type3A_156, %cond3A_157 : i32
      scf.if %cond3A_158 {
        "tpu.region"() ({
          %run_scoped3A = tpu.sem_alloc : memref<!tpu.dma_semaphore, #tpu.memory_space<semaphore_mem>>
          %dma_start3A_170 = arith.constant 0 : i32
          %dma_start3A_171 = tpu.memref_slice %arg22[%dma_start3A_170] : memref<102400xf32, #tpu.memory_space<vmem_shared>> -> memref<102400xf32, #tpu.memory_space<vmem_shared>>
          tpu.enqueue_indirect_dma source(%arg15 : memref<400xf32, #tpu.memory_space<vmem>>) target(%dma_start3A_171 : memref<102400xf32, #tpu.memory_space<vmem_shared>>) offsets(%arg13 : memref<400xi32, #tpu.memory_space<vmem>>) semaphore(%run_scoped3A : memref<!tpu.dma_semaphore, #tpu.memory_space<semaphore_mem>>) {add = true}
          %dma_wait3A_172 = arith.constant 0 : i32
          %dma_wait3A_173 = tpu.memref_slice %arg22[%dma_wait3A_172] : memref<102400xf32, #tpu.memory_space<vmem_shared>> -> memref<102400xf32, #tpu.memory_space<vmem_shared>>
          tpu.wait_indirect_dma semaphore(%run_scoped3A : memref<!tpu.dma_semaphore, #tpu.memory_space<semaphore_mem>>) src(%arg15 : memref<400xf32, #tpu.memory_space<vmem>>) dst(%dma_wait3A_173 : memref<102400xf32, #tpu.memory_space<vmem_shared>>)
          tpu.yield
        }) : () -> ()
      } else {
      }
      %dma_wait3A_159 = arith.constant 0 : i32
      %dma_wait3A_160 = arith.constant 0 : i32
      %dma_wait3A_161 = tpu.memref_slice %arg7[%dma_wait3A_159, %dma_wait3A_160] : memref<204800x16xf32, #tpu.memory_space<hbm>> -> memref<204800x16xf32, #tpu.memory_space<hbm>>
      tpu.wait_indirect_dma semaphore(%arg25 : memref<!tpu.dma_semaphore, #tpu.memory_space<semaphore_mem>>) src(%dma_wait3A_161 : memref<204800x16xf32, #tpu.memory_space<hbm>>) dst(%arg17 : memref<400x16xf32, #tpu.memory_space<vmem>>)
      %scan3A_162 = arith.constant 0 : i32
      %scan3A_163 = arith.constant 0 : i32
      %scan3A_164 = arith.constant 25 : i32
      %scan3A_165 = arith.addi %scan3A_163, %scan3A_164 : i32
      %scan3A_166 = arith.constant 1 : i32
      %scan3A_167 = scf.for %scan3A_170 = %scan3A_163 to %scan3A_165 step %scan3A_166 iter_args(%scan3A_171 = %scan3A_162) -> (i32)  : i32 {
        %mul3A_172 = arith.constant 16 : i32
        %mul3A_173 = arith.muli %scan3A_170, %mul3A_172 : i32
        %multiple_of3A_174 = tpu.assume_multiple %mul3A_173, 16 : i32
        %get3A_175 = arith.index_cast %multiple_of3A_174 : i32 to index
        %get3A_176 = tpu.vector_load %arg15[%get3A_175] {strides = array<i32>} : memref<400xf32, #tpu.memory_space<vmem>>, vector<16xf32>,
        %get3A_177 = vector.shape_cast %get3A_176 : vector<16xf32> to vector<16xf32>
        %add3A_178 = arith.constant 0 : i32
        %add3A_179 = arith.addi %mul3A_173, %add3A_178 : i32
        %get3A_180 = arith.index_cast %add3A_179 : i32 to index
        %get3A_181 = arith.constant 0 : index
        %get3A_182 = tpu.vector_load %arg17[%get3A_180, %get3A_181] {strides = array<i32>} : memref<400x16xf32, #tpu.memory_space<vmem>>, vector<1x16xf32>,
        %get3A_183 = vector.shape_cast %get3A_182 : vector<1x16xf32> to vector<16xf32>
        %slice3A = vector.extract_strided_slice %get3A_177 {offsets = [0], sizes = [1], strides = [1]} : vector<16xf32> to vector<1xf32>
        %squeeze3A = vector.extract %slice3A[0] : f32 from vector<1xf32>
        %mul3A_184 = vector.broadcast %squeeze3A : f32 to vector<16xf32>
        %mul3A_185 = arith.mulf %get3A_183, %mul3A_184 : vector<16xf32>
        %swap3A = arith.index_cast %add3A_179 : i32 to index
        %swap3A_186 = arith.constant 0 : index
        %swap3A_187 = tpu.vector_load %arg17[%swap3A, %swap3A_186] {strides = array<i32>} : memref<400x16xf32, #tpu.memory_space<vmem>>, vector<1x16xf32>,
        %swap3A_188 = vector.shape_cast %swap3A_187 : vector<1x16xf32> to vector<16xf32>
        %swap3A_189 = vector.shape_cast %mul3A_185 : vector<16xf32> to vector<1x16xf32>
        tpu.vector_store %arg17[%swap3A, %swap3A_186], %swap3A_189 {strides = array<i32>} : memref<400x16xf32, #tpu.memory_space<vmem>>, vector<1x16xf32>,
        %add3A_190 = arith.constant 1 : i32
        %add3A_191 = arith.addi %mul3A_173, %add3A_190 : i32
        %get3A_192 = arith.index_cast %add3A_191 : i32 to index
        %get3A_193 = arith.constant 0 : index
        %get3A_194 = tpu.vector_load %arg17[%get3A_192, %get3A_193] {strides = array<i32>} : memref<400x16xf32, #tpu.memory_space<vmem>>, vector<1x16xf32>,
        %get3A_195 = vector.shape_cast %get3A_194 : vector<1x16xf32> to vector<16xf32>
        %slice3A_196 = vector.extract_strided_slice %get3A_177 {offsets = [1], sizes = [1], strides = [1]} : vector<16xf32> to vector<1xf32>
        %squeeze3A_197 = vector.extract %slice3A_196[0] : f32 from vector<1xf32>
        %mul3A_198 = vector.broadcast %squeeze3A_197 : f32 to vector<16xf32>
        %mul3A_199 = arith.mulf %get3A_195, %mul3A_198 : vector<16xf32>
        %swap3A_200 = arith.index_cast %add3A_191 : i32 to index
        %swap3A_201 = arith.constant 0 : index
        %swap3A_202 = tpu.vector_load %arg17[%swap3A_200, %swap3A_201] {strides = array<i32>} : memref<400x16xf32, #tpu.memory_space<vmem>>, vector<1x16xf32>,
        %swap3A_203 = vector.shape_cast %swap3A_202 : vector<1x16xf32> to vector<16xf32>
        %swap3A_204 = vector.shape_cast %mul3A_199 : vector<16xf32> to vector<1x16xf32>
        tpu.vector_store %arg17[%swap3A_200, %swap3A_201], %swap3A_204 {strides = array<i32>} : memref<400x16xf32, #tpu.memory_space<vmem>>, vector<1x16xf32>,
        %add3A_205 = arith.constant 2 : i32
        %add3A_206 = arith.addi %mul3A_173, %add3A_205 : i32
        %get3A_207 = arith.index_cast %add3A_206 : i32 to index
        %get3A_208 = arith.constant 0 : index
        %get3A_209 = tpu.vector_load %arg17[%get3A_207, %get3A_208] {strides = array<i32>} : memref<400x16xf32, #tpu.memory_space<vmem>>, vector<1x16xf32>,
        %get3A_210 = vector.shape_cast %get3A_209 : vector<1x16xf32> to vector<16xf32>
        %slice3A_211 = vector.extract_strided_slice %get3A_177 {offsets = [2], sizes = [1], strides = [1]} : vector<16xf32> to vector<1xf32>
        %squeeze3A_212 = vector.extract %slice3A_211[0] : f32 from vector<1xf32>
        %mul3A_213 = vector.broadcast %squeeze3A_212 : f32 to vector<16xf32>
        %mul3A_214 = arith.mulf %get3A_210, %mul3A_213 : vector<16xf32>
        %swap3A_215 = arith.index_cast %add3A_206 : i32 to index
        %swap3A_216 = arith.constant 0 : index
        %swap3A_217 = tpu.vector_load %arg17[%swap3A_215, %swap3A_216] {strides = array<i32>} : memref<400x16xf32, #tpu.memory_space<vmem>>, vector<1x16xf32>,
        %swap3A_218 = vector.shape_cast %swap3A_217 : vector<1x16xf32> to vector<16xf32>
        %swap3A_219 = vector.shape_cast %mul3A_214 : vector<16xf32> to vector<1x16xf32>
        tpu.vector_store %arg17[%swap3A_215, %swap3A_216], %swap3A_219 {strides = array<i32>} : memref<400x16xf32, #tpu.memory_space<vmem>>, vector<1x16xf32>,
        %add3A_220 = arith.constant 3 : i32
        %add3A_221 = arith.addi %mul3A_173, %add3A_220 : i32
        %get3A_222 = arith.index_cast %add3A_221 : i32 to index
        %get3A_223 = arith.constant 0 : index
        %get3A_224 = tpu.vector_load %arg17[%get3A_222, %get3A_223] {strides = array<i32>} : memref<400x16xf32, #tpu.memory_space<vmem>>, vector<1x16xf32>,
        %get3A_225 = vector.shape_cast %get3A_224 : vector<1x16xf32> to vector<16xf32>
        %slice3A_226 = vector.extract_strided_slice %get3A_177 {offsets = [3], sizes = [1], strides = [1]} : vector<16xf32> to vector<1xf32>
        %squeeze3A_227 = vector.extract %slice3A_226[0] : f32 from vector<1xf32>
        %mul3A_228 = vector.broadcast %squeeze3A_227 : f32 to vector<16xf32>
        %mul3A_229 = arith.mulf %get3A_225, %mul3A_228 : vector<16xf32>
        %swap3A_230 = arith.index_cast %add3A_221 : i32 to index
        %swap3A_231 = arith.constant 0 : index
        %swap3A_232 = tpu.vector_load %arg17[%swap3A_230, %swap3A_231] {strides = array<i32>} : memref<400x16xf32, #tpu.memory_space<vmem>>, vector<1x16xf32>,
        %swap3A_233 = vector.shape_cast %swap3A_232 : vector<1x16xf32> to vector<16xf32>
        %swap3A_234 = vector.shape_cast %mul3A_229 : vector<16xf32> to vector<1x16xf32>
        tpu.vector_store %arg17[%swap3A_230, %swap3A_231], %swap3A_234 {strides = array<i32>} : memref<400x16xf32, #tpu.memory_space<vmem>>, vector<1x16xf32>,
        %add3A_235 = arith.constant 4 : i32
        %add3A_236 = arith.addi %mul3A_173, %add3A_235 : i32
        %get3A_237 = arith.index_cast %add3A_236 : i32 to index
        %get3A_238 = arith.constant 0 : index
        %get3A_239 = tpu.vector_load %arg17[%get3A_237, %get3A_238] {strides = array<i32>} : memref<400x16xf32, #tpu.memory_space<vmem>>, vector<1x16xf32>,
        %get3A_240 = vector.shape_cast %get3A_239 : vector<1x16xf32> to vector<16xf32>
        %slice3A_241 = vector.extract_strided_slice %get3A_177 {offsets = [4], sizes = [1], strides = [1]} : vector<16xf32> to vector<1xf32>
        %squeeze3A_242 = vector.extract %slice3A_241[0] : f32 from vector<1xf32>
        %mul3A_243 = vector.broadcast %squeeze3A_242 : f32 to vector<16xf32>
        %mul3A_244 = arith.mulf %get3A_240, %mul3A_243 : vector<16xf32>
        %swap3A_245 = arith.index_cast %add3A_236 : i32 to index
        %swap3A_246 = arith.constant 0 : index
        %swap3A_247 = tpu.vector_load %arg17[%swap3A_245, %swap3A_246] {strides = array<i32>} : memref<400x16xf32, #tpu.memory_space<vmem>>, vector<1x16xf32>,
        %swap3A_248 = vector.shape_cast %swap3A_247 : vector<1x16xf32> to vector<16xf32>
        %swap3A_249 = vector.shape_cast %mul3A_244 : vector<16xf32> to vector<1x16xf32>
        tpu.vector_store %arg17[%swap3A_245, %swap3A_246], %swap3A_249 {strides = array<i32>} : memref<400x16xf32, #tpu.memory_space<vmem>>, vector<1x16xf32>,
        %add3A_250 = arith.constant 5 : i32
        %add3A_251 = arith.addi %mul3A_173, %add3A_250 : i32
        %get3A_252 = arith.index_cast %add3A_251 : i32 to index
        %get3A_253 = arith.constant 0 : index
        %get3A_254 = tpu.vector_load %arg17[%get3A_252, %get3A_253] {strides = array<i32>} : memref<400x16xf32, #tpu.memory_space<vmem>>, vector<1x16xf32>,
        %get3A_255 = vector.shape_cast %get3A_254 : vector<1x16xf32> to vector<16xf32>
        %slice3A_256 = vector.extract_strided_slice %get3A_177 {offsets = [5], sizes = [1], strides = [1]} : vector<16xf32> to vector<1xf32>
        %squeeze3A_257 = vector.extract %slice3A_256[0] : f32 from vector<1xf32>
        %mul3A_258 = vector.broadcast %squeeze3A_257 : f32 to vector<16xf32>
        %mul3A_259 = arith.mulf %get3A_255, %mul3A_258 : vector<16xf32>
        %swap3A_260 = arith.index_cast %add3A_251 : i32 to index
        %swap3A_261 = arith.constant 0 : index
        %swap3A_262 = tpu.vector_load %arg17[%swap3A_260, %swap3A_261] {strides = array<i32>} : memref<400x16xf32, #tpu.memory_space<vmem>>, vector<1x16xf32>,
        %swap3A_263 = vector.shape_cast %swap3A_262 : vector<1x16xf32> to vector<16xf32>
        %swap3A_264 = vector.shape_cast %mul3A_259 : vector<16xf32> to vector<1x16xf32>
        tpu.vector_store %arg17[%swap3A_260, %swap3A_261], %swap3A_264 {strides = array<i32>} : memref<400x16xf32, #tpu.memory_space<vmem>>, vector<1x16xf32>,
        %add3A_265 = arith.constant 6 : i32
        %add3A_266 = arith.addi %mul3A_173, %add3A_265 : i32
        %get3A_267 = arith.index_cast %add3A_266 : i32 to index
        %get3A_268 = arith.constant 0 : index
        %get3A_269 = tpu.vector_load %arg17[%get3A_267, %get3A_268] {strides = array<i32>} : memref<400x16xf32, #tpu.memory_space<vmem>>, vector<1x16xf32>,
        %get3A_270 = vector.shape_cast %get3A_269 : vector<1x16xf32> to vector<16xf32>
        %slice3A_271 = vector.extract_strided_slice %get3A_177 {offsets = [6], sizes = [1], strides = [1]} : vector<16xf32> to vector<1xf32>
        %squeeze3A_272 = vector.extract %slice3A_271[0] : f32 from vector<1xf32>
        %mul3A_273 = vector.broadcast %squeeze3A_272 : f32 to vector<16xf32>
        %mul3A_274 = arith.mulf %get3A_270, %mul3A_273 : vector<16xf32>
        %swap3A_275 = arith.index_cast %add3A_266 : i32 to index
        %swap3A_276 = arith.constant 0 : index
        %swap3A_277 = tpu.vector_load %arg17[%swap3A_275, %swap3A_276] {strides = array<i32>} : memref<400x16xf32, #tpu.memory_space<vmem>>, vector<1x16xf32>,
        %swap3A_278 = vector.shape_cast %swap3A_277 : vector<1x16xf32> to vector<16xf32>
        %swap3A_279 = vector.shape_cast %mul3A_274 : vector<16xf32> to vector<1x16xf32>
        tpu.vector_store %arg17[%swap3A_275, %swap3A_276], %swap3A_279 {strides = array<i32>} : memref<400x16xf32, #tpu.memory_space<vmem>>, vector<1x16xf32>,
        %add3A_280 = arith.constant 7 : i32
        %add3A_281 = arith.addi %mul3A_173, %add3A_280 : i32
        %get3A_282 = arith.index_cast %add3A_281 : i32 to index
        %get3A_283 = arith.constant 0 : index
        %get3A_284 = tpu.vector_load %arg17[%get3A_282, %get3A_283] {strides = array<i32>} : memref<400x16xf32, #tpu.memory_space<vmem>>, vector<1x16xf32>,
        %get3A_285 = vector.shape_cast %get3A_284 : vector<1x16xf32> to vector<16xf32>
        %slice3A_286 = vector.extract_strided_slice %get3A_177 {offsets = [7], sizes = [1], strides = [1]} : vector<16xf32> to vector<1xf32>
        %squeeze3A_287 = vector.extract %slice3A_286[0] : f32 from vector<1xf32>
        %mul3A_288 = vector.broadcast %squeeze3A_287 : f32 to vector<16xf32>
        %mul3A_289 = arith.mulf %get3A_285, %mul3A_288 : vector<16xf32>
        %swap3A_290 = arith.index_cast %add3A_281 : i32 to index
        %swap3A_291 = arith.constant 0 : index
        %swap3A_292 = tpu.vector_load %arg17[%swap3A_290, %swap3A_291] {strides = array<i32>} : memref<400x16xf32, #tpu.memory_space<vmem>>, vector<1x16xf32>,
        %swap3A_293 = vector.shape_cast %swap3A_292 : vector<1x16xf32> to vector<16xf32>
        %swap3A_294 = vector.shape_cast %mul3A_289 : vector<16xf32> to vector<1x16xf32>
        tpu.vector_store %arg17[%swap3A_290, %swap3A_291], %swap3A_294 {strides = array<i32>} : memref<400x16xf32, #tpu.memory_space<vmem>>, vector<1x16xf32>,
        %add3A_295 = arith.constant 8 : i32
        %add3A_296 = arith.addi %mul3A_173, %add3A_295 : i32
        %get3A_297 = arith.index_cast %add3A_296 : i32 to index
        %get3A_298 = arith.constant 0 : index
        %get3A_299 = tpu.vector_load %arg17[%get3A_297, %get3A_298] {strides = array<i32>} : memref<400x16xf32, #tpu.memory_space<vmem>>, vector<1x16xf32>,
        %get3A_300 = vector.shape_cast %get3A_299 : vector<1x16xf32> to vector<16xf32>
        %slice3A_301 = vector.extract_strided_slice %get3A_177 {offsets = [8], sizes = [1], strides = [1]} : vector<16xf32> to vector<1xf32>
        %squeeze3A_302 = vector.extract %slice3A_301[0] : f32 from vector<1xf32>
        %mul3A_303 = vector.broadcast %squeeze3A_302 : f32 to vector<16xf32>
        %mul3A_304 = arith.mulf %get3A_300, %mul3A_303 : vector<16xf32>
        %swap3A_305 = arith.index_cast %add3A_296 : i32 to index
        %swap3A_306 = arith.constant 0 : index
        %swap3A_307 = tpu.vector_load %arg17[%swap3A_305, %swap3A_306] {strides = array<i32>} : memref<400x16xf32, #tpu.memory_space<vmem>>, vector<1x16xf32>,
        %swap3A_308 = vector.shape_cast %swap3A_307 : vector<1x16xf32> to vector<16xf32>
        %swap3A_309 = vector.shape_cast %mul3A_304 : vector<16xf32> to vector<1x16xf32>
        tpu.vector_store %arg17[%swap3A_305, %swap3A_306], %swap3A_309 {strides = array<i32>} : memref<400x16xf32, #tpu.memory_space<vmem>>, vector<1x16xf32>,
        %add3A_310 = arith.constant 9 : i32
        %add3A_311 = arith.addi %mul3A_173, %add3A_310 : i32
        %get3A_312 = arith.index_cast %add3A_311 : i32 to index
        %get3A_313 = arith.constant 0 : index
        %get3A_314 = tpu.vector_load %arg17[%get3A_312, %get3A_313] {strides = array<i32>} : memref<400x16xf32, #tpu.memory_space<vmem>>, vector<1x16xf32>,
        %get3A_315 = vector.shape_cast %get3A_314 : vector<1x16xf32> to vector<16xf32>
        %slice3A_316 = vector.extract_strided_slice %get3A_177 {offsets = [9], sizes = [1], strides = [1]} : vector<16xf32> to vector<1xf32>
        %squeeze3A_317 = vector.extract %slice3A_316[0] : f32 from vector<1xf32>
        %mul3A_318 = vector.broadcast %squeeze3A_317 : f32 to vector<16xf32>
        %mul3A_319 = arith.mulf %get3A_315, %mul3A_318 : vector<16xf32>
        %swap3A_320 = arith.index_cast %add3A_311 : i32 to index
        %swap3A_321 = arith.constant 0 : index
        %swap3A_322 = tpu.vector_load %arg17[%swap3A_320, %swap3A_321] {strides = array<i32>} : memref<400x16xf32, #tpu.memory_space<vmem>>, vector<1x16xf32>,
        %swap3A_323 = vector.shape_cast %swap3A_322 : vector<1x16xf32> to vector<16xf32>
        %swap3A_324 = vector.shape_cast %mul3A_319 : vector<16xf32> to vector<1x16xf32>
        tpu.vector_store %arg17[%swap3A_320, %swap3A_321], %swap3A_324 {strides = array<i32>} : memref<400x16xf32, #tpu.memory_space<vmem>>, vector<1x16xf32>,
        %add3A_325 = arith.constant 10 : i32
        %add3A_326 = arith.addi %mul3A_173, %add3A_325 : i32
        %get3A_327 = arith.index_cast %add3A_326 : i32 to index
        %get3A_328 = arith.constant 0 : index
        %get3A_329 = tpu.vector_load %arg17[%get3A_327, %get3A_328] {strides = array<i32>} : memref<400x16xf32, #tpu.memory_space<vmem>>, vector<1x16xf32>,
        %get3A_330 = vector.shape_cast %get3A_329 : vector<1x16xf32> to vector<16xf32>
        %slice3A_331 = vector.extract_strided_slice %get3A_177 {offsets = [10], sizes = [1], strides = [1]} : vector<16xf32> to vector<1xf32>
        %squeeze3A_332 = vector.extract %slice3A_331[0] : f32 from vector<1xf32>
        %mul3A_333 = vector.broadcast %squeeze3A_332 : f32 to vector<16xf32>
        %mul3A_334 = arith.mulf %get3A_330, %mul3A_333 : vector<16xf32>
        %swap3A_335 = arith.index_cast %add3A_326 : i32 to index
        %swap3A_336 = arith.constant 0 : index
        %swap3A_337 = tpu.vector_load %arg17[%swap3A_335, %swap3A_336] {strides = array<i32>} : memref<400x16xf32, #tpu.memory_space<vmem>>, vector<1x16xf32>,
        %swap3A_338 = vector.shape_cast %swap3A_337 : vector<1x16xf32> to vector<16xf32>
        %swap3A_339 = vector.shape_cast %mul3A_334 : vector<16xf32> to vector<1x16xf32>
        tpu.vector_store %arg17[%swap3A_335, %swap3A_336], %swap3A_339 {strides = array<i32>} : memref<400x16xf32, #tpu.memory_space<vmem>>, vector<1x16xf32>,
        %add3A_340 = arith.constant 11 : i32
        %add3A_341 = arith.addi %mul3A_173, %add3A_340 : i32
        %get3A_342 = arith.index_cast %add3A_341 : i32 to index
        %get3A_343 = arith.constant 0 : index
        %get3A_344 = tpu.vector_load %arg17[%get3A_342, %get3A_343] {strides = array<i32>} : memref<400x16xf32, #tpu.memory_space<vmem>>, vector<1x16xf32>,
        %get3A_345 = vector.shape_cast %get3A_344 : vector<1x16xf32> to vector<16xf32>
        %slice3A_346 = vector.extract_strided_slice %get3A_177 {offsets = [11], sizes = [1], strides = [1]} : vector<16xf32> to vector<1xf32>
        %squeeze3A_347 = vector.extract %slice3A_346[0] : f32 from vector<1xf32>
        %mul3A_348 = vector.broadcast %squeeze3A_347 : f32 to vector<16xf32>
        %mul3A_349 = arith.mulf %get3A_345, %mul3A_348 : vector<16xf32>
        %swap3A_350 = arith.index_cast %add3A_341 : i32 to index
        %swap3A_351 = arith.constant 0 : index
        %swap3A_352 = tpu.vector_load %arg17[%swap3A_350, %swap3A_351] {strides = array<i32>} : memref<400x16xf32, #tpu.memory_space<vmem>>, vector<1x16xf32>,
        %swap3A_353 = vector.shape_cast %swap3A_352 : vector<1x16xf32> to vector<16xf32>
        %swap3A_354 = vector.shape_cast %mul3A_349 : vector<16xf32> to vector<1x16xf32>
        tpu.vector_store %arg17[%swap3A_350, %swap3A_351], %swap3A_354 {strides = array<i32>} : memref<400x16xf32, #tpu.memory_space<vmem>>, vector<1x16xf32>,
        %add3A_355 = arith.constant 12 : i32
        %add3A_356 = arith.addi %mul3A_173, %add3A_355 : i32
        %get3A_357 = arith.index_cast %add3A_356 : i32 to index
        %get3A_358 = arith.constant 0 : index
        %get3A_359 = tpu.vector_load %arg17[%get3A_357, %get3A_358] {strides = array<i32>} : memref<400x16xf32, #tpu.memory_space<vmem>>, vector<1x16xf32>,
        %get3A_360 = vector.shape_cast %get3A_359 : vector<1x16xf32> to vector<16xf32>
        %slice3A_361 = vector.extract_strided_slice %get3A_177 {offsets = [12], sizes = [1], strides = [1]} : vector<16xf32> to vector<1xf32>
        %squeeze3A_362 = vector.extract %slice3A_361[0] : f32 from vector<1xf32>
        %mul3A_363 = vector.broadcast %squeeze3A_362 : f32 to vector<16xf32>
        %mul3A_364 = arith.mulf %get3A_360, %mul3A_363 : vector<16xf32>
        %swap3A_365 = arith.index_cast %add3A_356 : i32 to index
        %swap3A_366 = arith.constant 0 : index
        %swap3A_367 = tpu.vector_load %arg17[%swap3A_365, %swap3A_366] {strides = array<i32>} : memref<400x16xf32, #tpu.memory_space<vmem>>, vector<1x16xf32>,
        %swap3A_368 = vector.shape_cast %swap3A_367 : vector<1x16xf32> to vector<16xf32>
        %swap3A_369 = vector.shape_cast %mul3A_364 : vector<16xf32> to vector<1x16xf32>
        tpu.vector_store %arg17[%swap3A_365, %swap3A_366], %swap3A_369 {strides = array<i32>} : memref<400x16xf32, #tpu.memory_space<vmem>>, vector<1x16xf32>,
        %add3A_370 = arith.constant 13 : i32
        %add3A_371 = arith.addi %mul3A_173, %add3A_370 : i32
        %get3A_372 = arith.index_cast %add3A_371 : i32 to index
        %get3A_373 = arith.constant 0 : index
        %get3A_374 = tpu.vector_load %arg17[%get3A_372, %get3A_373] {strides = array<i32>} : memref<400x16xf32, #tpu.memory_space<vmem>>, vector<1x16xf32>,
        %get3A_375 = vector.shape_cast %get3A_374 : vector<1x16xf32> to vector<16xf32>
        %slice3A_376 = vector.extract_strided_slice %get3A_177 {offsets = [13], sizes = [1], strides = [1]} : vector<16xf32> to vector<1xf32>
        %squeeze3A_377 = vector.extract %slice3A_376[0] : f32 from vector<1xf32>
        %mul3A_378 = vector.broadcast %squeeze3A_377 : f32 to vector<16xf32>
        %mul3A_379 = arith.mulf %get3A_375, %mul3A_378 : vector<16xf32>
        %swap3A_380 = arith.index_cast %add3A_371 : i32 to index
        %swap3A_381 = arith.constant 0 : index
        %swap3A_382 = tpu.vector_load %arg17[%swap3A_380, %swap3A_381] {strides = array<i32>} : memref<400x16xf32, #tpu.memory_space<vmem>>, vector<1x16xf32>,
        %swap3A_383 = vector.shape_cast %swap3A_382 : vector<1x16xf32> to vector<16xf32>
        %swap3A_384 = vector.shape_cast %mul3A_379 : vector<16xf32> to vector<1x16xf32>
        tpu.vector_store %arg17[%swap3A_380, %swap3A_381], %swap3A_384 {strides = array<i32>} : memref<400x16xf32, #tpu.memory_space<vmem>>, vector<1x16xf32>,
        %add3A_385 = arith.constant 14 : i32
        %add3A_386 = arith.addi %mul3A_173, %add3A_385 : i32
        %get3A_387 = arith.index_cast %add3A_386 : i32 to index
        %get3A_388 = arith.constant 0 : index
        %get3A_389 = tpu.vector_load %arg17[%get3A_387, %get3A_388] {strides = array<i32>} : memref<400x16xf32, #tpu.memory_space<vmem>>, vector<1x16xf32>,
        %get3A_390 = vector.shape_cast %get3A_389 : vector<1x16xf32> to vector<16xf32>
        %slice3A_391 = vector.extract_strided_slice %get3A_177 {offsets = [14], sizes = [1], strides = [1]} : vector<16xf32> to vector<1xf32>
        %squeeze3A_392 = vector.extract %slice3A_391[0] : f32 from vector<1xf32>
        %mul3A_393 = vector.broadcast %squeeze3A_392 : f32 to vector<16xf32>
        %mul3A_394 = arith.mulf %get3A_390, %mul3A_393 : vector<16xf32>
        %swap3A_395 = arith.index_cast %add3A_386 : i32 to index
        %swap3A_396 = arith.constant 0 : index
        %swap3A_397 = tpu.vector_load %arg17[%swap3A_395, %swap3A_396] {strides = array<i32>} : memref<400x16xf32, #tpu.memory_space<vmem>>, vector<1x16xf32>,
        %swap3A_398 = vector.shape_cast %swap3A_397 : vector<1x16xf32> to vector<16xf32>
        %swap3A_399 = vector.shape_cast %mul3A_394 : vector<16xf32> to vector<1x16xf32>
        tpu.vector_store %arg17[%swap3A_395, %swap3A_396], %swap3A_399 {strides = array<i32>} : memref<400x16xf32, #tpu.memory_space<vmem>>, vector<1x16xf32>,
        %add3A_400 = arith.constant 15 : i32
        %add3A_401 = arith.addi %mul3A_173, %add3A_400 : i32
        %get3A_402 = arith.index_cast %add3A_401 : i32 to index
        %get3A_403 = arith.constant 0 : index
        %get3A_404 = tpu.vector_load %arg17[%get3A_402, %get3A_403] {strides = array<i32>} : memref<400x16xf32, #tpu.memory_space<vmem>>, vector<1x16xf32>,
        %get3A_405 = vector.shape_cast %get3A_404 : vector<1x16xf32> to vector<16xf32>
        %slice3A_406 = vector.extract_strided_slice %get3A_177 {offsets = [15], sizes = [1], strides = [1]} : vector<16xf32> to vector<1xf32>
        %squeeze3A_407 = vector.extract %slice3A_406[0] : f32 from vector<1xf32>
        %mul3A_408 = vector.broadcast %squeeze3A_407 : f32 to vector<16xf32>
        %mul3A_409 = arith.mulf %get3A_405, %mul3A_408 : vector<16xf32>
        %swap3A_410 = arith.index_cast %add3A_401 : i32 to index
        %swap3A_411 = arith.constant 0 : index
        %swap3A_412 = tpu.vector_load %arg17[%swap3A_410, %swap3A_411] {strides = array<i32>} : memref<400x16xf32, #tpu.memory_space<vmem>>, vector<1x16xf32>,
        %swap3A_413 = vector.shape_cast %swap3A_412 : vector<1x16xf32> to vector<16xf32>
        %swap3A_414 = vector.shape_cast %mul3A_409 : vector<16xf32> to vector<1x16xf32>
        tpu.vector_store %arg17[%swap3A_410, %swap3A_411], %swap3A_414 {strides = array<i32>} : memref<400x16xf32, #tpu.memory_space<vmem>>, vector<1x16xf32>,
        %scan3A_415 = arith.constant 0 : i32
        scf.yield %scan3A_415 : i32
      }
      %scan3A_168 = arith.constant 25 : i32
      "tpu.region"() ({
        %run_scoped3A = tpu.sem_alloc : memref<!tpu.dma_semaphore, #tpu.memory_space<semaphore_mem>>
        %dma_start3A_170 = arith.constant 0 : i32
        %dma_start3A_171 = arith.constant 0 : i32
        %dma_start3A_172 = tpu.memref_slice %arg21[%dma_start3A_170, %dma_start3A_171] : memref<102400x16xf32, #tpu.memory_space<vmem_shared>> -> memref<102400x16xf32, #tpu.memory_space<vmem_shared>>
        tpu.enqueue_indirect_dma source(%arg17 : memref<400x16xf32, #tpu.memory_space<vmem>>) target(%dma_start3A_172 : memref<102400x16xf32, #tpu.memory_space<vmem_shared>>) offsets(%arg13 : memref<400xi32, #tpu.memory_space<vmem>>) semaphore(%run_scoped3A : memref<!tpu.dma_semaphore, #tpu.memory_space<semaphore_mem>>) {add = true}
        %dma_wait3A_173 = arith.constant 0 : i32
        %dma_wait3A_174 = arith.constant 0 : i32
        %dma_wait3A_175 = tpu.memref_slice %arg21[%dma_wait3A_173, %dma_wait3A_174] : memref<102400x16xf32, #tpu.memory_space<vmem_shared>> -> memref<102400x16xf32, #tpu.memory_space<vmem_shared>>
        tpu.wait_indirect_dma semaphore(%run_scoped3A : memref<!tpu.dma_semaphore, #tpu.memory_space<semaphore_mem>>) src(%arg17 : memref<400x16xf32, #tpu.memory_space<vmem>>) dst(%dma_wait3A_175 : memref<102400x16xf32, #tpu.memory_space<vmem_shared>>)
        tpu.yield
      }) : () -> ()
      %scan3A_169 = arith.constant 0 : i32
      scf.yield %scan3A_169 : i32
    }
    %scan3A_44 = arith.constant 250 : i32
    %barrier3A_45 = arith.constant 0 : index
    tpu.barrier barrier_id(%barrier3A_45)
    %scan3A_46 = arith.constant 0 : i32
    %scan3A_47 = arith.constant 0 : i32
    %scan3A_48 = arith.constant 16 : i32
    %scan3A_49 = arith.addi %scan3A_47, %scan3A_48 : i32
    %scan3A_50 = arith.constant 1 : i32
    %scan3A_51 = scf.for %scan3A_55 = %scan3A_47 to %scan3A_49 step %scan3A_50 iter_args(%scan3A_56 = %scan3A_46) -> (i32)  : i32 {
      %mul3A_57 = arith.constant 400 : i32
      %mul3A_58 = arith.muli %scan3A_55, %mul3A_57 : i32
      %add3A = arith.addi %mul3A_0, %mul3A_58 : i32
      "tpu.region"() ({
        %run_scoped3A = tpu.sem_alloc : memref<!tpu.dma_semaphore, #tpu.memory_space<semaphore_mem>>
        %dma_start3A_61 = arith.constant 0 : i32
        %dma_start3A_62 = tpu.memref_slice %arg21[%add3A, %dma_start3A_61] : memref<102400x16xf32, #tpu.memory_space<vmem_shared>> -> memref<400x16xf32, #tpu.memory_space<vmem_shared>>
        %dma_start3A_63 = arith.constant 0 : i32
        %dma_start3A_64 = tpu.memref_slice %arg21[%add3A, %dma_start3A_63] : memref<102400x16xf32, #tpu.memory_space<vmem_shared>> -> memref<400x16xf32, #tpu.memory_space<vmem_shared>>
        tpu.enqueue_dma source(%dma_start3A_64 : memref<400x16xf32, #tpu.memory_space<vmem_shared>>) target(%arg17 : memref<400x16xf32, #tpu.memory_space<vmem>>) target_semaphore(%run_scoped3A : memref<!tpu.dma_semaphore, #tpu.memory_space<semaphore_mem>>)
        %dma_wait3A = arith.constant 0 : i32
        %dma_wait3A_65 = tpu.memref_slice %arg21[%add3A, %dma_wait3A] : memref<102400x16xf32, #tpu.memory_space<vmem_shared>> -> memref<400x16xf32, #tpu.memory_space<vmem_shared>>
        %dma_wait3A_66 = arith.constant 0 : i32
        %dma_wait3A_67 = tpu.memref_slice %arg21[%add3A, %dma_wait3A_66] : memref<102400x16xf32, #tpu.memory_space<vmem_shared>> -> memref<400x16xf32, #tpu.memory_space<vmem_shared>>
        tpu.wait_dma2 semaphore(%run_scoped3A : memref<!tpu.dma_semaphore, #tpu.memory_space<semaphore_mem>>) src(%dma_wait3A_67 : memref<400x16xf32, #tpu.memory_space<vmem_shared>>) dst(%arg17 : memref<400x16xf32, #tpu.memory_space<vmem>>)
        tpu.yield
      }) : () -> ()
      %add3A_59 = arith.addi %mul3A_32, %add3A : i32
      "tpu.region"() ({
        %run_scoped3A = tpu.sem_alloc : memref<!tpu.dma_semaphore, #tpu.memory_space<semaphore_mem>>
        %dma_start3A_61 = arith.constant 0 : i32
        %dma_start3A_62 = tpu.memref_slice %arg8[%add3A_59, %dma_start3A_61] : memref<204800x16xf32, #tpu.memory_space<hbm>> -> memref<400x16xf32, #tpu.memory_space<hbm>>
        %dma_start3A_63 = arith.constant 0 : i32
        %dma_start3A_64 = tpu.memref_slice %arg8[%add3A_59, %dma_start3A_63] : memref<204800x16xf32, #tpu.memory_space<hbm>> -> memref<400x16xf32, #tpu.memory_space<hbm>>
        tpu.enqueue_dma source(%arg17 : memref<400x16xf32, #tpu.memory_space<vmem>>) target(%dma_start3A_64 : memref<400x16xf32, #tpu.memory_space<hbm>>) target_semaphore(%run_scoped3A : memref<!tpu.dma_semaphore, #tpu.memory_space<semaphore_mem>>)
        %dma_wait3A = arith.constant 0 : i32
        %dma_wait3A_65 = tpu.memref_slice %arg8[%add3A_59, %dma_wait3A] : memref<204800x16xf32, #tpu.memory_space<hbm>> -> memref<400x16xf32, #tpu.memory_space<hbm>>
        %dma_wait3A_66 = arith.constant 0 : i32
        %dma_wait3A_67 = tpu.memref_slice %arg8[%add3A_59, %dma_wait3A_66] : memref<204800x16xf32, #tpu.memory_space<hbm>> -> memref<400x16xf32, #tpu.memory_space<hbm>>
        tpu.wait_dma2 semaphore(%run_scoped3A : memref<!tpu.dma_semaphore, #tpu.memory_space<semaphore_mem>>) src(%arg17 : memref<400x16xf32, #tpu.memory_space<vmem>>) dst(%dma_wait3A_67 : memref<400x16xf32, #tpu.memory_space<hbm>>)
        tpu.yield
      }) : () -> ()
      %scan3A_60 = arith.constant 0 : i32
      scf.yield %scan3A_60 : i32
    }
    %scan3A_52 = arith.constant 16 : i32
    %eq3A = arith.constant 0 : i32
    %eq3A_53 = arith.cmpi eq, %arg0, %eq3A : i32
    %convert_element_type3A = arith.extui %eq3A_53 : i1 to i32
    %cond3A = arith.constant 0 : i32
    %cond3A_54 = arith.cmpi ne, %convert_element_type3A, %cond3A : i32
    scf.if %cond3A_54 {
      %scan3A_55 = arith.constant 0 : i32
      %scan3A_56 = arith.constant 0 : i32
      %scan3A_57 = arith.constant 16 : i32
      %scan3A_58 = arith.addi %scan3A_56, %scan3A_57 : i32
      %scan3A_59 = arith.constant 1 : i32
      %scan3A_60 = scf.for %scan3A_62 = %scan3A_56 to %scan3A_58 step %scan3A_59 iter_args(%scan3A_63 = %scan3A_55) -> (i32)  : i32 {
        %mul3A_64 = arith.constant 400 : i32
        %mul3A_65 = arith.muli %scan3A_62, %mul3A_64 : i32
        %add3A = arith.addi %mul3A_0, %mul3A_65 : i32
        "tpu.region"() ({
          %run_scoped3A = tpu.sem_alloc : memref<!tpu.dma_semaphore, #tpu.memory_space<semaphore_mem>>
          %dma_start3A_67 = tpu.memref_slice %arg22[%add3A] : memref<102400xf32, #tpu.memory_space<vmem_shared>> -> memref<400xf32, #tpu.memory_space<vmem_shared>>
          %dma_start3A_68 = tpu.memref_slice %arg22[%add3A] : memref<102400xf32, #tpu.memory_space<vmem_shared>> -> memref<400xf32, #tpu.memory_space<vmem_shared>>
          tpu.enqueue_dma source(%dma_start3A_68 : memref<400xf32, #tpu.memory_space<vmem_shared>>) target(%arg15 : memref<400xf32, #tpu.memory_space<vmem>>) target_semaphore(%run_scoped3A : memref<!tpu.dma_semaphore, #tpu.memory_space<semaphore_mem>>)
          %dma_wait3A = tpu.memref_slice %arg22[%add3A] : memref<102400xf32, #tpu.memory_space<vmem_shared>> -> memref<400xf32, #tpu.memory_space<vmem_shared>>
          %dma_wait3A_69 = tpu.memref_slice %arg22[%add3A] : memref<102400xf32, #tpu.memory_space<vmem_shared>> -> memref<400xf32, #tpu.memory_space<vmem_shared>>
          tpu.wait_dma2 semaphore(%run_scoped3A : memref<!tpu.dma_semaphore, #tpu.memory_space<semaphore_mem>>) src(%dma_wait3A_69 : memref<400xf32, #tpu.memory_space<vmem_shared>>) dst(%arg15 : memref<400xf32, #tpu.memory_space<vmem>>)
          tpu.yield
        }) : () -> ()
        "tpu.region"() ({
          %run_scoped3A = tpu.sem_alloc : memref<!tpu.dma_semaphore, #tpu.memory_space<semaphore_mem>>
          %dma_start3A_67 = tpu.memref_slice %arg9[%add3A] : memref<102400xf32, #tpu.memory_space<hbm>> -> memref<400xf32, #tpu.memory_space<hbm>>
          %dma_start3A_68 = tpu.memref_slice %arg9[%add3A] : memref<102400xf32, #tpu.memory_space<hbm>> -> memref<400xf32, #tpu.memory_space<hbm>>
          tpu.enqueue_dma source(%arg15 : memref<400xf32, #tpu.memory_space<vmem>>) target(%dma_start3A_68 : memref<400xf32, #tpu.memory_space<hbm>>) target_semaphore(%run_scoped3A : memref<!tpu.dma_semaphore, #tpu.memory_space<semaphore_mem>>)
          %dma_wait3A = tpu.memref_slice %arg9[%add3A] : memref<102400xf32, #tpu.memory_space<hbm>> -> memref<400xf32, #tpu.memory_space<hbm>>
          %dma_wait3A_69 = tpu.memref_slice %arg9[%add3A] : memref<102400xf32, #tpu.memory_space<hbm>> -> memref<400xf32, #tpu.memory_space<hbm>>
          tpu.wait_dma2 semaphore(%run_scoped3A : memref<!tpu.dma_semaphore, #tpu.memory_space<semaphore_mem>>) src(%arg15 : memref<400xf32, #tpu.memory_space<vmem>>) dst(%dma_wait3A_69 : memref<400xf32, #tpu.memory_space<hbm>>)
          tpu.yield
        }) : () -> ()
        %scan3A_66 = arith.constant 0 : i32
        scf.yield %scan3A_66 : i32
      }
      %scan3A_61 = arith.constant 16 : i32
    } else {
    }
    return
  }
}

module attributes {stable_mosaic.version = 14 : i64} {
  func.func @_k1_body(%arg0: i32, %arg1: memref<2048x1xf32, #tpu.memory_space<vmem>>, %arg2: memref<1x32xf32, #tpu.memory_space<vmem>>, %arg3: memref<1x32xf32, #tpu.memory_space<vmem>>, %arg4: memref<32x32xf32, #tpu.memory_space<vmem>>, %arg5: memref<1x32xf32, #tpu.memory_space<vmem>>, %arg6: memref<32x32xf32, #tpu.memory_space<vmem>>, %arg7: memref<1x32xf32, #tpu.memory_space<vmem>>, %arg8: memref<1x32xf32, #tpu.memory_space<vmem>>, %arg9: memref<1x32xf32, #tpu.memory_space<vmem>>, %arg10: memref<2x2048x16xf32, #tpu.memory_space<vmem>>, %arg11: memref<2x1x1x2048xf32, #tpu.memory_space<vmem>>, %arg12: memref<1x1xf32, #tpu.memory_space<smem>>) attributes {dimension_semantics = [#tpu.dimension_semantics<arbitrary>], iteration_bounds = array<i64: 50>, scalar_prefetch = 0 : i64, scratch_operands = 0 : i64, tpu.core_type = #tpu.core_type<tc>, window_params = [{transform_indices = @transform_0, window_bounds = array<i64: 2048, 1>}, {pipeline_mode = #tpu.pipeline_mode<synchronous>, transform_indices = @transform_1, window_bounds = array<i64: 1, 32>}, {pipeline_mode = #tpu.pipeline_mode<synchronous>, transform_indices = @transform_2, window_bounds = array<i64: 1, 32>}, {pipeline_mode = #tpu.pipeline_mode<synchronous>, transform_indices = @transform_3, window_bounds = array<i64: 32, 32>}, {pipeline_mode = #tpu.pipeline_mode<synchronous>, transform_indices = @transform_4, window_bounds = array<i64: 1, 32>}, {pipeline_mode = #tpu.pipeline_mode<synchronous>, transform_indices = @transform_5, window_bounds = array<i64: 32, 32>}, {pipeline_mode = #tpu.pipeline_mode<synchronous>, transform_indices = @transform_6, window_bounds = array<i64: 1, 32>}, {pipeline_mode = #tpu.pipeline_mode<synchronous>, transform_indices = @transform_7, window_bounds = array<i64: 1, 32>}, {pipeline_mode = #tpu.pipeline_mode<synchronous>, transform_indices = @transform_8, window_bounds = array<i64: 1, 32>}, {transform_indices = @transform_9, window_bounds = array<i64: 2, 2048, 16>}, {transform_indices = @transform_10, window_bounds = array<i64: 2, 1, 1, 2048>}, {transform_indices = @transform_11, window_bounds = array<i64: 1, 1>}]} {
    %get3A = arith.constant 0 : index
    %get3A_0 = arith.constant 0 : index
    %get3A_1 = vector.load %arg1[%get3A, %get3A_0] : memref<2048x1xf32, #tpu.memory_space<vmem>>, vector<2048x1xf32>
    %get3A_2 = arith.constant 0 : index
    %get3A_3 = arith.constant 0 : index
    %get3A_4 = vector.load %arg2[%get3A_2, %get3A_3] : memref<1x32xf32, #tpu.memory_space<vmem>>, vector<1x32xf32>
    %mul3A = vector.broadcast %get3A_1 : vector<2048x1xf32> to vector<2048x32xf32>
    %mul3A_5 = vector.broadcast %get3A_4 : vector<1x32xf32> to vector<2048x32xf32>
    %mul3A_6 = arith.mulf %mul3A, %mul3A_5 : vector<2048x32xf32>
    %get3A_7 = arith.constant 0 : index
    %get3A_8 = arith.constant 0 : index
    %get3A_9 = vector.load %arg3[%get3A_7, %get3A_8] : memref<1x32xf32, #tpu.memory_space<vmem>>, vector<1x32xf32>
    %add3A = vector.broadcast %get3A_9 : vector<1x32xf32> to vector<2048x32xf32>
    %add3A_10 = arith.addf %mul3A_6, %add3A : vector<2048x32xf32>
    %max3A = arith.constant 0.000000e+00 : f32
    %max3A_11 = vector.broadcast %max3A : f32 to vector<2048x32xf32>
    %max3A_12 = arith.maximumf %add3A_10, %max3A_11 : vector<2048x32xf32>
    %get3A_13 = arith.constant 0 : index
    %get3A_14 = arith.constant 0 : index
    %get3A_15 = vector.load %arg4[%get3A_13, %get3A_14] : memref<32x32xf32, #tpu.memory_space<vmem>>, vector<32x32xf32>
    %dot_general3A = arith.constant dense<0.000000e+00> : vector<2048x32xf32>
    %dot_general3A_16 = tpu.matmul %max3A_12, %get3A_15, %dot_general3A {dimension_numbers = #tpu.dot_dimension_numbers<[1], [0], [0], [1], [0, 0, 1, 1], [], []>, transpose_lhs_hint = false} : vector<2048x32xf32>, vector<32x32xf32>, vector<2048x32xf32> -> vector<2048x32xf32>
    %get3A_17 = arith.constant 0 : index
    %get3A_18 = arith.constant 0 : index
    %get3A_19 = vector.load %arg5[%get3A_17, %get3A_18] : memref<1x32xf32, #tpu.memory_space<vmem>>, vector<1x32xf32>
    %add3A_20 = vector.broadcast %get3A_19 : vector<1x32xf32> to vector<2048x32xf32>
    %add3A_21 = arith.addf %dot_general3A_16, %add3A_20 : vector<2048x32xf32>
    %max3A_22 = arith.constant 0.000000e+00 : f32
    %max3A_23 = vector.broadcast %max3A_22 : f32 to vector<2048x32xf32>
    %max3A_24 = arith.maximumf %add3A_21, %max3A_23 : vector<2048x32xf32>
    %get3A_25 = arith.constant 0 : index
    %get3A_26 = arith.constant 0 : index
    %get3A_27 = vector.load %arg6[%get3A_25, %get3A_26] : memref<32x32xf32, #tpu.memory_space<vmem>>, vector<32x32xf32>
    %dot_general3A_28 = arith.constant dense<0.000000e+00> : vector<2048x32xf32>
    %dot_general3A_29 = tpu.matmul %max3A_24, %get3A_27, %dot_general3A_28 {dimension_numbers = #tpu.dot_dimension_numbers<[1], [0], [0], [1], [0, 0, 1, 1], [], []>, transpose_lhs_hint = false} : vector<2048x32xf32>, vector<32x32xf32>, vector<2048x32xf32> -> vector<2048x32xf32>
    %get3A_30 = arith.constant 0 : index
    %get3A_31 = arith.constant 0 : index
    %get3A_32 = vector.load %arg7[%get3A_30, %get3A_31] : memref<1x32xf32, #tpu.memory_space<vmem>>, vector<1x32xf32>
    %add3A_33 = vector.broadcast %get3A_32 : vector<1x32xf32> to vector<2048x32xf32>
    %add3A_34 = arith.addf %dot_general3A_29, %add3A_33 : vector<2048x32xf32>
    %get3A_35 = arith.constant 0 : index
    %get3A_36 = arith.constant 0 : index
    %get3A_37 = vector.load %arg8[%get3A_35, %get3A_36] : memref<1x32xf32, #tpu.memory_space<vmem>>, vector<1x32xf32>
    %mul3A_38 = vector.broadcast %get3A_37 : vector<1x32xf32> to vector<2048x32xf32>
    %mul3A_39 = arith.mulf %add3A_34, %mul3A_38 : vector<2048x32xf32>
    %reduce_sum3A = arith.constant dense<0.000000e+00> : vector<2048xf32>
    %reduce_sum3A_40 = vector.multi_reduction <add>, %mul3A_39, %reduce_sum3A [1] : vector<2048x32xf32> to vector<2048xf32>
    %get3A_41 = arith.constant 0 : index
    %get3A_42 = arith.constant 0 : index
    %get3A_43 = vector.load %arg9[%get3A_41, %get3A_42] : memref<1x32xf32, #tpu.memory_space<vmem>>, vector<1x32xf32>
    %mul3A_44 = vector.broadcast %get3A_43 : vector<1x32xf32> to vector<2048x32xf32>
    %mul3A_45 = arith.mulf %add3A_34, %mul3A_44 : vector<2048x32xf32>
    %reduce_sum3A_46 = arith.constant dense<0.000000e+00> : vector<2048xf32>
    %reduce_sum3A_47 = vector.multi_reduction <add>, %mul3A_45, %reduce_sum3A_46 [1] : vector<2048x32xf32> to vector<2048xf32>
    %slice3A = vector.extract_strided_slice %add3A_34 {offsets = [0, 0], sizes = [2048, 16], strides = [1, 1]} : vector<2048x32xf32> to vector<2048x16xf32>
    %swap3A = arith.constant 0 : index
    %swap3A_48 = arith.constant 0 : index
    %swap3A_49 = arith.constant 0 : index
    %swap3A_50 = vector.load %arg10[%swap3A, %swap3A_48, %swap3A_49] : memref<2x2048x16xf32, #tpu.memory_space<vmem>>, vector<1x2048x16xf32>
    %swap3A_51 = vector.shape_cast %swap3A_50 : vector<1x2048x16xf32> to vector<2048x16xf32>
    %swap3A_52 = vector.shape_cast %slice3A : vector<2048x16xf32> to vector<1x2048x16xf32>
    tpu.vector_store %arg10[%swap3A, %swap3A_48, %swap3A_49], %swap3A_52 {strides = array<i32>} : memref<2x2048x16xf32, #tpu.memory_space<vmem>>, vector<1x2048x16xf32>,
    %slice3A_53 = vector.extract_strided_slice %add3A_34 {offsets = [0, 16], sizes = [2048, 16], strides = [1, 1]} : vector<2048x32xf32> to vector<2048x16xf32>
    %swap3A_54 = arith.constant 1 : index
    %swap3A_55 = arith.constant 0 : index
    %swap3A_56 = arith.constant 0 : index
    %swap3A_57 = vector.load %arg10[%swap3A_54, %swap3A_55, %swap3A_56] : memref<2x2048x16xf32, #tpu.memory_space<vmem>>, vector<1x2048x16xf32>
    %swap3A_58 = vector.shape_cast %swap3A_57 : vector<1x2048x16xf32> to vector<2048x16xf32>
    %swap3A_59 = vector.shape_cast %slice3A_53 : vector<2048x16xf32> to vector<1x2048x16xf32>
    tpu.vector_store %arg10[%swap3A_54, %swap3A_55, %swap3A_56], %swap3A_59 {strides = array<i32>} : memref<2x2048x16xf32, #tpu.memory_space<vmem>>, vector<1x2048x16xf32>,
    %stack3A = vector.shape_cast %reduce_sum3A_40 : vector<2048xf32> to vector<1x2048xf32>
    %stack3A_60 = vector.shape_cast %reduce_sum3A_47 : vector<2048xf32> to vector<1x2048xf32>
    %stack3A_61 = tpu.concatenate %stack3A, %stack3A_60 in 0 : vector<1x2048xf32>, vector<1x2048xf32> -> vector<2x2048xf32>
    %reshape3A = vector.shape_cast %stack3A_61 : vector<2x2048xf32> to vector<2x1x1x2048xf32>
    %swap3A_62 = arith.constant 0 : index
    %swap3A_63 = arith.constant 0 : index
    %swap3A_64 = arith.constant 0 : index
    %swap3A_65 = arith.constant 0 : index
    %swap3A_66 = vector.load %arg11[%swap3A_62, %swap3A_63, %swap3A_64, %swap3A_65] : memref<2x1x1x2048xf32, #tpu.memory_space<vmem>>, vector<2x1x1x2048xf32>
    tpu.vector_store %arg11[%swap3A_62, %swap3A_63, %swap3A_64, %swap3A_65], %reshape3A {strides = array<i32>} : memref<2x1x1x2048xf32, #tpu.memory_space<vmem>>, vector<2x1x1x2048xf32>,
    %reduce_max3A = vector.shape_cast %reduce_sum3A_40 : vector<2048xf32> to vector<1x2048xf32>
    %reduce_max3A_67 = arith.constant dense<0xFF800000> : vector<1xf32>
    %reduce_max3A_68 = vector.multi_reduction <maximumf>, %reduce_max3A, %reduce_max3A_67 [1] : vector<1x2048xf32> to vector<1xf32>
    %reduce_max3A_69 = vector.shape_cast %reduce_max3A_68 : vector<1xf32> to vector<1x1xf32>
    %reduce_max3A_70 = vector.extract %reduce_max3A_69[0, 0] : f32 from vector<1x1xf32>
    %eq3A = arith.constant 0 : i32
    %eq3A_71 = arith.cmpi eq, %arg0, %eq3A : i32
    %convert_element_type3A = arith.extui %eq3A_71 : i1 to i32
    %cond3A = arith.constant 0 : i32
    %cond3A_72 = arith.cmpi ne, %convert_element_type3A, %cond3A : i32
    scf.if %cond3A_72 {
      %swap3A_77 = arith.constant 0 : index
      %swap3A_78 = arith.constant 0 : index
      %swap3A_79 = memref.load %arg12[%swap3A_77, %swap3A_78] : memref<1x1xf32, #tpu.memory_space<smem>>
      memref.store %reduce_max3A_70, %arg12[%swap3A_77, %swap3A_78] : memref<1x1xf32, #tpu.memory_space<smem>>
    } else {
    }
    %gt3A = arith.constant 0 : i32
    %gt3A_73 = arith.cmpi sgt, %arg0, %gt3A : i32
    %convert_element_type3A_74 = arith.extui %gt3A_73 : i1 to i32
    %cond3A_75 = arith.constant 0 : i32
    %cond3A_76 = arith.cmpi ne, %convert_element_type3A_74, %cond3A_75 : i32
    scf.if %cond3A_76 {
      %get3A_77 = arith.constant 0 : index
      %get3A_78 = arith.constant 0 : index
      %get3A_79 = memref.load %arg12[%get3A_77, %get3A_78] : memref<1x1xf32, #tpu.memory_space<smem>>
      %max3A_80 = arith.maximumf %get3A_79, %reduce_max3A_70 : f32
      %swap3A_81 = arith.constant 0 : index
      %swap3A_82 = arith.constant 0 : index
      %swap3A_83 = memref.load %arg12[%swap3A_81, %swap3A_82] : memref<1x1xf32, #tpu.memory_space<smem>>
      memref.store %max3A_80, %arg12[%swap3A_81, %swap3A_82] : memref<1x1xf32, #tpu.memory_space<smem>>
    } else {
    }
    return
  }
  func.func @transform_0(%arg0: i32) -> (i32, i32) {
    %c0_i32 = arith.constant 0 : i32
    %c0_i32_0 = arith.constant 0 : i32
    return %arg0, %c0_i32 : i32, i32
  }
  func.func @transform_1(%arg0: i32) -> (i32, i32) {
    %c0_i32 = arith.constant 0 : i32
    %c0_i32_0 = arith.constant 0 : i32
    %c0_i32_1 = arith.constant 0 : i32
    return %c0_i32, %c0_i32_0 : i32, i32
  }
  func.func @transform_2(%arg0: i32) -> (i32, i32) {
    %c0_i32 = arith.constant 0 : i32
    %c0_i32_0 = arith.constant 0 : i32
    %c0_i32_1 = arith.constant 0 : i32
    return %c0_i32, %c0_i32_0 : i32, i32
  }
  func.func @transform_3(%arg0: i32) -> (i32, i32) {
    %c0_i32 = arith.constant 0 : i32
    %c0_i32_0 = arith.constant 0 : i32
    %c0_i32_1 = arith.constant 0 : i32
    return %c0_i32, %c0_i32_0 : i32, i32
  }
  func.func @transform_4(%arg0: i32) -> (i32, i32) {
    %c0_i32 = arith.constant 0 : i32
    %c0_i32_0 = arith.constant 0 : i32
    %c0_i32_1 = arith.constant 0 : i32
    return %c0_i32, %c0_i32_0 : i32, i32
  }
  func.func @transform_5(%arg0: i32) -> (i32, i32) {
    %c0_i32 = arith.constant 0 : i32
    %c0_i32_0 = arith.constant 0 : i32
    %c0_i32_1 = arith.constant 0 : i32
    return %c0_i32, %c0_i32_0 : i32, i32
  }
  func.func @transform_6(%arg0: i32) -> (i32, i32) {
    %c0_i32 = arith.constant 0 : i32
    %c0_i32_0 = arith.constant 0 : i32
    %c0_i32_1 = arith.constant 0 : i32
    return %c0_i32, %c0_i32_0 : i32, i32
  }
  func.func @transform_7(%arg0: i32) -> (i32, i32) {
    %c0_i32 = arith.constant 0 : i32
    %c0_i32_0 = arith.constant 0 : i32
    %c0_i32_1 = arith.constant 0 : i32
    return %c0_i32, %c0_i32_0 : i32, i32
  }
  func.func @transform_8(%arg0: i32) -> (i32, i32) {
    %c0_i32 = arith.constant 0 : i32
    %c0_i32_0 = arith.constant 0 : i32
    %c0_i32_1 = arith.constant 0 : i32
    return %c0_i32, %c0_i32_0 : i32, i32
  }
  func.func @transform_9(%arg0: i32) -> (i32, i32, i32) {
    %c0_i32 = arith.constant 0 : i32
    %c0_i32_0 = arith.constant 0 : i32
    %c0_i32_1 = arith.constant 0 : i32
    return %c0_i32, %arg0, %c0_i32_0 : i32, i32, i32
  }
  func.func @transform_10(%arg0: i32) -> (i32, i32, i32, i32) {
    %c0_i32 = arith.constant 0 : i32
    %c0_i32_0 = arith.constant 0 : i32
    %c0_i32_1 = arith.constant 0 : i32
    %c0_i32_2 = arith.constant 0 : i32
    return %c0_i32, %arg0, %c0_i32_0, %c0_i32_1 : i32, i32, i32, i32
  }
  func.func @transform_11(%arg0: i32) -> (i32, i32) {
    %c0_i32 = arith.constant 0 : i32
    %c0_i32_0 = arith.constant 0 : i32
    %c0_i32_1 = arith.constant 0 : i32
    return %c0_i32, %c0_i32_0 : i32, i32
  }
}

module attributes {stable_mosaic.version = 14 : i64} {
  func.func @_k2_body(%arg0: i32, %arg1: memref<2x2048x16xf32, #tpu.memory_space<vmem>>, %arg2: memref<2048x1xf32, #tpu.memory_space<vmem>>, %arg3: memref<32x32xf32, #tpu.memory_space<vmem>>, %arg4: memref<1x32xf32, #tpu.memory_space<vmem>>, %arg5: memref<1x32xf32, #tpu.memory_space<vmem>>, %arg6: memref<1x32xf32, #tpu.memory_space<vmem>>, %arg7: memref<2x2048x16xf32, #tpu.memory_space<vmem>>, %arg8: memref<2x1x1x2048xf32, #tpu.memory_space<vmem>>, %arg9: memref<1x1xf32, #tpu.memory_space<smem>>) attributes {dimension_semantics = [#tpu.dimension_semantics<arbitrary>], iteration_bounds = array<i64: 50>, scalar_prefetch = 0 : i64, scratch_operands = 0 : i64, tpu.core_type = #tpu.core_type<tc>, window_params = [{transform_indices = @transform_0, window_bounds = array<i64: 2, 2048, 16>}, {transform_indices = @transform_1, window_bounds = array<i64: 2048, 1>}, {pipeline_mode = #tpu.pipeline_mode<synchronous>, transform_indices = @transform_2, window_bounds = array<i64: 32, 32>}, {pipeline_mode = #tpu.pipeline_mode<synchronous>, transform_indices = @transform_3, window_bounds = array<i64: 1, 32>}, {pipeline_mode = #tpu.pipeline_mode<synchronous>, transform_indices = @transform_4, window_bounds = array<i64: 1, 32>}, {pipeline_mode = #tpu.pipeline_mode<synchronous>, transform_indices = @transform_5, window_bounds = array<i64: 1, 32>}, {transform_indices = @transform_6, window_bounds = array<i64: 2, 2048, 16>}, {transform_indices = @transform_7, window_bounds = array<i64: 2, 1, 1, 2048>}, {transform_indices = @transform_8, window_bounds = array<i64: 1, 1>}]} {
    %get3A = arith.constant 0 : index
    %get3A_0 = arith.constant 0 : index
    %get3A_1 = arith.constant 0 : index
    %get3A_2 = vector.load %arg1[%get3A, %get3A_0, %get3A_1] : memref<2x2048x16xf32, #tpu.memory_space<vmem>>, vector<1x2048x16xf32>
    %get3A_3 = vector.shape_cast %get3A_2 : vector<1x2048x16xf32> to vector<2048x16xf32>
    %get3A_4 = arith.constant 1 : index
    %get3A_5 = arith.constant 0 : index
    %get3A_6 = arith.constant 0 : index
    %get3A_7 = vector.load %arg1[%get3A_4, %get3A_5, %get3A_6] : memref<2x2048x16xf32, #tpu.memory_space<vmem>>, vector<1x2048x16xf32>
    %get3A_8 = vector.shape_cast %get3A_7 : vector<1x2048x16xf32> to vector<2048x16xf32>
    %concatenate3A = tpu.concatenate %get3A_3, %get3A_8 in 1 : vector<2048x16xf32>, vector<2048x16xf32> -> vector<2048x32xf32>
    %get3A_9 = arith.constant 0 : index
    %get3A_10 = arith.constant 0 : index
    %get3A_11 = vector.load %arg2[%get3A_9, %get3A_10] : memref<2048x1xf32, #tpu.memory_space<vmem>>, vector<2048x1xf32>
    %add3A = arith.constant 1.000000e-16 : f32
    %add3A_12 = vector.broadcast %add3A : f32 to vector<2048x1xf32>
    %add3A_13 = arith.addf %get3A_11, %add3A_12 : vector<2048x1xf32>
    %div3A = vector.broadcast %add3A_13 : vector<2048x1xf32> to vector<2048x32xf32>
    %div3A_14 = arith.divf %concatenate3A, %div3A : vector<2048x32xf32>
    %gt3A = arith.constant 0.000000e+00 : f32
    %gt3A_15 = vector.broadcast %gt3A : f32 to vector<2048x32xf32>
    %gt3A_16 = arith.cmpf ogt, %div3A_14, %gt3A_15 : vector<2048x32xf32>
    %min3A = arith.constant 0.000000e+00 : f32
    %min3A_17 = vector.broadcast %min3A : f32 to vector<2048x32xf32>
    %min3A_18 = arith.minimumf %div3A_14, %min3A_17 : vector<2048x32xf32>
    %exp3A = math.exp %min3A_18 : vector<2048x32xf32>
    %sub3A = arith.constant 1.000000e+00 : f32
    %sub3A_19 = vector.broadcast %sub3A : f32 to vector<2048x32xf32>
    %sub3A_20 = arith.subf %exp3A, %sub3A_19 : vector<2048x32xf32>
    %select_n3A = arith.select %gt3A_16, %div3A_14, %sub3A_20 : vector<2048x32xi1>, vector<2048x32xf32>
    %get3A_21 = arith.constant 0 : index
    %get3A_22 = arith.constant 0 : index
    %get3A_23 = vector.load %arg3[%get3A_21, %get3A_22] : memref<32x32xf32, #tpu.memory_space<vmem>>, vector<32x32xf32>
    %dot_general3A = arith.constant dense<0.000000e+00> : vector<2048x32xf32>
    %dot_general3A_24 = tpu.matmul %select_n3A, %get3A_23, %dot_general3A {dimension_numbers = #tpu.dot_dimension_numbers<[1], [0], [0], [1], [0, 0, 1, 1], [], []>, transpose_lhs_hint = false} : vector<2048x32xf32>, vector<32x32xf32>, vector<2048x32xf32> -> vector<2048x32xf32>
    %get3A_25 = arith.constant 0 : index
    %get3A_26 = arith.constant 0 : index
    %get3A_27 = vector.load %arg4[%get3A_25, %get3A_26] : memref<1x32xf32, #tpu.memory_space<vmem>>, vector<1x32xf32>
    %add3A_28 = vector.broadcast %get3A_27 : vector<1x32xf32> to vector<2048x32xf32>
    %add3A_29 = arith.addf %dot_general3A_24, %add3A_28 : vector<2048x32xf32>
    %get3A_30 = arith.constant 0 : index
    %get3A_31 = arith.constant 0 : index
    %get3A_32 = vector.load %arg5[%get3A_30, %get3A_31] : memref<1x32xf32, #tpu.memory_space<vmem>>, vector<1x32xf32>
    %mul3A = vector.broadcast %get3A_32 : vector<1x32xf32> to vector<2048x32xf32>
    %mul3A_33 = arith.mulf %add3A_29, %mul3A : vector<2048x32xf32>
    %reduce_sum3A = arith.constant dense<0.000000e+00> : vector<2048xf32>
    %reduce_sum3A_34 = vector.multi_reduction <add>, %mul3A_33, %reduce_sum3A [1] : vector<2048x32xf32> to vector<2048xf32>
    %get3A_35 = arith.constant 0 : index
    %get3A_36 = arith.constant 0 : index
    %get3A_37 = vector.load %arg6[%get3A_35, %get3A_36] : memref<1x32xf32, #tpu.memory_space<vmem>>, vector<1x32xf32>
    %mul3A_38 = vector.broadcast %get3A_37 : vector<1x32xf32> to vector<2048x32xf32>
    %mul3A_39 = arith.mulf %add3A_29, %mul3A_38 : vector<2048x32xf32>
    %reduce_sum3A_40 = arith.constant dense<0.000000e+00> : vector<2048xf32>
    %reduce_sum3A_41 = vector.multi_reduction <add>, %mul3A_39, %reduce_sum3A_40 [1] : vector<2048x32xf32> to vector<2048xf32>
    %slice3A = vector.extract_strided_slice %add3A_29 {offsets = [0, 0], sizes = [2048, 16], strides = [1, 1]} : vector<2048x32xf32> to vector<2048x16xf32>
    %swap3A = arith.constant 0 : index
    %swap3A_42 = arith.constant 0 : index
    %swap3A_43 = arith.constant 0 : index
    %swap3A_44 = vector.load %arg7[%swap3A, %swap3A_42, %swap3A_43] : memref<2x2048x16xf32, #tpu.memory_space<vmem>>, vector<1x2048x16xf32>
    %swap3A_45 = vector.shape_cast %swap3A_44 : vector<1x2048x16xf32> to vector<2048x16xf32>
    %swap3A_46 = vector.shape_cast %slice3A : vector<2048x16xf32> to vector<1x2048x16xf32>
    tpu.vector_store %arg7[%swap3A, %swap3A_42, %swap3A_43], %swap3A_46 {strides = array<i32>} : memref<2x2048x16xf32, #tpu.memory_space<vmem>>, vector<1x2048x16xf32>,
    %slice3A_47 = vector.extract_strided_slice %add3A_29 {offsets = [0, 16], sizes = [2048, 16], strides = [1, 1]} : vector<2048x32xf32> to vector<2048x16xf32>
    %swap3A_48 = arith.constant 1 : index
    %swap3A_49 = arith.constant 0 : index
    %swap3A_50 = arith.constant 0 : index
    %swap3A_51 = vector.load %arg7[%swap3A_48, %swap3A_49, %swap3A_50] : memref<2x2048x16xf32, #tpu.memory_space<vmem>>, vector<1x2048x16xf32>
    %swap3A_52 = vector.shape_cast %swap3A_51 : vector<1x2048x16xf32> to vector<2048x16xf32>
    %swap3A_53 = vector.shape_cast %slice3A_47 : vector<2048x16xf32> to vector<1x2048x16xf32>
    tpu.vector_store %arg7[%swap3A_48, %swap3A_49, %swap3A_50], %swap3A_53 {strides = array<i32>} : memref<2x2048x16xf32, #tpu.memory_space<vmem>>, vector<1x2048x16xf32>,
    %stack3A = vector.shape_cast %reduce_sum3A_34 : vector<2048xf32> to vector<1x2048xf32>
    %stack3A_54 = vector.shape_cast %reduce_sum3A_41 : vector<2048xf32> to vector<1x2048xf32>
    %stack3A_55 = tpu.concatenate %stack3A, %stack3A_54 in 0 : vector<1x2048xf32>, vector<1x2048xf32> -> vector<2x2048xf32>
    %reshape3A = vector.shape_cast %stack3A_55 : vector<2x2048xf32> to vector<2x1x1x2048xf32>
    %swap3A_56 = arith.constant 0 : index
    %swap3A_57 = arith.constant 0 : index
    %swap3A_58 = arith.constant 0 : index
    %swap3A_59 = arith.constant 0 : index
    %swap3A_60 = vector.load %arg8[%swap3A_56, %swap3A_57, %swap3A_58, %swap3A_59] : memref<2x1x1x2048xf32, #tpu.memory_space<vmem>>, vector<2x1x1x2048xf32>
    tpu.vector_store %arg8[%swap3A_56, %swap3A_57, %swap3A_58, %swap3A_59], %reshape3A {strides = array<i32>} : memref<2x1x1x2048xf32, #tpu.memory_space<vmem>>, vector<2x1x1x2048xf32>,
    %reduce_max3A = vector.shape_cast %reduce_sum3A_34 : vector<2048xf32> to vector<1x2048xf32>
    %reduce_max3A_61 = arith.constant dense<0xFF800000> : vector<1xf32>
    %reduce_max3A_62 = vector.multi_reduction <maximumf>, %reduce_max3A, %reduce_max3A_61 [1] : vector<1x2048xf32> to vector<1xf32>
    %reduce_max3A_63 = vector.shape_cast %reduce_max3A_62 : vector<1xf32> to vector<1x1xf32>
    %reduce_max3A_64 = vector.extract %reduce_max3A_63[0, 0] : f32 from vector<1x1xf32>
    %eq3A = arith.constant 0 : i32
    %eq3A_65 = arith.cmpi eq, %arg0, %eq3A : i32
    %convert_element_type3A = arith.extui %eq3A_65 : i1 to i32
    %cond3A = arith.constant 0 : i32
    %cond3A_66 = arith.cmpi ne, %convert_element_type3A, %cond3A : i32
    scf.if %cond3A_66 {
      %swap3A_72 = arith.constant 0 : index
      %swap3A_73 = arith.constant 0 : index
      %swap3A_74 = memref.load %arg9[%swap3A_72, %swap3A_73] : memref<1x1xf32, #tpu.memory_space<smem>>
      memref.store %reduce_max3A_64, %arg9[%swap3A_72, %swap3A_73] : memref<1x1xf32, #tpu.memory_space<smem>>
    } else {
    }
    %gt3A_67 = arith.constant 0 : i32
    %gt3A_68 = arith.cmpi sgt, %arg0, %gt3A_67 : i32
    %convert_element_type3A_69 = arith.extui %gt3A_68 : i1 to i32
    %cond3A_70 = arith.constant 0 : i32
    %cond3A_71 = arith.cmpi ne, %convert_element_type3A_69, %cond3A_70 : i32
    scf.if %cond3A_71 {
      %get3A_72 = arith.constant 0 : index
      %get3A_73 = arith.constant 0 : index
      %get3A_74 = memref.load %arg9[%get3A_72, %get3A_73] : memref<1x1xf32, #tpu.memory_space<smem>>
      %max3A = arith.maximumf %get3A_74, %reduce_max3A_64 : f32
      %swap3A_75 = arith.constant 0 : index
      %swap3A_76 = arith.constant 0 : index
      %swap3A_77 = memref.load %arg9[%swap3A_75, %swap3A_76] : memref<1x1xf32, #tpu.memory_space<smem>>
      memref.store %max3A, %arg9[%swap3A_75, %swap3A_76] : memref<1x1xf32, #tpu.memory_space<smem>>
    } else {
    }
    return
  }
  func.func @transform_0(%arg0: i32) -> (i32, i32, i32) {
    %c0_i32 = arith.constant 0 : i32
    %c0_i32_0 = arith.constant 0 : i32
    %c0_i32_1 = arith.constant 0 : i32
    return %c0_i32, %arg0, %c0_i32_0 : i32, i32, i32
  }
  func.func @transform_1(%arg0: i32) -> (i32, i32) {
    %c0_i32 = arith.constant 0 : i32
    %c0_i32_0 = arith.constant 0 : i32
    return %arg0, %c0_i32 : i32, i32
  }
  func.func @transform_2(%arg0: i32) -> (i32, i32) {
    %c0_i32 = arith.constant 0 : i32
    %c0_i32_0 = arith.constant 0 : i32
    %c0_i32_1 = arith.constant 0 : i32
    return %c0_i32, %c0_i32_0 : i32, i32
  }
  func.func @transform_3(%arg0: i32) -> (i32, i32) {
    %c0_i32 = arith.constant 0 : i32
    %c0_i32_0 = arith.constant 0 : i32
    %c0_i32_1 = arith.constant 0 : i32
    return %c0_i32, %c0_i32_0 : i32, i32
  }
  func.func @transform_4(%arg0: i32) -> (i32, i32) {
    %c0_i32 = arith.constant 0 : i32
    %c0_i32_0 = arith.constant 0 : i32
    %c0_i32_1 = arith.constant 0 : i32
    return %c0_i32, %c0_i32_0 : i32, i32
  }
  func.func @transform_5(%arg0: i32) -> (i32, i32) {
    %c0_i32 = arith.constant 0 : i32
    %c0_i32_0 = arith.constant 0 : i32
    %c0_i32_1 = arith.constant 0 : i32
    return %c0_i32, %c0_i32_0 : i32, i32
  }
  func.func @transform_6(%arg0: i32) -> (i32, i32, i32) {
    %c0_i32 = arith.constant 0 : i32
    %c0_i32_0 = arith.constant 0 : i32
    %c0_i32_1 = arith.constant 0 : i32
    return %c0_i32, %arg0, %c0_i32_0 : i32, i32, i32
  }
  func.func @transform_7(%arg0: i32) -> (i32, i32, i32, i32) {
    %c0_i32 = arith.constant 0 : i32
    %c0_i32_0 = arith.constant 0 : i32
    %c0_i32_1 = arith.constant 0 : i32
    %c0_i32_2 = arith.constant 0 : i32
    return %c0_i32, %arg0, %c0_i32_0, %c0_i32_1 : i32, i32, i32, i32
  }
  func.func @transform_8(%arg0: i32) -> (i32, i32) {
    %c0_i32 = arith.constant 0 : i32
    %c0_i32_0 = arith.constant 0 : i32
    %c0_i32_1 = arith.constant 0 : i32
    return %c0_i32, %c0_i32_0 : i32, i32
  }
}

module attributes {stable_mosaic.version = 14 : i64} {
  func.func @_k3_body(%arg0: i32, %arg1: memref<2x2000x16xf32, #tpu.memory_space<vmem>>, %arg2: memref<2000x1xf32, #tpu.memory_space<vmem>>, %arg3: memref<32x32xf32, #tpu.memory_space<vmem>>, %arg4: memref<1x32xf32, #tpu.memory_space<vmem>>, %arg5: memref<32x2xf32, #tpu.memory_space<vmem>>, %arg6: memref<1x2xf32, #tpu.memory_space<vmem>>, %arg7: memref<2000x2xf32, #tpu.memory_space<vmem>>) attributes {dimension_semantics = [#tpu.dimension_semantics<arbitrary>], iteration_bounds = array<i64: 50>, scalar_prefetch = 0 : i64, scratch_operands = 0 : i64, tpu.core_type = #tpu.core_type<tc>, window_params = [{transform_indices = @transform_0, window_bounds = array<i64: 2, 2000, 16>}, {transform_indices = @transform_1, window_bounds = array<i64: 2000, 1>}, {pipeline_mode = #tpu.pipeline_mode<synchronous>, transform_indices = @transform_2, window_bounds = array<i64: 32, 32>}, {pipeline_mode = #tpu.pipeline_mode<synchronous>, transform_indices = @transform_3, window_bounds = array<i64: 1, 32>}, {pipeline_mode = #tpu.pipeline_mode<synchronous>, transform_indices = @transform_4, window_bounds = array<i64: 32, 2>}, {pipeline_mode = #tpu.pipeline_mode<synchronous>, transform_indices = @transform_5, window_bounds = array<i64: 1, 2>}, {transform_indices = @transform_6, window_bounds = array<i64: 2000, 2>}]} {
    %get3A = arith.constant 0 : index
    %get3A_0 = arith.constant 0 : index
    %get3A_1 = arith.constant 0 : index
    %get3A_2 = vector.load %arg1[%get3A, %get3A_0, %get3A_1] : memref<2x2000x16xf32, #tpu.memory_space<vmem>>, vector<1x2000x16xf32>
    %get3A_3 = vector.shape_cast %get3A_2 : vector<1x2000x16xf32> to vector<2000x16xf32>
    %get3A_4 = arith.constant 1 : index
    %get3A_5 = arith.constant 0 : index
    %get3A_6 = arith.constant 0 : index
    %get3A_7 = vector.load %arg1[%get3A_4, %get3A_5, %get3A_6] : memref<2x2000x16xf32, #tpu.memory_space<vmem>>, vector<1x2000x16xf32>
    %get3A_8 = vector.shape_cast %get3A_7 : vector<1x2000x16xf32> to vector<2000x16xf32>
    %concatenate3A = tpu.concatenate %get3A_3, %get3A_8 in 1 : vector<2000x16xf32>, vector<2000x16xf32> -> vector<2000x32xf32>
    %get3A_9 = arith.constant 0 : index
    %get3A_10 = arith.constant 0 : index
    %get3A_11 = vector.load %arg2[%get3A_9, %get3A_10] : memref<2000x1xf32, #tpu.memory_space<vmem>>, vector<2000x1xf32>
    %add3A = arith.constant 1.000000e-16 : f32
    %add3A_12 = vector.broadcast %add3A : f32 to vector<2000x1xf32>
    %add3A_13 = arith.addf %get3A_11, %add3A_12 : vector<2000x1xf32>
    %div3A = vector.broadcast %add3A_13 : vector<2000x1xf32> to vector<2000x32xf32>
    %div3A_14 = arith.divf %concatenate3A, %div3A : vector<2000x32xf32>
    %gt3A = arith.constant 0.000000e+00 : f32
    %gt3A_15 = vector.broadcast %gt3A : f32 to vector<2000x32xf32>
    %gt3A_16 = arith.cmpf ogt, %div3A_14, %gt3A_15 : vector<2000x32xf32>
    %min3A = arith.constant 0.000000e+00 : f32
    %min3A_17 = vector.broadcast %min3A : f32 to vector<2000x32xf32>
    %min3A_18 = arith.minimumf %div3A_14, %min3A_17 : vector<2000x32xf32>
    %exp3A = math.exp %min3A_18 : vector<2000x32xf32>
    %sub3A = arith.constant 1.000000e+00 : f32
    %sub3A_19 = vector.broadcast %sub3A : f32 to vector<2000x32xf32>
    %sub3A_20 = arith.subf %exp3A, %sub3A_19 : vector<2000x32xf32>
    %select_n3A = arith.select %gt3A_16, %div3A_14, %sub3A_20 : vector<2000x32xi1>, vector<2000x32xf32>
    %get3A_21 = arith.constant 0 : index
    %get3A_22 = arith.constant 0 : index
    %get3A_23 = vector.load %arg3[%get3A_21, %get3A_22] : memref<32x32xf32, #tpu.memory_space<vmem>>, vector<32x32xf32>
    %dot_general3A = arith.constant dense<0.000000e+00> : vector<2000x32xf32>
    %dot_general3A_24 = tpu.matmul %select_n3A, %get3A_23, %dot_general3A {dimension_numbers = #tpu.dot_dimension_numbers<[1], [0], [0], [1], [0, 0, 1, 1], [], []>, transpose_lhs_hint = false} : vector<2000x32xf32>, vector<32x32xf32>, vector<2000x32xf32> -> vector<2000x32xf32>
    %get3A_25 = arith.constant 0 : index
    %get3A_26 = arith.constant 0 : index
    %get3A_27 = vector.load %arg4[%get3A_25, %get3A_26] : memref<1x32xf32, #tpu.memory_space<vmem>>, vector<1x32xf32>
    %add3A_28 = vector.broadcast %get3A_27 : vector<1x32xf32> to vector<2000x32xf32>
    %add3A_29 = arith.addf %dot_general3A_24, %add3A_28 : vector<2000x32xf32>
    %max3A = arith.constant 0.000000e+00 : f32
    %max3A_30 = vector.broadcast %max3A : f32 to vector<2000x32xf32>
    %max3A_31 = arith.maximumf %add3A_29, %max3A_30 : vector<2000x32xf32>
    %get3A_32 = arith.constant 0 : index
    %get3A_33 = arith.constant 0 : index
    %get3A_34 = vector.load %arg5[%get3A_32, %get3A_33] : memref<32x2xf32, #tpu.memory_space<vmem>>, vector<32x2xf32>
    %dot_general3A_35 = arith.constant dense<0.000000e+00> : vector<2000x2xf32>
    %dot_general3A_36 = tpu.matmul %max3A_31, %get3A_34, %dot_general3A_35 {dimension_numbers = #tpu.dot_dimension_numbers<[1], [0], [0], [1], [0, 0, 1, 1], [], []>, transpose_lhs_hint = false} : vector<2000x32xf32>, vector<32x2xf32>, vector<2000x2xf32> -> vector<2000x2xf32>
    %get3A_37 = arith.constant 0 : index
    %get3A_38 = arith.constant 0 : index
    %get3A_39 = vector.load %arg6[%get3A_37, %get3A_38] : memref<1x2xf32, #tpu.memory_space<vmem>>, vector<1x2xf32>
    %add3A_40 = vector.broadcast %get3A_39 : vector<1x2xf32> to vector<2000x2xf32>
    %add3A_41 = arith.addf %dot_general3A_36, %add3A_40 : vector<2000x2xf32>
    %reduce_max3A = arith.constant dense<0xFF800000> : vector<2000xf32>
    %reduce_max3A_42 = vector.multi_reduction <maximumf>, %add3A_41, %reduce_max3A [1] : vector<2000x2xf32> to vector<2000xf32>
    %broadcast_in_dim3A = vector.shape_cast %reduce_max3A_42 : vector<2000xf32> to vector<2000x1xf32>
    %sub3A_43 = vector.broadcast %broadcast_in_dim3A : vector<2000x1xf32> to vector<2000x2xf32>
    %sub3A_44 = arith.subf %add3A_41, %sub3A_43 : vector<2000x2xf32>
    %exp3A_45 = math.exp %sub3A_44 : vector<2000x2xf32>
    %reduce_sum3A = arith.constant dense<0.000000e+00> : vector<2000xf32>
    %reduce_sum3A_46 = vector.multi_reduction <add>, %exp3A_45, %reduce_sum3A [1] : vector<2000x2xf32> to vector<2000xf32>
    %broadcast_in_dim3A_47 = vector.shape_cast %reduce_sum3A_46 : vector<2000xf32> to vector<2000x1xf32>
    %div3A_48 = vector.broadcast %broadcast_in_dim3A_47 : vector<2000x1xf32> to vector<2000x2xf32>
    %div3A_49 = arith.divf %exp3A_45, %div3A_48 : vector<2000x2xf32>
    %swap3A = arith.constant 0 : index
    %swap3A_50 = arith.constant 0 : index
    %swap3A_51 = vector.load %arg7[%swap3A, %swap3A_50] : memref<2000x2xf32, #tpu.memory_space<vmem>>, vector<2000x2xf32>
    tpu.vector_store %arg7[%swap3A, %swap3A_50], %div3A_49 {strides = array<i32>} : memref<2000x2xf32, #tpu.memory_space<vmem>>, vector<2000x2xf32>,
    return
  }
  func.func @transform_0(%arg0: i32) -> (i32, i32, i32) {
    %c0_i32 = arith.constant 0 : i32
    %c0_i32_0 = arith.constant 0 : i32
    %c0_i32_1 = arith.constant 0 : i32
    return %c0_i32, %arg0, %c0_i32_0 : i32, i32, i32
  }
  func.func @transform_1(%arg0: i32) -> (i32, i32) {
    %c0_i32 = arith.constant 0 : i32
    %c0_i32_0 = arith.constant 0 : i32
    return %arg0, %c0_i32 : i32, i32
  }
  func.func @transform_2(%arg0: i32) -> (i32, i32) {
    %c0_i32 = arith.constant 0 : i32
    %c0_i32_0 = arith.constant 0 : i32
    %c0_i32_1 = arith.constant 0 : i32
    return %c0_i32, %c0_i32_0 : i32, i32
  }
  func.func @transform_3(%arg0: i32) -> (i32, i32) {
    %c0_i32 = arith.constant 0 : i32
    %c0_i32_0 = arith.constant 0 : i32
    %c0_i32_1 = arith.constant 0 : i32
    return %c0_i32, %c0_i32_0 : i32, i32
  }
  func.func @transform_4(%arg0: i32) -> (i32, i32) {
    %c0_i32 = arith.constant 0 : i32
    %c0_i32_0 = arith.constant 0 : i32
    %c0_i32_1 = arith.constant 0 : i32
    return %c0_i32, %c0_i32_0 : i32, i32
  }
  func.func @transform_5(%arg0: i32) -> (i32, i32) {
    %c0_i32 = arith.constant 0 : i32
    %c0_i32_0 = arith.constant 0 : i32
    %c0_i32_1 = arith.constant 0 : i32
    return %c0_i32, %c0_i32_0 : i32, i32
  }
  func.func @transform_6(%arg0: i32) -> (i32, i32) {
    %c0_i32 = arith.constant 0 : i32
    %c0_i32_0 = arith.constant 0 : i32
    return %arg0, %c0_i32 : i32, i32
  }
}

</mosaic_0001>

<sc_bundles>
// kernel: kernel.10.cloned.1.call-start
scs
__scs_entry_jumppad:
0x0: {  	(pc) =	sbr.rel $0x88, $3  }
0x1: {  	(tag) =	ssettag $0x0;
	lr =	simm.s32 $0x1  }
0x2: {  	[smem:$0x3F93] =	sst lr;
	_ =	strace $0xD0000000  }
0x3: {  	_ = 	snop  }
0x4: {  	_ = 	snop  }
0x5: {  	_ = 	snop  }
0x6: {  	_ = 	snop  }
0x7: {  	_ = 	snop  }
__scs_overlays_trampoline_lowered:
0x8: {  	[smem:$0x3FA2] =	sst s0  }
0x9: {  	[smem:$0x3FA3] =	sst s1  }
0xa: {  	[smem:$0x3FA4] =	sst s2  }
0xb: {  	[smem:$0x3FA5] =	sst s3  }
0xc: {  	[smem:$0x3FA6] =	sst s4  }
0xd: {  	[smem:$0x3FA7] =	sst s5  }
0xe: {  	[smem:$0x3FA8] =	sst s6  }
0xf: {  	[smem:$0x3FA9] =	sst s7  }
0x10: {  	[smem:$0x3FAA] =	sst s8  }
0x11: {  	[smem:$0x3FAB] =	sst s9;
	s0 =	simm.s32 @!p0 $0x0  }
0x12: {  	s1 =	sld [smem:$0x3F91];
	s0 =	simm.s32 @p0 $0x1  }
0x13: {  	[smem:$0x3FAC] =	sst s0;
	s0 =	simm.s32 @!p1 $0x0  }
0x14: {  	s2 =	sld [smem:$0x3F90];
	s0 =	simm.s32 @p1 $0x1  }
0x15: {  	[smem:$0x3FAD] =	sst s0;
	s0 =	simm.s32 @!p2 $0x0  }
0x16: {  	s3 =	sld [smem:$0x3FDB];
	s0 =	simm.s32 @p2 $0x1  }
0x17: {  	s4 =	simm.s32 $0x1BF5;
	[smem:$0x3FAF] =	sst s0  }
0x18: {  	s0 =	sld [smem:$0x3F92];
	_ =	swait.ge [sflag:s4], $0x0  }
0x19: {  	s7 =	sld [smem:$0x3F93]  }
0x1a: {  	s8 =	sadd.s32 $0xFFFFE003, lr  }
0x1b: {  	s9 =	sadd.s32 $0xFFFFFEF7, lr;
	s5 =	simm.s32 $0xFFFFFFFF;
	p2 =	slt.u32 s8, $0xFFFFF086  }
0x1c: {  	p1 =	slt.u32 s9, $0xF7A;
	s5 =	simm.s32 @!p2 $0x0  }
0x1d: {  	s5 =	simm.s32 @p1 $0x1;
	p0 =	seq.s32 s7, s2  }
0x1e: {  	s7 =	smul.u32 @!p0 $0xF7A, s2;
	p2 =	seq.s32 @!p0 s5, $0x0  }
0x1f: {  	s9 =	smul.u32 $0xF7A, s1;
	s8 =	simm.s32 @!p0 $0x1BF5;
	p2 =	por !p2, p0  }
0x20: {  	[sflag:s8] =	ssyncset.s32 @!p0 $0xFFFFF086;
	s6 =	sadd.s32 @!p0 s3, s7;
	s7 =	simm.s32 @!p0 $0x108  }
0x21: {  	s3 =	sadd.s32 s3, s9;
	s6 =	sadd.s32 @!p0 $0x88, s6;
	s7 =	simm.s32 @p2 $0x1082  }
0x22: {  	[simem:s7], [sflag:s8] =	dma.local @!p0 [hbm:s6], $0xF7A  }
0x23: {  	s9 =	sor.u32 $0xD0000000, s2;
	s6 =	simm.s32 $0x108;
	_ =	swait.ge @!p0 [sflag:s8], $0x0  }
0x24: {  	s3 =	sadd.s32 $0x88, s3;
	s6 =	simm.s32 @!p1 $0x1082;
	[sflag:s4] =	ssyncset.s32 $0xFFFFF086  }
0x25: {  	[simem:s6], [sflag:s4] =	dma.local [hbm:s3], $0xF7A  }
0x26: {  	[smem:$0x3F93] =	sst s1;
	(tag) =	ssettag s2;
	_ =	strace s9  }
0x27: {  	s1 =	sld [smem:$0x3FA3]  }
0x28: {  	s2 =	sld [smem:$0x3FA4]  }
0x29: {  	s4 =	sld [smem:$0x3FA6]  }
0x2a: {  	p0 =	seq.s32 s5, $0x0;
	s5 =	sld [smem:$0x3FA7]  }
0x2b: {  	s6 =	sld [smem:$0x3FA8]  }
0x2c: {  	s7 =	sld [smem:$0x3FA9]  }
0x2d: {  	s3 =	simm.s32 $0x108;
	s8 =	sld [smem:$0x3FAA]  }
0x2e: {  	s3 =	simm.s32 @!p0 $0x1082;
	s9 =	sld [smem:$0x3FAB]  }
0x2f: {  	lr =	sadd.s32 s0, s3;
	s0 =	sld [smem:$0x3FA2]  }
0x30: {  	s3 =	sld [smem:$0x3FA5]  }
0x31: {  	[smem:$0x3FAE] =	sst s10  }
0x32: {  	s10 =	sld [smem:$0x3FAC];
	_ =	sdelay $0x3  }
0x33: {  	p0 =	seq.s32 s10, $0x1;
	s10 =	sld [smem:$0x3FAE];
	_ =	sdelay $0x3  }
0x34: {  	[smem:$0x3FAE] =	sst s10  }
0x35: {  	s10 =	sld [smem:$0x3FAD];
	_ =	sdelay $0x3  }
0x36: {  	p1 =	seq.s32 s10, $0x1;
	s10 =	sld [smem:$0x3FAE];
	_ =	sdelay $0x3  }
0x37: {  	[smem:$0x3FAE] =	sst s10  }
0x38: {  	s10 =	sld [smem:$0x3FAF]  }
0x39: {  	_ = 	snop;
	(pc) =	sbr.ind lr, $3  }
0x3a: {  	_ = 	snop  }
0x3b: {  	_ = 	snop  }
0x3c: {  	p2 =	seq.s32 s10, $0x1;
	s10 =	sld [smem:$0x3FAE]  }
0x3d: {  	_ =	shalt  }
0x3e: {  	_ =	shalt  }
0x3f: {  	_ =	shalt  }
0x40: {  	_ =	shalt  }
0x41: {  	_ =	shalt  }
0x42: {  	_ =	shalt  }
0x43: {  	_ =	shalt  }
0x44: {  	_ =	shalt  }
0x45: {  	_ =	shalt  }
0x46: {  	_ =	shalt  }
0x47: {  	_ =	shalt  }
0x48: {  	_ =	shalt  }
0x49: {  	_ =	shalt  }
0x4a: {  	_ =	shalt  }
0x4b: {  	_ =	shalt  }
0x4c: {  	_ =	shalt  }
0x4d: {  	_ =	shalt  }
0x4e: {  	_ =	shalt  }
0x4f: {  	_ =	shalt  }
0x50: {  	_ =	shalt  }
0x51: {  	_ =	shalt  }
0x52: {  	_ =	shalt  }
0x53: {  	_ =	shalt  }
0x54: {  	_ =	shalt  }
0x55: {  	_ =	shalt  }
0x56: {  	_ =	shalt  }
0x57: {  	_ =	shalt  }
0x58: {  	_ =	shalt  }
0x59: {  	_ =	shalt  }
0x5a: {  	_ =	shalt  }
0x5b: {  	_ =	shalt  }
0x5c: {  	_ =	shalt  }
0x5d: {  	_ =	shalt  }
0x5e: {  	_ =	shalt  }
0x5f: {  	_ =	shalt  }
0x60: {  	_ =	shalt  }
0x61: {  	_ =	shalt  }
0x62: {  	_ =	shalt  }
0x63: {  	_ =	shalt  }
0x64: {  	_ =	shalt  }
0x65: {  	_ =	shalt  }
0x66: {  	_ =	shalt  }
0x67: {  	_ =	shalt  }
0x68: {  	_ =	shalt  }
0x69: {  	_ =	shalt  }
0x6a: {  	_ =	shalt  }
0x6b: {  	_ =	shalt  }
0x6c: {  	_ =	shalt  }
0x6d: {  	_ =	shalt  }
0x6e: {  	_ =	shalt  }
0x6f: {  	_ =	shalt  }
0x70: {  	_ =	shalt  }
0x71: {  	_ =	shalt  }
0x72: {  	_ =	shalt  }
0x73: {  	_ =	shalt  }
0x74: {  	_ =	shalt  }
0x75: {  	_ =	shalt  }
0x76: {  	_ =	shalt  }
0x77: {  	_ =	shalt  }
0x78: {  	_ =	shalt  }
0x79: {  	_ =	shalt  }
0x7a: {  	_ =	shalt  }
0x7b: {  	_ =	shalt  }
0x7c: {  	_ =	shalt  }
0x7d: {  	_ =	shalt  }
0x7e: {  	_ =	shalt  }
0x7f: {  	_ =	shalt  }
0x80: {  	_ =	shalt  }
0x81: {  	_ =	shalt  }
0x82: {  	_ =	shalt  }
0x83: {  	_ =	shalt  }
0x84: {  	_ =	shalt  }
0x85: {  	_ =	shalt  }
0x86: {  	_ =	shalt  }
0x87: {  	_ =	shalt  }
.Lfunc_end0:
.L_simem_size_0:
called_computation.1_lowered:
.L_overlay_start_0:
0x88: {  	s2 =	sld [smem:$0x3FD9]  }
0x89: {  	s3 =	sld [smem:$0x3FFE];
	_ =	sdelay $0x1  }
0x8a: {  	s1 =	srdreg.scid  }
0x8b: {  	s0 =	sand.u32 $0x1, s1  }
0x8c: {  	s17 =	sshll.u32 s0, $0xA;
	s2 =	sadd.s32 s3, s2  }
0x8d: {  	s2 =	sadd.s32 s2, s17  }
0x8e: {  	[smem:$0x3FBA] =	sst s2  }
0x8f: {  	_ = 	snop  }
0x90: {  	s2 =	sld [smem:$0x3FD0];
	(tm) =	ssettm $0x1  }
0x91: {  	s18 =	sld [smem:$0x3FFB];
	_ =	sdelay $0x3  }
0x92: {  	_ =	strace s18  }
0x93: {  	s3 =	sld [smem:$0x3FFC];
	_ =	sdelay $0x3  }
0x94: {  	_ =	strace s3  }
0x95: {  	s3 =	sld [smem:$0x3FFD];
	_ =	sdelay $0x3  }
0x96: {  	_ =	strace s3  }
0x97: {  	_ =	strace $0x8FFFFFFF  }
0x98: {  	s19 =	sld [smem:$0x3FDB];
	_ =	sdelay $0x1  }
0x99: {  	s4 =	simm.s32 $_scs_section_size  }
0x9a: {  	s5 =	simm.s32 $_size__tile_overlayer_lowered;
	s6 =	simm.s32 $_tile_overlayer_lowered  }
0x9b: {  	s22 =	simm.s32 $0x1BFF;
	s21 =	sshll.u32 s6, $0x1;
	s3 =	sadd.s32 s4, s19  }
0x9c: {  	s7 =	simm.s32 $0x0;
	s20 =	sshll.u32 s5, $0x1;
	s5 =	sadd.s32 s21, s3  }
0x9d: {  	[timem:s7], [sflag:s22] =	dma.local [hbm:s5], s20  }
0x9e: {  	_ =	swait.ge [sflag:s22], s20  }
0x9f: {  	s4 =	ssub.s32 $0x0, s20;
	[sflag:s22] =	ssyncset.done $0x0  }
0xa0: {  	[sflag:s22] =	ssyncadd.s32 s4;
	_ =	sdelay $0x1  }
0xa1: {  	s23 =	simm.s32 $0x1B8B  }
0xa2: {  	_ =	swait.ge [sflag:s23], $0x1  }
0xa3: {  	[sflag:s23] =	ssyncset.done $0x0  }
0xa4: {  	s25 =	simm.s32 $0x1B8E;
	s24 =	sld [smem:$0x3FFE];
	[sflag:s23] =	ssyncadd.s32 $0xFFFFFFFF  }
0xa5: {  	s26 =	simm.s32 $execute0_lowered;
	[smem:$0x3FD2] =	sst s25  }
0xa6: {  	s5 =	sshll.u32 s26, $0x1;
	_ =	strace $0x80000049;
	[dreg:$0x1] =	wrdreg $0xFFFFFFFF  }
0xa7: {  	s28 =	simm.s32 $_size_execute0_lowered;
	s3 =	sadd.s32 s3, s5;
	[dreg:$0x0] =	wrdreg $0x0  }
0xa8: {  	s5 =	sshll.u32 s28, $0x1;
	[dreg:$0x2] =	wrdreg s3  }
0xa9: {  	[dreg:$0x3] =	wrdreg s5  }
0xaa: {  	[dreg:$0x4] =	wrdreg $0xC0  }
0xab: {  	_ =	task [dreg:s7], $0x5FFFF  }
0xac: {  	[dreg:$0x1] =	wrdreg $0xFFFFFFFF  }
0xad: {  	[dreg:$0x0] =	wrdreg $0x60  }
0xae: {  	[dreg:$0x2] =	wrdreg s24  }
0xaf: {  	[dreg:$0x3] =	wrdreg s2  }
0xb0: {  	[dreg:$0x4] =	wrdreg $0x24000  }
0xb1: {  	[dreg:$0x5] =	wrdreg $0x3D000  }
0xb2: {  	[dreg:$0x6] =	wrdreg $0x1E6000  }
0xb3: {  	[dreg:$0x7] =	wrdreg $0x56000  }
0xb4: {  	[dreg:$0x8] =	wrdreg $0x9  }
0xb5: {  	_ =	task.clear_ibuf [dreg:s7], $0x9FFFF;
	_ =	strace $0x90000049  }
0xb6: {  	s29 =	simm.s32 $0x9;
	_ =	strace $0x8000004B  }
0xb7: {  	_ =	swait.ge [sflag:s29], $0x1  }
0xb8: {  	[sflag:s29] =	ssyncadd.s32 $0xFFFFFFFF  }
0xb9: {  	_ =	strace $0x9000004B  }
0xba: {  	_ =	sfence  }
0xbb: {  	s30 =	sld [smem:$0x0];
	_ =	sdelay $0x2  }
0xbc: {  	s31 =	sshll.u32 s1, $0xD;
	s1 =	sshrl.u32 s1, $0x2  }
0xbd: {  	s3 =	sand.u32 $0x4000, s31;
	s1 =	sadd.s32 s1, s30  }
0xbe: {  	s0 =	sor.u32 s3, s0;
	s1 =	sshll.u32 s1, $0x11  }
0xbf: {  	s0 =	sor.u32 s1, s0  }
0xc0: {  	s0 =	sadd.s32 $0x8F2B, s0  }
0xc1: {  	[sflag:s0] =	ssyncadd.remote.s32 $0x1  }
0xc2: {  	_ =	sfence.sel $0xFFFF  }
0xc3: {  	[dreg:$0x0] =	wrdreg $0xFFFFFFFF;
	(pc) =	sbr.abs _section_cstart, $3  }
0xc4: {  	[dreg:$0x1] =	wrdreg $0xFFFFFFFF  }
0xc5: {  	_ =	task.clear_ibuf [dreg:s7], $0x2FFFF;
	_ =	strace $0x9FFFFFFF  }
0xc6: {  	(tm) =	ssettm $0x7FFFFFFF  }
0xc7: {  	_ =	shalt  }
tec
execute0_lowered:
.L_overlay_start_1:
0x0: {  	(tag) =	ssettag $0x1  }
0x1: {  	s0 =	rddreg [dreg:$0x0]  }
0x2: {  	s1 =	rddreg [dreg:$0x1]  }
0x3: {  	s14 =	rddreg [dreg:$0x2]  }
0x4: {  	s15 =	rddreg [dreg:$0x3]  }
0x5: {  	s18 =	rddreg [dreg:$0x4]  }
0x6: {  	s19 =	rddreg [dreg:$0x5]  }
0x7: {  	s5 =	simm.s32 $0x0;
	s2 =	srdreg.scid;
	s17 =	stileid.u32  }
0x8: {  	s28 =	simm.s32 $0xAF0;
	s29 =	simm.s32 $0x190;
	s30 =	simm.s32 $0x4  }
0x9: {  	s31 =	simm.s32 $0x5;
	[smem:$0x7FF] =	sst s5;
	s4 =	smul.u32 $0x320, s17  }
0xa: {  	s2 =	sand.u32 $0x1, s2;
	s7 =	sadd.s32 $0xCD400, s0;
	s23 =	smul.u32 $0x30D40, s17  }
0xb: {  	s8 =	sadd.s32 $0x6B800, s0;
	s6 =	sadd.s32 $0x12F000, s0;
	s21 =	smul.u32 $0x64000, s17  }
0xc: {  	s10 =	sadd.s32 $0x7800, s0;
	s3 =	smul.u32 $0x32000, s2;
	_ =	strace $0x8000004A  }
0xd: {  	[dreg:$0x7] =	wrdreg s6;
	s9 =	ssub.s32 $0x2, s2;
	s13 =	smul.u32 $0x19000, s2  }
0xe: {  	p0 =	sne.s32 s2, $0x0;
	s2 =	simm.s32 $0x0;
	s11 =	sshrl.u32 s9, $0x1  }
0xf: {  	s12 =	sshrl.u32 s23, $0x3;
	s26 =	sadd.s32 $0x190, s23;
	s6 =	sadd.s32 $0x320, s23  }
0x10: {  	s23 =	smul.u32 $0x3200, s17;
	s3 =	sadd.s32 s3, s0;
	s0 =	sadd.s32 s4, s0  }
0x11: {  	s9 =	ssub.s32 s9, s11;
	s24 =	sadd.s32 s7, s12;
	[dreg:$0xa] =	wrdreg s26  }
0x12: {  	s25 =	sadd.s32 s8, s12;
	s12 =	smul.u32 $0x6400, s17;
	[dreg:$0xb] =	wrdreg s6  }
0x13: {  	s17 =	sadd.s32 s4, s1;
	s6 =	simm.s32 $0x4B0;
	[dreg:$0x8] =	wrdreg s24  }
0x14: {  	s11 =	simm.s32 $0x1;
	[dreg:$0x9] =	wrdreg s25;
	s20 =	smax.u32 s9, $0x1  }
0x15: {  	s16 =	sadd.s32 $0x4600, s0;
	s25 =	sshrl.u32 s21, $0x2;
	s3 =	sadd.s32 s23, s3  }
0x16: {  	s23 =	sadd.s32 $0x193200, s0;
	s0 =	simm.s32 $0x320;
	s9 =	simm.s32 $0x640  }
0x17: {  	[dreg:$0xc] =	wrdreg s20;
	s22 =	sshrl.u32 s12, $0x2;
	s1 =	sadd.s32 s25, s19  }
.Ltmp0:
0x18: {  	s25 =	simm.s32 $0x8;
	s12 =	simm.s32 $0x2;
	(pc) =	sbr.rel .LBB2_1-.Ltmp0, $4  }
0x19: {  	s19 =	simm.s32 $0x7;
	s24 =	sadd.s32 s22, s14;
	s26 =	sadd.s32 s22, s15  }
0x1a: {  	[dreg:$0xf] =	wrdreg s1;
	s21 =	sadd.s32 s22, s18;
	s22 =	sadd.s32 $0x12F200, s3  }
0x1b: {  	s15 =	simm.s32 $0x3;
	s18 =	simm.s32 $0x6;
	[dreg:$0xd] =	wrdreg s24  }
0x1c: {  	v1 =	vimm.f32 $0.0e+00;
	v0 =	vmov s13;
	[dreg:$0xe] =	wrdreg s26;
	s24 =	simm.s32 $0x7D0;
	s26 =	simm.s32 $0x960  }
.LBB2_27:
0x1d: {  	s2 =	sadd.s32 $0x1, s2;
	s1 =	rddreg [dreg:$0xc]  }
0x1e: {  	p1 =	sne.s32 s2, s1  }
.Ltmp1:
0x1f: {  	_ = 	snop;
	(pc) =	sbr.rel @!p1 .LBB2_28-.Ltmp1, $1  }
0x20: {  	_ =	sdelay $0x3  }
.LBB2_1:
0x21: {  	[dreg:$0x10] =	wrdreg s2;
	s1 =	sadd.s32 $0x0, s17  }
0x22: {  	[tilespmem:s24], [sflag:$0x8] =	stream.linear.gather [hbm4b:s1+s5], $0x190, $0x38;
	[tilespmem:$0x1FF00] =	vst v63  }
0x23: {  	_ =	swait.ge [sflag:s25], $0x190  }
0x24: {  	[sflag:s25] =	ssyncset.done $0x0  }
0x25: {  	s3 =	rddreg [dreg:$0xd];
	[sflag:s25] =	ssyncadd.s32 $0xFFFFFE70  }
0x26: {  	[spmem:s3] =	stream.linear.scatter [tilespmem:s24], [sflag:$0x8], $0x190, $0x38;
	[tilespmem:$0x1FF00] =	vst v63  }
0x27: {  	_ =	swait.ge [sflag:s25], $0x190  }
0x28: {  	[sflag:s25] =	ssyncset.done $0x0  }
0x29: {  	s14 =	sadd.s32 $0x0, s16;
	[sflag:s25] =	ssyncadd.s32 $0xFFFFFE70  }
0x2a: {  	[tilespmem:s24], [sflag:$0x8] =	stream.linear.gather [hbm4b:s14+s5], $0x190, $0x38;
	[tilespmem:$0x1FF00] =	vst v63  }
0x2b: {  	_ =	swait.ge [sflag:s25], $0x190  }
0x2c: {  	[sflag:s25] =	ssyncset.done $0x0  }
0x2d: {  	s20 =	rddreg [dreg:$0xe];
	[sflag:s25] =	ssyncadd.s32 $0xFFFFFE70  }
0x2e: {  	[spmem:s20] =	stream.linear.scatter [tilespmem:s24], [sflag:$0x8], $0x190, $0x38;
	[tilespmem:$0x1FF00] =	vst v63  }
0x2f: {  	s2 =	simm.s32 $0x32;
	s4 =	simm.s32 $0x64;
	_ =	swait.ge [sflag:s25], $0x190  }
0x30: {  	s3 =	sadd.s32 $0x190, s3;
	s1 =	sadd.s32 $0x190, s20;
	[sflag:s25] =	ssyncset.done $0x0  }
.LBB2_2:
0x31: {  	s13 =	sadd.s32 s2, s17  }
0x32: {  	[sflag:s25] =	ssyncadd.s32 $0xFFFFFE70;
	s14 =	smov.u32 s4;
	s20 =	sadd.s32 $0x32, s4  }
0x33: {  	[tilespmem:s24], [sflag:$0x8] =	stream.linear.gather [hbm4b:s13+s5], $0x190, $0x38;
	[tilespmem:$0x1FF00] =	vst v63  }
0x34: {  	p1 =	sne.s32 s4, $0x2EE;
	_ =	swait.ge [sflag:s25], $0x190  }
0x35: {  	[sflag:s25] =	ssyncset.done $0x0  }
0x36: {  	[sflag:s25] =	ssyncadd.s32 $0xFFFFFE70  }
0x37: {  	[spmem:s3] =	stream.linear.scatter [tilespmem:s24], [sflag:$0x8], $0x190, $0x38;
	[tilespmem:$0x1FF00] =	vst v63  }
0x38: {  	_ =	swait.ge [sflag:s25], $0x190  }
0x39: {  	[sflag:s25] =	ssyncset.done $0x0  }
0x3a: {  	s4 =	sadd.s32 s2, s16;
	s2 =	smov.u32 s14;
	[sflag:s25] =	ssyncadd.s32 $0xFFFFFE70  }
0x3b: {  	[tilespmem:s24], [sflag:$0x8] =	stream.linear.gather [hbm4b:s4+s5], $0x190, $0x38;
	[tilespmem:$0x1FF00] =	vst v63  }
0x3c: {  	_ =	swait.ge [sflag:s25], $0x190  }
.Ltmp2:
0x3d: {  	[sflag:s25] =	ssyncset.done $0x0;
	(pc) =	sbr.rel @p1 .LBB2_2-.Ltmp2, $4  }
0x3e: {  	[sflag:s25] =	ssyncadd.s32 $0xFFFFFE70  }
0x3f: {  	[spmem:s1] =	stream.linear.scatter [tilespmem:s24], [sflag:$0x8], $0x190, $0x38;
	[tilespmem:$0x1FF00] =	vst v63  }
0x40: {  	s3 =	sadd.s32 $0x190, s3;
	_ =	swait.ge [sflag:s25], $0x190  }
0x41: {  	s4 =	smov.u32 s20;
	s1 =	sadd.s32 $0x190, s1;
	[sflag:s25] =	ssyncset.done $0x0  }
0x42: {  	s4 =	sadd.s32 s2, s17;
	[sflag:s25] =	ssyncadd.s32 $0xFFFFFE70  }
0x43: {  	[tilespmem:s24], [sflag:$0x8] =	stream.linear.gather [hbm4b:s4+s5], $0x190, $0x38;
	[tilespmem:$0x1FF00] =	vst v63  }
0x44: {  	_ =	swait.ge [sflag:s25], $0x190  }
0x45: {  	[sflag:s25] =	ssyncset.done $0x0  }
0x46: {  	[sflag:s25] =	ssyncadd.s32 $0xFFFFFE70  }
0x47: {  	[spmem:s3] =	stream.linear.scatter [tilespmem:s24], [sflag:$0x8], $0x190, $0x38;
	[tilespmem:$0x1FF00] =	vst v63  }
0x48: {  	_ =	swait.ge [sflag:s25], $0x190  }
0x49: {  	[sflag:s25] =	ssyncset.done $0x0  }
0x4a: {  	s4 =	sadd.s32 s2, s16;
	[sflag:s25] =	ssyncadd.s32 $0xFFFFFE70  }
0x4b: {  	[tilespmem:s24], [sflag:$0x8] =	stream.linear.gather [hbm4b:s4+s5], $0x190, $0x38;
	[tilespmem:$0x1FF00] =	vst v63  }
0x4c: {  	_ =	swait.ge [sflag:s25], $0x190  }
0x4d: {  	[sflag:s25] =	ssyncset.done $0x0  }
0x4e: {  	[sflag:s25] =	ssyncadd.s32 $0xFFFFFE70  }
0x4f: {  	[spmem:s1] =	stream.linear.scatter [tilespmem:s24], [sflag:$0x8], $0x190, $0x38;
	[tilespmem:$0x1FF00] =	vst v63  }
0x50: {  	_ =	swait.ge [sflag:s25], $0x190  }
0x51: {  	s13 =	simm.s32 $0x0;
	[sflag:s25] =	ssyncset.done $0x0  }
0x52: {  	s20 =	simm.s32 $0x23F0;
	s14 =	rddreg [dreg:$0x7];
	[sflag:s25] =	ssyncadd.s32 $0xFFFFFE70  }
0x53: {  	[tilespmem:s20], [sflag:$0x8] =	stream.linear.gather [hbm4b:s14+s13], $0x10, $0x38;
	[tilespmem:$0x1FF00] =	vst v63  }
0x54: {  	_ =	swait.ge [sflag:s25], $0x10  }
0x55: {  	[sflag:s25] =	ssyncset.done $0x0  }
0x56: {  	[sflag:s25] =	ssyncadd.s32 $0xFFFFFFF0  }
0x57: {  	[tilespmem:$0x7D0] =	vst v1  }
0x58: {  	[tilespmem:$0x7E0] =	vst v1  }
0x59: {  	[tilespmem:$0x7F0] =	vst v1  }
0x5a: {  	[tilespmem:$0x800] =	vst v1  }
0x5b: {  	[tilespmem:$0x810] =	vst v1  }
0x5c: {  	[tilespmem:$0x820] =	vst v1  }
0x5d: {  	[tilespmem:$0x830] =	vst v1  }
0x5e: {  	[tilespmem:$0x840] =	vst v1  }
0x5f: {  	[tilespmem:$0x850] =	vst v1  }
0x60: {  	[tilespmem:$0x860] =	vst v1  }
0x61: {  	[tilespmem:$0x870] =	vst v1  }
0x62: {  	[tilespmem:$0x880] =	vst v1  }
0x63: {  	[tilespmem:$0x890] =	vst v1  }
0x64: {  	[tilespmem:$0x8A0] =	vst v1  }
0x65: {  	[tilespmem:$0x8B0] =	vst v1  }
0x66: {  	[tilespmem:$0x8C0] =	vst v1  }
0x67: {  	[tilespmem:$0x8D0] =	vst v1  }
0x68: {  	[tilespmem:$0x8E0] =	vst v1  }
0x69: {  	[tilespmem:$0x8F0] =	vst v1  }
0x6a: {  	[tilespmem:$0x900] =	vst v1  }
0x6b: {  	[tilespmem:$0x910] =	vst v1  }
0x6c: {  	[tilespmem:$0x920] =	vst v1  }
0x6d: {  	[tilespmem:$0x930] =	vst v1  }
0x6e: {  	[tilespmem:$0x940] =	vst v1  }
0x6f: {  	s2 =	simm.s32 $0x0;
	s1 =	simm.s32 $0x40;
	[tilespmem:$0x950] =	vst v1  }
.LBB2_4:
0x70: {  	p1 =	sne.s32 s1, $0x63C0;
	[tilespmem:s2+$0xAF0] =	vst v1;
	s2 =	smov.u32 s1;
	s1 =	sadd.s32 $0x40, s1  }
.Ltmp3:
0x71: {  	(pc) =	sbr.rel @p1 .LBB2_4-.Ltmp3, $2  }
0x72: {  	_ =	sdelay $0x2  }
0x73: {  	s2 =	sshra.s32 s2, $0x2  }
0x74: {  	[tilespmem:s2+$0xAF0] =	vst v1;
	s1 =	sadd.s32 $0x0, s21  }
0x75: {  	[spmem:s1] =	stream.linear.scatter [tilespmem:s24], [sflag:$0x8], $0x190, $0x38;
	[tilespmem:$0x1FF00] =	vst v63  }
0x76: {  	_ =	swait.ge [sflag:s25], $0x190  }
0x77: {  	[sflag:s25] =	ssyncset.done $0x0  }
0x78: {  	s20 =	rddreg [dreg:$0xf];
	[sflag:s25] =	ssyncadd.s32 $0xFFFFFE70  }
0x79: {  	[spmem:s20] =	stream.linear.scatter [tilespmem:s28], [sflag:$0x8], $0x1900, $0x38;
	[tilespmem:$0x1FF00] =	vst v63  }
0x7a: {  	s2 =	simm.s32 $0xC80;
	_ =	swait.ge [sflag:s25], $0x1900  }
0x7b: {  	s3 =	simm.s32 $0x190;
	s1 =	sadd.s32 $0x1900, s20;
	[sflag:s25] =	ssyncset.done $0x0  }
.LBB2_6:
0x7c: {  	s3 =	sadd.s32 s3, s21  }
0x7d: {  	[sflag:s25] =	ssyncadd.s32 $0xFFFFE700;
	s4 =	smov.u32 s2;
	s13 =	sadd.s32 $0x640, s2  }
0x7e: {  	[spmem:s3] =	stream.linear.scatter [tilespmem:s24], [sflag:$0x8], $0x190, $0x38;
	[tilespmem:$0x1FF00] =	vst v63  }
0x7f: {  	p1 =	sne.s32 s2, $0x5DC0;
	_ =	swait.ge [sflag:s25], $0x190  }
.Ltmp4:
0x80: {  	[sflag:s25] =	ssyncset.done $0x0;
	(pc) =	sbr.rel @p1 .LBB2_6-.Ltmp4, $4  }
0x81: {  	[sflag:s25] =	ssyncadd.s32 $0xFFFFFE70  }
0x82: {  	[spmem:s1] =	stream.linear.scatter [tilespmem:s28], [sflag:$0x8], $0x1900, $0x38;
	[tilespmem:$0x1FF00] =	vst v63  }
0x83: {  	s3 =	sshra.s32 s4, $0x2;
	_ =	swait.ge [sflag:s25], $0x1900  }
0x84: {  	s2 =	smov.u32 s13;
	s1 =	sadd.s32 $0x1900, s1;
	[sflag:s25] =	ssyncset.done $0x0  }
0x85: {  	s2 =	sadd.s32 s3, s21;
	[sflag:s25] =	ssyncadd.s32 $0xFFFFE700  }
0x86: {  	[spmem:s2] =	stream.linear.scatter [tilespmem:s24], [sflag:$0x8], $0x190, $0x38;
	[tilespmem:$0x1FF00] =	vst v63  }
0x87: {  	_ =	swait.ge [sflag:s25], $0x190  }
0x88: {  	[sflag:s25] =	ssyncset.done $0x0  }
0x89: {  	[sflag:s25] =	ssyncadd.s32 $0xFFFFFE70  }
0x8a: {  	[spmem:s1] =	stream.linear.scatter [tilespmem:s28], [sflag:$0x8], $0x1900, $0x38;
	[tilespmem:$0x1FF00] =	vst v63  }
0x8b: {  	_ =	swait.ge [sflag:s25], $0x1900  }
0x8c: {  	[sflag:s25] =	ssyncset.done $0x0  }
0x8d: {  	[sflag:s25] =	ssyncadd.s32 $0xFFFFE700  }
0x8e: {  	[bflag:$0x0] =	sbarrier.arrive $0xFFFF  }
0x8f: {  	s20 =	simm.s32 $0x0;
	s13 =	rddreg [dreg:$0x8]  }
0x90: {  	v2 =	vld [tilespmem:$0x23F0];
	[tilespmem:s20], [sflag:$0x4] =	stream.linear.gather [hbm4b:s13+s20], $0x190, $0x38  }
0x91: {  	s1 =	simm.s32 $0x0;
	s14 =	rddreg [dreg:$0x9]  }
0x92: {  	[tilespmem:s29], [sflag:$0x5] =	stream.linear.gather [hbm4b:s14+s20], $0x190, $0x38;
	[tilespmem:$0x1FF00] =	vst v63  }
.LBB2_8:
0x93: {  	_ =	swait.ge [sflag:s30], $0x190  }
0x94: {  	[sflag:s30] =	ssyncset.done $0x0  }
0x95: {  	[sflag:s30] =	ssyncadd.s32 $0xFFFFFE70  }
0x96: {  	s2 =	smul.u32 $0x320, s1;
	_ =	swait.ge [sflag:s31], $0x190  }
0x97: {  	s3 =	rddreg [dreg:$0xa]  }
0x98: {  	s3 =	sadd.s32 s2, s3  }
0x99: {  	[sflag:s31] =	ssyncset.done $0x0;
	s3 =	sshrl.u32 s3, $0x3  }
0x9a: {  	[sflag:s31] =	ssyncadd.s32 $0xFFFFFE70;
	s4 =	sadd.s32 s7, s3  }
0x9b: {  	[tilespmem:s0], [sflag:$0x6] =	stream.linear.gather [hbm4b:s4+s20], $0x190, $0x38;
	[tilespmem:$0x1FF00] =	vst v63  }
0x9c: {  	s3 =	sadd.s32 s8, s3  }
0x9d: {  	[tilespmem:s6], [sflag:$0x7] =	stream.linear.gather [hbm4b:s3+s20], $0x190, $0x38;
	[tilespmem:$0x1FF00] =	vst v63  }
0x9e: {  	s13 =	rddreg [dreg:$0x2]  }
0x9f: {  	[tilespmem:s24], [sflag:$0x1] =	stream.indirect.gather [spmem:s13], $0x1, s20, s29, $0xb8;
	[tilespmem:$0x1FF00] =	vst v63  }
0xa0: {  	s14 =	rddreg [dreg:$0x3];
	s3 =	simm.s32 $0x0  }
0xa1: {  	[tilespmem:s26], [sflag:$0x2] =	stream.indirect.gather [spmem:s14], $0x1, s29, s29, $0xb8;
	[tilespmem:$0x1FF00] =	vst v63  }
0xa2: {  	s4 =	simm.s32 $0x40;
	v3 =	vld [tilespmem:s3+$0x0]  }
.LBB2_9:
0xa3: {  	p1 =	sne.s32 s4, $0x600  }
.Ltmp5:
0xa4: {  	_ = 	snop;
	(pc) =	sbr.rel @p1 .LBB2_9-.Ltmp5, $3  }
0xa5: {  	_ =	sdelay $0x1  }
0xa6: {  	s13 =	sshra.s32 s4, $0x2;
	s4 =	sadd.s32 $0x40, s4;
	v4 =	vadd.s32 v0, v3  }
0xa7: {  	v3 =	vld [tilespmem:s13+$0x0];
	[tilespmem:s3+$0x640] =	vst v4;
	s3 =	smov.u32 s13  }
0xa8: {  	_ =	sdelay $0x3  }
0xa9: {  	v3 =	vadd.s32 v0, v3  }
0xaa: {  	[tilespmem:s3+$0x640] =	vst v3  }
0xab: {  	[tilespmem:s28], [sflag:$0x3] =	stream.indirect.gather [hbm4b:s10+s29], $0x10, s9, s29, $0xb8;
	[tilespmem:$0x1FF00] =	vst v63  }
0xac: {  	_ =	swait.ge [sflag:s11], $0x190  }
0xad: {  	[sflag:s11] =	ssyncset.done $0x0  }
0xae: {  	[sflag:s11] =	ssyncadd.s32 $0xFFFFFE70  }
0xaf: {  	_ =	swait.ge [sflag:s12], $0x190  }
0xb0: {  	[sflag:s12] =	ssyncset.done $0x0  }
0xb1: {  	s3 =	simm.s32 $0x0;
	[sflag:s12] =	ssyncadd.s32 $0xFFFFFE70  }
0xb2: {  	s4 =	simm.s32 $0x40;
	v3 =	vld [tilespmem:s3+$0x960]  }
.LBB2_11:
0xb3: {  	p1 =	sne.s32 s4, $0x600;
	v4 =	vld [tilespmem:s3+$0x7D0];
	_ =	sdelay $0x4  }
0xb4: {  	v4 =	vadd.f32 v3, v4;
	v3 =	vadd.f32 v3, v2;
	_ =	sdelay $0x1  }
0xb5: {  	v5 =	vmul.f32 $2.000000030e-01, v4;
	v6 =	vmul.f32 $2.000000030e-01, v3;
	_ =	sdelay $0x1  }
0xb6: {  	v4 =	vmax.f32 v4, v5;
	v3 =	vmax.f32 v3, v6  }
0xb7: {  	v3 =	vsub.f32 v4, v3;
	_ =	sdelay $0x1  }
0xb8: {  	v3 =	vmul.f32 $1.442695020e+00, v3;
	_ =	sdelay $0x1  }
0xb9: {  	(erf) = vpow2.f32 v3;
	_ =	sdelay $0x5  }
.Ltmp6:
0xba: {  	(pc) =	sbr.rel @p1 .LBB2_11-.Ltmp6, $3  }
0xbb: {  	_ =	sdelay $0x1  }
0xbc: {  	s13 =	sshra.s32 s4, $0x2;
	v4 =	vpop (erf)  }
0xbd: {  	s4 =	sadd.s32 $0x40, s4;
	v3 =	vld [tilespmem:s13+$0x960];
	[tilespmem:s3+$0x7D0] =	vst v4;
	s3 =	smov.u32 s13  }
0xbe: {  	v4 =	vld [tilespmem:s3+$0x7D0];
	_ =	sdelay $0x4  }
0xbf: {  	v4 =	vadd.f32 v3, v4;
	v3 =	vadd.f32 v3, v2;
	_ =	sdelay $0x1  }
0xc0: {  	v5 =	vmul.f32 $2.000000030e-01, v4;
	v6 =	vmul.f32 $2.000000030e-01, v3;
	_ =	sdelay $0x1  }
0xc1: {  	v4 =	vmax.f32 v4, v5;
	v3 =	vmax.f32 v3, v6  }
0xc2: {  	v3 =	vsub.f32 v4, v3;
	_ =	sdelay $0x1  }
0xc3: {  	v3 =	vmul.f32 $1.442695020e+00, v3;
	_ =	sdelay $0x1  }
0xc4: {  	(erf) = vpow2.f32 v3;
	_ =	sdelay $0x8  }
0xc5: {  	v3 =	vpop (erf)  }
0xc6: {  	s4 =	simm.s32 @!p0 $0x7D0;
	s13 =	rddreg [dreg:$0x4];
	[tilespmem:s3+$0x7D0] =	vst v3;
	s3 =	simm.s32 @!p0 $0x190  }
0xc7: {  	[spmem:s13] =	stream.indirect.scatter.add.f32 @!p0 [tilespmem:s4], [sflag:$0x8], $0x1, s3, s3, $0xb8;
	[tilespmem:$0x1FF00] =	vst v63  }
0xc8: {  	s3 =	simm.s32 @!p0 $0x8  }
0xc9: {  	_ =	swait.ge @!p0 [sflag:s3], $0x190  }
0xca: {  	[sflag:s3] =	ssyncset.done @!p0 $0x0  }
0xcb: {  	[sflag:s3] =	ssyncadd.s32 @!p0 $0xFFFFFE70  }
0xcc: {  	_ =	swait.ge [sflag:s15], $0x1900  }
0xcd: {  	[sflag:s15] =	ssyncset.done $0x0  }
0xce: {  	s3 =	simm.s32 $0xB70;
	[sflag:s15] =	ssyncadd.s32 $0xFFFFE700  }
0xcf: {  	s14 =	simm.s32 $0x0;
	s13 =	simm.s32 $0x40;
	s4 =	simm.s32 $0xB70;
	v3 =	vld [tilespmem:s3+$0xFFFFFFB0]  }
.LBB2_13:
0xd0: {  	p1 =	sne.s32 s13, $0x600;
	v4 =	vld [tilespmem:s14+$0x7D0]  }
0xd1: {  	v5 =	vld [tilespmem:s3+$0xFFFFFF90]  }
0xd2: {  	v6 =	vld [tilespmem:s3+$0xFFFFFF80]  }
0xd3: {  	v7 =	vld [tilespmem:s3+$0xFFFFFFA0]  }
0xd4: {  	v8 =	vld [tilespmem:s3+$0xFFFFFFF0]  }
0xd5: {  	v9 =	vbroadcast v4, $0x0;
	v10 =	vbroadcast v4, $0x1;
	v11 =	vld [tilespmem:s3+$0xFFFFFFD0]  }
0xd6: {  	v12 =	vbroadcast v4, $0x2;
	v13 =	vbroadcast v4, $0x3;
	v14 =	vld [tilespmem:s3+$0xFFFFFFC0]  }
0xd7: {  	v6 =	vmul.f32 v9, v6;
	v5 =	vmul.f32 v5, v10;
	v9 =	vld [tilespmem:s3+$0xFFFFFFE0]  }
0xd8: {  	v3 =	vmul.f32 v3, v13;
	v7 =	vmul.f32 v7, v12;
	v10 =	vld [tilespmem:s3+$0x30]  }
0xd9: {  	v12 =	vbroadcast v4, $0x5;
	[tilespmem:s3+$0xFFFFFF80] =	vst v6;
	v6 =	vbroadcast v4, $0x4;
	v13 =	vld [tilespmem:s3+$0x10]  }
0xda: {  	v15 =	vbroadcast v4, $0x7;
	[tilespmem:s3+$0xFFFFFF90] =	vst v5;
	v5 =	vbroadcast v4, $0x6;
	v16 =	vld [tilespmem:s3+$0x0]  }
0xdb: {  	[tilespmem:s3+$0xFFFFFFA0] =	vst v7;
	v6 =	vmul.f32 v14, v6;
	v7 =	vmul.f32 v11, v12;
	v11 =	vld [tilespmem:s3+$0x20]  }
0xdc: {  	[tilespmem:s3+$0xFFFFFFB0] =	vst v3;
	v3 =	vmul.f32 v9, v5;
	v5 =	vmul.f32 v8, v15;
	v8 =	vld [tilespmem:s3+$0x70]  }
0xdd: {  	v9 =	vbroadcast v4, $0x9;
	[tilespmem:s3+$0xFFFFFFC0] =	vst v6;
	v6 =	vbroadcast v4, $0x8;
	v12 =	vld [tilespmem:s3+$0x50]  }
0xde: {  	v14 =	vbroadcast v4, $0xB;
	[tilespmem:s3+$0xFFFFFFD0] =	vst v7;
	v7 =	vbroadcast v4, $0xA;
	v15 =	vld [tilespmem:s3+$0x40]  }
0xdf: {  	[tilespmem:s3+$0xFFFFFFE0] =	vst v3;
	v3 =	vmul.f32 v16, v6;
	v6 =	vmul.f32 v13, v9;
	v9 =	vld [tilespmem:s3+$0x60]  }
0xe0: {  	[tilespmem:s3+$0xFFFFFFF0] =	vst v5;
	v5 =	vmul.f32 v11, v7;
	v7 =	vmul.f32 v10, v14  }
0xe1: {  	v10 =	vbroadcast v4, $0xD;
	[tilespmem:s3+$0x0] =	vst v3;
	v3 =	vbroadcast v4, $0xC  }
0xe2: {  	[tilespmem:s3+$0x10] =	vst v6;
	v6 =	vbroadcast v4, $0xE;
	v4 =	vbroadcast v4, $0xF  }
0xe3: {  	[tilespmem:s3+$0x20] =	vst v5;
	v3 =	vmul.f32 v15, v3;
	v5 =	vmul.f32 v12, v10  }
.Ltmp7:
0xe4: {  	[tilespmem:s3+$0x30] =	vst v7;
	v6 =	vmul.f32 v9, v6;
	v4 =	vmul.f32 v8, v4;
	(pc) =	sbr.rel @p1 .LBB2_13-.Ltmp7, $4  }
0xe5: {  	[tilespmem:s3+$0x40] =	vst v3  }
0xe6: {  	[tilespmem:s3+$0x50] =	vst v5  }
0xe7: {  	s3 =	sadd.s32 $0x100, s3;
	[tilespmem:s4+$0x60] =	vst v6  }
0xe8: {  	s14 =	sshra.s32 s13, $0x2;
	s13 =	sadd.s32 $0x40, s13;
	v3 =	vld [tilespmem:s3+$0xFFFFFFB0];
	[tilespmem:s4+$0x70] =	vst v4;
	s4 =	smov.u32 s3  }
0xe9: {  	v4 =	vld [tilespmem:s14+$0x7D0];
	_ =	sdelay $0x1  }
0xea: {  	v5 =	vld [tilespmem:s3+$0xFFFFFF80]  }
0xeb: {  	v6 =	vld [tilespmem:s3+$0xFFFFFF90]  }
0xec: {  	v7 =	vld [tilespmem:s3+$0xFFFFFFA0]  }
0xed: {  	v8 =	vbroadcast v4, $0x0  }
0xee: {  	v11 =	vld [tilespmem:s3+$0xFFFFFFD0];
	v9 =	vbroadcast v4, $0x1  }
0xef: {  	v10 =	vld [tilespmem:s3+$0xFFFFFFC0];
	v12 =	vbroadcast v4, $0x2;
	v5 =	vmul.f32 v8, v5  }
0xf0: {  	v48 =	vld [tilespmem:s3+$0xFFFFFFE0];
	v47 =	vbroadcast v4, $0x3;
	v6 =	vmul.f32 v6, v9  }
0xf1: {  	v51 =	vld [tilespmem:s3+$0x10];
	v49 =	vbroadcast v4, $0x5;
	v7 =	vmul.f32 v7, v12;
	[tilespmem:s3+$0xFFFFFF80] =	vst v5  }
0xf2: {  	v13 =	vld [tilespmem:s3+$0xFFFFFFF0];
	v3 =	vmul.f32 v3, v47;
	v5 =	vbroadcast v4, $0x4;
	[tilespmem:s3+$0xFFFFFF90] =	vst v6  }
0xf3: {  	v50 =	vld [tilespmem:s3+$0x0];
	v14 =	vbroadcast v4, $0x6;
	v8 =	vmul.f32 v11, v49;
	[tilespmem:s3+$0xFFFFFFA0] =	vst v7  }
0xf4: {  	v56 =	vld [tilespmem:s3+$0x50];
	v54 =	vbroadcast v4, $0x9;
	[tilespmem:s3+$0xFFFFFFB0] =	vst v3;
	v5 =	vmul.f32 v10, v5  }
0xf5: {  	v53 =	vld [tilespmem:s3+$0x20];
	v52 =	vbroadcast v4, $0x7;
	v9 =	vmul.f32 v48, v14;
	[tilespmem:s3+$0xFFFFFFD0] =	vst v8  }
0xf6: {  	v59 =	vmul.f32 v51, v54;
	v3 =	vld [tilespmem:s3+$0x30];
	[tilespmem:s3+$0xFFFFFFC0] =	vst v5;
	v5 =	vbroadcast v4, $0x8  }
0xf7: {  	v55 =	vld [tilespmem:s3+$0x40];
	v62 =	vbroadcast v4, $0xD;
	v7 =	vmul.f32 v13, v52;
	[tilespmem:s3+$0xFFFFFFE0] =	vst v9  }
0xf8: {  	v60 =	vld [tilespmem:s3+$0x60];
	v57 =	vbroadcast v4, $0xA;
	[tilespmem:s3+$0x10] =	vst v59;
	v5 =	vmul.f32 v50, v5  }
0xf9: {  	v61 =	vld [tilespmem:s3+$0x70];
	v58 =	vbroadcast v4, $0xB;
	v6 =	vmul.f32 v56, v62;
	[tilespmem:s3+$0xFFFFFFF0] =	vst v7  }
0xfa: {  	v10 =	vmul.f32 v53, v57;
	[tilespmem:s3+$0x0] =	vst v5;
	v5 =	vbroadcast v4, $0xC  }
0xfb: {  	v63 =	vbroadcast v4, $0xE;
	[tilespmem:s3+$0x50] =	vst v6;
	v3 =	vmul.f32 v3, v58  }
0xfc: {  	[tilespmem:s3+$0x20] =	vst v10;
	v4 =	vbroadcast v4, $0xF;
	v5 =	vmul.f32 v55, v5  }
0xfd: {  	[tilespmem:s3+$0x30] =	vst v3;
	v3 =	vmul.f32 v60, v63  }
0xfe: {  	v4 =	vmul.f32 v61, v4;
	[tilespmem:s3+$0x40] =	vst v5  }
0xff: {  	[tilespmem:s4+$0x60] =	vst v3  }
0x100: {  	[tilespmem:s4+$0x70] =	vst v4;
	s4 =	rddreg [dreg:$0x5]  }
0x101: {  	[spmem:s4] =	stream.indirect.scatter.add.f32 [tilespmem:s28], [sflag:$0x8], $0x10, s29, s29, $0xb8;
	[tilespmem:$0x1FF00] =	vst v63  }
0x102: {  	_ =	swait.ge [sflag:s25], $0x1900  }
0x103: {  	[sflag:s25] =	ssyncset.done $0x0  }
0x104: {  	[sflag:s25] =	ssyncadd.s32 $0xFFFFE700  }
0x105: {  	_ =	swait.ge [sflag:s18], $0x190  }
0x106: {  	[sflag:s18] =	ssyncset.done $0x0  }
0x107: {  	[sflag:s18] =	ssyncadd.s32 $0xFFFFFE70  }
0x108: {  	_ =	swait.ge [sflag:s19], $0x190  }
0x109: {  	p1 =	seq.s32 s1, $0xF9;
	s3 =	rddreg [dreg:$0xb]  }
0x10a: {  	s2 =	sadd.s32 @!p1 s2, s3  }
0x10b: {  	[sflag:s19] =	ssyncset.done $0x0;
	s2 =	sshrl.u32 @!p1 s2, $0x3  }
0x10c: {  	s4 =	simm.s32 @!p1 $0x0;
	[sflag:s19] =	ssyncadd.s32 $0xFFFFFE70;
	s3 =	sadd.s32 @!p1 s7, s2  }
0x10d: {  	[tilespmem:s4], [sflag:$0x4] =	stream.linear.gather @!p1 [hbm4b:s3+s4], $0x190, $0x38;
	[tilespmem:$0x1FF00] =	vst v63  }
0x10e: {  	s2 =	sadd.s32 @!p1 s8, s2;
	s3 =	simm.s32 @!p1 $0x190  }
0x10f: {  	[tilespmem:s3], [sflag:$0x5] =	stream.linear.gather @!p1 [hbm4b:s2+s4], $0x190, $0x38;
	[tilespmem:$0x1FF00] =	vst v63  }
0x110: {  	s13 =	rddreg [dreg:$0x2]  }
0x111: {  	[tilespmem:s24], [sflag:$0x1] =	stream.indirect.gather [spmem:s13], $0x1, s0, s29, $0xb8;
	[tilespmem:$0x1FF00] =	vst v63  }
0x112: {  	s14 =	rddreg [dreg:$0x3];
	s2 =	simm.s32 $0x0  }
0x113: {  	[tilespmem:s26], [sflag:$0x2] =	stream.indirect.gather [spmem:s14], $0x1, s6, s29, $0xb8;
	[tilespmem:$0x1FF00] =	vst v63  }
0x114: {  	s3 =	simm.s32 $0x40;
	v3 =	vld [tilespmem:s2+$0x320]  }
.LBB2_15:
0x115: {  	p1 =	sne.s32 s3, $0x600  }
.Ltmp8:
0x116: {  	_ = 	snop;
	(pc) =	sbr.rel @p1 .LBB2_15-.Ltmp8, $3  }
0x117: {  	_ =	sdelay $0x1  }
0x118: {  	s4 =	sshra.s32 s3, $0x2;
	s3 =	sadd.s32 $0x40, s3;
	v4 =	vadd.s32 v0, v3  }
0x119: {  	v3 =	vld [tilespmem:s4+$0x320];
	[tilespmem:s2+$0x640] =	vst v4;
	s2 =	smov.u32 s4  }
0x11a: {  	_ =	sdelay $0x3  }
0x11b: {  	v3 =	vadd.s32 v0, v3  }
0x11c: {  	[tilespmem:s2+$0x640] =	vst v3  }
0x11d: {  	[tilespmem:s28], [sflag:$0x3] =	stream.indirect.gather [hbm4b:s10+s29], $0x10, s9, s29, $0xb8;
	[tilespmem:$0x1FF00] =	vst v63  }
0x11e: {  	_ =	swait.ge [sflag:s11], $0x190  }
0x11f: {  	[sflag:s11] =	ssyncset.done $0x0  }
0x120: {  	[sflag:s11] =	ssyncadd.s32 $0xFFFFFE70  }
0x121: {  	_ =	swait.ge [sflag:s12], $0x190  }
0x122: {  	[sflag:s12] =	ssyncset.done $0x0  }
0x123: {  	s2 =	simm.s32 $0x0;
	[sflag:s12] =	ssyncadd.s32 $0xFFFFFE70  }
0x124: {  	s3 =	simm.s32 $0x40;
	v3 =	vld [tilespmem:s2+$0x960]  }
.LBB2_17:
0x125: {  	p1 =	sne.s32 s3, $0x600;
	v4 =	vld [tilespmem:s2+$0x7D0];
	_ =	sdelay $0x4  }
0x126: {  	v4 =	vadd.f32 v3, v4;
	v3 =	vadd.f32 v3, v2;
	_ =	sdelay $0x1  }
0x127: {  	v5 =	vmul.f32 $2.000000030e-01, v4;
	v6 =	vmul.f32 $2.000000030e-01, v3;
	_ =	sdelay $0x1  }
0x128: {  	v4 =	vmax.f32 v4, v5;
	v3 =	vmax.f32 v3, v6  }
0x129: {  	v3 =	vsub.f32 v4, v3;
	_ =	sdelay $0x1  }
0x12a: {  	v3 =	vmul.f32 $1.442695020e+00, v3;
	_ =	sdelay $0x1  }
0x12b: {  	(erf) = vpow2.f32 v3;
	_ =	sdelay $0x5  }
.Ltmp9:
0x12c: {  	(pc) =	sbr.rel @p1 .LBB2_17-.Ltmp9, $3  }
0x12d: {  	_ =	sdelay $0x1  }
0x12e: {  	s4 =	sshra.s32 s3, $0x2;
	v4 =	vpop (erf)  }
0x12f: {  	s3 =	sadd.s32 $0x40, s3;
	v3 =	vld [tilespmem:s4+$0x960];
	[tilespmem:s2+$0x7D0] =	vst v4;
	s2 =	smov.u32 s4  }
0x130: {  	v4 =	vld [tilespmem:s2+$0x7D0];
	_ =	sdelay $0x4  }
0x131: {  	v4 =	vadd.f32 v3, v4;
	v3 =	vadd.f32 v3, v2;
	_ =	sdelay $0x1  }
0x132: {  	v5 =	vmul.f32 $2.000000030e-01, v4;
	v6 =	vmul.f32 $2.000000030e-01, v3;
	_ =	sdelay $0x1  }
0x133: {  	v4 =	vmax.f32 v4, v5;
	v3 =	vmax.f32 v3, v6  }
0x134: {  	v3 =	vsub.f32 v4, v3;
	_ =	sdelay $0x1  }
0x135: {  	v3 =	vmul.f32 $1.442695020e+00, v3;
	_ =	sdelay $0x1  }
0x136: {  	(erf) = vpow2.f32 v3;
	_ =	sdelay $0x8  }
0x137: {  	s3 =	simm.s32 @!p0 $0x4B0;
	v3 =	vpop (erf)  }
0x138: {  	s4 =	simm.s32 @!p0 $0x7D0;
	s13 =	rddreg [dreg:$0x4];
	[tilespmem:s2+$0x7D0] =	vst v3;
	s2 =	simm.s32 @!p0 $0x190  }
0x139: {  	[spmem:s13] =	stream.indirect.scatter.add.f32 @!p0 [tilespmem:s4], [sflag:$0x8], $0x1, s3, s2, $0xb8;
	[tilespmem:$0x1FF00] =	vst v63  }
0x13a: {  	s2 =	simm.s32 @!p0 $0x8  }
0x13b: {  	_ =	swait.ge @!p0 [sflag:s2], $0x190  }
0x13c: {  	[sflag:s2] =	ssyncset.done @!p0 $0x0  }
0x13d: {  	[sflag:s2] =	ssyncadd.s32 @!p0 $0xFFFFFE70  }
0x13e: {  	_ =	swait.ge [sflag:s15], $0x1900  }
0x13f: {  	[sflag:s15] =	ssyncset.done $0x0  }
0x140: {  	s2 =	simm.s32 $0xB70;
	[sflag:s15] =	ssyncadd.s32 $0xFFFFE700  }
0x141: {  	s13 =	simm.s32 $0x0;
	s4 =	simm.s32 $0x40;
	s3 =	simm.s32 $0xB70;
	v3 =	vld [tilespmem:s2+$0xFFFFFFB0]  }
.LBB2_19:
0x142: {  	p1 =	sne.s32 s4, $0x600;
	v4 =	vld [tilespmem:s13+$0x7D0]  }
0x143: {  	v5 =	vld [tilespmem:s2+$0xFFFFFF90]  }
0x144: {  	v6 =	vld [tilespmem:s2+$0xFFFFFF80]  }
0x145: {  	v7 =	vld [tilespmem:s2+$0xFFFFFFA0]  }
0x146: {  	v8 =	vld [tilespmem:s2+$0xFFFFFFF0]  }
0x147: {  	v9 =	vbroadcast v4, $0x0;
	v10 =	vbroadcast v4, $0x1;
	v11 =	vld [tilespmem:s2+$0xFFFFFFD0]  }
0x148: {  	v12 =	vbroadcast v4, $0x2;
	v13 =	vbroadcast v4, $0x3;
	v14 =	vld [tilespmem:s2+$0xFFFFFFC0]  }
0x149: {  	v6 =	vmul.f32 v9, v6;
	v5 =	vmul.f32 v5, v10;
	v9 =	vld [tilespmem:s2+$0xFFFFFFE0]  }
0x14a: {  	v3 =	vmul.f32 v3, v13;
	v7 =	vmul.f32 v7, v12;
	v10 =	vld [tilespmem:s2+$0x30]  }
0x14b: {  	v12 =	vbroadcast v4, $0x5;
	[tilespmem:s2+$0xFFFFFF80] =	vst v6;
	v6 =	vbroadcast v4, $0x4;
	v13 =	vld [tilespmem:s2+$0x10]  }
0x14c: {  	v15 =	vbroadcast v4, $0x7;
	[tilespmem:s2+$0xFFFFFF90] =	vst v5;
	v5 =	vbroadcast v4, $0x6;
	v16 =	vld [tilespmem:s2+$0x0]  }
0x14d: {  	[tilespmem:s2+$0xFFFFFFA0] =	vst v7;
	v6 =	vmul.f32 v14, v6;
	v7 =	vmul.f32 v11, v12;
	v11 =	vld [tilespmem:s2+$0x20]  }
0x14e: {  	[tilespmem:s2+$0xFFFFFFB0] =	vst v3;
	v3 =	vmul.f32 v9, v5;
	v5 =	vmul.f32 v8, v15;
	v8 =	vld [tilespmem:s2+$0x70]  }
0x14f: {  	v9 =	vbroadcast v4, $0x9;
	[tilespmem:s2+$0xFFFFFFC0] =	vst v6;
	v6 =	vbroadcast v4, $0x8;
	v12 =	vld [tilespmem:s2+$0x50]  }
0x150: {  	v14 =	vbroadcast v4, $0xB;
	[tilespmem:s2+$0xFFFFFFD0] =	vst v7;
	v7 =	vbroadcast v4, $0xA;
	v15 =	vld [tilespmem:s2+$0x40]  }
0x151: {  	[tilespmem:s2+$0xFFFFFFE0] =	vst v3;
	v3 =	vmul.f32 v16, v6;
	v6 =	vmul.f32 v13, v9;
	v9 =	vld [tilespmem:s2+$0x60]  }
0x152: {  	[tilespmem:s2+$0xFFFFFFF0] =	vst v5;
	v5 =	vmul.f32 v11, v7;
	v7 =	vmul.f32 v10, v14  }
0x153: {  	v10 =	vbroadcast v4, $0xD;
	[tilespmem:s2+$0x0] =	vst v3;
	v3 =	vbroadcast v4, $0xC  }
0x154: {  	[tilespmem:s2+$0x10] =	vst v6;
	v6 =	vbroadcast v4, $0xE;
	v4 =	vbroadcast v4, $0xF  }
0x155: {  	[tilespmem:s2+$0x20] =	vst v5;
	v3 =	vmul.f32 v15, v3;
	v5 =	vmul.f32 v12, v10  }
.Ltmp10:
0x156: {  	[tilespmem:s2+$0x30] =	vst v7;
	v6 =	vmul.f32 v9, v6;
	v4 =	vmul.f32 v8, v4;
	(pc) =	sbr.rel @p1 .LBB2_19-.Ltmp10, $4  }
0x157: {  	[tilespmem:s2+$0x40] =	vst v3  }
0x158: {  	[tilespmem:s2+$0x50] =	vst v5  }
0x159: {  	s2 =	sadd.s32 $0x100, s2;
	[tilespmem:s3+$0x60] =	vst v6  }
0x15a: {  	s13 =	sshra.s32 s4, $0x2;
	s4 =	sadd.s32 $0x40, s4;
	v3 =	vld [tilespmem:s2+$0xFFFFFFB0];
	[tilespmem:s3+$0x70] =	vst v4;
	s3 =	smov.u32 s2  }
0x15b: {  	v4 =	vld [tilespmem:s13+$0x7D0];
	_ =	sdelay $0x1  }
0x15c: {  	v5 =	vld [tilespmem:s2+$0xFFFFFF80]  }
0x15d: {  	v6 =	vld [tilespmem:s2+$0xFFFFFF90]  }
0x15e: {  	v7 =	vld [tilespmem:s2+$0xFFFFFFA0]  }
0x15f: {  	v8 =	vbroadcast v4, $0x0  }
0x160: {  	v11 =	vld [tilespmem:s2+$0xFFFFFFD0];
	v9 =	vbroadcast v4, $0x1;
	v12 =	vbroadcast v4, $0x2  }
0x161: {  	v45 =	vld [tilespmem:s2+$0xFFFFFFE0];
	v44 =	vbroadcast v4, $0x3;
	v5 =	vmul.f32 v8, v5  }
0x162: {  	v49 =	vld [tilespmem:s2+$0x10];
	v46 =	vbroadcast v4, $0x4;
	v6 =	vmul.f32 v6, v9  }
0x163: {  	v10 =	vld [tilespmem:s2+$0xFFFFFFC0];
	v47 =	vbroadcast v4, $0x5;
	v7 =	vmul.f32 v7, v12;
	[tilespmem:s2+$0xFFFFFF80] =	vst v5  }
0x164: {  	v13 =	vld [tilespmem:s2+$0xFFFFFFF0];
	v14 =	vbroadcast v4, $0x6;
	v3 =	vmul.f32 v3, v44;
	[tilespmem:s2+$0xFFFFFF90] =	vst v6  }
0x165: {  	v51 =	vld [tilespmem:s2+$0x20];
	v53 =	vbroadcast v4, $0x9;
	v8 =	vmul.f32 v11, v47;
	[tilespmem:s2+$0xFFFFFFA0] =	vst v7  }
0x166: {  	v48 =	vld [tilespmem:s2+$0x0];
	v50 =	vbroadcast v4, $0x7;
	v9 =	vmul.f32 v45, v14;
	[tilespmem:s2+$0xFFFFFFB0] =	vst v3  }
0x167: {  	v55 =	vld [tilespmem:s2+$0x50];
	v52 =	vbroadcast v4, $0x8;
	v58 =	vmul.f32 v49, v53;
	[tilespmem:s2+$0xFFFFFFD0] =	vst v8  }
0x168: {  	v54 =	vld [tilespmem:s2+$0x40];
	v56 =	vbroadcast v4, $0xA;
	v5 =	vmul.f32 v10, v46;
	[tilespmem:s2+$0xFFFFFFE0] =	vst v9  }
0x169: {  	v57 =	vbroadcast v4, $0xB;
	v3 =	vld [tilespmem:s2+$0x30];
	v7 =	vmul.f32 v13, v50;
	[tilespmem:s2+$0x10] =	vst v58  }
0x16a: {  	v60 =	vld [tilespmem:s2+$0x70];
	v62 =	vbroadcast v4, $0xD;
	v10 =	vmul.f32 v51, v56;
	[tilespmem:s2+$0xFFFFFFC0] =	vst v5  }
0x16b: {  	v59 =	vld [tilespmem:s2+$0x60];
	v61 =	vbroadcast v4, $0xC;
	v5 =	vmul.f32 v48, v52;
	[tilespmem:s2+$0xFFFFFFF0] =	vst v7  }
0x16c: {  	v63 =	vbroadcast v4, $0xE;
	v6 =	vmul.f32 v55, v62;
	[tilespmem:s2+$0x20] =	vst v10  }
0x16d: {  	v4 =	vbroadcast v4, $0xF;
	[tilespmem:s2+$0x0] =	vst v5;
	v5 =	vmul.f32 v54, v61  }
0x16e: {  	[tilespmem:s2+$0x50] =	vst v6;
	v3 =	vmul.f32 v3, v57  }
0x16f: {  	v4 =	vmul.f32 v60, v4;
	[tilespmem:s2+$0x40] =	vst v5  }
0x170: {  	s1 =	sadd.s32 $0x1, s1;
	[tilespmem:s2+$0x30] =	vst v3;
	v3 =	vmul.f32 v59, v63  }
0x171: {  	p1 =	sne.s32 s1, $0xFA;
	[tilespmem:s3+$0x70] =	vst v4  }
.Ltmp11:
0x172: {  	s14 =	rddreg [dreg:$0x5];
	[tilespmem:s3+$0x60] =	vst v3;
	(pc) =	sbr.rel @p1 .LBB2_8-.Ltmp11, $4  }
0x173: {  	[spmem:s14] =	stream.indirect.scatter.add.f32 [tilespmem:s28], [sflag:$0x8], $0x10, s6, s29, $0xb8;
	[tilespmem:$0x1FF00] =	vst v63  }
0x174: {  	_ =	swait.ge [sflag:s25], $0x1900  }
0x175: {  	[sflag:s25] =	ssyncset.done $0x0  }
0x176: {  	[sflag:s25] =	ssyncadd.s32 $0xFFFFE700  }
0x177: {  	[bflag:$0x0] =	sbarrier.arrive $0xFFFF  }
0x178: {  	s2 =	rddreg [dreg:$0xf]  }
0x179: {  	[tilespmem:s28], [sflag:$0x8] =	stream.linear.gather [spmem:s2], $0x1900, $0x38;
	[tilespmem:$0x1FF00] =	vst v63  }
0x17a: {  	_ =	swait.ge [sflag:s25], $0x1900  }
0x17b: {  	[sflag:s25] =	ssyncset.done $0x0  }
0x17c: {  	s1 =	sadd.s32 $0x0, s22;
	[sflag:s25] =	ssyncadd.s32 $0xFFFFE700  }
0x17d: {  	[hbm4b:s1+s5] =	stream.linear.scatter [tilespmem:s28], [sflag:$0x8], $0x1900, $0x38;
	[tilespmem:$0x1FF00] =	vst v63  }
0x17e: {  	_ =	swait.ge [sflag:s25], $0x1900  }
0x17f: {  	s1 =	simm.s32 $0x320;
	[sflag:s25] =	ssyncset.done $0x0  }
.LBB2_22:
0x180: {  	p1 =	sne.s32 s1, $0x2EE0;
	[sflag:s25] =	ssyncadd.s32 $0xFFFFE700;
	s2 =	sadd.s32 $0x1900, s2  }
0x181: {  	[tilespmem:s28], [sflag:$0x8] =	stream.linear.gather [spmem:s2], $0x1900, $0x38;
	[tilespmem:$0x1FF00] =	vst v63  }
0x182: {  	s3 =	smov.u32 s1;
	s1 =	sadd.s32 $0x320, s1;
	_ =	swait.ge [sflag:s25], $0x1900  }
.Ltmp12:
0x183: {  	[sflag:s25] =	ssyncset.done $0x0;
	(pc) =	sbr.rel @p1 .LBB2_22-.Ltmp12, $4  }
0x184: {  	s3 =	sadd.s32 s3, s22;
	[sflag:s25] =	ssyncadd.s32 $0xFFFFE700  }
0x185: {  	[hbm4b:s3+s5] =	stream.linear.scatter [tilespmem:s28], [sflag:$0x8], $0x1900, $0x38;
	[tilespmem:$0x1FF00] =	vst v63  }
0x186: {  	_ =	swait.ge [sflag:s25], $0x1900  }
0x187: {  	[sflag:s25] =	ssyncset.done $0x0  }
.Ltmp13:
0x188: {  	(pc) =	sbr.rel @p0 .LBB2_27-.Ltmp13, $2  }
0x189: {  	_ =	sdelay $0x2  }
0x18a: {  	[sflag:s25] =	ssyncadd.s32 $0xFFFFE700;
	s2 =	rddreg [dreg:$0x10]  }
0x18b: {  	[tilespmem:s24], [sflag:$0x8] =	stream.linear.gather [spmem:s21], $0x190, $0x38;
	[tilespmem:$0x1FF00] =	vst v63  }
0x18c: {  	_ =	swait.ge [sflag:s25], $0x190  }
0x18d: {  	[sflag:s25] =	ssyncset.done $0x0  }
0x18e: {  	s1 =	sadd.s32 $0x0, s23;
	[sflag:s25] =	ssyncadd.s32 $0xFFFFFE70  }
0x18f: {  	[hbm4b:s1+s5] =	stream.linear.scatter [tilespmem:s24], [sflag:$0x8], $0x190, $0x38;
	[tilespmem:$0x1FF00] =	vst v63  }
0x190: {  	_ =	swait.ge [sflag:s25], $0x190  }
0x191: {  	s2 =	smov.u32 s21;
	s1 =	simm.s32 $0x32;
	[sflag:s25] =	ssyncset.done $0x0  }
.LBB2_25:
0x192: {  	p1 =	sne.s32 s1, $0x2EE;
	[sflag:s25] =	ssyncadd.s32 $0xFFFFFE70;
	s2 =	sadd.s32 $0x190, s2  }
0x193: {  	[tilespmem:s24], [sflag:$0x8] =	stream.linear.gather [spmem:s2], $0x190, $0x38;
	[tilespmem:$0x1FF00] =	vst v63  }
0x194: {  	s3 =	smov.u32 s1;
	s1 =	sadd.s32 $0x32, s1;
	_ =	swait.ge [sflag:s25], $0x190  }
.Ltmp14:
0x195: {  	[sflag:s25] =	ssyncset.done $0x0;
	(pc) =	sbr.rel @p1 .LBB2_25-.Ltmp14, $4  }
0x196: {  	s3 =	sadd.s32 s3, s23;
	[sflag:s25] =	ssyncadd.s32 $0xFFFFFE70  }
0x197: {  	[hbm4b:s3+s5] =	stream.linear.scatter [tilespmem:s24], [sflag:$0x8], $0x190, $0x38;
	[tilespmem:$0x1FF00] =	vst v63  }
0x198: {  	_ =	swait.ge [sflag:s25], $0x190  }
0x199: {  	[sflag:s25] =	ssyncset.done $0x0  }
.Ltmp15:
0x19a: {  	(pc) =	sbr.rel .LBB2_27-.Ltmp15, $2  }
0x19b: {  	_ =	sdelay $0x2  }
0x19c: {  	[sflag:s25] =	ssyncadd.s32 $0xFFFFFE70;
	s2 =	rddreg [dreg:$0x10]  }
.LBB2_28:
0x19d: {  	_ =	sfence.sel $0x180000  }
0x19e: {  	[bflag:$0x0] =	sbarrier.arrive $0xFFFF  }
0x19f: {  	_ =	strace $0x9000004A  }
0x1a0: {  	s0 =	stileid.u32;
	[bflag:$0x2] =	sbarrier.arrive $0xFFFF  }
0x1a1: {  	p0 =	sne.s32 s0, $0x0;
	s0 =	rddreg [dreg:$0x6]  }
0x1a2: {  	s0 =	sadd.s32 @!p0 $0x100000, s0  }
0x1a3: {  	[sflag:s0] =	ssyncadd.tile.s32 @!p0 $0x1;
	_ =	shalt  }
.Lfunc_end2:
_tile_overlayer_lowered:
.L_overlay_start_2:
0x1a4: {  	(tag) =	ssettag $0x2  }
0x1a5: {  	s0 =	rddreg [dreg:$0x0];
	s2 =	stileid.u32  }
0x1a6: {  	s1 =	rddreg [dreg:$0x1];
	p0 =	sne.s32 s2, $0x0  }
0x1a7: {  	s3 =	rddreg [dreg:$0x2];
	[bflag:$0x3] =	sbarrier.arrive $0xFFFF;
	s2 =	simm.s32 @!p0 $0x1C08  }
0x1a8: {  	[timem:s3], [sflag:s2] =	dma.local @!p0 [hbm:s0], s1  }
0x1a9: {  	s0 =	simm.s32 @!p0 $0x8  }
0x1aa: {  	_ =	swait.ge @!p0 [sflag:s0], s1  }
0x1ab: {  	s1 =	ssub.s32 @!p0 $0x0, s1;
	[sflag:s0] =	ssyncset.done @!p0 $0x0  }
0x1ac: {  	[sflag:s0] =	ssyncadd.s32 @!p0 s1  }
0x1ad: {  	[bflag:$0x3] =	sbarrier.arrive $0xFFFF  }
0x1ae: {  	_ =	shalt  }

// kernel: kernel.7.cloned.1.call-start
scs
__scs_entry_jumppad:
0x0: {  	(pc) =	sbr.rel $0x88, $3  }
0x1: {  	(tag) =	ssettag $0x0;
	lr =	simm.s32 $0x1  }
0x2: {  	[smem:$0x3F93] =	sst lr;
	_ =	strace $0xD0000000  }
0x3: {  	_ = 	snop  }
0x4: {  	_ = 	snop  }
0x5: {  	_ = 	snop  }
0x6: {  	_ = 	snop  }
0x7: {  	_ = 	snop  }
__scs_overlays_trampoline_lowered:
0x8: {  	[smem:$0x3FA2] =	sst s0  }
0x9: {  	[smem:$0x3FA3] =	sst s1  }
0xa: {  	[smem:$0x3FA4] =	sst s2  }
0xb: {  	[smem:$0x3FA5] =	sst s3  }
0xc: {  	[smem:$0x3FA6] =	sst s4  }
0xd: {  	[smem:$0x3FA7] =	sst s5  }
0xe: {  	[smem:$0x3FA8] =	sst s6  }
0xf: {  	[smem:$0x3FA9] =	sst s7  }
0x10: {  	[smem:$0x3FAA] =	sst s8  }
0x11: {  	[smem:$0x3FAB] =	sst s9;
	s0 =	simm.s32 @!p0 $0x0  }
0x12: {  	s1 =	sld [smem:$0x3F91];
	s0 =	simm.s32 @p0 $0x1  }
0x13: {  	[smem:$0x3FAC] =	sst s0;
	s0 =	simm.s32 @!p1 $0x0  }
0x14: {  	s2 =	sld [smem:$0x3F90];
	s0 =	simm.s32 @p1 $0x1  }
0x15: {  	[smem:$0x3FAD] =	sst s0;
	s0 =	simm.s32 @!p2 $0x0  }
0x16: {  	s3 =	sld [smem:$0x3FDB];
	s0 =	simm.s32 @p2 $0x1  }
0x17: {  	s4 =	simm.s32 $0x1BF5;
	[smem:$0x3FAF] =	sst s0  }
0x18: {  	s0 =	sld [smem:$0x3F92];
	_ =	swait.ge [sflag:s4], $0x0  }
0x19: {  	s7 =	sld [smem:$0x3F93]  }
0x1a: {  	s8 =	sadd.s32 $0xFFFFE003, lr  }
0x1b: {  	s9 =	sadd.s32 $0xFFFFFEF7, lr;
	s5 =	simm.s32 $0xFFFFFFFF;
	p2 =	slt.u32 s8, $0xFFFFF086  }
0x1c: {  	p1 =	slt.u32 s9, $0xF7A;
	s5 =	simm.s32 @!p2 $0x0  }
0x1d: {  	s5 =	simm.s32 @p1 $0x1;
	p0 =	seq.s32 s7, s2  }
0x1e: {  	s7 =	smul.u32 @!p0 $0xF7A, s2;
	p2 =	seq.s32 @!p0 s5, $0x0  }
0x1f: {  	s9 =	smul.u32 $0xF7A, s1;
	s8 =	simm.s32 @!p0 $0x1BF5;
	p2 =	por !p2, p0  }
0x20: {  	[sflag:s8] =	ssyncset.s32 @!p0 $0xFFFFF086;
	s6 =	sadd.s32 @!p0 s3, s7;
	s7 =	simm.s32 @!p0 $0x108  }
0x21: {  	s3 =	sadd.s32 s3, s9;
	s6 =	sadd.s32 @!p0 $0x88, s6;
	s7 =	simm.s32 @p2 $0x1082  }
0x22: {  	[simem:s7], [sflag:s8] =	dma.local @!p0 [hbm:s6], $0xF7A  }
0x23: {  	s9 =	sor.u32 $0xD0000000, s2;
	s6 =	simm.s32 $0x108;
	_ =	swait.ge @!p0 [sflag:s8], $0x0  }
0x24: {  	s3 =	sadd.s32 $0x88, s3;
	s6 =	simm.s32 @!p1 $0x1082;
	[sflag:s4] =	ssyncset.s32 $0xFFFFF086  }
0x25: {  	[simem:s6], [sflag:s4] =	dma.local [hbm:s3], $0xF7A  }
0x26: {  	[smem:$0x3F93] =	sst s1;
	(tag) =	ssettag s2;
	_ =	strace s9  }
0x27: {  	s1 =	sld [smem:$0x3FA3]  }
0x28: {  	s2 =	sld [smem:$0x3FA4]  }
0x29: {  	s4 =	sld [smem:$0x3FA6]  }
0x2a: {  	p0 =	seq.s32 s5, $0x0;
	s5 =	sld [smem:$0x3FA7]  }
0x2b: {  	s6 =	sld [smem:$0x3FA8]  }
0x2c: {  	s7 =	sld [smem:$0x3FA9]  }
0x2d: {  	s3 =	simm.s32 $0x108;
	s8 =	sld [smem:$0x3FAA]  }
0x2e: {  	s3 =	simm.s32 @!p0 $0x1082;
	s9 =	sld [smem:$0x3FAB]  }
0x2f: {  	lr =	sadd.s32 s0, s3;
	s0 =	sld [smem:$0x3FA2]  }
0x30: {  	s3 =	sld [smem:$0x3FA5]  }
0x31: {  	[smem:$0x3FAE] =	sst s10  }
0x32: {  	s10 =	sld [smem:$0x3FAC];
	_ =	sdelay $0x3  }
0x33: {  	p0 =	seq.s32 s10, $0x1;
	s10 =	sld [smem:$0x3FAE];
	_ =	sdelay $0x3  }
0x34: {  	[smem:$0x3FAE] =	sst s10  }
0x35: {  	s10 =	sld [smem:$0x3FAD];
	_ =	sdelay $0x3  }
0x36: {  	p1 =	seq.s32 s10, $0x1;
	s10 =	sld [smem:$0x3FAE];
	_ =	sdelay $0x3  }
0x37: {  	[smem:$0x3FAE] =	sst s10  }
0x38: {  	s10 =	sld [smem:$0x3FAF]  }
0x39: {  	_ = 	snop;
	(pc) =	sbr.ind lr, $3  }
0x3a: {  	_ = 	snop  }
0x3b: {  	_ = 	snop  }
0x3c: {  	p2 =	seq.s32 s10, $0x1;
	s10 =	sld [smem:$0x3FAE]  }
0x3d: {  	_ =	shalt  }
0x3e: {  	_ =	shalt  }
0x3f: {  	_ =	shalt  }
0x40: {  	_ =	shalt  }
0x41: {  	_ =	shalt  }
0x42: {  	_ =	shalt  }
0x43: {  	_ =	shalt  }
0x44: {  	_ =	shalt  }
0x45: {  	_ =	shalt  }
0x46: {  	_ =	shalt  }
0x47: {  	_ =	shalt  }
0x48: {  	_ =	shalt  }
0x49: {  	_ =	shalt  }
0x4a: {  	_ =	shalt  }
0x4b: {  	_ =	shalt  }
0x4c: {  	_ =	shalt  }
0x4d: {  	_ =	shalt  }
0x4e: {  	_ =	shalt  }
0x4f: {  	_ =	shalt  }
0x50: {  	_ =	shalt  }
0x51: {  	_ =	shalt  }
0x52: {  	_ =	shalt  }
0x53: {  	_ =	shalt  }
0x54: {  	_ =	shalt  }
0x55: {  	_ =	shalt  }
0x56: {  	_ =	shalt  }
0x57: {  	_ =	shalt  }
0x58: {  	_ =	shalt  }
0x59: {  	_ =	shalt  }
0x5a: {  	_ =	shalt  }
0x5b: {  	_ =	shalt  }
0x5c: {  	_ =	shalt  }
0x5d: {  	_ =	shalt  }
0x5e: {  	_ =	shalt  }
0x5f: {  	_ =	shalt  }
0x60: {  	_ =	shalt  }
0x61: {  	_ =	shalt  }
0x62: {  	_ =	shalt  }
0x63: {  	_ =	shalt  }
0x64: {  	_ =	shalt  }
0x65: {  	_ =	shalt  }
0x66: {  	_ =	shalt  }
0x67: {  	_ =	shalt  }
0x68: {  	_ =	shalt  }
0x69: {  	_ =	shalt  }
0x6a: {  	_ =	shalt  }
0x6b: {  	_ =	shalt  }
0x6c: {  	_ =	shalt  }
0x6d: {  	_ =	shalt  }
0x6e: {  	_ =	shalt  }
0x6f: {  	_ =	shalt  }
0x70: {  	_ =	shalt  }
0x71: {  	_ =	shalt  }
0x72: {  	_ =	shalt  }
0x73: {  	_ =	shalt  }
0x74: {  	_ =	shalt  }
0x75: {  	_ =	shalt  }
0x76: {  	_ =	shalt  }
0x77: {  	_ =	shalt  }
0x78: {  	_ =	shalt  }
0x79: {  	_ =	shalt  }
0x7a: {  	_ =	shalt  }
0x7b: {  	_ =	shalt  }
0x7c: {  	_ =	shalt  }
0x7d: {  	_ =	shalt  }
0x7e: {  	_ =	shalt  }
0x7f: {  	_ =	shalt  }
0x80: {  	_ =	shalt  }
0x81: {  	_ =	shalt  }
0x82: {  	_ =	shalt  }
0x83: {  	_ =	shalt  }
0x84: {  	_ =	shalt  }
0x85: {  	_ =	shalt  }
0x86: {  	_ =	shalt  }
0x87: {  	_ =	shalt  }
.Lfunc_end0:
.L_simem_size_0:
called_computation_lowered:
.L_overlay_start_0:
0x88: {  	s2 =	sld [smem:$0x3FD9]  }
0x89: {  	s3 =	sld [smem:$0x3FFE];
	_ =	sdelay $0x1  }
0x8a: {  	s1 =	srdreg.scid  }
0x8b: {  	s0 =	sand.u32 $0x1, s1  }
0x8c: {  	s17 =	sshll.u32 s0, $0xA;
	s2 =	sadd.s32 s3, s2  }
0x8d: {  	s2 =	sadd.s32 s2, s17  }
0x8e: {  	[smem:$0x3FBA] =	sst s2  }
0x8f: {  	_ = 	snop  }
0x90: {  	s2 =	sld [smem:$0x3FD0];
	(tm) =	ssettm $0x1  }
0x91: {  	s18 =	sld [smem:$0x3FFB];
	_ =	sdelay $0x3  }
0x92: {  	_ =	strace s18  }
0x93: {  	s3 =	sld [smem:$0x3FFC];
	_ =	sdelay $0x3  }
0x94: {  	_ =	strace s3  }
0x95: {  	s3 =	sld [smem:$0x3FFD];
	_ =	sdelay $0x3  }
0x96: {  	_ =	strace s3  }
0x97: {  	_ =	strace $0x8FFFFFFF  }
0x98: {  	s19 =	sld [smem:$0x3FDB];
	_ =	sdelay $0x1  }
0x99: {  	s4 =	simm.s32 $_scs_section_size  }
0x9a: {  	s5 =	simm.s32 $_size__tile_overlayer_lowered;
	s6 =	simm.s32 $_tile_overlayer_lowered  }
0x9b: {  	s22 =	simm.s32 $0x1BFF;
	s21 =	sshll.u32 s6, $0x1;
	s3 =	sadd.s32 s4, s19  }
0x9c: {  	s7 =	simm.s32 $0x0;
	s20 =	sshll.u32 s5, $0x1;
	s5 =	sadd.s32 s21, s3  }
0x9d: {  	[timem:s7], [sflag:s22] =	dma.local [hbm:s5], s20  }
0x9e: {  	_ =	swait.ge [sflag:s22], s20  }
0x9f: {  	s4 =	ssub.s32 $0x0, s20;
	[sflag:s22] =	ssyncset.done $0x0  }
0xa0: {  	[sflag:s22] =	ssyncadd.s32 s4;
	_ =	sdelay $0x1  }
0xa1: {  	s23 =	simm.s32 $0x1B8B  }
0xa2: {  	_ =	swait.ge [sflag:s23], $0x1  }
0xa3: {  	[sflag:s23] =	ssyncset.done $0x0  }
0xa4: {  	s25 =	simm.s32 $0x1B8E;
	s24 =	sld [smem:$0x3FFE];
	[sflag:s23] =	ssyncadd.s32 $0xFFFFFFFF  }
0xa5: {  	s26 =	simm.s32 $execute0_lowered;
	[smem:$0x3FD2] =	sst s25  }
0xa6: {  	s5 =	sshll.u32 s26, $0x1;
	_ =	strace $0x80000046;
	[dreg:$0x1] =	wrdreg $0xFFFFFFFF  }
0xa7: {  	s28 =	simm.s32 $_size_execute0_lowered;
	s3 =	sadd.s32 s3, s5;
	[dreg:$0x0] =	wrdreg $0x0  }
0xa8: {  	s5 =	sshll.u32 s28, $0x1;
	[dreg:$0x2] =	wrdreg s3  }
0xa9: {  	[dreg:$0x3] =	wrdreg s5  }
0xaa: {  	[dreg:$0x4] =	wrdreg $0xC0  }
0xab: {  	_ =	task [dreg:s7], $0x5FFFF  }
0xac: {  	[dreg:$0x1] =	wrdreg $0xFFFFFFFF  }
0xad: {  	[dreg:$0x0] =	wrdreg $0x60  }
0xae: {  	[dreg:$0x2] =	wrdreg s24  }
0xaf: {  	[dreg:$0x3] =	wrdreg s2  }
0xb0: {  	[dreg:$0x4] =	wrdreg $0x24000  }
0xb1: {  	[dreg:$0x5] =	wrdreg $0x3D000  }
0xb2: {  	[dreg:$0x6] =	wrdreg $0x1E6000  }
0xb3: {  	[dreg:$0x7] =	wrdreg $0x56000  }
0xb4: {  	[dreg:$0x8] =	wrdreg $0x9  }
0xb5: {  	_ =	task.clear_ibuf [dreg:s7], $0x9FFFF;
	_ =	strace $0x90000046  }
0xb6: {  	s29 =	simm.s32 $0x9;
	_ =	strace $0x80000048  }
0xb7: {  	_ =	swait.ge [sflag:s29], $0x1  }
0xb8: {  	[sflag:s29] =	ssyncadd.s32 $0xFFFFFFFF  }
0xb9: {  	_ =	strace $0x90000048  }
0xba: {  	_ =	sfence  }
0xbb: {  	s30 =	sld [smem:$0x0];
	_ =	sdelay $0x2  }
0xbc: {  	s31 =	sshll.u32 s1, $0xD;
	s1 =	sshrl.u32 s1, $0x2  }
0xbd: {  	s3 =	sand.u32 $0x4000, s31;
	s1 =	sadd.s32 s1, s30  }
0xbe: {  	s0 =	sor.u32 s3, s0;
	s1 =	sshll.u32 s1, $0x11  }
0xbf: {  	s0 =	sor.u32 s1, s0  }
0xc0: {  	s0 =	sadd.s32 $0x8F2B, s0  }
0xc1: {  	[sflag:s0] =	ssyncadd.remote.s32 $0x1  }
0xc2: {  	_ =	sfence.sel $0xFFFF  }
0xc3: {  	[dreg:$0x0] =	wrdreg $0xFFFFFFFF;
	(pc) =	sbr.abs _section_cstart, $3  }
0xc4: {  	[dreg:$0x1] =	wrdreg $0xFFFFFFFF  }
0xc5: {  	_ =	task.clear_ibuf [dreg:s7], $0x2FFFF;
	_ =	strace $0x9FFFFFFF  }
0xc6: {  	(tm) =	ssettm $0x7FFFFFFF  }
0xc7: {  	_ =	shalt  }
tec
execute0_lowered:
.L_overlay_start_1:
0x0: {  	(tag) =	ssettag $0x1  }
0x1: {  	s0 =	rddreg [dreg:$0x0]  }
0x2: {  	s1 =	rddreg [dreg:$0x1]  }
0x3: {  	s14 =	rddreg [dreg:$0x2]  }
0x4: {  	s15 =	rddreg [dreg:$0x3]  }
0x5: {  	s18 =	rddreg [dreg:$0x4]  }
0x6: {  	s19 =	rddreg [dreg:$0x5]  }
0x7: {  	s5 =	simm.s32 $0x0;
	s2 =	srdreg.scid;
	s17 =	stileid.u32  }
0x8: {  	s28 =	simm.s32 $0xAF0;
	s29 =	simm.s32 $0x190;
	s30 =	simm.s32 $0x4  }
0x9: {  	s31 =	simm.s32 $0x5;
	[smem:$0x7FF] =	sst s5;
	s4 =	smul.u32 $0x320, s17  }
0xa: {  	s2 =	sand.u32 $0x1, s2;
	s7 =	sadd.s32 $0xCD400, s0;
	s23 =	smul.u32 $0x30D40, s17  }
0xb: {  	s8 =	sadd.s32 $0x6B800, s0;
	s6 =	sadd.s32 $0x12F000, s0;
	s21 =	smul.u32 $0x64000, s17  }
0xc: {  	s10 =	sadd.s32 $0x7800, s0;
	s3 =	smul.u32 $0x32000, s2;
	_ =	strace $0x80000047  }
0xd: {  	[dreg:$0x7] =	wrdreg s6;
	s9 =	ssub.s32 $0x2, s2;
	s13 =	smul.u32 $0x19000, s2  }
0xe: {  	p0 =	sne.s32 s2, $0x0;
	s2 =	simm.s32 $0x0;
	s11 =	sshrl.u32 s9, $0x1  }
0xf: {  	s12 =	sshrl.u32 s23, $0x3;
	s26 =	sadd.s32 $0x190, s23;
	s6 =	sadd.s32 $0x320, s23  }
0x10: {  	s23 =	smul.u32 $0x3200, s17;
	s3 =	sadd.s32 s3, s0;
	s0 =	sadd.s32 s4, s0  }
0x11: {  	s9 =	ssub.s32 s9, s11;
	s24 =	sadd.s32 s7, s12;
	[dreg:$0xa] =	wrdreg s26  }
0x12: {  	s25 =	sadd.s32 s8, s12;
	s12 =	smul.u32 $0x6400, s17;
	[dreg:$0xb] =	wrdreg s6  }
0x13: {  	s17 =	sadd.s32 s4, s1;
	s6 =	simm.s32 $0x4B0;
	[dreg:$0x8] =	wrdreg s24  }
0x14: {  	s11 =	simm.s32 $0x1;
	[dreg:$0x9] =	wrdreg s25;
	s20 =	smax.u32 s9, $0x1  }
0x15: {  	s16 =	sadd.s32 $0x4600, s0;
	s25 =	sshrl.u32 s21, $0x2;
	s3 =	sadd.s32 s23, s3  }
0x16: {  	s23 =	sadd.s32 $0x193200, s0;
	s0 =	simm.s32 $0x320;
	s9 =	simm.s32 $0x640  }
0x17: {  	[dreg:$0xc] =	wrdreg s20;
	s22 =	sshrl.u32 s12, $0x2;
	s1 =	sadd.s32 s25, s19  }
.Ltmp0:
0x18: {  	s25 =	simm.s32 $0x8;
	s12 =	simm.s32 $0x2;
	(pc) =	sbr.rel .LBB2_1-.Ltmp0, $4  }
0x19: {  	s19 =	simm.s32 $0x7;
	s24 =	sadd.s32 s22, s14;
	s26 =	sadd.s32 s22, s15  }
0x1a: {  	[dreg:$0xf] =	wrdreg s1;
	s21 =	sadd.s32 s22, s18;
	s22 =	sadd.s32 $0x12F200, s3  }
0x1b: {  	s15 =	simm.s32 $0x3;
	s18 =	simm.s32 $0x6;
	[dreg:$0xd] =	wrdreg s24  }
0x1c: {  	v1 =	vimm.f32 $0.0e+00;
	v0 =	vmov s13;
	[dreg:$0xe] =	wrdreg s26;
	s24 =	simm.s32 $0x7D0;
	s26 =	simm.s32 $0x960  }
.LBB2_27:
0x1d: {  	s2 =	sadd.s32 $0x1, s2;
	s1 =	rddreg [dreg:$0xc]  }
0x1e: {  	p1 =	sne.s32 s2, s1  }
.Ltmp1:
0x1f: {  	_ = 	snop;
	(pc) =	sbr.rel @!p1 .LBB2_28-.Ltmp1, $1  }
0x20: {  	_ =	sdelay $0x3  }
.LBB2_1:
0x21: {  	[dreg:$0x10] =	wrdreg s2;
	s1 =	sadd.s32 $0x0, s17  }
0x22: {  	[tilespmem:s24], [sflag:$0x8] =	stream.linear.gather [hbm4b:s1+s5], $0x190, $0x38;
	[tilespmem:$0x1FF00] =	vst v63  }
0x23: {  	_ =	swait.ge [sflag:s25], $0x190  }
0x24: {  	[sflag:s25] =	ssyncset.done $0x0  }
0x25: {  	s3 =	rddreg [dreg:$0xd];
	[sflag:s25] =	ssyncadd.s32 $0xFFFFFE70  }
0x26: {  	[spmem:s3] =	stream.linear.scatter [tilespmem:s24], [sflag:$0x8], $0x190, $0x38;
	[tilespmem:$0x1FF00] =	vst v63  }
0x27: {  	_ =	swait.ge [sflag:s25], $0x190  }
0x28: {  	[sflag:s25] =	ssyncset.done $0x0  }
0x29: {  	s14 =	sadd.s32 $0x0, s16;
	[sflag:s25] =	ssyncadd.s32 $0xFFFFFE70  }
0x2a: {  	[tilespmem:s24], [sflag:$0x8] =	stream.linear.gather [hbm4b:s14+s5], $0x190, $0x38;
	[tilespmem:$0x1FF00] =	vst v63  }
0x2b: {  	_ =	swait.ge [sflag:s25], $0x190  }
0x2c: {  	[sflag:s25] =	ssyncset.done $0x0  }
0x2d: {  	s20 =	rddreg [dreg:$0xe];
	[sflag:s25] =	ssyncadd.s32 $0xFFFFFE70  }
0x2e: {  	[spmem:s20] =	stream.linear.scatter [tilespmem:s24], [sflag:$0x8], $0x190, $0x38;
	[tilespmem:$0x1FF00] =	vst v63  }
0x2f: {  	s2 =	simm.s32 $0x32;
	s4 =	simm.s32 $0x64;
	_ =	swait.ge [sflag:s25], $0x190  }
0x30: {  	s3 =	sadd.s32 $0x190, s3;
	s1 =	sadd.s32 $0x190, s20;
	[sflag:s25] =	ssyncset.done $0x0  }
.LBB2_2:
0x31: {  	s13 =	sadd.s32 s2, s17  }
0x32: {  	[sflag:s25] =	ssyncadd.s32 $0xFFFFFE70;
	s14 =	smov.u32 s4;
	s20 =	sadd.s32 $0x32, s4  }
0x33: {  	[tilespmem:s24], [sflag:$0x8] =	stream.linear.gather [hbm4b:s13+s5], $0x190, $0x38;
	[tilespmem:$0x1FF00] =	vst v63  }
0x34: {  	p1 =	sne.s32 s4, $0x2EE;
	_ =	swait.ge [sflag:s25], $0x190  }
0x35: {  	[sflag:s25] =	ssyncset.done $0x0  }
0x36: {  	[sflag:s25] =	ssyncadd.s32 $0xFFFFFE70  }
0x37: {  	[spmem:s3] =	stream.linear.scatter [tilespmem:s24], [sflag:$0x8], $0x190, $0x38;
	[tilespmem:$0x1FF00] =	vst v63  }
0x38: {  	_ =	swait.ge [sflag:s25], $0x190  }
0x39: {  	[sflag:s25] =	ssyncset.done $0x0  }
0x3a: {  	s4 =	sadd.s32 s2, s16;
	s2 =	smov.u32 s14;
	[sflag:s25] =	ssyncadd.s32 $0xFFFFFE70  }
0x3b: {  	[tilespmem:s24], [sflag:$0x8] =	stream.linear.gather [hbm4b:s4+s5], $0x190, $0x38;
	[tilespmem:$0x1FF00] =	vst v63  }
0x3c: {  	_ =	swait.ge [sflag:s25], $0x190  }
.Ltmp2:
0x3d: {  	[sflag:s25] =	ssyncset.done $0x0;
	(pc) =	sbr.rel @p1 .LBB2_2-.Ltmp2, $4  }
0x3e: {  	[sflag:s25] =	ssyncadd.s32 $0xFFFFFE70  }
0x3f: {  	[spmem:s1] =	stream.linear.scatter [tilespmem:s24], [sflag:$0x8], $0x190, $0x38;
	[tilespmem:$0x1FF00] =	vst v63  }
0x40: {  	s3 =	sadd.s32 $0x190, s3;
	_ =	swait.ge [sflag:s25], $0x190  }
0x41: {  	s4 =	smov.u32 s20;
	s1 =	sadd.s32 $0x190, s1;
	[sflag:s25] =	ssyncset.done $0x0  }
0x42: {  	s4 =	sadd.s32 s2, s17;
	[sflag:s25] =	ssyncadd.s32 $0xFFFFFE70  }
0x43: {  	[tilespmem:s24], [sflag:$0x8] =	stream.linear.gather [hbm4b:s4+s5], $0x190, $0x38;
	[tilespmem:$0x1FF00] =	vst v63  }
0x44: {  	_ =	swait.ge [sflag:s25], $0x190  }
0x45: {  	[sflag:s25] =	ssyncset.done $0x0  }
0x46: {  	[sflag:s25] =	ssyncadd.s32 $0xFFFFFE70  }
0x47: {  	[spmem:s3] =	stream.linear.scatter [tilespmem:s24], [sflag:$0x8], $0x190, $0x38;
	[tilespmem:$0x1FF00] =	vst v63  }
0x48: {  	_ =	swait.ge [sflag:s25], $0x190  }
0x49: {  	[sflag:s25] =	ssyncset.done $0x0  }
0x4a: {  	s4 =	sadd.s32 s2, s16;
	[sflag:s25] =	ssyncadd.s32 $0xFFFFFE70  }
0x4b: {  	[tilespmem:s24], [sflag:$0x8] =	stream.linear.gather [hbm4b:s4+s5], $0x190, $0x38;
	[tilespmem:$0x1FF00] =	vst v63  }
0x4c: {  	_ =	swait.ge [sflag:s25], $0x190  }
0x4d: {  	[sflag:s25] =	ssyncset.done $0x0  }
0x4e: {  	[sflag:s25] =	ssyncadd.s32 $0xFFFFFE70  }
0x4f: {  	[spmem:s1] =	stream.linear.scatter [tilespmem:s24], [sflag:$0x8], $0x190, $0x38;
	[tilespmem:$0x1FF00] =	vst v63  }
0x50: {  	_ =	swait.ge [sflag:s25], $0x190  }
0x51: {  	s13 =	simm.s32 $0x0;
	[sflag:s25] =	ssyncset.done $0x0  }
0x52: {  	s20 =	simm.s32 $0x23F0;
	s14 =	rddreg [dreg:$0x7];
	[sflag:s25] =	ssyncadd.s32 $0xFFFFFE70  }
0x53: {  	[tilespmem:s20], [sflag:$0x8] =	stream.linear.gather [hbm4b:s14+s13], $0x10, $0x38;
	[tilespmem:$0x1FF00] =	vst v63  }
0x54: {  	_ =	swait.ge [sflag:s25], $0x10  }
0x55: {  	[sflag:s25] =	ssyncset.done $0x0  }
0x56: {  	[sflag:s25] =	ssyncadd.s32 $0xFFFFFFF0  }
0x57: {  	[tilespmem:$0x7D0] =	vst v1  }
0x58: {  	[tilespmem:$0x7E0] =	vst v1  }
0x59: {  	[tilespmem:$0x7F0] =	vst v1  }
0x5a: {  	[tilespmem:$0x800] =	vst v1  }
0x5b: {  	[tilespmem:$0x810] =	vst v1  }
0x5c: {  	[tilespmem:$0x820] =	vst v1  }
0x5d: {  	[tilespmem:$0x830] =	vst v1  }
0x5e: {  	[tilespmem:$0x840] =	vst v1  }
0x5f: {  	[tilespmem:$0x850] =	vst v1  }
0x60: {  	[tilespmem:$0x860] =	vst v1  }
0x61: {  	[tilespmem:$0x870] =	vst v1  }
0x62: {  	[tilespmem:$0x880] =	vst v1  }
0x63: {  	[tilespmem:$0x890] =	vst v1  }
0x64: {  	[tilespmem:$0x8A0] =	vst v1  }
0x65: {  	[tilespmem:$0x8B0] =	vst v1  }
0x66: {  	[tilespmem:$0x8C0] =	vst v1  }
0x67: {  	[tilespmem:$0x8D0] =	vst v1  }
0x68: {  	[tilespmem:$0x8E0] =	vst v1  }
0x69: {  	[tilespmem:$0x8F0] =	vst v1  }
0x6a: {  	[tilespmem:$0x900] =	vst v1  }
0x6b: {  	[tilespmem:$0x910] =	vst v1  }
0x6c: {  	[tilespmem:$0x920] =	vst v1  }
0x6d: {  	[tilespmem:$0x930] =	vst v1  }
0x6e: {  	[tilespmem:$0x940] =	vst v1  }
0x6f: {  	s2 =	simm.s32 $0x0;
	s1 =	simm.s32 $0x40;
	[tilespmem:$0x950] =	vst v1  }
.LBB2_4:
0x70: {  	p1 =	sne.s32 s1, $0x63C0;
	[tilespmem:s2+$0xAF0] =	vst v1;
	s2 =	smov.u32 s1;
	s1 =	sadd.s32 $0x40, s1  }
.Ltmp3:
0x71: {  	(pc) =	sbr.rel @p1 .LBB2_4-.Ltmp3, $2  }
0x72: {  	_ =	sdelay $0x2  }
0x73: {  	s2 =	sshra.s32 s2, $0x2  }
0x74: {  	[tilespmem:s2+$0xAF0] =	vst v1;
	s1 =	sadd.s32 $0x0, s21  }
0x75: {  	[spmem:s1] =	stream.linear.scatter [tilespmem:s24], [sflag:$0x8], $0x190, $0x38;
	[tilespmem:$0x1FF00] =	vst v63  }
0x76: {  	_ =	swait.ge [sflag:s25], $0x190  }
0x77: {  	[sflag:s25] =	ssyncset.done $0x0  }
0x78: {  	s20 =	rddreg [dreg:$0xf];
	[sflag:s25] =	ssyncadd.s32 $0xFFFFFE70  }
0x79: {  	[spmem:s20] =	stream.linear.scatter [tilespmem:s28], [sflag:$0x8], $0x1900, $0x38;
	[tilespmem:$0x1FF00] =	vst v63  }
0x7a: {  	s2 =	simm.s32 $0xC80;
	_ =	swait.ge [sflag:s25], $0x1900  }
0x7b: {  	s3 =	simm.s32 $0x190;
	s1 =	sadd.s32 $0x1900, s20;
	[sflag:s25] =	ssyncset.done $0x0  }
.LBB2_6:
0x7c: {  	s3 =	sadd.s32 s3, s21  }
0x7d: {  	[sflag:s25] =	ssyncadd.s32 $0xFFFFE700;
	s4 =	smov.u32 s2;
	s13 =	sadd.s32 $0x640, s2  }
0x7e: {  	[spmem:s3] =	stream.linear.scatter [tilespmem:s24], [sflag:$0x8], $0x190, $0x38;
	[tilespmem:$0x1FF00] =	vst v63  }
0x7f: {  	p1 =	sne.s32 s2, $0x5DC0;
	_ =	swait.ge [sflag:s25], $0x190  }
.Ltmp4:
0x80: {  	[sflag:s25] =	ssyncset.done $0x0;
	(pc) =	sbr.rel @p1 .LBB2_6-.Ltmp4, $4  }
0x81: {  	[sflag:s25] =	ssyncadd.s32 $0xFFFFFE70  }
0x82: {  	[spmem:s1] =	stream.linear.scatter [tilespmem:s28], [sflag:$0x8], $0x1900, $0x38;
	[tilespmem:$0x1FF00] =	vst v63  }
0x83: {  	s3 =	sshra.s32 s4, $0x2;
	_ =	swait.ge [sflag:s25], $0x1900  }
0x84: {  	s2 =	smov.u32 s13;
	s1 =	sadd.s32 $0x1900, s1;
	[sflag:s25] =	ssyncset.done $0x0  }
0x85: {  	s2 =	sadd.s32 s3, s21;
	[sflag:s25] =	ssyncadd.s32 $0xFFFFE700  }
0x86: {  	[spmem:s2] =	stream.linear.scatter [tilespmem:s24], [sflag:$0x8], $0x190, $0x38;
	[tilespmem:$0x1FF00] =	vst v63  }
0x87: {  	_ =	swait.ge [sflag:s25], $0x190  }
0x88: {  	[sflag:s25] =	ssyncset.done $0x0  }
0x89: {  	[sflag:s25] =	ssyncadd.s32 $0xFFFFFE70  }
0x8a: {  	[spmem:s1] =	stream.linear.scatter [tilespmem:s28], [sflag:$0x8], $0x1900, $0x38;
	[tilespmem:$0x1FF00] =	vst v63  }
0x8b: {  	_ =	swait.ge [sflag:s25], $0x1900  }
0x8c: {  	[sflag:s25] =	ssyncset.done $0x0  }
0x8d: {  	[sflag:s25] =	ssyncadd.s32 $0xFFFFE700  }
0x8e: {  	[bflag:$0x0] =	sbarrier.arrive $0xFFFF  }
0x8f: {  	s20 =	simm.s32 $0x0;
	s13 =	rddreg [dreg:$0x8]  }
0x90: {  	v2 =	vld [tilespmem:$0x23F0];
	[tilespmem:s20], [sflag:$0x4] =	stream.linear.gather [hbm4b:s13+s20], $0x190, $0x38  }
0x91: {  	s1 =	simm.s32 $0x0;
	s14 =	rddreg [dreg:$0x9]  }
0x92: {  	[tilespmem:s29], [sflag:$0x5] =	stream.linear.gather [hbm4b:s14+s20], $0x190, $0x38;
	[tilespmem:$0x1FF00] =	vst v63  }
.LBB2_8:
0x93: {  	_ =	swait.ge [sflag:s30], $0x190  }
0x94: {  	[sflag:s30] =	ssyncset.done $0x0  }
0x95: {  	[sflag:s30] =	ssyncadd.s32 $0xFFFFFE70  }
0x96: {  	s2 =	smul.u32 $0x320, s1;
	_ =	swait.ge [sflag:s31], $0x190  }
0x97: {  	s3 =	rddreg [dreg:$0xa]  }
0x98: {  	s3 =	sadd.s32 s2, s3  }
0x99: {  	[sflag:s31] =	ssyncset.done $0x0;
	s3 =	sshrl.u32 s3, $0x3  }
0x9a: {  	[sflag:s31] =	ssyncadd.s32 $0xFFFFFE70;
	s4 =	sadd.s32 s7, s3  }
0x9b: {  	[tilespmem:s0], [sflag:$0x6] =	stream.linear.gather [hbm4b:s4+s20], $0x190, $0x38;
	[tilespmem:$0x1FF00] =	vst v63  }
0x9c: {  	s3 =	sadd.s32 s8, s3  }
0x9d: {  	[tilespmem:s6], [sflag:$0x7] =	stream.linear.gather [hbm4b:s3+s20], $0x190, $0x38;
	[tilespmem:$0x1FF00] =	vst v63  }
0x9e: {  	s13 =	rddreg [dreg:$0x2]  }
0x9f: {  	[tilespmem:s24], [sflag:$0x1] =	stream.indirect.gather [spmem:s13], $0x1, s20, s29, $0xb8;
	[tilespmem:$0x1FF00] =	vst v63  }
0xa0: {  	s14 =	rddreg [dreg:$0x3];
	s3 =	simm.s32 $0x0  }
0xa1: {  	[tilespmem:s26], [sflag:$0x2] =	stream.indirect.gather [spmem:s14], $0x1, s29, s29, $0xb8;
	[tilespmem:$0x1FF00] =	vst v63  }
0xa2: {  	s4 =	simm.s32 $0x40;
	v3 =	vld [tilespmem:s3+$0x0]  }
.LBB2_9:
0xa3: {  	p1 =	sne.s32 s4, $0x600  }
.Ltmp5:
0xa4: {  	_ = 	snop;
	(pc) =	sbr.rel @p1 .LBB2_9-.Ltmp5, $3  }
0xa5: {  	_ =	sdelay $0x1  }
0xa6: {  	s13 =	sshra.s32 s4, $0x2;
	s4 =	sadd.s32 $0x40, s4;
	v4 =	vadd.s32 v0, v3  }
0xa7: {  	v3 =	vld [tilespmem:s13+$0x0];
	[tilespmem:s3+$0x640] =	vst v4;
	s3 =	smov.u32 s13  }
0xa8: {  	_ =	sdelay $0x3  }
0xa9: {  	v3 =	vadd.s32 v0, v3  }
0xaa: {  	[tilespmem:s3+$0x640] =	vst v3  }
0xab: {  	[tilespmem:s28], [sflag:$0x3] =	stream.indirect.gather [hbm4b:s10+s29], $0x10, s9, s29, $0xb8;
	[tilespmem:$0x1FF00] =	vst v63  }
0xac: {  	_ =	swait.ge [sflag:s11], $0x190  }
0xad: {  	[sflag:s11] =	ssyncset.done $0x0  }
0xae: {  	[sflag:s11] =	ssyncadd.s32 $0xFFFFFE70  }
0xaf: {  	_ =	swait.ge [sflag:s12], $0x190  }
0xb0: {  	[sflag:s12] =	ssyncset.done $0x0  }
0xb1: {  	s3 =	simm.s32 $0x0;
	[sflag:s12] =	ssyncadd.s32 $0xFFFFFE70  }
0xb2: {  	s4 =	simm.s32 $0x40;
	v3 =	vld [tilespmem:s3+$0x960]  }
.LBB2_11:
0xb3: {  	p1 =	sne.s32 s4, $0x600;
	v4 =	vld [tilespmem:s3+$0x7D0];
	_ =	sdelay $0x4  }
0xb4: {  	v4 =	vadd.f32 v3, v4;
	v3 =	vadd.f32 v3, v2;
	_ =	sdelay $0x1  }
0xb5: {  	v5 =	vmul.f32 $2.000000030e-01, v4;
	v6 =	vmul.f32 $2.000000030e-01, v3;
	_ =	sdelay $0x1  }
0xb6: {  	v4 =	vmax.f32 v4, v5;
	v3 =	vmax.f32 v3, v6  }
0xb7: {  	v3 =	vsub.f32 v4, v3;
	_ =	sdelay $0x1  }
0xb8: {  	v3 =	vmul.f32 $1.442695020e+00, v3;
	_ =	sdelay $0x1  }
0xb9: {  	(erf) = vpow2.f32 v3;
	_ =	sdelay $0x5  }
.Ltmp6:
0xba: {  	(pc) =	sbr.rel @p1 .LBB2_11-.Ltmp6, $3  }
0xbb: {  	_ =	sdelay $0x1  }
0xbc: {  	s13 =	sshra.s32 s4, $0x2;
	v4 =	vpop (erf)  }
0xbd: {  	s4 =	sadd.s32 $0x40, s4;
	v3 =	vld [tilespmem:s13+$0x960];
	[tilespmem:s3+$0x7D0] =	vst v4;
	s3 =	smov.u32 s13  }
0xbe: {  	v4 =	vld [tilespmem:s3+$0x7D0];
	_ =	sdelay $0x4  }
0xbf: {  	v4 =	vadd.f32 v3, v4;
	v3 =	vadd.f32 v3, v2;
	_ =	sdelay $0x1  }
0xc0: {  	v5 =	vmul.f32 $2.000000030e-01, v4;
	v6 =	vmul.f32 $2.000000030e-01, v3;
	_ =	sdelay $0x1  }
0xc1: {  	v4 =	vmax.f32 v4, v5;
	v3 =	vmax.f32 v3, v6  }
0xc2: {  	v3 =	vsub.f32 v4, v3;
	_ =	sdelay $0x1  }
0xc3: {  	v3 =	vmul.f32 $1.442695020e+00, v3;
	_ =	sdelay $0x1  }
0xc4: {  	(erf) = vpow2.f32 v3;
	_ =	sdelay $0x8  }
0xc5: {  	v3 =	vpop (erf)  }
0xc6: {  	s4 =	simm.s32 @!p0 $0x7D0;
	s13 =	rddreg [dreg:$0x4];
	[tilespmem:s3+$0x7D0] =	vst v3;
	s3 =	simm.s32 @!p0 $0x190  }
0xc7: {  	[spmem:s13] =	stream.indirect.scatter.add.f32 @!p0 [tilespmem:s4], [sflag:$0x8], $0x1, s3, s3, $0xb8;
	[tilespmem:$0x1FF00] =	vst v63  }
0xc8: {  	s3 =	simm.s32 @!p0 $0x8  }
0xc9: {  	_ =	swait.ge @!p0 [sflag:s3], $0x190  }
0xca: {  	[sflag:s3] =	ssyncset.done @!p0 $0x0  }
0xcb: {  	[sflag:s3] =	ssyncadd.s32 @!p0 $0xFFFFFE70  }
0xcc: {  	_ =	swait.ge [sflag:s15], $0x1900  }
0xcd: {  	[sflag:s15] =	ssyncset.done $0x0  }
0xce: {  	s3 =	simm.s32 $0xB70;
	[sflag:s15] =	ssyncadd.s32 $0xFFFFE700  }
0xcf: {  	s14 =	simm.s32 $0x0;
	s13 =	simm.s32 $0x40;
	s4 =	simm.s32 $0xB70;
	v3 =	vld [tilespmem:s3+$0xFFFFFFB0]  }
.LBB2_13:
0xd0: {  	p1 =	sne.s32 s13, $0x600;
	v4 =	vld [tilespmem:s14+$0x7D0]  }
0xd1: {  	v5 =	vld [tilespmem:s3+$0xFFFFFF90]  }
0xd2: {  	v6 =	vld [tilespmem:s3+$0xFFFFFF80]  }
0xd3: {  	v7 =	vld [tilespmem:s3+$0xFFFFFFA0]  }
0xd4: {  	v8 =	vld [tilespmem:s3+$0xFFFFFFF0]  }
0xd5: {  	v9 =	vbroadcast v4, $0x0;
	v10 =	vbroadcast v4, $0x1;
	v11 =	vld [tilespmem:s3+$0xFFFFFFD0]  }
0xd6: {  	v12 =	vbroadcast v4, $0x2;
	v13 =	vbroadcast v4, $0x3;
	v14 =	vld [tilespmem:s3+$0xFFFFFFC0]  }
0xd7: {  	v6 =	vmul.f32 v9, v6;
	v5 =	vmul.f32 v5, v10;
	v9 =	vld [tilespmem:s3+$0xFFFFFFE0]  }
0xd8: {  	v3 =	vmul.f32 v3, v13;
	v7 =	vmul.f32 v7, v12;
	v10 =	vld [tilespmem:s3+$0x30]  }
0xd9: {  	v12 =	vbroadcast v4, $0x5;
	[tilespmem:s3+$0xFFFFFF80] =	vst v6;
	v6 =	vbroadcast v4, $0x4;
	v13 =	vld [tilespmem:s3+$0x10]  }
0xda: {  	v15 =	vbroadcast v4, $0x7;
	[tilespmem:s3+$0xFFFFFF90] =	vst v5;
	v5 =	vbroadcast v4, $0x6;
	v16 =	vld [tilespmem:s3+$0x0]  }
0xdb: {  	[tilespmem:s3+$0xFFFFFFA0] =	vst v7;
	v6 =	vmul.f32 v14, v6;
	v7 =	vmul.f32 v11, v12;
	v11 =	vld [tilespmem:s3+$0x20]  }
0xdc: {  	[tilespmem:s3+$0xFFFFFFB0] =	vst v3;
	v3 =	vmul.f32 v9, v5;
	v5 =	vmul.f32 v8, v15;
	v8 =	vld [tilespmem:s3+$0x70]  }
0xdd: {  	v9 =	vbroadcast v4, $0x9;
	[tilespmem:s3+$0xFFFFFFC0] =	vst v6;
	v6 =	vbroadcast v4, $0x8;
	v12 =	vld [tilespmem:s3+$0x50]  }
0xde: {  	v14 =	vbroadcast v4, $0xB;
	[tilespmem:s3+$0xFFFFFFD0] =	vst v7;
	v7 =	vbroadcast v4, $0xA;
	v15 =	vld [tilespmem:s3+$0x40]  }
0xdf: {  	[tilespmem:s3+$0xFFFFFFE0] =	vst v3;
	v3 =	vmul.f32 v16, v6;
	v6 =	vmul.f32 v13, v9;
	v9 =	vld [tilespmem:s3+$0x60]  }
0xe0: {  	[tilespmem:s3+$0xFFFFFFF0] =	vst v5;
	v5 =	vmul.f32 v11, v7;
	v7 =	vmul.f32 v10, v14  }
0xe1: {  	v10 =	vbroadcast v4, $0xD;
	[tilespmem:s3+$0x0] =	vst v3;
	v3 =	vbroadcast v4, $0xC  }
0xe2: {  	[tilespmem:s3+$0x10] =	vst v6;
	v6 =	vbroadcast v4, $0xE;
	v4 =	vbroadcast v4, $0xF  }
0xe3: {  	[tilespmem:s3+$0x20] =	vst v5;
	v3 =	vmul.f32 v15, v3;
	v5 =	vmul.f32 v12, v10  }
.Ltmp7:
0xe4: {  	[tilespmem:s3+$0x30] =	vst v7;
	v6 =	vmul.f32 v9, v6;
	v4 =	vmul.f32 v8, v4;
	(pc) =	sbr.rel @p1 .LBB2_13-.Ltmp7, $4  }
0xe5: {  	[tilespmem:s3+$0x40] =	vst v3  }
0xe6: {  	[tilespmem:s3+$0x50] =	vst v5  }
0xe7: {  	s3 =	sadd.s32 $0x100, s3;
	[tilespmem:s4+$0x60] =	vst v6  }
0xe8: {  	s14 =	sshra.s32 s13, $0x2;
	s13 =	sadd.s32 $0x40, s13;
	v3 =	vld [tilespmem:s3+$0xFFFFFFB0];
	[tilespmem:s4+$0x70] =	vst v4;
	s4 =	smov.u32 s3  }
0xe9: {  	v4 =	vld [tilespmem:s14+$0x7D0];
	_ =	sdelay $0x1  }
0xea: {  	v5 =	vld [tilespmem:s3+$0xFFFFFF80]  }
0xeb: {  	v6 =	vld [tilespmem:s3+$0xFFFFFF90]  }
0xec: {  	v7 =	vld [tilespmem:s3+$0xFFFFFFA0]  }
0xed: {  	v8 =	vbroadcast v4, $0x0  }
0xee: {  	v11 =	vld [tilespmem:s3+$0xFFFFFFD0];
	v9 =	vbroadcast v4, $0x1  }
0xef: {  	v10 =	vld [tilespmem:s3+$0xFFFFFFC0];
	v12 =	vbroadcast v4, $0x2;
	v5 =	vmul.f32 v8, v5  }
0xf0: {  	v48 =	vld [tilespmem:s3+$0xFFFFFFE0];
	v47 =	vbroadcast v4, $0x3;
	v6 =	vmul.f32 v6, v9  }
0xf1: {  	v51 =	vld [tilespmem:s3+$0x10];
	v49 =	vbroadcast v4, $0x5;
	v7 =	vmul.f32 v7, v12;
	[tilespmem:s3+$0xFFFFFF80] =	vst v5  }
0xf2: {  	v13 =	vld [tilespmem:s3+$0xFFFFFFF0];
	v3 =	vmul.f32 v3, v47;
	v5 =	vbroadcast v4, $0x4;
	[tilespmem:s3+$0xFFFFFF90] =	vst v6  }
0xf3: {  	v50 =	vld [tilespmem:s3+$0x0];
	v14 =	vbroadcast v4, $0x6;
	v8 =	vmul.f32 v11, v49;
	[tilespmem:s3+$0xFFFFFFA0] =	vst v7  }
0xf4: {  	v56 =	vld [tilespmem:s3+$0x50];
	v54 =	vbroadcast v4, $0x9;
	[tilespmem:s3+$0xFFFFFFB0] =	vst v3;
	v5 =	vmul.f32 v10, v5  }
0xf5: {  	v53 =	vld [tilespmem:s3+$0x20];
	v52 =	vbroadcast v4, $0x7;
	v9 =	vmul.f32 v48, v14;
	[tilespmem:s3+$0xFFFFFFD0] =	vst v8  }
0xf6: {  	v59 =	vmul.f32 v51, v54;
	v3 =	vld [tilespmem:s3+$0x30];
	[tilespmem:s3+$0xFFFFFFC0] =	vst v5;
	v5 =	vbroadcast v4, $0x8  }
0xf7: {  	v55 =	vld [tilespmem:s3+$0x40];
	v62 =	vbroadcast v4, $0xD;
	v7 =	vmul.f32 v13, v52;
	[tilespmem:s3+$0xFFFFFFE0] =	vst v9  }
0xf8: {  	v60 =	vld [tilespmem:s3+$0x60];
	v57 =	vbroadcast v4, $0xA;
	[tilespmem:s3+$0x10] =	vst v59;
	v5 =	vmul.f32 v50, v5  }
0xf9: {  	v61 =	vld [tilespmem:s3+$0x70];
	v58 =	vbroadcast v4, $0xB;
	v6 =	vmul.f32 v56, v62;
	[tilespmem:s3+$0xFFFFFFF0] =	vst v7  }
0xfa: {  	v10 =	vmul.f32 v53, v57;
	[tilespmem:s3+$0x0] =	vst v5;
	v5 =	vbroadcast v4, $0xC  }
0xfb: {  	v63 =	vbroadcast v4, $0xE;
	[tilespmem:s3+$0x50] =	vst v6;
	v3 =	vmul.f32 v3, v58  }
0xfc: {  	[tilespmem:s3+$0x20] =	vst v10;
	v4 =	vbroadcast v4, $0xF;
	v5 =	vmul.f32 v55, v5  }
0xfd: {  	[tilespmem:s3+$0x30] =	vst v3;
	v3 =	vmul.f32 v60, v63  }
0xfe: {  	v4 =	vmul.f32 v61, v4;
	[tilespmem:s3+$0x40] =	vst v5  }
0xff: {  	[tilespmem:s4+$0x60] =	vst v3  }
0x100: {  	[tilespmem:s4+$0x70] =	vst v4;
	s4 =	rddreg [dreg:$0x5]  }
0x101: {  	[spmem:s4] =	stream.indirect.scatter.add.f32 [tilespmem:s28], [sflag:$0x8], $0x10, s29, s29, $0xb8;
	[tilespmem:$0x1FF00] =	vst v63  }
0x102: {  	_ =	swait.ge [sflag:s25], $0x1900  }
0x103: {  	[sflag:s25] =	ssyncset.done $0x0  }
0x104: {  	[sflag:s25] =	ssyncadd.s32 $0xFFFFE700  }
0x105: {  	_ =	swait.ge [sflag:s18], $0x190  }
0x106: {  	[sflag:s18] =	ssyncset.done $0x0  }
0x107: {  	[sflag:s18] =	ssyncadd.s32 $0xFFFFFE70  }
0x108: {  	_ =	swait.ge [sflag:s19], $0x190  }
0x109: {  	p1 =	seq.s32 s1, $0xF9;
	s3 =	rddreg [dreg:$0xb]  }
0x10a: {  	s2 =	sadd.s32 @!p1 s2, s3  }
0x10b: {  	[sflag:s19] =	ssyncset.done $0x0;
	s2 =	sshrl.u32 @!p1 s2, $0x3  }
0x10c: {  	s4 =	simm.s32 @!p1 $0x0;
	[sflag:s19] =	ssyncadd.s32 $0xFFFFFE70;
	s3 =	sadd.s32 @!p1 s7, s2  }
0x10d: {  	[tilespmem:s4], [sflag:$0x4] =	stream.linear.gather @!p1 [hbm4b:s3+s4], $0x190, $0x38;
	[tilespmem:$0x1FF00] =	vst v63  }
0x10e: {  	s2 =	sadd.s32 @!p1 s8, s2;
	s3 =	simm.s32 @!p1 $0x190  }
0x10f: {  	[tilespmem:s3], [sflag:$0x5] =	stream.linear.gather @!p1 [hbm4b:s2+s4], $0x190, $0x38;
	[tilespmem:$0x1FF00] =	vst v63  }
0x110: {  	s13 =	rddreg [dreg:$0x2]  }
0x111: {  	[tilespmem:s24], [sflag:$0x1] =	stream.indirect.gather [spmem:s13], $0x1, s0, s29, $0xb8;
	[tilespmem:$0x1FF00] =	vst v63  }
0x112: {  	s14 =	rddreg [dreg:$0x3];
	s2 =	simm.s32 $0x0  }
0x113: {  	[tilespmem:s26], [sflag:$0x2] =	stream.indirect.gather [spmem:s14], $0x1, s6, s29, $0xb8;
	[tilespmem:$0x1FF00] =	vst v63  }
0x114: {  	s3 =	simm.s32 $0x40;
	v3 =	vld [tilespmem:s2+$0x320]  }
.LBB2_15:
0x115: {  	p1 =	sne.s32 s3, $0x600  }
.Ltmp8:
0x116: {  	_ = 	snop;
	(pc) =	sbr.rel @p1 .LBB2_15-.Ltmp8, $3  }
0x117: {  	_ =	sdelay $0x1  }
0x118: {  	s4 =	sshra.s32 s3, $0x2;
	s3 =	sadd.s32 $0x40, s3;
	v4 =	vadd.s32 v0, v3  }
0x119: {  	v3 =	vld [tilespmem:s4+$0x320];
	[tilespmem:s2+$0x640] =	vst v4;
	s2 =	smov.u32 s4  }
0x11a: {  	_ =	sdelay $0x3  }
0x11b: {  	v3 =	vadd.s32 v0, v3  }
0x11c: {  	[tilespmem:s2+$0x640] =	vst v3  }
0x11d: {  	[tilespmem:s28], [sflag:$0x3] =	stream.indirect.gather [hbm4b:s10+s29], $0x10, s9, s29, $0xb8;
	[tilespmem:$0x1FF00] =	vst v63  }
0x11e: {  	_ =	swait.ge [sflag:s11], $0x190  }
0x11f: {  	[sflag:s11] =	ssyncset.done $0x0  }
0x120: {  	[sflag:s11] =	ssyncadd.s32 $0xFFFFFE70  }
0x121: {  	_ =	swait.ge [sflag:s12], $0x190  }
0x122: {  	[sflag:s12] =	ssyncset.done $0x0  }
0x123: {  	s2 =	simm.s32 $0x0;
	[sflag:s12] =	ssyncadd.s32 $0xFFFFFE70  }
0x124: {  	s3 =	simm.s32 $0x40;
	v3 =	vld [tilespmem:s2+$0x960]  }
.LBB2_17:
0x125: {  	p1 =	sne.s32 s3, $0x600;
	v4 =	vld [tilespmem:s2+$0x7D0];
	_ =	sdelay $0x4  }
0x126: {  	v4 =	vadd.f32 v3, v4;
	v3 =	vadd.f32 v3, v2;
	_ =	sdelay $0x1  }
0x127: {  	v5 =	vmul.f32 $2.000000030e-01, v4;
	v6 =	vmul.f32 $2.000000030e-01, v3;
	_ =	sdelay $0x1  }
0x128: {  	v4 =	vmax.f32 v4, v5;
	v3 =	vmax.f32 v3, v6  }
0x129: {  	v3 =	vsub.f32 v4, v3;
	_ =	sdelay $0x1  }
0x12a: {  	v3 =	vmul.f32 $1.442695020e+00, v3;
	_ =	sdelay $0x1  }
0x12b: {  	(erf) = vpow2.f32 v3;
	_ =	sdelay $0x5  }
.Ltmp9:
0x12c: {  	(pc) =	sbr.rel @p1 .LBB2_17-.Ltmp9, $3  }
0x12d: {  	_ =	sdelay $0x1  }
0x12e: {  	s4 =	sshra.s32 s3, $0x2;
	v4 =	vpop (erf)  }
0x12f: {  	s3 =	sadd.s32 $0x40, s3;
	v3 =	vld [tilespmem:s4+$0x960];
	[tilespmem:s2+$0x7D0] =	vst v4;
	s2 =	smov.u32 s4  }
0x130: {  	v4 =	vld [tilespmem:s2+$0x7D0];
	_ =	sdelay $0x4  }
0x131: {  	v4 =	vadd.f32 v3, v4;
	v3 =	vadd.f32 v3, v2;
	_ =	sdelay $0x1  }
0x132: {  	v5 =	vmul.f32 $2.000000030e-01, v4;
	v6 =	vmul.f32 $2.000000030e-01, v3;
	_ =	sdelay $0x1  }
0x133: {  	v4 =	vmax.f32 v4, v5;
	v3 =	vmax.f32 v3, v6  }
0x134: {  	v3 =	vsub.f32 v4, v3;
	_ =	sdelay $0x1  }
0x135: {  	v3 =	vmul.f32 $1.442695020e+00, v3;
	_ =	sdelay $0x1  }
0x136: {  	(erf) = vpow2.f32 v3;
	_ =	sdelay $0x8  }
0x137: {  	s3 =	simm.s32 @!p0 $0x4B0;
	v3 =	vpop (erf)  }
0x138: {  	s4 =	simm.s32 @!p0 $0x7D0;
	s13 =	rddreg [dreg:$0x4];
	[tilespmem:s2+$0x7D0] =	vst v3;
	s2 =	simm.s32 @!p0 $0x190  }
0x139: {  	[spmem:s13] =	stream.indirect.scatter.add.f32 @!p0 [tilespmem:s4], [sflag:$0x8], $0x1, s3, s2, $0xb8;
	[tilespmem:$0x1FF00] =	vst v63  }
0x13a: {  	s2 =	simm.s32 @!p0 $0x8  }
0x13b: {  	_ =	swait.ge @!p0 [sflag:s2], $0x190  }
0x13c: {  	[sflag:s2] =	ssyncset.done @!p0 $0x0  }
0x13d: {  	[sflag:s2] =	ssyncadd.s32 @!p0 $0xFFFFFE70  }
0x13e: {  	_ =	swait.ge [sflag:s15], $0x1900  }
0x13f: {  	[sflag:s15] =	ssyncset.done $0x0  }
0x140: {  	s2 =	simm.s32 $0xB70;
	[sflag:s15] =	ssyncadd.s32 $0xFFFFE700  }
0x141: {  	s13 =	simm.s32 $0x0;
	s4 =	simm.s32 $0x40;
	s3 =	simm.s32 $0xB70;
	v3 =	vld [tilespmem:s2+$0xFFFFFFB0]  }
.LBB2_19:
0x142: {  	p1 =	sne.s32 s4, $0x600;
	v4 =	vld [tilespmem:s13+$0x7D0]  }
0x143: {  	v5 =	vld [tilespmem:s2+$0xFFFFFF90]  }
0x144: {  	v6 =	vld [tilespmem:s2+$0xFFFFFF80]  }
0x145: {  	v7 =	vld [tilespmem:s2+$0xFFFFFFA0]  }
0x146: {  	v8 =	vld [tilespmem:s2+$0xFFFFFFF0]  }
0x147: {  	v9 =	vbroadcast v4, $0x0;
	v10 =	vbroadcast v4, $0x1;
	v11 =	vld [tilespmem:s2+$0xFFFFFFD0]  }
0x148: {  	v12 =	vbroadcast v4, $0x2;
	v13 =	vbroadcast v4, $0x3;
	v14 =	vld [tilespmem:s2+$0xFFFFFFC0]  }
0x149: {  	v6 =	vmul.f32 v9, v6;
	v5 =	vmul.f32 v5, v10;
	v9 =	vld [tilespmem:s2+$0xFFFFFFE0]  }
0x14a: {  	v3 =	vmul.f32 v3, v13;
	v7 =	vmul.f32 v7, v12;
	v10 =	vld [tilespmem:s2+$0x30]  }
0x14b: {  	v12 =	vbroadcast v4, $0x5;
	[tilespmem:s2+$0xFFFFFF80] =	vst v6;
	v6 =	vbroadcast v4, $0x4;
	v13 =	vld [tilespmem:s2+$0x10]  }
0x14c: {  	v15 =	vbroadcast v4, $0x7;
	[tilespmem:s2+$0xFFFFFF90] =	vst v5;
	v5 =	vbroadcast v4, $0x6;
	v16 =	vld [tilespmem:s2+$0x0]  }
0x14d: {  	[tilespmem:s2+$0xFFFFFFA0] =	vst v7;
	v6 =	vmul.f32 v14, v6;
	v7 =	vmul.f32 v11, v12;
	v11 =	vld [tilespmem:s2+$0x20]  }
0x14e: {  	[tilespmem:s2+$0xFFFFFFB0] =	vst v3;
	v3 =	vmul.f32 v9, v5;
	v5 =	vmul.f32 v8, v15;
	v8 =	vld [tilespmem:s2+$0x70]  }
0x14f: {  	v9 =	vbroadcast v4, $0x9;
	[tilespmem:s2+$0xFFFFFFC0] =	vst v6;
	v6 =	vbroadcast v4, $0x8;
	v12 =	vld [tilespmem:s2+$0x50]  }
0x150: {  	v14 =	vbroadcast v4, $0xB;
	[tilespmem:s2+$0xFFFFFFD0] =	vst v7;
	v7 =	vbroadcast v4, $0xA;
	v15 =	vld [tilespmem:s2+$0x40]  }
0x151: {  	[tilespmem:s2+$0xFFFFFFE0] =	vst v3;
	v3 =	vmul.f32 v16, v6;
	v6 =	vmul.f32 v13, v9;
	v9 =	vld [tilespmem:s2+$0x60]  }
0x152: {  	[tilespmem:s2+$0xFFFFFFF0] =	vst v5;
	v5 =	vmul.f32 v11, v7;
	v7 =	vmul.f32 v10, v14  }
0x153: {  	v10 =	vbroadcast v4, $0xD;
	[tilespmem:s2+$0x0] =	vst v3;
	v3 =	vbroadcast v4, $0xC  }
0x154: {  	[tilespmem:s2+$0x10] =	vst v6;
	v6 =	vbroadcast v4, $0xE;
	v4 =	vbroadcast v4, $0xF  }
0x155: {  	[tilespmem:s2+$0x20] =	vst v5;
	v3 =	vmul.f32 v15, v3;
	v5 =	vmul.f32 v12, v10  }
.Ltmp10:
0x156: {  	[tilespmem:s2+$0x30] =	vst v7;
	v6 =	vmul.f32 v9, v6;
	v4 =	vmul.f32 v8, v4;
	(pc) =	sbr.rel @p1 .LBB2_19-.Ltmp10, $4  }
0x157: {  	[tilespmem:s2+$0x40] =	vst v3  }
0x158: {  	[tilespmem:s2+$0x50] =	vst v5  }
0x159: {  	s2 =	sadd.s32 $0x100, s2;
	[tilespmem:s3+$0x60] =	vst v6  }
0x15a: {  	s13 =	sshra.s32 s4, $0x2;
	s4 =	sadd.s32 $0x40, s4;
	v3 =	vld [tilespmem:s2+$0xFFFFFFB0];
	[tilespmem:s3+$0x70] =	vst v4;
	s3 =	smov.u32 s2  }
0x15b: {  	v4 =	vld [tilespmem:s13+$0x7D0];
	_ =	sdelay $0x1  }
0x15c: {  	v5 =	vld [tilespmem:s2+$0xFFFFFF80]  }
0x15d: {  	v6 =	vld [tilespmem:s2+$0xFFFFFF90]  }
0x15e: {  	v7 =	vld [tilespmem:s2+$0xFFFFFFA0]  }
0x15f: {  	v8 =	vbroadcast v4, $0x0  }
0x160: {  	v11 =	vld [tilespmem:s2+$0xFFFFFFD0];
	v9 =	vbroadcast v4, $0x1;
	v12 =	vbroadcast v4, $0x2  }
0x161: {  	v45 =	vld [tilespmem:s2+$0xFFFFFFE0];
	v44 =	vbroadcast v4, $0x3;
	v5 =	vmul.f32 v8, v5  }
0x162: {  	v49 =	vld [tilespmem:s2+$0x10];
	v46 =	vbroadcast v4, $0x4;
	v6 =	vmul.f32 v6, v9  }
0x163: {  	v10 =	vld [tilespmem:s2+$0xFFFFFFC0];
	v47 =	vbroadcast v4, $0x5;
	v7 =	vmul.f32 v7, v12;
	[tilespmem:s2+$0xFFFFFF80] =	vst v5  }
0x164: {  	v13 =	vld [tilespmem:s2+$0xFFFFFFF0];
	v14 =	vbroadcast v4, $0x6;
	v3 =	vmul.f32 v3, v44;
	[tilespmem:s2+$0xFFFFFF90] =	vst v6  }
0x165: {  	v51 =	vld [tilespmem:s2+$0x20];
	v53 =	vbroadcast v4, $0x9;
	v8 =	vmul.f32 v11, v47;
	[tilespmem:s2+$0xFFFFFFA0] =	vst v7  }
0x166: {  	v48 =	vld [tilespmem:s2+$0x0];
	v50 =	vbroadcast v4, $0x7;
	v9 =	vmul.f32 v45, v14;
	[tilespmem:s2+$0xFFFFFFB0] =	vst v3  }
0x167: {  	v55 =	vld [tilespmem:s2+$0x50];
	v52 =	vbroadcast v4, $0x8;
	v58 =	vmul.f32 v49, v53;
	[tilespmem:s2+$0xFFFFFFD0] =	vst v8  }
0x168: {  	v54 =	vld [tilespmem:s2+$0x40];
	v56 =	vbroadcast v4, $0xA;
	v5 =	vmul.f32 v10, v46;
	[tilespmem:s2+$0xFFFFFFE0] =	vst v9  }
0x169: {  	v57 =	vbroadcast v4, $0xB;
	v3 =	vld [tilespmem:s2+$0x30];
	v7 =	vmul.f32 v13, v50;
	[tilespmem:s2+$0x10] =	vst v58  }
0x16a: {  	v60 =	vld [tilespmem:s2+$0x70];
	v62 =	vbroadcast v4, $0xD;
	v10 =	vmul.f32 v51, v56;
	[tilespmem:s2+$0xFFFFFFC0] =	vst v5  }
0x16b: {  	v59 =	vld [tilespmem:s2+$0x60];
	v61 =	vbroadcast v4, $0xC;
	v5 =	vmul.f32 v48, v52;
	[tilespmem:s2+$0xFFFFFFF0] =	vst v7  }
0x16c: {  	v63 =	vbroadcast v4, $0xE;
	v6 =	vmul.f32 v55, v62;
	[tilespmem:s2+$0x20] =	vst v10  }
0x16d: {  	v4 =	vbroadcast v4, $0xF;
	[tilespmem:s2+$0x0] =	vst v5;
	v5 =	vmul.f32 v54, v61  }
0x16e: {  	[tilespmem:s2+$0x50] =	vst v6;
	v3 =	vmul.f32 v3, v57  }
0x16f: {  	v4 =	vmul.f32 v60, v4;
	[tilespmem:s2+$0x40] =	vst v5  }
0x170: {  	s1 =	sadd.s32 $0x1, s1;
	[tilespmem:s2+$0x30] =	vst v3;
	v3 =	vmul.f32 v59, v63  }
0x171: {  	p1 =	sne.s32 s1, $0xFA;
	[tilespmem:s3+$0x70] =	vst v4  }
.Ltmp11:
0x172: {  	s14 =	rddreg [dreg:$0x5];
	[tilespmem:s3+$0x60] =	vst v3;
	(pc) =	sbr.rel @p1 .LBB2_8-.Ltmp11, $4  }
0x173: {  	[spmem:s14] =	stream.indirect.scatter.add.f32 [tilespmem:s28], [sflag:$0x8], $0x10, s6, s29, $0xb8;
	[tilespmem:$0x1FF00] =	vst v63  }
0x174: {  	_ =	swait.ge [sflag:s25], $0x1900  }
0x175: {  	[sflag:s25] =	ssyncset.done $0x0  }
0x176: {  	[sflag:s25] =	ssyncadd.s32 $0xFFFFE700  }
0x177: {  	[bflag:$0x0] =	sbarrier.arrive $0xFFFF  }
0x178: {  	s2 =	rddreg [dreg:$0xf]  }
0x179: {  	[tilespmem:s28], [sflag:$0x8] =	stream.linear.gather [spmem:s2], $0x1900, $0x38;
	[tilespmem:$0x1FF00] =	vst v63  }
0x17a: {  	_ =	swait.ge [sflag:s25], $0x1900  }
0x17b: {  	[sflag:s25] =	ssyncset.done $0x0  }
0x17c: {  	s1 =	sadd.s32 $0x0, s22;
	[sflag:s25] =	ssyncadd.s32 $0xFFFFE700  }
0x17d: {  	[hbm4b:s1+s5] =	stream.linear.scatter [tilespmem:s28], [sflag:$0x8], $0x1900, $0x38;
	[tilespmem:$0x1FF00] =	vst v63  }
0x17e: {  	_ =	swait.ge [sflag:s25], $0x1900  }
0x17f: {  	s1 =	simm.s32 $0x320;
	[sflag:s25] =	ssyncset.done $0x0  }
.LBB2_22:
0x180: {  	p1 =	sne.s32 s1, $0x2EE0;
	[sflag:s25] =	ssyncadd.s32 $0xFFFFE700;
	s2 =	sadd.s32 $0x1900, s2  }
0x181: {  	[tilespmem:s28], [sflag:$0x8] =	stream.linear.gather [spmem:s2], $0x1900, $0x38;
	[tilespmem:$0x1FF00] =	vst v63  }
0x182: {  	s3 =	smov.u32 s1;
	s1 =	sadd.s32 $0x320, s1;
	_ =	swait.ge [sflag:s25], $0x1900  }
.Ltmp12:
0x183: {  	[sflag:s25] =	ssyncset.done $0x0;
	(pc) =	sbr.rel @p1 .LBB2_22-.Ltmp12, $4  }
0x184: {  	s3 =	sadd.s32 s3, s22;
	[sflag:s25] =	ssyncadd.s32 $0xFFFFE700  }
0x185: {  	[hbm4b:s3+s5] =	stream.linear.scatter [tilespmem:s28], [sflag:$0x8], $0x1900, $0x38;
	[tilespmem:$0x1FF00] =	vst v63  }
0x186: {  	_ =	swait.ge [sflag:s25], $0x1900  }
0x187: {  	[sflag:s25] =	ssyncset.done $0x0  }
.Ltmp13:
0x188: {  	(pc) =	sbr.rel @p0 .LBB2_27-.Ltmp13, $2  }
0x189: {  	_ =	sdelay $0x2  }
0x18a: {  	[sflag:s25] =	ssyncadd.s32 $0xFFFFE700;
	s2 =	rddreg [dreg:$0x10]  }
0x18b: {  	[tilespmem:s24], [sflag:$0x8] =	stream.linear.gather [spmem:s21], $0x190, $0x38;
	[tilespmem:$0x1FF00] =	vst v63  }
0x18c: {  	_ =	swait.ge [sflag:s25], $0x190  }
0x18d: {  	[sflag:s25] =	ssyncset.done $0x0  }
0x18e: {  	s1 =	sadd.s32 $0x0, s23;
	[sflag:s25] =	ssyncadd.s32 $0xFFFFFE70  }
0x18f: {  	[hbm4b:s1+s5] =	stream.linear.scatter [tilespmem:s24], [sflag:$0x8], $0x190, $0x38;
	[tilespmem:$0x1FF00] =	vst v63  }
0x190: {  	_ =	swait.ge [sflag:s25], $0x190  }
0x191: {  	s2 =	smov.u32 s21;
	s1 =	simm.s32 $0x32;
	[sflag:s25] =	ssyncset.done $0x0  }
.LBB2_25:
0x192: {  	p1 =	sne.s32 s1, $0x2EE;
	[sflag:s25] =	ssyncadd.s32 $0xFFFFFE70;
	s2 =	sadd.s32 $0x190, s2  }
0x193: {  	[tilespmem:s24], [sflag:$0x8] =	stream.linear.gather [spmem:s2], $0x190, $0x38;
	[tilespmem:$0x1FF00] =	vst v63  }
0x194: {  	s3 =	smov.u32 s1;
	s1 =	sadd.s32 $0x32, s1;
	_ =	swait.ge [sflag:s25], $0x190  }
.Ltmp14:
0x195: {  	[sflag:s25] =	ssyncset.done $0x0;
	(pc) =	sbr.rel @p1 .LBB2_25-.Ltmp14, $4  }
0x196: {  	s3 =	sadd.s32 s3, s23;
	[sflag:s25] =	ssyncadd.s32 $0xFFFFFE70  }
0x197: {  	[hbm4b:s3+s5] =	stream.linear.scatter [tilespmem:s24], [sflag:$0x8], $0x190, $0x38;
	[tilespmem:$0x1FF00] =	vst v63  }
0x198: {  	_ =	swait.ge [sflag:s25], $0x190  }
0x199: {  	[sflag:s25] =	ssyncset.done $0x0  }
.Ltmp15:
0x19a: {  	(pc) =	sbr.rel .LBB2_27-.Ltmp15, $2  }
0x19b: {  	_ =	sdelay $0x2  }
0x19c: {  	[sflag:s25] =	ssyncadd.s32 $0xFFFFFE70;
	s2 =	rddreg [dreg:$0x10]  }
.LBB2_28:
0x19d: {  	_ =	sfence.sel $0x180000  }
0x19e: {  	[bflag:$0x0] =	sbarrier.arrive $0xFFFF  }
0x19f: {  	_ =	strace $0x90000047  }
0x1a0: {  	s0 =	stileid.u32;
	[bflag:$0x2] =	sbarrier.arrive $0xFFFF  }
0x1a1: {  	p0 =	sne.s32 s0, $0x0;
	s0 =	rddreg [dreg:$0x6]  }
0x1a2: {  	s0 =	sadd.s32 @!p0 $0x100000, s0  }
0x1a3: {  	[sflag:s0] =	ssyncadd.tile.s32 @!p0 $0x1;
	_ =	shalt  }
.Lfunc_end2:
_tile_overlayer_lowered:
.L_overlay_start_2:
0x1a4: {  	(tag) =	ssettag $0x2  }
0x1a5: {  	s0 =	rddreg [dreg:$0x0];
	s2 =	stileid.u32  }
0x1a6: {  	s1 =	rddreg [dreg:$0x1];
	p0 =	sne.s32 s2, $0x0  }
0x1a7: {  	s3 =	rddreg [dreg:$0x2];
	[bflag:$0x3] =	sbarrier.arrive $0xFFFF;
	s2 =	simm.s32 @!p0 $0x1C08  }
0x1a8: {  	[timem:s3], [sflag:s2] =	dma.local @!p0 [hbm:s0], s1  }
0x1a9: {  	s0 =	simm.s32 @!p0 $0x8  }
0x1aa: {  	_ =	swait.ge @!p0 [sflag:s0], s1  }
0x1ab: {  	s1 =	ssub.s32 @!p0 $0x0, s1;
	[sflag:s0] =	ssyncset.done @!p0 $0x0  }
0x1ac: {  	[sflag:s0] =	ssyncadd.s32 @!p0 s1  }
0x1ad: {  	[bflag:$0x3] =	sbarrier.arrive $0xFFFF  }
0x1ae: {  	_ =	shalt  }

</sc_bundles>
